<compile_context>
chip_gen: v7x
topology: tpu7x:2x2x1
jax: 0.10.2.dev20260603
libtpu: 0.0.44.dev20260713+nightly
codegen_flags: <defaults>
</compile_context>

<pallas_src>
import jax
import jax.numpy as jnp
from jax import lax
from jax.experimental import pallas as pl
from jax.experimental.pallas import tpu as pltpu
from jax.experimental.pallas import tpu_sc as plsc

_NUM_CLASSES = 100000
_FEAT = 64
_BATCH = 16384
_NC = 2
_NS = 16
_NW = _NC * _NS
_BPW = _BATCH // _NW
_CHUNK = 128
_NCHUNK = _BPW // _CHUNK


def _cl_kernel(feat_hbm, lab_hbm, cent_hbm, out_hbm,
               lab_v, rows_v, feat_v, acc_v, gsem, fsem):
    wid = lax.axis_index("c") * _NS + lax.axis_index("s")
    base = wid * _BPW

    pltpu.sync_copy(lab_hbm.at[pl.ds(wid * _NCHUNK, _NCHUNK)], lab_v)

    def stage(j):
        buf = rows_v.at[j % 2]

        def issue(g, _):
            labv = lab_v[j, pl.ds(g * 16, 16)]
            for lane in range(16):
                l = labv[lane]
                pltpu.async_copy(cent_hbm.at[pl.ds(l, 1)],
                                 buf.at[pl.ds(g * 16 + lane, 1)],
                                 gsem.at[j % 2])
            return 0

        lax.fori_loop(0, _CHUNK // 16, issue, 0)
        fc = pltpu.async_copy(feat_hbm.at[pl.ds(base + j * _CHUNK, _CHUNK)],
                              feat_v.at[j % 2], fsem.at[j % 2])
        return fc

    def drain(j):
        pltpu.make_async_copy(cent_hbm.at[pl.ds(0, _CHUNK)],
                              rows_v.at[j % 2], gsem.at[j % 2]).wait()

    zeros = jnp.zeros((16,), jnp.float32)
    accs = (zeros, zeros, zeros, zeros)
    pend = stage(0)
    for j in range(_NCHUNK):
        pend.wait()
        drain(j)
        if j + 1 < _NCHUNK:
            pend = stage(j + 1)
        rows = rows_v.at[j % 2]
        feat = feat_v.at[j % 2]

        def row_body(r, accs, _rows=rows, _feat=feat):
            a0, a1, a2, a3 = accs
            f0 = _feat[r, pl.ds(0, 16)]
            c0 = _rows[r, pl.ds(0, 16)]
            d0 = f0 - c0
            a0 = a0 + d0 * d0
            f1 = _feat[r, pl.ds(16, 16)]
            c1 = _rows[r, pl.ds(16, 16)]
            d1 = f1 - c1
            a1 = a1 + d1 * d1
            f2 = _feat[r, pl.ds(32, 16)]
            c2 = _rows[r, pl.ds(32, 16)]
            d2 = f2 - c2
            a2 = a2 + d2 * d2
            f3 = _feat[r, pl.ds(48, 16)]
            c3 = _rows[r, pl.ds(48, 16)]
            d3 = f3 - c3
            a3 = a3 + d3 * d3
            return (a0, a1, a2, a3)

        accs = lax.fori_loop(0, _CHUNK, row_body, accs)

    total = (accs[0] + accs[1]) + (accs[2] + accs[3])
    acc_v[...] = total * jnp.float32(1.0 / _BATCH)
    pltpu.sync_copy(acc_v, out_hbm.at[wid])


@jax.jit
def _center_loss(features, labels, centers):
    labels2 = labels.reshape(_BATCH // _CHUNK, _CHUNK)
    mesh = plsc.VectorSubcoreMesh(
        core_axis_name="c", subcore_axis_name="s",
        num_cores=_NC, num_subcores=_NS)
    out = pl.kernel(
        _cl_kernel,
        out_type=jax.ShapeDtypeStruct((_NW, 16), jnp.float32),
        mesh=mesh,
        scratch_types=[
            pltpu.VMEM((_NCHUNK, _CHUNK), jnp.int32),
            pltpu.VMEM((2, _CHUNK, _FEAT), jnp.float32),
            pltpu.VMEM((2, _CHUNK, _FEAT), jnp.float32),
            pltpu.VMEM((16,), jnp.float32),
            pltpu.SemaphoreType.DMA((2,)),
            pltpu.SemaphoreType.DMA((2,)),
        ],
    )(features, labels2, centers)
    return jnp.sum(out)


def kernel(features, labels, centers):
    return _center_loss(features, labels.astype(jnp.int32), centers)

# --- scband reference (transcript-rebuilt; emitter-appended) ---
"""Pipeline reference for scband-center-loss-31954556682259 (READ-ONLY COPY).

The authoritative reference and input builder live on the scoring server;
editing this copy changes nothing except your own understanding.
"""

import jax, jax.numpy as jnp
import numpy as np

NUM_CLASSES = 100000
FEAT_DIM = 64
BATCH = 16384

def setup_inputs(seed: int = 0) -> dict:
    key = jax.random.key(seed)
    k1, k2, k3 = jax.random.split(key, 3)
    features = jax.random.normal(k1, (BATCH, FEAT_DIM), dtype=jnp.float32)
    labels = jax.random.randint(k2, (BATCH,), 0, NUM_CLASSES, dtype=jnp.int64 if jax.config.jax_enable_x64 else jnp.int32)
    centers = jax.random.normal(k3, (NUM_CLASSES, FEAT_DIM), dtype=jnp.float32)
    return {"features": features, "labels": labels, "centers": centers}

def reference(features, labels, centers):
    batch_size = features.shape[0]
    centers_batch = jnp.take(centers, labels, axis=0)
    loss = jnp.sum((features - centers_batch) ** 2) / batch_size
    return loss

if __name__ == "__main__":
    import jax
    _d = setup_inputs()
    print(jax.jit(kernel)(*tuple(_d.values())))

</pallas_src>

<mosaic_0001>
#map = affine_map<(d0, d1) -> (0, 0)>
module attributes {stable_mosaic.version = 14 : i64} {
  func.func @_cl_kernel(%arg0: i32, %arg1: i32, %arg2: memref<16384x64xf32, #tpu.memory_space<hbm>>, %arg3: memref<128x128xi32, #tpu.memory_space<hbm>>, %arg4: memref<100000x64xf32, #tpu.memory_space<hbm>>, %arg5: memref<32x16xf32, #tpu.memory_space<hbm>>, %arg6: memref<4x128xi32, #tpu.memory_space<vmem>>, %arg7: memref<2x128x64xf32, #tpu.memory_space<vmem>>, %arg8: memref<2x128x64xf32, #tpu.memory_space<vmem>>, %arg9: memref<16xf32, #tpu.memory_space<vmem>>, %arg10: memref<2x!tpu.dma_semaphore, #tpu.memory_space<semaphore_mem>>, %arg11: memref<2x!tpu.dma_semaphore, #tpu.memory_space<semaphore_mem>>) attributes {dimension_semantics = [#tpu.dimension_semantics<core_parallel>, #tpu.dimension_semantics<subcore_parallel>], iteration_bounds = array<i64: 2, 16>, scalar_prefetch = 0 : i64, scratch_operands = 6 : i64, tpu.core_type = #tpu.core_type<sc_vector_subcore>, window_params = [{transform_indices = #map}, {transform_indices = #map}, {transform_indices = #map}, {transform_indices = #map}]} {
    %mul3A = arith.constant 16 : i32
    %mul3A_0 = arith.muli %arg0, %mul3A : i32
    %add3A = arith.addi %mul3A_0, %arg1 : i32
    %mul3A_1 = arith.constant 512 : i32
    %mul3A_2 = arith.muli %add3A, %mul3A_1 : i32
    %mul3A_3 = arith.constant 4 : i32
    %mul3A_4 = arith.muli %add3A, %mul3A_3 : i32
    "tpu.region"() ({
      %run_scoped3A = tpu.sem_alloc : memref<!tpu.dma_semaphore, #tpu.memory_space<semaphore_mem>>
      %dma_start3A_284 = arith.constant 0 : i32
      %dma_start3A_285 = tpu.memref_slice %arg3[%mul3A_4, %dma_start3A_284] : memref<128x128xi32, #tpu.memory_space<hbm>> -> memref<4x128xi32, #tpu.memory_space<hbm>>
      %dma_start3A_286 = arith.constant 0 : i32
      %dma_start3A_287 = tpu.memref_slice %arg3[%mul3A_4, %dma_start3A_286] : memref<128x128xi32, #tpu.memory_space<hbm>> -> memref<4x128xi32, #tpu.memory_space<hbm>>
      tpu.enqueue_dma source(%dma_start3A_287 : memref<4x128xi32, #tpu.memory_space<hbm>>) target(%arg6 : memref<4x128xi32, #tpu.memory_space<vmem>>) target_semaphore(%run_scoped3A : memref<!tpu.dma_semaphore, #tpu.memory_space<semaphore_mem>>)
      %dma_wait3A_288 = arith.constant 0 : i32
      %dma_wait3A_289 = tpu.memref_slice %arg3[%mul3A_4, %dma_wait3A_288] : memref<128x128xi32, #tpu.memory_space<hbm>> -> memref<4x128xi32, #tpu.memory_space<hbm>>
      %dma_wait3A_290 = arith.constant 0 : i32
      %dma_wait3A_291 = tpu.memref_slice %arg3[%mul3A_4, %dma_wait3A_290] : memref<128x128xi32, #tpu.memory_space<hbm>> -> memref<4x128xi32, #tpu.memory_space<hbm>>
      tpu.wait_dma2 semaphore(%run_scoped3A : memref<!tpu.dma_semaphore, #tpu.memory_space<semaphore_mem>>) src(%dma_wait3A_291 : memref<4x128xi32, #tpu.memory_space<hbm>>) dst(%arg6 : memref<4x128xi32, #tpu.memory_space<vmem>>)
      tpu.yield
    }) : () -> ()
    %broadcast_in_dim3A = arith.constant 0.000000e+00 : f32
    %broadcast_in_dim3A_5 = vector.broadcast %broadcast_in_dim3A : f32 to vector<16xf32>
    %scan3A = arith.constant 0 : i32
    %scan3A_6 = arith.constant 0 : i32
    %scan3A_7 = arith.constant 0 : i32
    %scan3A_8 = arith.constant 8 : i32
    %scan3A_9 = arith.addi %scan3A_7, %scan3A_8 : i32
    %scan3A_10 = arith.constant 1 : i32
    %scan3A_11 = scf.for %scan3A_284 = %scan3A_7 to %scan3A_9 step %scan3A_10 iter_args(%scan3A_285 = %scan3A_6) -> (i32)  : i32 {
      %mul3A_286 = arith.constant 16 : i32
      %mul3A_287 = arith.muli %scan3A_284, %mul3A_286 : i32
      %get3A = arith.constant 0 : i32
      %get3A_288 = arith.index_cast %get3A : i32 to index
      %get3A_289 = arith.index_cast %mul3A_287 : i32 to index
      %get3A_290 = tpu.vector_load %arg6[%get3A_288, %get3A_289] {strides = array<i32>} : memref<4x128xi32, #tpu.memory_space<vmem>>, vector<1x16xi32>,
      %get3A_291 = vector.shape_cast %get3A_290 : vector<1x16xi32> to vector<16xi32>
      %slice3A = vector.extract_strided_slice %get3A_291 {offsets = [0], sizes = [1], strides = [1]} : vector<16xi32> to vector<1xi32>
      %squeeze3A = vector.extract %slice3A[0] : i32 from vector<1xi32>
      %mul3A_292 = arith.constant 16 : i32
      %mul3A_293 = arith.muli %scan3A_284, %mul3A_292 : i32
      %add3A_294 = arith.constant 0 : i32
      %add3A_295 = arith.addi %mul3A_293, %add3A_294 : i32
      %dma_start3A_296 = arith.constant 0 : i32
      %dma_start3A_297 = arith.constant 0 : i32
      %dma_start3A_298 = arith.constant 0 : i32
      %dma_start3A_299 = tpu.memref_slice %arg7[%scan3A, %dma_start3A_297, %dma_start3A_298] : memref<2x128x64xf32, #tpu.memory_space<vmem>> -> memref<1x128x64xf32, #tpu.memory_space<vmem>>
      %dma_start3A_300 = tpu.memref_squeeze %dma_start3A_299 : memref<1x128x64xf32, #tpu.memory_space<vmem>> -> memref<128x64xf32, #tpu.memory_space<vmem>>
      %dma_start3A_301 = arith.constant 0 : i32
      %dma_start3A_302 = tpu.memref_slice %dma_start3A_300[%add3A_295, %dma_start3A_301] : memref<128x64xf32, #tpu.memory_space<vmem>> -> memref<1x64xf32, #tpu.memory_space<vmem>>
      %dma_start3A_303 = arith.constant 0 : i32
      %dma_start3A_304 = tpu.memref_slice %arg4[%squeeze3A, %dma_start3A_303] : memref<100000x64xf32, #tpu.memory_space<hbm>> -> memref<1x64xf32, #tpu.memory_space<hbm>>
      %dma_start3A_305 = tpu.memref_slice %arg10[%dma_start3A_296] : memref<2x!tpu.dma_semaphore, #tpu.memory_space<semaphore_mem>> -> memref<1x!tpu.dma_semaphore, #tpu.memory_space<semaphore_mem>>
      %dma_start3A_306 = tpu.memref_squeeze %dma_start3A_305 : memref<1x!tpu.dma_semaphore, #tpu.memory_space<semaphore_mem>> -> memref<!tpu.dma_semaphore, #tpu.memory_space<semaphore_mem>>
      %dma_start3A_307 = arith.constant 0 : i32
      %dma_start3A_308 = arith.constant 0 : i32
      %dma_start3A_309 = tpu.memref_slice %arg7[%scan3A, %dma_start3A_307, %dma_start3A_308] : memref<2x128x64xf32, #tpu.memory_space<vmem>> -> memref<1x128x64xf32, #tpu.memory_space<vmem>>
      %dma_start3A_310 = tpu.memref_squeeze %dma_start3A_309 : memref<1x128x64xf32, #tpu.memory_space<vmem>> -> memref<128x64xf32, #tpu.memory_space<vmem>>
      %dma_start3A_311 = arith.constant 0 : i32
      %dma_start3A_312 = tpu.memref_slice %dma_start3A_310[%add3A_295, %dma_start3A_311] : memref<128x64xf32, #tpu.memory_space<vmem>> -> memref<1x64xf32, #tpu.memory_space<vmem>>
      %dma_start3A_313 = arith.constant 0 : i32
      %dma_start3A_314 = tpu.memref_slice %arg4[%squeeze3A, %dma_start3A_313] : memref<100000x64xf32, #tpu.memory_space<hbm>> -> memref<1x64xf32, #tpu.memory_space<hbm>>
      tpu.enqueue_dma source(%dma_start3A_314 : memref<1x64xf32, #tpu.memory_space<hbm>>) target(%dma_start3A_312 : memref<1x64xf32, #tpu.memory_space<vmem>>) target_semaphore(%dma_start3A_306 : memref<!tpu.dma_semaphore, #tpu.memory_space<semaphore_mem>>)
      %slice3A_315 = vector.extract_strided_slice %get3A_291 {offsets = [1], sizes = [1], strides = [1]} : vector<16xi32> to vector<1xi32>
      %squeeze3A_316 = vector.extract %slice3A_315[0] : i32 from vector<1xi32>
      %mul3A_317 = arith.constant 16 : i32
      %mul3A_318 = arith.muli %scan3A_284, %mul3A_317 : i32
      %add3A_319 = arith.constant 1 : i32
      %add3A_320 = arith.addi %mul3A_318, %add3A_319 : i32
      %dma_start3A_321 = arith.constant 0 : i32
      %dma_start3A_322 = arith.constant 0 : i32
      %dma_start3A_323 = arith.constant 0 : i32
      %dma_start3A_324 = tpu.memref_slice %arg7[%scan3A, %dma_start3A_322, %dma_start3A_323] : memref<2x128x64xf32, #tpu.memory_space<vmem>> -> memref<1x128x64xf32, #tpu.memory_space<vmem>>
      %dma_start3A_325 = tpu.memref_squeeze %dma_start3A_324 : memref<1x128x64xf32, #tpu.memory_space<vmem>> -> memref<128x64xf32, #tpu.memory_space<vmem>>
      %dma_start3A_326 = arith.constant 0 : i32
      %dma_start3A_327 = tpu.memref_slice %dma_start3A_325[%add3A_320, %dma_start3A_326] : memref<128x64xf32, #tpu.memory_space<vmem>> -> memref<1x64xf32, #tpu.memory_space<vmem>>
      %dma_start3A_328 = arith.constant 0 : i32
      %dma_start3A_329 = tpu.memref_slice %arg4[%squeeze3A_316, %dma_start3A_328] : memref<100000x64xf32, #tpu.memory_space<hbm>> -> memref<1x64xf32, #tpu.memory_space<hbm>>
      %dma_start3A_330 = tpu.memref_slice %arg10[%dma_start3A_321] : memref<2x!tpu.dma_semaphore, #tpu.memory_space<semaphore_mem>> -> memref<1x!tpu.dma_semaphore, #tpu.memory_space<semaphore_mem>>
      %dma_start3A_331 = tpu.memref_squeeze %dma_start3A_330 : memref<1x!tpu.dma_semaphore, #tpu.memory_space<semaphore_mem>> -> memref<!tpu.dma_semaphore, #tpu.memory_space<semaphore_mem>>
      %dma_start3A_332 = arith.constant 0 : i32
      %dma_start3A_333 = arith.constant 0 : i32
      %dma_start3A_334 = tpu.memref_slice %arg7[%scan3A, %dma_start3A_332, %dma_start3A_333] : memref<2x128x64xf32, #tpu.memory_space<vmem>> -> memref<1x128x64xf32, #tpu.memory_space<vmem>>
      %dma_start3A_335 = tpu.memref_squeeze %dma_start3A_334 : memref<1x128x64xf32, #tpu.memory_space<vmem>> -> memref<128x64xf32, #tpu.memory_space<vmem>>
      %dma_start3A_336 = arith.constant 0 : i32
      %dma_start3A_337 = tpu.memref_slice %dma_start3A_335[%add3A_320, %dma_start3A_336] : memref<128x64xf32, #tpu.memory_space<vmem>> -> memref<1x64xf32, #tpu.memory_space<vmem>>
      %dma_start3A_338 = arith.constant 0 : i32
      %dma_start3A_339 = tpu.memref_slice %arg4[%squeeze3A_316, %dma_start3A_338] : memref<100000x64xf32, #tpu.memory_space<hbm>> -> memref<1x64xf32, #tpu.memory_space<hbm>>
      tpu.enqueue_dma source(%dma_start3A_339 : memref<1x64xf32, #tpu.memory_space<hbm>>) target(%dma_start3A_337 : memref<1x64xf32, #tpu.memory_space<vmem>>) target_semaphore(%dma_start3A_331 : memref<!tpu.dma_semaphore, #tpu.memory_space<semaphore_mem>>)
      %slice3A_340 = vector.extract_strided_slice %get3A_291 {offsets = [2], sizes = [1], strides = [1]} : vector<16xi32> to vector<1xi32>
      %squeeze3A_341 = vector.extract %slice3A_340[0] : i32 from vector<1xi32>
      %mul3A_342 = arith.constant 16 : i32
      %mul3A_343 = arith.muli %scan3A_284, %mul3A_342 : i32
      %add3A_344 = arith.constant 2 : i32
      %add3A_345 = arith.addi %mul3A_343, %add3A_344 : i32
      %dma_start3A_346 = arith.constant 0 : i32
      %dma_start3A_347 = arith.constant 0 : i32
      %dma_start3A_348 = arith.constant 0 : i32
      %dma_start3A_349 = tpu.memref_slice %arg7[%scan3A, %dma_start3A_347, %dma_start3A_348] : memref<2x128x64xf32, #tpu.memory_space<vmem>> -> memref<1x128x64xf32, #tpu.memory_space<vmem>>
      %dma_start3A_350 = tpu.memref_squeeze %dma_start3A_349 : memref<1x128x64xf32, #tpu.memory_space<vmem>> -> memref<128x64xf32, #tpu.memory_space<vmem>>
      %dma_start3A_351 = arith.constant 0 : i32
      %dma_start3A_352 = tpu.memref_slice %dma_start3A_350[%add3A_345, %dma_start3A_351] : memref<128x64xf32, #tpu.memory_space<vmem>> -> memref<1x64xf32, #tpu.memory_space<vmem>>
      %dma_start3A_353 = arith.constant 0 : i32
      %dma_start3A_354 = tpu.memref_slice %arg4[%squeeze3A_341, %dma_start3A_353] : memref<100000x64xf32, #tpu.memory_space<hbm>> -> memref<1x64xf32, #tpu.memory_space<hbm>>
      %dma_start3A_355 = tpu.memref_slice %arg10[%dma_start3A_346] : memref<2x!tpu.dma_semaphore, #tpu.memory_space<semaphore_mem>> -> memref<1x!tpu.dma_semaphore, #tpu.memory_space<semaphore_mem>>
      %dma_start3A_356 = tpu.memref_squeeze %dma_start3A_355 : memref<1x!tpu.dma_semaphore, #tpu.memory_space<semaphore_mem>> -> memref<!tpu.dma_semaphore, #tpu.memory_space<semaphore_mem>>
      %dma_start3A_357 = arith.constant 0 : i32
      %dma_start3A_358 = arith.constant 0 : i32
      %dma_start3A_359 = tpu.memref_slice %arg7[%scan3A, %dma_start3A_357, %dma_start3A_358] : memref<2x128x64xf32, #tpu.memory_space<vmem>> -> memref<1x128x64xf32, #tpu.memory_space<vmem>>
      %dma_start3A_360 = tpu.memref_squeeze %dma_start3A_359 : memref<1x128x64xf32, #tpu.memory_space<vmem>> -> memref<128x64xf32, #tpu.memory_space<vmem>>
      %dma_start3A_361 = arith.constant 0 : i32
      %dma_start3A_362 = tpu.memref_slice %dma_start3A_360[%add3A_345, %dma_start3A_361] : memref<128x64xf32, #tpu.memory_space<vmem>> -> memref<1x64xf32, #tpu.memory_space<vmem>>
      %dma_start3A_363 = arith.constant 0 : i32
      %dma_start3A_364 = tpu.memref_slice %arg4[%squeeze3A_341, %dma_start3A_363] : memref<100000x64xf32, #tpu.memory_space<hbm>> -> memref<1x64xf32, #tpu.memory_space<hbm>>
      tpu.enqueue_dma source(%dma_start3A_364 : memref<1x64xf32, #tpu.memory_space<hbm>>) target(%dma_start3A_362 : memref<1x64xf32, #tpu.memory_space<vmem>>) target_semaphore(%dma_start3A_356 : memref<!tpu.dma_semaphore, #tpu.memory_space<semaphore_mem>>)
      %slice3A_365 = vector.extract_strided_slice %get3A_291 {offsets = [3], sizes = [1], strides = [1]} : vector<16xi32> to vector<1xi32>
      %squeeze3A_366 = vector.extract %slice3A_365[0] : i32 from vector<1xi32>
      %mul3A_367 = arith.constant 16 : i32
      %mul3A_368 = arith.muli %scan3A_284, %mul3A_367 : i32
      %add3A_369 = arith.constant 3 : i32
      %add3A_370 = arith.addi %mul3A_368, %add3A_369 : i32
      %dma_start3A_371 = arith.constant 0 : i32
      %dma_start3A_372 = arith.constant 0 : i32
      %dma_start3A_373 = arith.constant 0 : i32
      %dma_start3A_374 = tpu.memref_slice %arg7[%scan3A, %dma_start3A_372, %dma_start3A_373] : memref<2x128x64xf32, #tpu.memory_space<vmem>> -> memref<1x128x64xf32, #tpu.memory_space<vmem>>
      %dma_start3A_375 = tpu.memref_squeeze %dma_start3A_374 : memref<1x128x64xf32, #tpu.memory_space<vmem>> -> memref<128x64xf32, #tpu.memory_space<vmem>>
      %dma_start3A_376 = arith.constant 0 : i32
      %dma_start3A_377 = tpu.memref_slice %dma_start3A_375[%add3A_370, %dma_start3A_376] : memref<128x64xf32, #tpu.memory_space<vmem>> -> memref<1x64xf32, #tpu.memory_space<vmem>>
      %dma_start3A_378 = arith.constant 0 : i32
      %dma_start3A_379 = tpu.memref_slice %arg4[%squeeze3A_366, %dma_start3A_378] : memref<100000x64xf32, #tpu.memory_space<hbm>> -> memref<1x64xf32, #tpu.memory_space<hbm>>
      %dma_start3A_380 = tpu.memref_slice %arg10[%dma_start3A_371] : memref<2x!tpu.dma_semaphore, #tpu.memory_space<semaphore_mem>> -> memref<1x!tpu.dma_semaphore, #tpu.memory_space<semaphore_mem>>
      %dma_start3A_381 = tpu.memref_squeeze %dma_start3A_380 : memref<1x!tpu.dma_semaphore, #tpu.memory_space<semaphore_mem>> -> memref<!tpu.dma_semaphore, #tpu.memory_space<semaphore_mem>>
      %dma_start3A_382 = arith.constant 0 : i32
      %dma_start3A_383 = arith.constant 0 : i32
      %dma_start3A_384 = tpu.memref_slice %arg7[%scan3A, %dma_start3A_382, %dma_start3A_383] : memref<2x128x64xf32, #tpu.memory_space<vmem>> -> memref<1x128x64xf32, #tpu.memory_space<vmem>>
      %dma_start3A_385 = tpu.memref_squeeze %dma_start3A_384 : memref<1x128x64xf32, #tpu.memory_space<vmem>> -> memref<128x64xf32, #tpu.memory_space<vmem>>
      %dma_start3A_386 = arith.constant 0 : i32
      %dma_start3A_387 = tpu.memref_slice %dma_start3A_385[%add3A_370, %dma_start3A_386] : memref<128x64xf32, #tpu.memory_space<vmem>> -> memref<1x64xf32, #tpu.memory_space<vmem>>
      %dma_start3A_388 = arith.constant 0 : i32
      %dma_start3A_389 = tpu.memref_slice %arg4[%squeeze3A_366, %dma_start3A_388] : memref<100000x64xf32, #tpu.memory_space<hbm>> -> memref<1x64xf32, #tpu.memory_space<hbm>>
      tpu.enqueue_dma source(%dma_start3A_389 : memref<1x64xf32, #tpu.memory_space<hbm>>) target(%dma_start3A_387 : memref<1x64xf32, #tpu.memory_space<vmem>>) target_semaphore(%dma_start3A_381 : memref<!tpu.dma_semaphore, #tpu.memory_space<semaphore_mem>>)
      %slice3A_390 = vector.extract_strided_slice %get3A_291 {offsets = [4], sizes = [1], strides = [1]} : vector<16xi32> to vector<1xi32>
      %squeeze3A_391 = vector.extract %slice3A_390[0] : i32 from vector<1xi32>
      %mul3A_392 = arith.constant 16 : i32
      %mul3A_393 = arith.muli %scan3A_284, %mul3A_392 : i32
      %add3A_394 = arith.constant 4 : i32
      %add3A_395 = arith.addi %mul3A_393, %add3A_394 : i32
      %dma_start3A_396 = arith.constant 0 : i32
      %dma_start3A_397 = arith.constant 0 : i32
      %dma_start3A_398 = arith.constant 0 : i32
      %dma_start3A_399 = tpu.memref_slice %arg7[%scan3A, %dma_start3A_397, %dma_start3A_398] : memref<2x128x64xf32, #tpu.memory_space<vmem>> -> memref<1x128x64xf32, #tpu.memory_space<vmem>>
      %dma_start3A_400 = tpu.memref_squeeze %dma_start3A_399 : memref<1x128x64xf32, #tpu.memory_space<vmem>> -> memref<128x64xf32, #tpu.memory_space<vmem>>
      %dma_start3A_401 = arith.constant 0 : i32
      %dma_start3A_402 = tpu.memref_slice %dma_start3A_400[%add3A_395, %dma_start3A_401] : memref<128x64xf32, #tpu.memory_space<vmem>> -> memref<1x64xf32, #tpu.memory_space<vmem>>
      %dma_start3A_403 = arith.constant 0 : i32
      %dma_start3A_404 = tpu.memref_slice %arg4[%squeeze3A_391, %dma_start3A_403] : memref<100000x64xf32, #tpu.memory_space<hbm>> -> memref<1x64xf32, #tpu.memory_space<hbm>>
      %dma_start3A_405 = tpu.memref_slice %arg10[%dma_start3A_396] : memref<2x!tpu.dma_semaphore, #tpu.memory_space<semaphore_mem>> -> memref<1x!tpu.dma_semaphore, #tpu.memory_space<semaphore_mem>>
      %dma_start3A_406 = tpu.memref_squeeze %dma_start3A_405 : memref<1x!tpu.dma_semaphore, #tpu.memory_space<semaphore_mem>> -> memref<!tpu.dma_semaphore, #tpu.memory_space<semaphore_mem>>
      %dma_start3A_407 = arith.constant 0 : i32
      %dma_start3A_408 = arith.constant 0 : i32
      %dma_start3A_409 = tpu.memref_slice %arg7[%scan3A, %dma_start3A_407, %dma_start3A_408] : memref<2x128x64xf32, #tpu.memory_space<vmem>> -> memref<1x128x64xf32, #tpu.memory_space<vmem>>
      %dma_start3A_410 = tpu.memref_squeeze %dma_start3A_409 : memref<1x128x64xf32, #tpu.memory_space<vmem>> -> memref<128x64xf32, #tpu.memory_space<vmem>>
      %dma_start3A_411 = arith.constant 0 : i32
      %dma_start3A_412 = tpu.memref_slice %dma_start3A_410[%add3A_395, %dma_start3A_411] : memref<128x64xf32, #tpu.memory_space<vmem>> -> memref<1x64xf32, #tpu.memory_space<vmem>>
      %dma_start3A_413 = arith.constant 0 : i32
      %dma_start3A_414 = tpu.memref_slice %arg4[%squeeze3A_391, %dma_start3A_413] : memref<100000x64xf32, #tpu.memory_space<hbm>> -> memref<1x64xf32, #tpu.memory_space<hbm>>
      tpu.enqueue_dma source(%dma_start3A_414 : memref<1x64xf32, #tpu.memory_space<hbm>>) target(%dma_start3A_412 : memref<1x64xf32, #tpu.memory_space<vmem>>) target_semaphore(%dma_start3A_406 : memref<!tpu.dma_semaphore, #tpu.memory_space<semaphore_mem>>)
      %slice3A_415 = vector.extract_strided_slice %get3A_291 {offsets = [5], sizes = [1], strides = [1]} : vector<16xi32> to vector<1xi32>
      %squeeze3A_416 = vector.extract %slice3A_415[0] : i32 from vector<1xi32>
      %mul3A_417 = arith.constant 16 : i32
      %mul3A_418 = arith.muli %scan3A_284, %mul3A_417 : i32
      %add3A_419 = arith.constant 5 : i32
      %add3A_420 = arith.addi %mul3A_418, %add3A_419 : i32
      %dma_start3A_421 = arith.constant 0 : i32
      %dma_start3A_422 = arith.constant 0 : i32
      %dma_start3A_423 = arith.constant 0 : i32
      %dma_start3A_424 = tpu.memref_slice %arg7[%scan3A, %dma_start3A_422, %dma_start3A_423] : memref<2x128x64xf32, #tpu.memory_space<vmem>> -> memref<1x128x64xf32, #tpu.memory_space<vmem>>
      %dma_start3A_425 = tpu.memref_squeeze %dma_start3A_424 : memref<1x128x64xf32, #tpu.memory_space<vmem>> -> memref<128x64xf32, #tpu.memory_space<vmem>>
      %dma_start3A_426 = arith.constant 0 : i32
      %dma_start3A_427 = tpu.memref_slice %dma_start3A_425[%add3A_420, %dma_start3A_426] : memref<128x64xf32, #tpu.memory_space<vmem>> -> memref<1x64xf32, #tpu.memory_space<vmem>>
      %dma_start3A_428 = arith.constant 0 : i32
      %dma_start3A_429 = tpu.memref_slice %arg4[%squeeze3A_416, %dma_start3A_428] : memref<100000x64xf32, #tpu.memory_space<hbm>> -> memref<1x64xf32, #tpu.memory_space<hbm>>
      %dma_start3A_430 = tpu.memref_slice %arg10[%dma_start3A_421] : memref<2x!tpu.dma_semaphore, #tpu.memory_space<semaphore_mem>> -> memref<1x!tpu.dma_semaphore, #tpu.memory_space<semaphore_mem>>
      %dma_start3A_431 = tpu.memref_squeeze %dma_start3A_430 : memref<1x!tpu.dma_semaphore, #tpu.memory_space<semaphore_mem>> -> memref<!tpu.dma_semaphore, #tpu.memory_space<semaphore_mem>>
      %dma_start3A_432 = arith.constant 0 : i32
      %dma_start3A_433 = arith.constant 0 : i32
      %dma_start3A_434 = tpu.memref_slice %arg7[%scan3A, %dma_start3A_432, %dma_start3A_433] : memref<2x128x64xf32, #tpu.memory_space<vmem>> -> memref<1x128x64xf32, #tpu.memory_space<vmem>>
      %dma_start3A_435 = tpu.memref_squeeze %dma_start3A_434 : memref<1x128x64xf32, #tpu.memory_space<vmem>> -> memref<128x64xf32, #tpu.memory_space<vmem>>
      %dma_start3A_436 = arith.constant 0 : i32
      %dma_start3A_437 = tpu.memref_slice %dma_start3A_435[%add3A_420, %dma_start3A_436] : memref<128x64xf32, #tpu.memory_space<vmem>> -> memref<1x64xf32, #tpu.memory_space<vmem>>
      %dma_start3A_438 = arith.constant 0 : i32
      %dma_start3A_439 = tpu.memref_slice %arg4[%squeeze3A_416, %dma_start3A_438] : memref<100000x64xf32, #tpu.memory_space<hbm>> -> memref<1x64xf32, #tpu.memory_space<hbm>>
      tpu.enqueue_dma source(%dma_start3A_439 : memref<1x64xf32, #tpu.memory_space<hbm>>) target(%dma_start3A_437 : memref<1x64xf32, #tpu.memory_space<vmem>>) target_semaphore(%dma_start3A_431 : memref<!tpu.dma_semaphore, #tpu.memory_space<semaphore_mem>>)
      %slice3A_440 = vector.extract_strided_slice %get3A_291 {offsets = [6], sizes = [1], strides = [1]} : vector<16xi32> to vector<1xi32>
      %squeeze3A_441 = vector.extract %slice3A_440[0] : i32 from vector<1xi32>
      %mul3A_442 = arith.constant 16 : i32
      %mul3A_443 = arith.muli %scan3A_284, %mul3A_442 : i32
      %add3A_444 = arith.constant 6 : i32
      %add3A_445 = arith.addi %mul3A_443, %add3A_444 : i32
      %dma_start3A_446 = arith.constant 0 : i32
      %dma_start3A_447 = arith.constant 0 : i32
      %dma_start3A_448 = arith.constant 0 : i32
      %dma_start3A_449 = tpu.memref_slice %arg7[%scan3A, %dma_start3A_447, %dma_start3A_448] : memref<2x128x64xf32, #tpu.memory_space<vmem>> -> memref<1x128x64xf32, #tpu.memory_space<vmem>>
      %dma_start3A_450 = tpu.memref_squeeze %dma_start3A_449 : memref<1x128x64xf32, #tpu.memory_space<vmem>> -> memref<128x64xf32, #tpu.memory_space<vmem>>
      %dma_start3A_451 = arith.constant 0 : i32
      %dma_start3A_452 = tpu.memref_slice %dma_start3A_450[%add3A_445, %dma_start3A_451] : memref<128x64xf32, #tpu.memory_space<vmem>> -> memref<1x64xf32, #tpu.memory_space<vmem>>
      %dma_start3A_453 = arith.constant 0 : i32
      %dma_start3A_454 = tpu.memref_slice %arg4[%squeeze3A_441, %dma_start3A_453] : memref<100000x64xf32, #tpu.memory_space<hbm>> -> memref<1x64xf32, #tpu.memory_space<hbm>>
      %dma_start3A_455 = tpu.memref_slice %arg10[%dma_start3A_446] : memref<2x!tpu.dma_semaphore, #tpu.memory_space<semaphore_mem>> -> memref<1x!tpu.dma_semaphore, #tpu.memory_space<semaphore_mem>>
      %dma_start3A_456 = tpu.memref_squeeze %dma_start3A_455 : memref<1x!tpu.dma_semaphore, #tpu.memory_space<semaphore_mem>> -> memref<!tpu.dma_semaphore, #tpu.memory_space<semaphore_mem>>
      %dma_start3A_457 = arith.constant 0 : i32
      %dma_start3A_458 = arith.constant 0 : i32
      %dma_start3A_459 = tpu.memref_slice %arg7[%scan3A, %dma_start3A_457, %dma_start3A_458] : memref<2x128x64xf32, #tpu.memory_space<vmem>> -> memref<1x128x64xf32, #tpu.memory_space<vmem>>
      %dma_start3A_460 = tpu.memref_squeeze %dma_start3A_459 : memref<1x128x64xf32, #tpu.memory_space<vmem>> -> memref<128x64xf32, #tpu.memory_space<vmem>>
      %dma_start3A_461 = arith.constant 0 : i32
      %dma_start3A_462 = tpu.memref_slice %dma_start3A_460[%add3A_445, %dma_start3A_461] : memref<128x64xf32, #tpu.memory_space<vmem>> -> memref<1x64xf32, #tpu.memory_space<vmem>>
      %dma_start3A_463 = arith.constant 0 : i32
      %dma_start3A_464 = tpu.memref_slice %arg4[%squeeze3A_441, %dma_start3A_463] : memref<100000x64xf32, #tpu.memory_space<hbm>> -> memref<1x64xf32, #tpu.memory_space<hbm>>
      tpu.enqueue_dma source(%dma_start3A_464 : memref<1x64xf32, #tpu.memory_space<hbm>>) target(%dma_start3A_462 : memref<1x64xf32, #tpu.memory_space<vmem>>) target_semaphore(%dma_start3A_456 : memref<!tpu.dma_semaphore, #tpu.memory_space<semaphore_mem>>)
      %slice3A_465 = vector.extract_strided_slice %get3A_291 {offsets = [7], sizes = [1], strides = [1]} : vector<16xi32> to vector<1xi32>
      %squeeze3A_466 = vector.extract %slice3A_465[0] : i32 from vector<1xi32>
      %mul3A_467 = arith.constant 16 : i32
      %mul3A_468 = arith.muli %scan3A_284, %mul3A_467 : i32
      %add3A_469 = arith.constant 7 : i32
      %add3A_470 = arith.addi %mul3A_468, %add3A_469 : i32
      %dma_start3A_471 = arith.constant 0 : i32
      %dma_start3A_472 = arith.constant 0 : i32
      %dma_start3A_473 = arith.constant 0 : i32
      %dma_start3A_474 = tpu.memref_slice %arg7[%scan3A, %dma_start3A_472, %dma_start3A_473] : memref<2x128x64xf32, #tpu.memory_space<vmem>> -> memref<1x128x64xf32, #tpu.memory_space<vmem>>
      %dma_start3A_475 = tpu.memref_squeeze %dma_start3A_474 : memref<1x128x64xf32, #tpu.memory_space<vmem>> -> memref<128x64xf32, #tpu.memory_space<vmem>>
      %dma_start3A_476 = arith.constant 0 : i32
      %dma_start3A_477 = tpu.memref_slice %dma_start3A_475[%add3A_470, %dma_start3A_476] : memref<128x64xf32, #tpu.memory_space<vmem>> -> memref<1x64xf32, #tpu.memory_space<vmem>>
      %dma_start3A_478 = arith.constant 0 : i32
      %dma_start3A_479 = tpu.memref_slice %arg4[%squeeze3A_466, %dma_start3A_478] : memref<100000x64xf32, #tpu.memory_space<hbm>> -> memref<1x64xf32, #tpu.memory_space<hbm>>
      %dma_start3A_480 = tpu.memref_slice %arg10[%dma_start3A_471] : memref<2x!tpu.dma_semaphore, #tpu.memory_space<semaphore_mem>> -> memref<1x!tpu.dma_semaphore, #tpu.memory_space<semaphore_mem>>
      %dma_start3A_481 = tpu.memref_squeeze %dma_start3A_480 : memref<1x!tpu.dma_semaphore, #tpu.memory_space<semaphore_mem>> -> memref<!tpu.dma_semaphore, #tpu.memory_space<semaphore_mem>>
      %dma_start3A_482 = arith.constant 0 : i32
      %dma_start3A_483 = arith.constant 0 : i32
      %dma_start3A_484 = tpu.memref_slice %arg7[%scan3A, %dma_start3A_482, %dma_start3A_483] : memref<2x128x64xf32, #tpu.memory_space<vmem>> -> memref<1x128x64xf32, #tpu.memory_space<vmem>>
      %dma_start3A_485 = tpu.memref_squeeze %dma_start3A_484 : memref<1x128x64xf32, #tpu.memory_space<vmem>> -> memref<128x64xf32, #tpu.memory_space<vmem>>
      %dma_start3A_486 = arith.constant 0 : i32
      %dma_start3A_487 = tpu.memref_slice %dma_start3A_485[%add3A_470, %dma_start3A_486] : memref<128x64xf32, #tpu.memory_space<vmem>> -> memref<1x64xf32, #tpu.memory_space<vmem>>
      %dma_start3A_488 = arith.constant 0 : i32
      %dma_start3A_489 = tpu.memref_slice %arg4[%squeeze3A_466, %dma_start3A_488] : memref<100000x64xf32, #tpu.memory_space<hbm>> -> memref<1x64xf32, #tpu.memory_space<hbm>>
      tpu.enqueue_dma source(%dma_start3A_489 : memref<1x64xf32, #tpu.memory_space<hbm>>) target(%dma_start3A_487 : memref<1x64xf32, #tpu.memory_space<vmem>>) target_semaphore(%dma_start3A_481 : memref<!tpu.dma_semaphore, #tpu.memory_space<semaphore_mem>>)
      %slice3A_490 = vector.extract_strided_slice %get3A_291 {offsets = [8], sizes = [1], strides = [1]} : vector<16xi32> to vector<1xi32>
      %squeeze3A_491 = vector.extract %slice3A_490[0] : i32 from vector<1xi32>
      %mul3A_492 = arith.constant 16 : i32
      %mul3A_493 = arith.muli %scan3A_284, %mul3A_492 : i32
      %add3A_494 = arith.constant 8 : i32
      %add3A_495 = arith.addi %mul3A_493, %add3A_494 : i32
      %dma_start3A_496 = arith.constant 0 : i32
      %dma_start3A_497 = arith.constant 0 : i32
      %dma_start3A_498 = arith.constant 0 : i32
      %dma_start3A_499 = tpu.memref_slice %arg7[%scan3A, %dma_start3A_497, %dma_start3A_498] : memref<2x128x64xf32, #tpu.memory_space<vmem>> -> memref<1x128x64xf32, #tpu.memory_space<vmem>>
      %dma_start3A_500 = tpu.memref_squeeze %dma_start3A_499 : memref<1x128x64xf32, #tpu.memory_space<vmem>> -> memref<128x64xf32, #tpu.memory_space<vmem>>
      %dma_start3A_501 = arith.constant 0 : i32
      %dma_start3A_502 = tpu.memref_slice %dma_start3A_500[%add3A_495, %dma_start3A_501] : memref<128x64xf32, #tpu.memory_space<vmem>> -> memref<1x64xf32, #tpu.memory_space<vmem>>
      %dma_start3A_503 = arith.constant 0 : i32
      %dma_start3A_504 = tpu.memref_slice %arg4[%squeeze3A_491, %dma_start3A_503] : memref<100000x64xf32, #tpu.memory_space<hbm>> -> memref<1x64xf32, #tpu.memory_space<hbm>>
      %dma_start3A_505 = tpu.memref_slice %arg10[%dma_start3A_496] : memref<2x!tpu.dma_semaphore, #tpu.memory_space<semaphore_mem>> -> memref<1x!tpu.dma_semaphore, #tpu.memory_space<semaphore_mem>>
      %dma_start3A_506 = tpu.memref_squeeze %dma_start3A_505 : memref<1x!tpu.dma_semaphore, #tpu.memory_space<semaphore_mem>> -> memref<!tpu.dma_semaphore, #tpu.memory_space<semaphore_mem>>
      %dma_start3A_507 = arith.constant 0 : i32
      %dma_start3A_508 = arith.constant 0 : i32
      %dma_start3A_509 = tpu.memref_slice %arg7[%scan3A, %dma_start3A_507, %dma_start3A_508] : memref<2x128x64xf32, #tpu.memory_space<vmem>> -> memref<1x128x64xf32, #tpu.memory_space<vmem>>
      %dma_start3A_510 = tpu.memref_squeeze %dma_start3A_509 : memref<1x128x64xf32, #tpu.memory_space<vmem>> -> memref<128x64xf32, #tpu.memory_space<vmem>>
      %dma_start3A_511 = arith.constant 0 : i32
      %dma_start3A_512 = tpu.memref_slice %dma_start3A_510[%add3A_495, %dma_start3A_511] : memref<128x64xf32, #tpu.memory_space<vmem>> -> memref<1x64xf32, #tpu.memory_space<vmem>>
      %dma_start3A_513 = arith.constant 0 : i32
      %dma_start3A_514 = tpu.memref_slice %arg4[%squeeze3A_491, %dma_start3A_513] : memref<100000x64xf32, #tpu.memory_space<hbm>> -> memref<1x64xf32, #tpu.memory_space<hbm>>
      tpu.enqueue_dma source(%dma_start3A_514 : memref<1x64xf32, #tpu.memory_space<hbm>>) target(%dma_start3A_512 : memref<1x64xf32, #tpu.memory_space<vmem>>) target_semaphore(%dma_start3A_506 : memref<!tpu.dma_semaphore, #tpu.memory_space<semaphore_mem>>)
      %slice3A_515 = vector.extract_strided_slice %get3A_291 {offsets = [9], sizes = [1], strides = [1]} : vector<16xi32> to vector<1xi32>
      %squeeze3A_516 = vector.extract %slice3A_515[0] : i32 from vector<1xi32>
      %mul3A_517 = arith.constant 16 : i32
      %mul3A_518 = arith.muli %scan3A_284, %mul3A_517 : i32
      %add3A_519 = arith.constant 9 : i32
      %add3A_520 = arith.addi %mul3A_518, %add3A_519 : i32
      %dma_start3A_521 = arith.constant 0 : i32
      %dma_start3A_522 = arith.constant 0 : i32
      %dma_start3A_523 = arith.constant 0 : i32
      %dma_start3A_524 = tpu.memref_slice %arg7[%scan3A, %dma_start3A_522, %dma_start3A_523] : memref<2x128x64xf32, #tpu.memory_space<vmem>> -> memref<1x128x64xf32, #tpu.memory_space<vmem>>
      %dma_start3A_525 = tpu.memref_squeeze %dma_start3A_524 : memref<1x128x64xf32, #tpu.memory_space<vmem>> -> memref<128x64xf32, #tpu.memory_space<vmem>>
      %dma_start3A_526 = arith.constant 0 : i32
      %dma_start3A_527 = tpu.memref_slice %dma_start3A_525[%add3A_520, %dma_start3A_526] : memref<128x64xf32, #tpu.memory_space<vmem>> -> memref<1x64xf32, #tpu.memory_space<vmem>>
      %dma_start3A_528 = arith.constant 0 : i32
      %dma_start3A_529 = tpu.memref_slice %arg4[%squeeze3A_516, %dma_start3A_528] : memref<100000x64xf32, #tpu.memory_space<hbm>> -> memref<1x64xf32, #tpu.memory_space<hbm>>
      %dma_start3A_530 = tpu.memref_slice %arg10[%dma_start3A_521] : memref<2x!tpu.dma_semaphore, #tpu.memory_space<semaphore_mem>> -> memref<1x!tpu.dma_semaphore, #tpu.memory_space<semaphore_mem>>
      %dma_start3A_531 = tpu.memref_squeeze %dma_start3A_530 : memref<1x!tpu.dma_semaphore, #tpu.memory_space<semaphore_mem>> -> memref<!tpu.dma_semaphore, #tpu.memory_space<semaphore_mem>>
      %dma_start3A_532 = arith.constant 0 : i32
      %dma_start3A_533 = arith.constant 0 : i32
      %dma_start3A_534 = tpu.memref_slice %arg7[%scan3A, %dma_start3A_532, %dma_start3A_533] : memref<2x128x64xf32, #tpu.memory_space<vmem>> -> memref<1x128x64xf32, #tpu.memory_space<vmem>>
      %dma_start3A_535 = tpu.memref_squeeze %dma_start3A_534 : memref<1x128x64xf32, #tpu.memory_space<vmem>> -> memref<128x64xf32, #tpu.memory_space<vmem>>
      %dma_start3A_536 = arith.constant 0 : i32
      %dma_start3A_537 = tpu.memref_slice %dma_start3A_535[%add3A_520, %dma_start3A_536] : memref<128x64xf32, #tpu.memory_space<vmem>> -> memref<1x64xf32, #tpu.memory_space<vmem>>
      %dma_start3A_538 = arith.constant 0 : i32
      %dma_start3A_539 = tpu.memref_slice %arg4[%squeeze3A_516, %dma_start3A_538] : memref<100000x64xf32, #tpu.memory_space<hbm>> -> memref<1x64xf32, #tpu.memory_space<hbm>>
      tpu.enqueue_dma source(%dma_start3A_539 : memref<1x64xf32, #tpu.memory_space<hbm>>) target(%dma_start3A_537 : memref<1x64xf32, #tpu.memory_space<vmem>>) target_semaphore(%dma_start3A_531 : memref<!tpu.dma_semaphore, #tpu.memory_space<semaphore_mem>>)
      %slice3A_540 = vector.extract_strided_slice %get3A_291 {offsets = [10], sizes = [1], strides = [1]} : vector<16xi32> to vector<1xi32>
      %squeeze3A_541 = vector.extract %slice3A_540[0] : i32 from vector<1xi32>
      %mul3A_542 = arith.constant 16 : i32
      %mul3A_543 = arith.muli %scan3A_284, %mul3A_542 : i32
      %add3A_544 = arith.constant 10 : i32
      %add3A_545 = arith.addi %mul3A_543, %add3A_544 : i32
      %dma_start3A_546 = arith.constant 0 : i32
      %dma_start3A_547 = arith.constant 0 : i32
      %dma_start3A_548 = arith.constant 0 : i32
      %dma_start3A_549 = tpu.memref_slice %arg7[%scan3A, %dma_start3A_547, %dma_start3A_548] : memref<2x128x64xf32, #tpu.memory_space<vmem>> -> memref<1x128x64xf32, #tpu.memory_space<vmem>>
      %dma_start3A_550 = tpu.memref_squeeze %dma_start3A_549 : memref<1x128x64xf32, #tpu.memory_space<vmem>> -> memref<128x64xf32, #tpu.memory_space<vmem>>
      %dma_start3A_551 = arith.constant 0 : i32
      %dma_start3A_552 = tpu.memref_slice %dma_start3A_550[%add3A_545, %dma_start3A_551] : memref<128x64xf32, #tpu.memory_space<vmem>> -> memref<1x64xf32, #tpu.memory_space<vmem>>
      %dma_start3A_553 = arith.constant 0 : i32
      %dma_start3A_554 = tpu.memref_slice %arg4[%squeeze3A_541, %dma_start3A_553] : memref<100000x64xf32, #tpu.memory_space<hbm>> -> memref<1x64xf32, #tpu.memory_space<hbm>>
      %dma_start3A_555 = tpu.memref_slice %arg10[%dma_start3A_546] : memref<2x!tpu.dma_semaphore, #tpu.memory_space<semaphore_mem>> -> memref<1x!tpu.dma_semaphore, #tpu.memory_space<semaphore_mem>>
      %dma_start3A_556 = tpu.memref_squeeze %dma_start3A_555 : memref<1x!tpu.dma_semaphore, #tpu.memory_space<semaphore_mem>> -> memref<!tpu.dma_semaphore, #tpu.memory_space<semaphore_mem>>
      %dma_start3A_557 = arith.constant 0 : i32
      %dma_start3A_558 = arith.constant 0 : i32
      %dma_start3A_559 = tpu.memref_slice %arg7[%scan3A, %dma_start3A_557, %dma_start3A_558] : memref<2x128x64xf32, #tpu.memory_space<vmem>> -> memref<1x128x64xf32, #tpu.memory_space<vmem>>
      %dma_start3A_560 = tpu.memref_squeeze %dma_start3A_559 : memref<1x128x64xf32, #tpu.memory_space<vmem>> -> memref<128x64xf32, #tpu.memory_space<vmem>>
      %dma_start3A_561 = arith.constant 0 : i32
      %dma_start3A_562 = tpu.memref_slice %dma_start3A_560[%add3A_545, %dma_start3A_561] : memref<128x64xf32, #tpu.memory_space<vmem>> -> memref<1x64xf32, #tpu.memory_space<vmem>>
      %dma_start3A_563 = arith.constant 0 : i32
      %dma_start3A_564 = tpu.memref_slice %arg4[%squeeze3A_541, %dma_start3A_563] : memref<100000x64xf32, #tpu.memory_space<hbm>> -> memref<1x64xf32, #tpu.memory_space<hbm>>
      tpu.enqueue_dma source(%dma_start3A_564 : memref<1x64xf32, #tpu.memory_space<hbm>>) target(%dma_start3A_562 : memref<1x64xf32, #tpu.memory_space<vmem>>) target_semaphore(%dma_start3A_556 : memref<!tpu.dma_semaphore, #tpu.memory_space<semaphore_mem>>)
      %slice3A_565 = vector.extract_strided_slice %get3A_291 {offsets = [11], sizes = [1], strides = [1]} : vector<16xi32> to vector<1xi32>
      %squeeze3A_566 = vector.extract %slice3A_565[0] : i32 from vector<1xi32>
      %mul3A_567 = arith.constant 16 : i32
      %mul3A_568 = arith.muli %scan3A_284, %mul3A_567 : i32
      %add3A_569 = arith.constant 11 : i32
      %add3A_570 = arith.addi %mul3A_568, %add3A_569 : i32
      %dma_start3A_571 = arith.constant 0 : i32
      %dma_start3A_572 = arith.constant 0 : i32
      %dma_start3A_573 = arith.constant 0 : i32
      %dma_start3A_574 = tpu.memref_slice %arg7[%scan3A, %dma_start3A_572, %dma_start3A_573] : memref<2x128x64xf32, #tpu.memory_space<vmem>> -> memref<1x128x64xf32, #tpu.memory_space<vmem>>
      %dma_start3A_575 = tpu.memref_squeeze %dma_start3A_574 : memref<1x128x64xf32, #tpu.memory_space<vmem>> -> memref<128x64xf32, #tpu.memory_space<vmem>>
      %dma_start3A_576 = arith.constant 0 : i32
      %dma_start3A_577 = tpu.memref_slice %dma_start3A_575[%add3A_570, %dma_start3A_576] : memref<128x64xf32, #tpu.memory_space<vmem>> -> memref<1x64xf32, #tpu.memory_space<vmem>>
      %dma_start3A_578 = arith.constant 0 : i32
      %dma_start3A_579 = tpu.memref_slice %arg4[%squeeze3A_566, %dma_start3A_578] : memref<100000x64xf32, #tpu.memory_space<hbm>> -> memref<1x64xf32, #tpu.memory_space<hbm>>
      %dma_start3A_580 = tpu.memref_slice %arg10[%dma_start3A_571] : memref<2x!tpu.dma_semaphore, #tpu.memory_space<semaphore_mem>> -> memref<1x!tpu.dma_semaphore, #tpu.memory_space<semaphore_mem>>
      %dma_start3A_581 = tpu.memref_squeeze %dma_start3A_580 : memref<1x!tpu.dma_semaphore, #tpu.memory_space<semaphore_mem>> -> memref<!tpu.dma_semaphore, #tpu.memory_space<semaphore_mem>>
      %dma_start3A_582 = arith.constant 0 : i32
      %dma_start3A_583 = arith.constant 0 : i32
      %dma_start3A_584 = tpu.memref_slice %arg7[%scan3A, %dma_start3A_582, %dma_start3A_583] : memref<2x128x64xf32, #tpu.memory_space<vmem>> -> memref<1x128x64xf32, #tpu.memory_space<vmem>>
      %dma_start3A_585 = tpu.memref_squeeze %dma_start3A_584 : memref<1x128x64xf32, #tpu.memory_space<vmem>> -> memref<128x64xf32, #tpu.memory_space<vmem>>
      %dma_start3A_586 = arith.constant 0 : i32
      %dma_start3A_587 = tpu.memref_slice %dma_start3A_585[%add3A_570, %dma_start3A_586] : memref<128x64xf32, #tpu.memory_space<vmem>> -> memref<1x64xf32, #tpu.memory_space<vmem>>
      %dma_start3A_588 = arith.constant 0 : i32
      %dma_start3A_589 = tpu.memref_slice %arg4[%squeeze3A_566, %dma_start3A_588] : memref<100000x64xf32, #tpu.memory_space<hbm>> -> memref<1x64xf32, #tpu.memory_space<hbm>>
      tpu.enqueue_dma source(%dma_start3A_589 : memref<1x64xf32, #tpu.memory_space<hbm>>) target(%dma_start3A_587 : memref<1x64xf32, #tpu.memory_space<vmem>>) target_semaphore(%dma_start3A_581 : memref<!tpu.dma_semaphore, #tpu.memory_space<semaphore_mem>>)
      %slice3A_590 = vector.extract_strided_slice %get3A_291 {offsets = [12], sizes = [1], strides = [1]} : vector<16xi32> to vector<1xi32>
      %squeeze3A_591 = vector.extract %slice3A_590[0] : i32 from vector<1xi32>
      %mul3A_592 = arith.constant 16 : i32
      %mul3A_593 = arith.muli %scan3A_284, %mul3A_592 : i32
      %add3A_594 = arith.constant 12 : i32
      %add3A_595 = arith.addi %mul3A_593, %add3A_594 : i32
      %dma_start3A_596 = arith.constant 0 : i32
      %dma_start3A_597 = arith.constant 0 : i32
      %dma_start3A_598 = arith.constant 0 : i32
      %dma_start3A_599 = tpu.memref_slice %arg7[%scan3A, %dma_start3A_597, %dma_start3A_598] : memref<2x128x64xf32, #tpu.memory_space<vmem>> -> memref<1x128x64xf32, #tpu.memory_space<vmem>>
      %dma_start3A_600 = tpu.memref_squeeze %dma_start3A_599 : memref<1x128x64xf32, #tpu.memory_space<vmem>> -> memref<128x64xf32, #tpu.memory_space<vmem>>
      %dma_start3A_601 = arith.constant 0 : i32
      %dma_start3A_602 = tpu.memref_slice %dma_start3A_600[%add3A_595, %dma_start3A_601] : memref<128x64xf32, #tpu.memory_space<vmem>> -> memref<1x64xf32, #tpu.memory_space<vmem>>
      %dma_start3A_603 = arith.constant 0 : i32
      %dma_start3A_604 = tpu.memref_slice %arg4[%squeeze3A_591, %dma_start3A_603] : memref<100000x64xf32, #tpu.memory_space<hbm>> -> memref<1x64xf32, #tpu.memory_space<hbm>>
      %dma_start3A_605 = tpu.memref_slice %arg10[%dma_start3A_596] : memref<2x!tpu.dma_semaphore, #tpu.memory_space<semaphore_mem>> -> memref<1x!tpu.dma_semaphore, #tpu.memory_space<semaphore_mem>>
      %dma_start3A_606 = tpu.memref_squeeze %dma_start3A_605 : memref<1x!tpu.dma_semaphore, #tpu.memory_space<semaphore_mem>> -> memref<!tpu.dma_semaphore, #tpu.memory_space<semaphore_mem>>
      %dma_start3A_607 = arith.constant 0 : i32
      %dma_start3A_608 = arith.constant 0 : i32
      %dma_start3A_609 = tpu.memref_slice %arg7[%scan3A, %dma_start3A_607, %dma_start3A_608] : memref<2x128x64xf32, #tpu.memory_space<vmem>> -> memref<1x128x64xf32, #tpu.memory_space<vmem>>
      %dma_start3A_610 = tpu.memref_squeeze %dma_start3A_609 : memref<1x128x64xf32, #tpu.memory_space<vmem>> -> memref<128x64xf32, #tpu.memory_space<vmem>>
      %dma_start3A_611 = arith.constant 0 : i32
      %dma_start3A_612 = tpu.memref_slice %dma_start3A_610[%add3A_595, %dma_start3A_611] : memref<128x64xf32, #tpu.memory_space<vmem>> -> memref<1x64xf32, #tpu.memory_space<vmem>>
      %dma_start3A_613 = arith.constant 0 : i32
      %dma_start3A_614 = tpu.memref_slice %arg4[%squeeze3A_591, %dma_start3A_613] : memref<100000x64xf32, #tpu.memory_space<hbm>> -> memref<1x64xf32, #tpu.memory_space<hbm>>
      tpu.enqueue_dma source(%dma_start3A_614 : memref<1x64xf32, #tpu.memory_space<hbm>>) target(%dma_start3A_612 : memref<1x64xf32, #tpu.memory_space<vmem>>) target_semaphore(%dma_start3A_606 : memref<!tpu.dma_semaphore, #tpu.memory_space<semaphore_mem>>)
      %slice3A_615 = vector.extract_strided_slice %get3A_291 {offsets = [13], sizes = [1], strides = [1]} : vector<16xi32> to vector<1xi32>
      %squeeze3A_616 = vector.extract %slice3A_615[0] : i32 from vector<1xi32>
      %mul3A_617 = arith.constant 16 : i32
      %mul3A_618 = arith.muli %scan3A_284, %mul3A_617 : i32
      %add3A_619 = arith.constant 13 : i32
      %add3A_620 = arith.addi %mul3A_618, %add3A_619 : i32
      %dma_start3A_621 = arith.constant 0 : i32
      %dma_start3A_622 = arith.constant 0 : i32
      %dma_start3A_623 = arith.constant 0 : i32
      %dma_start3A_624 = tpu.memref_slice %arg7[%scan3A, %dma_start3A_622, %dma_start3A_623] : memref<2x128x64xf32, #tpu.memory_space<vmem>> -> memref<1x128x64xf32, #tpu.memory_space<vmem>>
      %dma_start3A_625 = tpu.memref_squeeze %dma_start3A_624 : memref<1x128x64xf32, #tpu.memory_space<vmem>> -> memref<128x64xf32, #tpu.memory_space<vmem>>
      %dma_start3A_626 = arith.constant 0 : i32
      %dma_start3A_627 = tpu.memref_slice %dma_start3A_625[%add3A_620, %dma_start3A_626] : memref<128x64xf32, #tpu.memory_space<vmem>> -> memref<1x64xf32, #tpu.memory_space<vmem>>
      %dma_start3A_628 = arith.constant 0 : i32
      %dma_start3A_629 = tpu.memref_slice %arg4[%squeeze3A_616, %dma_start3A_628] : memref<100000x64xf32, #tpu.memory_space<hbm>> -> memref<1x64xf32, #tpu.memory_space<hbm>>
      %dma_start3A_630 = tpu.memref_slice %arg10[%dma_start3A_621] : memref<2x!tpu.dma_semaphore, #tpu.memory_space<semaphore_mem>> -> memref<1x!tpu.dma_semaphore, #tpu.memory_space<semaphore_mem>>
      %dma_start3A_631 = tpu.memref_squeeze %dma_start3A_630 : memref<1x!tpu.dma_semaphore, #tpu.memory_space<semaphore_mem>> -> memref<!tpu.dma_semaphore, #tpu.memory_space<semaphore_mem>>
      %dma_start3A_632 = arith.constant 0 : i32
      %dma_start3A_633 = arith.constant 0 : i32
      %dma_start3A_634 = tpu.memref_slice %arg7[%scan3A, %dma_start3A_632, %dma_start3A_633] : memref<2x128x64xf32, #tpu.memory_space<vmem>> -> memref<1x128x64xf32, #tpu.memory_space<vmem>>
      %dma_start3A_635 = tpu.memref_squeeze %dma_start3A_634 : memref<1x128x64xf32, #tpu.memory_space<vmem>> -> memref<128x64xf32, #tpu.memory_space<vmem>>
      %dma_start3A_636 = arith.constant 0 : i32
      %dma_start3A_637 = tpu.memref_slice %dma_start3A_635[%add3A_620, %dma_start3A_636] : memref<128x64xf32, #tpu.memory_space<vmem>> -> memref<1x64xf32, #tpu.memory_space<vmem>>
      %dma_start3A_638 = arith.constant 0 : i32
      %dma_start3A_639 = tpu.memref_slice %arg4[%squeeze3A_616, %dma_start3A_638] : memref<100000x64xf32, #tpu.memory_space<hbm>> -> memref<1x64xf32, #tpu.memory_space<hbm>>
      tpu.enqueue_dma source(%dma_start3A_639 : memref<1x64xf32, #tpu.memory_space<hbm>>) target(%dma_start3A_637 : memref<1x64xf32, #tpu.memory_space<vmem>>) target_semaphore(%dma_start3A_631 : memref<!tpu.dma_semaphore, #tpu.memory_space<semaphore_mem>>)
      %slice3A_640 = vector.extract_strided_slice %get3A_291 {offsets = [14], sizes = [1], strides = [1]} : vector<16xi32> to vector<1xi32>
      %squeeze3A_641 = vector.extract %slice3A_640[0] : i32 from vector<1xi32>
      %mul3A_642 = arith.constant 16 : i32
      %mul3A_643 = arith.muli %scan3A_284, %mul3A_642 : i32
      %add3A_644 = arith.constant 14 : i32
      %add3A_645 = arith.addi %mul3A_643, %add3A_644 : i32
      %dma_start3A_646 = arith.constant 0 : i32
      %dma_start3A_647 = arith.constant 0 : i32
      %dma_start3A_648 = arith.constant 0 : i32
      %dma_start3A_649 = tpu.memref_slice %arg7[%scan3A, %dma_start3A_647, %dma_start3A_648] : memref<2x128x64xf32, #tpu.memory_space<vmem>> -> memref<1x128x64xf32, #tpu.memory_space<vmem>>
      %dma_start3A_650 = tpu.memref_squeeze %dma_start3A_649 : memref<1x128x64xf32, #tpu.memory_space<vmem>> -> memref<128x64xf32, #tpu.memory_space<vmem>>
      %dma_start3A_651 = arith.constant 0 : i32
      %dma_start3A_652 = tpu.memref_slice %dma_start3A_650[%add3A_645, %dma_start3A_651] : memref<128x64xf32, #tpu.memory_space<vmem>> -> memref<1x64xf32, #tpu.memory_space<vmem>>
      %dma_start3A_653 = arith.constant 0 : i32
      %dma_start3A_654 = tpu.memref_slice %arg4[%squeeze3A_641, %dma_start3A_653] : memref<100000x64xf32, #tpu.memory_space<hbm>> -> memref<1x64xf32, #tpu.memory_space<hbm>>
      %dma_start3A_655 = tpu.memref_slice %arg10[%dma_start3A_646] : memref<2x!tpu.dma_semaphore, #tpu.memory_space<semaphore_mem>> -> memref<1x!tpu.dma_semaphore, #tpu.memory_space<semaphore_mem>>
      %dma_start3A_656 = tpu.memref_squeeze %dma_start3A_655 : memref<1x!tpu.dma_semaphore, #tpu.memory_space<semaphore_mem>> -> memref<!tpu.dma_semaphore, #tpu.memory_space<semaphore_mem>>
      %dma_start3A_657 = arith.constant 0 : i32
      %dma_start3A_658 = arith.constant 0 : i32
      %dma_start3A_659 = tpu.memref_slice %arg7[%scan3A, %dma_start3A_657, %dma_start3A_658] : memref<2x128x64xf32, #tpu.memory_space<vmem>> -> memref<1x128x64xf32, #tpu.memory_space<vmem>>
      %dma_start3A_660 = tpu.memref_squeeze %dma_start3A_659 : memref<1x128x64xf32, #tpu.memory_space<vmem>> -> memref<128x64xf32, #tpu.memory_space<vmem>>
      %dma_start3A_661 = arith.constant 0 : i32
      %dma_start3A_662 = tpu.memref_slice %dma_start3A_660[%add3A_645, %dma_start3A_661] : memref<128x64xf32, #tpu.memory_space<vmem>> -> memref<1x64xf32, #tpu.memory_space<vmem>>
      %dma_start3A_663 = arith.constant 0 : i32
      %dma_start3A_664 = tpu.memref_slice %arg4[%squeeze3A_641, %dma_start3A_663] : memref<100000x64xf32, #tpu.memory_space<hbm>> -> memref<1x64xf32, #tpu.memory_space<hbm>>
      tpu.enqueue_dma source(%dma_start3A_664 : memref<1x64xf32, #tpu.memory_space<hbm>>) target(%dma_start3A_662 : memref<1x64xf32, #tpu.memory_space<vmem>>) target_semaphore(%dma_start3A_656 : memref<!tpu.dma_semaphore, #tpu.memory_space<semaphore_mem>>)
      %slice3A_665 = vector.extract_strided_slice %get3A_291 {offsets = [15], sizes = [1], strides = [1]} : vector<16xi32> to vector<1xi32>
      %squeeze3A_666 = vector.extract %slice3A_665[0] : i32 from vector<1xi32>
      %mul3A_667 = arith.constant 16 : i32
      %mul3A_668 = arith.muli %scan3A_284, %mul3A_667 : i32
      %add3A_669 = arith.constant 15 : i32
      %add3A_670 = arith.addi %mul3A_668, %add3A_669 : i32
      %dma_start3A_671 = arith.constant 0 : i32
      %dma_start3A_672 = arith.constant 0 : i32
      %dma_start3A_673 = arith.constant 0 : i32
      %dma_start3A_674 = tpu.memref_slice %arg7[%scan3A, %dma_start3A_672, %dma_start3A_673] : memref<2x128x64xf32, #tpu.memory_space<vmem>> -> memref<1x128x64xf32, #tpu.memory_space<vmem>>
      %dma_start3A_675 = tpu.memref_squeeze %dma_start3A_674 : memref<1x128x64xf32, #tpu.memory_space<vmem>> -> memref<128x64xf32, #tpu.memory_space<vmem>>
      %dma_start3A_676 = arith.constant 0 : i32
      %dma_start3A_677 = tpu.memref_slice %dma_start3A_675[%add3A_670, %dma_start3A_676] : memref<128x64xf32, #tpu.memory_space<vmem>> -> memref<1x64xf32, #tpu.memory_space<vmem>>
      %dma_start3A_678 = arith.constant 0 : i32
      %dma_start3A_679 = tpu.memref_slice %arg4[%squeeze3A_666, %dma_start3A_678] : memref<100000x64xf32, #tpu.memory_space<hbm>> -> memref<1x64xf32, #tpu.memory_space<hbm>>
      %dma_start3A_680 = tpu.memref_slice %arg10[%dma_start3A_671] : memref<2x!tpu.dma_semaphore, #tpu.memory_space<semaphore_mem>> -> memref<1x!tpu.dma_semaphore, #tpu.memory_space<semaphore_mem>>
      %dma_start3A_681 = tpu.memref_squeeze %dma_start3A_680 : memref<1x!tpu.dma_semaphore, #tpu.memory_space<semaphore_mem>> -> memref<!tpu.dma_semaphore, #tpu.memory_space<semaphore_mem>>
      %dma_start3A_682 = arith.constant 0 : i32
      %dma_start3A_683 = arith.constant 0 : i32
      %dma_start3A_684 = tpu.memref_slice %arg7[%scan3A, %dma_start3A_682, %dma_start3A_683] : memref<2x128x64xf32, #tpu.memory_space<vmem>> -> memref<1x128x64xf32, #tpu.memory_space<vmem>>
      %dma_start3A_685 = tpu.memref_squeeze %dma_start3A_684 : memref<1x128x64xf32, #tpu.memory_space<vmem>> -> memref<128x64xf32, #tpu.memory_space<vmem>>
      %dma_start3A_686 = arith.constant 0 : i32
      %dma_start3A_687 = tpu.memref_slice %dma_start3A_685[%add3A_670, %dma_start3A_686] : memref<128x64xf32, #tpu.memory_space<vmem>> -> memref<1x64xf32, #tpu.memory_space<vmem>>
      %dma_start3A_688 = arith.constant 0 : i32
      %dma_start3A_689 = tpu.memref_slice %arg4[%squeeze3A_666, %dma_start3A_688] : memref<100000x64xf32, #tpu.memory_space<hbm>> -> memref<1x64xf32, #tpu.memory_space<hbm>>
      tpu.enqueue_dma source(%dma_start3A_689 : memref<1x64xf32, #tpu.memory_space<hbm>>) target(%dma_start3A_687 : memref<1x64xf32, #tpu.memory_space<vmem>>) target_semaphore(%dma_start3A_681 : memref<!tpu.dma_semaphore, #tpu.memory_space<semaphore_mem>>)
      %scan3A_690 = arith.constant 0 : i32
      scf.yield %scan3A_690 : i32
    }
    %scan3A_12 = arith.constant 8 : i32
    %add3A_13 = arith.constant 0 : i32
    %add3A_14 = arith.addi %mul3A_2, %add3A_13 : i32
    %dma_start3A = arith.constant 0 : i32
    %dma_start3A_15 = arith.constant 0 : i32
    %dma_start3A_16 = arith.constant 0 : i32
    %dma_start3A_17 = arith.constant 0 : i32
    %dma_start3A_18 = tpu.memref_slice %arg8[%dma_start3A, %dma_start3A_16, %dma_start3A_17] : memref<2x128x64xf32, #tpu.memory_space<vmem>> -> memref<1x128x64xf32, #tpu.memory_space<vmem>>
    %dma_start3A_19 = tpu.memref_squeeze %dma_start3A_18 : memref<1x128x64xf32, #tpu.memory_space<vmem>> -> memref<128x64xf32, #tpu.memory_space<vmem>>
    %dma_start3A_20 = arith.constant 0 : i32
    %dma_start3A_21 = tpu.memref_slice %arg2[%add3A_14, %dma_start3A_20] : memref<16384x64xf32, #tpu.memory_space<hbm>> -> memref<128x64xf32, #tpu.memory_space<hbm>>
    %dma_start3A_22 = tpu.memref_slice %arg11[%dma_start3A_15] : memref<2x!tpu.dma_semaphore, #tpu.memory_space<semaphore_mem>> -> memref<1x!tpu.dma_semaphore, #tpu.memory_space<semaphore_mem>>
    %dma_start3A_23 = tpu.memref_squeeze %dma_start3A_22 : memref<1x!tpu.dma_semaphore, #tpu.memory_space<semaphore_mem>> -> memref<!tpu.dma_semaphore, #tpu.memory_space<semaphore_mem>>
    %dma_start3A_24 = arith.constant 0 : i32
    %dma_start3A_25 = arith.constant 0 : i32
    %dma_start3A_26 = tpu.memref_slice %arg8[%dma_start3A, %dma_start3A_24, %dma_start3A_25] : memref<2x128x64xf32, #tpu.memory_space<vmem>> -> memref<1x128x64xf32, #tpu.memory_space<vmem>>
    %dma_start3A_27 = tpu.memref_squeeze %dma_start3A_26 : memref<1x128x64xf32, #tpu.memory_space<vmem>> -> memref<128x64xf32, #tpu.memory_space<vmem>>
    %dma_start3A_28 = arith.constant 0 : i32
    %dma_start3A_29 = tpu.memref_slice %arg2[%add3A_14, %dma_start3A_28] : memref<16384x64xf32, #tpu.memory_space<hbm>> -> memref<128x64xf32, #tpu.memory_space<hbm>>
    tpu.enqueue_dma source(%dma_start3A_29 : memref<128x64xf32, #tpu.memory_space<hbm>>) target(%dma_start3A_27 : memref<128x64xf32, #tpu.memory_space<vmem>>) target_semaphore(%dma_start3A_23 : memref<!tpu.dma_semaphore, #tpu.memory_space<semaphore_mem>>)
    %dma_wait3A = arith.constant 0 : i32
    %dma_wait3A_30 = arith.constant 0 : i32
    %dma_wait3A_31 = arith.constant 0 : i32
    %dma_wait3A_32 = arith.constant 0 : i32
    %dma_wait3A_33 = tpu.memref_slice %arg8[%dma_wait3A, %dma_wait3A_31, %dma_wait3A_32] : memref<2x128x64xf32, #tpu.memory_space<vmem>> -> memref<1x128x64xf32, #tpu.memory_space<vmem>>
    %dma_wait3A_34 = tpu.memref_squeeze %dma_wait3A_33 : memref<1x128x64xf32, #tpu.memory_space<vmem>> -> memref<128x64xf32, #tpu.memory_space<vmem>>
    %dma_wait3A_35 = arith.constant 0 : i32
    %dma_wait3A_36 = tpu.memref_slice %arg2[%add3A_14, %dma_wait3A_35] : memref<16384x64xf32, #tpu.memory_space<hbm>> -> memref<128x64xf32, #tpu.memory_space<hbm>>
    %dma_wait3A_37 = tpu.memref_slice %arg11[%dma_wait3A_30] : memref<2x!tpu.dma_semaphore, #tpu.memory_space<semaphore_mem>> -> memref<1x!tpu.dma_semaphore, #tpu.memory_space<semaphore_mem>>
    %dma_wait3A_38 = tpu.memref_squeeze %dma_wait3A_37 : memref<1x!tpu.dma_semaphore, #tpu.memory_space<semaphore_mem>> -> memref<!tpu.dma_semaphore, #tpu.memory_space<semaphore_mem>>
    %dma_wait3A_39 = arith.constant 0 : i32
    %dma_wait3A_40 = arith.constant 0 : i32
    %dma_wait3A_41 = tpu.memref_slice %arg8[%dma_wait3A, %dma_wait3A_39, %dma_wait3A_40] : memref<2x128x64xf32, #tpu.memory_space<vmem>> -> memref<1x128x64xf32, #tpu.memory_space<vmem>>
    %dma_wait3A_42 = tpu.memref_squeeze %dma_wait3A_41 : memref<1x128x64xf32, #tpu.memory_space<vmem>> -> memref<128x64xf32, #tpu.memory_space<vmem>>
    %dma_wait3A_43 = arith.constant 0 : i32
    %dma_wait3A_44 = tpu.memref_slice %arg2[%add3A_14, %dma_wait3A_43] : memref<16384x64xf32, #tpu.memory_space<hbm>> -> memref<128x64xf32, #tpu.memory_space<hbm>>
    tpu.wait_dma2 semaphore(%dma_wait3A_38 : memref<!tpu.dma_semaphore, #tpu.memory_space<semaphore_mem>>) src(%dma_wait3A_44 : memref<128x64xf32, #tpu.memory_space<hbm>>) dst(%dma_wait3A_42 : memref<128x64xf32, #tpu.memory_space<vmem>>)
    %dma_wait3A_45 = arith.constant 0 : i32
    %dma_wait3A_46 = arith.constant 0 : i32
    %dma_wait3A_47 = arith.constant 0 : i32
    %dma_wait3A_48 = arith.constant 0 : i32
    %dma_wait3A_49 = tpu.memref_slice %arg7[%dma_wait3A_45, %dma_wait3A_47, %dma_wait3A_48] : memref<2x128x64xf32, #tpu.memory_space<vmem>> -> memref<1x128x64xf32, #tpu.memory_space<vmem>>
    %dma_wait3A_50 = tpu.memref_squeeze %dma_wait3A_49 : memref<1x128x64xf32, #tpu.memory_space<vmem>> -> memref<128x64xf32, #tpu.memory_space<vmem>>
    %dma_wait3A_51 = arith.constant 0 : i32
    %dma_wait3A_52 = arith.constant 0 : i32
    %dma_wait3A_53 = tpu.memref_slice %arg4[%dma_wait3A_51, %dma_wait3A_52] : memref<100000x64xf32, #tpu.memory_space<hbm>> -> memref<128x64xf32, #tpu.memory_space<hbm>>
    %dma_wait3A_54 = tpu.memref_slice %arg10[%dma_wait3A_46] : memref<2x!tpu.dma_semaphore, #tpu.memory_space<semaphore_mem>> -> memref<1x!tpu.dma_semaphore, #tpu.memory_space<semaphore_mem>>
    %dma_wait3A_55 = tpu.memref_squeeze %dma_wait3A_54 : memref<1x!tpu.dma_semaphore, #tpu.memory_space<semaphore_mem>> -> memref<!tpu.dma_semaphore, #tpu.memory_space<semaphore_mem>>
    %dma_wait3A_56 = arith.constant 0 : i32
    %dma_wait3A_57 = arith.constant 0 : i32
    %dma_wait3A_58 = tpu.memref_slice %arg7[%dma_wait3A_45, %dma_wait3A_56, %dma_wait3A_57] : memref<2x128x64xf32, #tpu.memory_space<vmem>> -> memref<1x128x64xf32, #tpu.memory_space<vmem>>
    %dma_wait3A_59 = tpu.memref_squeeze %dma_wait3A_58 : memref<1x128x64xf32, #tpu.memory_space<vmem>> -> memref<128x64xf32, #tpu.memory_space<vmem>>
    %dma_wait3A_60 = arith.constant 0 : i32
    %dma_wait3A_61 = arith.constant 0 : i32
    %dma_wait3A_62 = tpu.memref_slice %arg4[%dma_wait3A_60, %dma_wait3A_61] : memref<100000x64xf32, #tpu.memory_space<hbm>> -> memref<128x64xf32, #tpu.memory_space<hbm>>
    tpu.wait_dma2 semaphore(%dma_wait3A_55 : memref<!tpu.dma_semaphore, #tpu.memory_space<semaphore_mem>>) src(%dma_wait3A_62 : memref<128x64xf32, #tpu.memory_space<hbm>>) dst(%dma_wait3A_59 : memref<128x64xf32, #tpu.memory_space<vmem>>)
    %scan3A_63 = arith.constant 1 : i32
    %scan3A_64 = arith.constant 0 : i32
    %scan3A_65 = arith.constant 0 : i32
    %scan3A_66 = arith.constant 8 : i32
    %scan3A_67 = arith.addi %scan3A_65, %scan3A_66 : i32
    %scan3A_68 = arith.constant 1 : i32
    %scan3A_69 = scf.for %scan3A_284 = %scan3A_65 to %scan3A_67 step %scan3A_68 iter_args(%scan3A_285 = %scan3A_64) -> (i32)  : i32 {
      %mul3A_286 = arith.constant 16 : i32
      %mul3A_287 = arith.muli %scan3A_284, %mul3A_286 : i32
      %get3A = arith.constant 1 : i32
      %get3A_288 = arith.index_cast %get3A : i32 to index
      %get3A_289 = arith.index_cast %mul3A_287 : i32 to index
      %get3A_290 = tpu.vector_load %arg6[%get3A_288, %get3A_289] {strides = array<i32>} : memref<4x128xi32, #tpu.memory_space<vmem>>, vector<1x16xi32>,
      %get3A_291 = vector.shape_cast %get3A_290 : vector<1x16xi32> to vector<16xi32>
      %slice3A = vector.extract_strided_slice %get3A_291 {offsets = [0], sizes = [1], strides = [1]} : vector<16xi32> to vector<1xi32>
      %squeeze3A = vector.extract %slice3A[0] : i32 from vector<1xi32>
      %mul3A_292 = arith.constant 16 : i32
      %mul3A_293 = arith.muli %scan3A_284, %mul3A_292 : i32
      %add3A_294 = arith.constant 0 : i32
      %add3A_295 = arith.addi %mul3A_293, %add3A_294 : i32
      %dma_start3A_296 = arith.constant 1 : i32
      %dma_start3A_297 = arith.constant 0 : i32
      %dma_start3A_298 = arith.constant 0 : i32
      %dma_start3A_299 = tpu.memref_slice %arg7[%scan3A_63, %dma_start3A_297, %dma_start3A_298] : memref<2x128x64xf32, #tpu.memory_space<vmem>> -> memref<1x128x64xf32, #tpu.memory_space<vmem>>
      %dma_start3A_300 = tpu.memref_squeeze %dma_start3A_299 : memref<1x128x64xf32, #tpu.memory_space<vmem>> -> memref<128x64xf32, #tpu.memory_space<vmem>>
      %dma_start3A_301 = arith.constant 0 : i32
      %dma_start3A_302 = tpu.memref_slice %dma_start3A_300[%add3A_295, %dma_start3A_301] : memref<128x64xf32, #tpu.memory_space<vmem>> -> memref<1x64xf32, #tpu.memory_space<vmem>>
      %dma_start3A_303 = arith.constant 0 : i32
      %dma_start3A_304 = tpu.memref_slice %arg4[%squeeze3A, %dma_start3A_303] : memref<100000x64xf32, #tpu.memory_space<hbm>> -> memref<1x64xf32, #tpu.memory_space<hbm>>
      %dma_start3A_305 = tpu.memref_slice %arg10[%dma_start3A_296] : memref<2x!tpu.dma_semaphore, #tpu.memory_space<semaphore_mem>> -> memref<1x!tpu.dma_semaphore, #tpu.memory_space<semaphore_mem>>
      %dma_start3A_306 = tpu.memref_squeeze %dma_start3A_305 : memref<1x!tpu.dma_semaphore, #tpu.memory_space<semaphore_mem>> -> memref<!tpu.dma_semaphore, #tpu.memory_space<semaphore_mem>>
      %dma_start3A_307 = arith.constant 0 : i32
      %dma_start3A_308 = arith.constant 0 : i32
      %dma_start3A_309 = tpu.memref_slice %arg7[%scan3A_63, %dma_start3A_307, %dma_start3A_308] : memref<2x128x64xf32, #tpu.memory_space<vmem>> -> memref<1x128x64xf32, #tpu.memory_space<vmem>>
      %dma_start3A_310 = tpu.memref_squeeze %dma_start3A_309 : memref<1x128x64xf32, #tpu.memory_space<vmem>> -> memref<128x64xf32, #tpu.memory_space<vmem>>
      %dma_start3A_311 = arith.constant 0 : i32
      %dma_start3A_312 = tpu.memref_slice %dma_start3A_310[%add3A_295, %dma_start3A_311] : memref<128x64xf32, #tpu.memory_space<vmem>> -> memref<1x64xf32, #tpu.memory_space<vmem>>
      %dma_start3A_313 = arith.constant 0 : i32
      %dma_start3A_314 = tpu.memref_slice %arg4[%squeeze3A, %dma_start3A_313] : memref<100000x64xf32, #tpu.memory_space<hbm>> -> memref<1x64xf32, #tpu.memory_space<hbm>>
      tpu.enqueue_dma source(%dma_start3A_314 : memref<1x64xf32, #tpu.memory_space<hbm>>) target(%dma_start3A_312 : memref<1x64xf32, #tpu.memory_space<vmem>>) target_semaphore(%dma_start3A_306 : memref<!tpu.dma_semaphore, #tpu.memory_space<semaphore_mem>>)
      %slice3A_315 = vector.extract_strided_slice %get3A_291 {offsets = [1], sizes = [1], strides = [1]} : vector<16xi32> to vector<1xi32>
      %squeeze3A_316 = vector.extract %slice3A_315[0] : i32 from vector<1xi32>
      %mul3A_317 = arith.constant 16 : i32
      %mul3A_318 = arith.muli %scan3A_284, %mul3A_317 : i32
      %add3A_319 = arith.constant 1 : i32
      %add3A_320 = arith.addi %mul3A_318, %add3A_319 : i32
      %dma_start3A_321 = arith.constant 1 : i32
      %dma_start3A_322 = arith.constant 0 : i32
      %dma_start3A_323 = arith.constant 0 : i32
      %dma_start3A_324 = tpu.memref_slice %arg7[%scan3A_63, %dma_start3A_322, %dma_start3A_323] : memref<2x128x64xf32, #tpu.memory_space<vmem>> -> memref<1x128x64xf32, #tpu.memory_space<vmem>>
      %dma_start3A_325 = tpu.memref_squeeze %dma_start3A_324 : memref<1x128x64xf32, #tpu.memory_space<vmem>> -> memref<128x64xf32, #tpu.memory_space<vmem>>
      %dma_start3A_326 = arith.constant 0 : i32
      %dma_start3A_327 = tpu.memref_slice %dma_start3A_325[%add3A_320, %dma_start3A_326] : memref<128x64xf32, #tpu.memory_space<vmem>> -> memref<1x64xf32, #tpu.memory_space<vmem>>
      %dma_start3A_328 = arith.constant 0 : i32
      %dma_start3A_329 = tpu.memref_slice %arg4[%squeeze3A_316, %dma_start3A_328] : memref<100000x64xf32, #tpu.memory_space<hbm>> -> memref<1x64xf32, #tpu.memory_space<hbm>>
      %dma_start3A_330 = tpu.memref_slice %arg10[%dma_start3A_321] : memref<2x!tpu.dma_semaphore, #tpu.memory_space<semaphore_mem>> -> memref<1x!tpu.dma_semaphore, #tpu.memory_space<semaphore_mem>>
      %dma_start3A_331 = tpu.memref_squeeze %dma_start3A_330 : memref<1x!tpu.dma_semaphore, #tpu.memory_space<semaphore_mem>> -> memref<!tpu.dma_semaphore, #tpu.memory_space<semaphore_mem>>
      %dma_start3A_332 = arith.constant 0 : i32
      %dma_start3A_333 = arith.constant 0 : i32
      %dma_start3A_334 = tpu.memref_slice %arg7[%scan3A_63, %dma_start3A_332, %dma_start3A_333] : memref<2x128x64xf32, #tpu.memory_space<vmem>> -> memref<1x128x64xf32, #tpu.memory_space<vmem>>
      %dma_start3A_335 = tpu.memref_squeeze %dma_start3A_334 : memref<1x128x64xf32, #tpu.memory_space<vmem>> -> memref<128x64xf32, #tpu.memory_space<vmem>>
      %dma_start3A_336 = arith.constant 0 : i32
      %dma_start3A_337 = tpu.memref_slice %dma_start3A_335[%add3A_320, %dma_start3A_336] : memref<128x64xf32, #tpu.memory_space<vmem>> -> memref<1x64xf32, #tpu.memory_space<vmem>>
      %dma_start3A_338 = arith.constant 0 : i32
      %dma_start3A_339 = tpu.memref_slice %arg4[%squeeze3A_316, %dma_start3A_338] : memref<100000x64xf32, #tpu.memory_space<hbm>> -> memref<1x64xf32, #tpu.memory_space<hbm>>
      tpu.enqueue_dma source(%dma_start3A_339 : memref<1x64xf32, #tpu.memory_space<hbm>>) target(%dma_start3A_337 : memref<1x64xf32, #tpu.memory_space<vmem>>) target_semaphore(%dma_start3A_331 : memref<!tpu.dma_semaphore, #tpu.memory_space<semaphore_mem>>)
      %slice3A_340 = vector.extract_strided_slice %get3A_291 {offsets = [2], sizes = [1], strides = [1]} : vector<16xi32> to vector<1xi32>
      %squeeze3A_341 = vector.extract %slice3A_340[0] : i32 from vector<1xi32>
      %mul3A_342 = arith.constant 16 : i32
      %mul3A_343 = arith.muli %scan3A_284, %mul3A_342 : i32
      %add3A_344 = arith.constant 2 : i32
      %add3A_345 = arith.addi %mul3A_343, %add3A_344 : i32
      %dma_start3A_346 = arith.constant 1 : i32
      %dma_start3A_347 = arith.constant 0 : i32
      %dma_start3A_348 = arith.constant 0 : i32
      %dma_start3A_349 = tpu.memref_slice %arg7[%scan3A_63, %dma_start3A_347, %dma_start3A_348] : memref<2x128x64xf32, #tpu.memory_space<vmem>> -> memref<1x128x64xf32, #tpu.memory_space<vmem>>
      %dma_start3A_350 = tpu.memref_squeeze %dma_start3A_349 : memref<1x128x64xf32, #tpu.memory_space<vmem>> -> memref<128x64xf32, #tpu.memory_space<vmem>>
      %dma_start3A_351 = arith.constant 0 : i32
      %dma_start3A_352 = tpu.memref_slice %dma_start3A_350[%add3A_345, %dma_start3A_351] : memref<128x64xf32, #tpu.memory_space<vmem>> -> memref<1x64xf32, #tpu.memory_space<vmem>>
      %dma_start3A_353 = arith.constant 0 : i32
      %dma_start3A_354 = tpu.memref_slice %arg4[%squeeze3A_341, %dma_start3A_353] : memref<100000x64xf32, #tpu.memory_space<hbm>> -> memref<1x64xf32, #tpu.memory_space<hbm>>
      %dma_start3A_355 = tpu.memref_slice %arg10[%dma_start3A_346] : memref<2x!tpu.dma_semaphore, #tpu.memory_space<semaphore_mem>> -> memref<1x!tpu.dma_semaphore, #tpu.memory_space<semaphore_mem>>
      %dma_start3A_356 = tpu.memref_squeeze %dma_start3A_355 : memref<1x!tpu.dma_semaphore, #tpu.memory_space<semaphore_mem>> -> memref<!tpu.dma_semaphore, #tpu.memory_space<semaphore_mem>>
      %dma_start3A_357 = arith.constant 0 : i32
      %dma_start3A_358 = arith.constant 0 : i32
      %dma_start3A_359 = tpu.memref_slice %arg7[%scan3A_63, %dma_start3A_357, %dma_start3A_358] : memref<2x128x64xf32, #tpu.memory_space<vmem>> -> memref<1x128x64xf32, #tpu.memory_space<vmem>>
      %dma_start3A_360 = tpu.memref_squeeze %dma_start3A_359 : memref<1x128x64xf32, #tpu.memory_space<vmem>> -> memref<128x64xf32, #tpu.memory_space<vmem>>
      %dma_start3A_361 = arith.constant 0 : i32
      %dma_start3A_362 = tpu.memref_slice %dma_start3A_360[%add3A_345, %dma_start3A_361] : memref<128x64xf32, #tpu.memory_space<vmem>> -> memref<1x64xf32, #tpu.memory_space<vmem>>
      %dma_start3A_363 = arith.constant 0 : i32
      %dma_start3A_364 = tpu.memref_slice %arg4[%squeeze3A_341, %dma_start3A_363] : memref<100000x64xf32, #tpu.memory_space<hbm>> -> memref<1x64xf32, #tpu.memory_space<hbm>>
      tpu.enqueue_dma source(%dma_start3A_364 : memref<1x64xf32, #tpu.memory_space<hbm>>) target(%dma_start3A_362 : memref<1x64xf32, #tpu.memory_space<vmem>>) target_semaphore(%dma_start3A_356 : memref<!tpu.dma_semaphore, #tpu.memory_space<semaphore_mem>>)
      %slice3A_365 = vector.extract_strided_slice %get3A_291 {offsets = [3], sizes = [1], strides = [1]} : vector<16xi32> to vector<1xi32>
      %squeeze3A_366 = vector.extract %slice3A_365[0] : i32 from vector<1xi32>
      %mul3A_367 = arith.constant 16 : i32
      %mul3A_368 = arith.muli %scan3A_284, %mul3A_367 : i32
      %add3A_369 = arith.constant 3 : i32
      %add3A_370 = arith.addi %mul3A_368, %add3A_369 : i32
      %dma_start3A_371 = arith.constant 1 : i32
      %dma_start3A_372 = arith.constant 0 : i32
      %dma_start3A_373 = arith.constant 0 : i32
      %dma_start3A_374 = tpu.memref_slice %arg7[%scan3A_63, %dma_start3A_372, %dma_start3A_373] : memref<2x128x64xf32, #tpu.memory_space<vmem>> -> memref<1x128x64xf32, #tpu.memory_space<vmem>>
      %dma_start3A_375 = tpu.memref_squeeze %dma_start3A_374 : memref<1x128x64xf32, #tpu.memory_space<vmem>> -> memref<128x64xf32, #tpu.memory_space<vmem>>
      %dma_start3A_376 = arith.constant 0 : i32
      %dma_start3A_377 = tpu.memref_slice %dma_start3A_375[%add3A_370, %dma_start3A_376] : memref<128x64xf32, #tpu.memory_space<vmem>> -> memref<1x64xf32, #tpu.memory_space<vmem>>
      %dma_start3A_378 = arith.constant 0 : i32
      %dma_start3A_379 = tpu.memref_slice %arg4[%squeeze3A_366, %dma_start3A_378] : memref<100000x64xf32, #tpu.memory_space<hbm>> -> memref<1x64xf32, #tpu.memory_space<hbm>>
      %dma_start3A_380 = tpu.memref_slice %arg10[%dma_start3A_371] : memref<2x!tpu.dma_semaphore, #tpu.memory_space<semaphore_mem>> -> memref<1x!tpu.dma_semaphore, #tpu.memory_space<semaphore_mem>>
      %dma_start3A_381 = tpu.memref_squeeze %dma_start3A_380 : memref<1x!tpu.dma_semaphore, #tpu.memory_space<semaphore_mem>> -> memref<!tpu.dma_semaphore, #tpu.memory_space<semaphore_mem>>
      %dma_start3A_382 = arith.constant 0 : i32
      %dma_start3A_383 = arith.constant 0 : i32
      %dma_start3A_384 = tpu.memref_slice %arg7[%scan3A_63, %dma_start3A_382, %dma_start3A_383] : memref<2x128x64xf32, #tpu.memory_space<vmem>> -> memref<1x128x64xf32, #tpu.memory_space<vmem>>
      %dma_start3A_385 = tpu.memref_squeeze %dma_start3A_384 : memref<1x128x64xf32, #tpu.memory_space<vmem>> -> memref<128x64xf32, #tpu.memory_space<vmem>>
      %dma_start3A_386 = arith.constant 0 : i32
      %dma_start3A_387 = tpu.memref_slice %dma_start3A_385[%add3A_370, %dma_start3A_386] : memref<128x64xf32, #tpu.memory_space<vmem>> -> memref<1x64xf32, #tpu.memory_space<vmem>>
      %dma_start3A_388 = arith.constant 0 : i32
      %dma_start3A_389 = tpu.memref_slice %arg4[%squeeze3A_366, %dma_start3A_388] : memref<100000x64xf32, #tpu.memory_space<hbm>> -> memref<1x64xf32, #tpu.memory_space<hbm>>
      tpu.enqueue_dma source(%dma_start3A_389 : memref<1x64xf32, #tpu.memory_space<hbm>>) target(%dma_start3A_387 : memref<1x64xf32, #tpu.memory_space<vmem>>) target_semaphore(%dma_start3A_381 : memref<!tpu.dma_semaphore, #tpu.memory_space<semaphore_mem>>)
      %slice3A_390 = vector.extract_strided_slice %get3A_291 {offsets = [4], sizes = [1], strides = [1]} : vector<16xi32> to vector<1xi32>
      %squeeze3A_391 = vector.extract %slice3A_390[0] : i32 from vector<1xi32>
      %mul3A_392 = arith.constant 16 : i32
      %mul3A_393 = arith.muli %scan3A_284, %mul3A_392 : i32
      %add3A_394 = arith.constant 4 : i32
      %add3A_395 = arith.addi %mul3A_393, %add3A_394 : i32
      %dma_start3A_396 = arith.constant 1 : i32
      %dma_start3A_397 = arith.constant 0 : i32
      %dma_start3A_398 = arith.constant 0 : i32
      %dma_start3A_399 = tpu.memref_slice %arg7[%scan3A_63, %dma_start3A_397, %dma_start3A_398] : memref<2x128x64xf32, #tpu.memory_space<vmem>> -> memref<1x128x64xf32, #tpu.memory_space<vmem>>
      %dma_start3A_400 = tpu.memref_squeeze %dma_start3A_399 : memref<1x128x64xf32, #tpu.memory_space<vmem>> -> memref<128x64xf32, #tpu.memory_space<vmem>>
      %dma_start3A_401 = arith.constant 0 : i32
      %dma_start3A_402 = tpu.memref_slice %dma_start3A_400[%add3A_395, %dma_start3A_401] : memref<128x64xf32, #tpu.memory_space<vmem>> -> memref<1x64xf32, #tpu.memory_space<vmem>>
      %dma_start3A_403 = arith.constant 0 : i32
      %dma_start3A_404 = tpu.memref_slice %arg4[%squeeze3A_391, %dma_start3A_403] : memref<100000x64xf32, #tpu.memory_space<hbm>> -> memref<1x64xf32, #tpu.memory_space<hbm>>
      %dma_start3A_405 = tpu.memref_slice %arg10[%dma_start3A_396] : memref<2x!tpu.dma_semaphore, #tpu.memory_space<semaphore_mem>> -> memref<1x!tpu.dma_semaphore, #tpu.memory_space<semaphore_mem>>
      %dma_start3A_406 = tpu.memref_squeeze %dma_start3A_405 : memref<1x!tpu.dma_semaphore, #tpu.memory_space<semaphore_mem>> -> memref<!tpu.dma_semaphore, #tpu.memory_space<semaphore_mem>>
      %dma_start3A_407 = arith.constant 0 : i32
      %dma_start3A_408 = arith.constant 0 : i32
      %dma_start3A_409 = tpu.memref_slice %arg7[%scan3A_63, %dma_start3A_407, %dma_start3A_408] : memref<2x128x64xf32, #tpu.memory_space<vmem>> -> memref<1x128x64xf32, #tpu.memory_space<vmem>>
      %dma_start3A_410 = tpu.memref_squeeze %dma_start3A_409 : memref<1x128x64xf32, #tpu.memory_space<vmem>> -> memref<128x64xf32, #tpu.memory_space<vmem>>
      %dma_start3A_411 = arith.constant 0 : i32
      %dma_start3A_412 = tpu.memref_slice %dma_start3A_410[%add3A_395, %dma_start3A_411] : memref<128x64xf32, #tpu.memory_space<vmem>> -> memref<1x64xf32, #tpu.memory_space<vmem>>
      %dma_start3A_413 = arith.constant 0 : i32
      %dma_start3A_414 = tpu.memref_slice %arg4[%squeeze3A_391, %dma_start3A_413] : memref<100000x64xf32, #tpu.memory_space<hbm>> -> memref<1x64xf32, #tpu.memory_space<hbm>>
      tpu.enqueue_dma source(%dma_start3A_414 : memref<1x64xf32, #tpu.memory_space<hbm>>) target(%dma_start3A_412 : memref<1x64xf32, #tpu.memory_space<vmem>>) target_semaphore(%dma_start3A_406 : memref<!tpu.dma_semaphore, #tpu.memory_space<semaphore_mem>>)
      %slice3A_415 = vector.extract_strided_slice %get3A_291 {offsets = [5], sizes = [1], strides = [1]} : vector<16xi32> to vector<1xi32>
      %squeeze3A_416 = vector.extract %slice3A_415[0] : i32 from vector<1xi32>
      %mul3A_417 = arith.constant 16 : i32
      %mul3A_418 = arith.muli %scan3A_284, %mul3A_417 : i32
      %add3A_419 = arith.constant 5 : i32
      %add3A_420 = arith.addi %mul3A_418, %add3A_419 : i32
      %dma_start3A_421 = arith.constant 1 : i32
      %dma_start3A_422 = arith.constant 0 : i32
      %dma_start3A_423 = arith.constant 0 : i32
      %dma_start3A_424 = tpu.memref_slice %arg7[%scan3A_63, %dma_start3A_422, %dma_start3A_423] : memref<2x128x64xf32, #tpu.memory_space<vmem>> -> memref<1x128x64xf32, #tpu.memory_space<vmem>>
      %dma_start3A_425 = tpu.memref_squeeze %dma_start3A_424 : memref<1x128x64xf32, #tpu.memory_space<vmem>> -> memref<128x64xf32, #tpu.memory_space<vmem>>
      %dma_start3A_426 = arith.constant 0 : i32
      %dma_start3A_427 = tpu.memref_slice %dma_start3A_425[%add3A_420, %dma_start3A_426] : memref<128x64xf32, #tpu.memory_space<vmem>> -> memref<1x64xf32, #tpu.memory_space<vmem>>
      %dma_start3A_428 = arith.constant 0 : i32
      %dma_start3A_429 = tpu.memref_slice %arg4[%squeeze3A_416, %dma_start3A_428] : memref<100000x64xf32, #tpu.memory_space<hbm>> -> memref<1x64xf32, #tpu.memory_space<hbm>>
      %dma_start3A_430 = tpu.memref_slice %arg10[%dma_start3A_421] : memref<2x!tpu.dma_semaphore, #tpu.memory_space<semaphore_mem>> -> memref<1x!tpu.dma_semaphore, #tpu.memory_space<semaphore_mem>>
      %dma_start3A_431 = tpu.memref_squeeze %dma_start3A_430 : memref<1x!tpu.dma_semaphore, #tpu.memory_space<semaphore_mem>> -> memref<!tpu.dma_semaphore, #tpu.memory_space<semaphore_mem>>
      %dma_start3A_432 = arith.constant 0 : i32
      %dma_start3A_433 = arith.constant 0 : i32
      %dma_start3A_434 = tpu.memref_slice %arg7[%scan3A_63, %dma_start3A_432, %dma_start3A_433] : memref<2x128x64xf32, #tpu.memory_space<vmem>> -> memref<1x128x64xf32, #tpu.memory_space<vmem>>
      %dma_start3A_435 = tpu.memref_squeeze %dma_start3A_434 : memref<1x128x64xf32, #tpu.memory_space<vmem>> -> memref<128x64xf32, #tpu.memory_space<vmem>>
      %dma_start3A_436 = arith.constant 0 : i32
      %dma_start3A_437 = tpu.memref_slice %dma_start3A_435[%add3A_420, %dma_start3A_436] : memref<128x64xf32, #tpu.memory_space<vmem>> -> memref<1x64xf32, #tpu.memory_space<vmem>>
      %dma_start3A_438 = arith.constant 0 : i32
      %dma_start3A_439 = tpu.memref_slice %arg4[%squeeze3A_416, %dma_start3A_438] : memref<100000x64xf32, #tpu.memory_space<hbm>> -> memref<1x64xf32, #tpu.memory_space<hbm>>
      tpu.enqueue_dma source(%dma_start3A_439 : memref<1x64xf32, #tpu.memory_space<hbm>>) target(%dma_start3A_437 : memref<1x64xf32, #tpu.memory_space<vmem>>) target_semaphore(%dma_start3A_431 : memref<!tpu.dma_semaphore, #tpu.memory_space<semaphore_mem>>)
      %slice3A_440 = vector.extract_strided_slice %get3A_291 {offsets = [6], sizes = [1], strides = [1]} : vector<16xi32> to vector<1xi32>
      %squeeze3A_441 = vector.extract %slice3A_440[0] : i32 from vector<1xi32>
      %mul3A_442 = arith.constant 16 : i32
      %mul3A_443 = arith.muli %scan3A_284, %mul3A_442 : i32
      %add3A_444 = arith.constant 6 : i32
      %add3A_445 = arith.addi %mul3A_443, %add3A_444 : i32
      %dma_start3A_446 = arith.constant 1 : i32
      %dma_start3A_447 = arith.constant 0 : i32
      %dma_start3A_448 = arith.constant 0 : i32
      %dma_start3A_449 = tpu.memref_slice %arg7[%scan3A_63, %dma_start3A_447, %dma_start3A_448] : memref<2x128x64xf32, #tpu.memory_space<vmem>> -> memref<1x128x64xf32, #tpu.memory_space<vmem>>
      %dma_start3A_450 = tpu.memref_squeeze %dma_start3A_449 : memref<1x128x64xf32, #tpu.memory_space<vmem>> -> memref<128x64xf32, #tpu.memory_space<vmem>>
      %dma_start3A_451 = arith.constant 0 : i32
      %dma_start3A_452 = tpu.memref_slice %dma_start3A_450[%add3A_445, %dma_start3A_451] : memref<128x64xf32, #tpu.memory_space<vmem>> -> memref<1x64xf32, #tpu.memory_space<vmem>>
      %dma_start3A_453 = arith.constant 0 : i32
      %dma_start3A_454 = tpu.memref_slice %arg4[%squeeze3A_441, %dma_start3A_453] : memref<100000x64xf32, #tpu.memory_space<hbm>> -> memref<1x64xf32, #tpu.memory_space<hbm>>
      %dma_start3A_455 = tpu.memref_slice %arg10[%dma_start3A_446] : memref<2x!tpu.dma_semaphore, #tpu.memory_space<semaphore_mem>> -> memref<1x!tpu.dma_semaphore, #tpu.memory_space<semaphore_mem>>
      %dma_start3A_456 = tpu.memref_squeeze %dma_start3A_455 : memref<1x!tpu.dma_semaphore, #tpu.memory_space<semaphore_mem>> -> memref<!tpu.dma_semaphore, #tpu.memory_space<semaphore_mem>>
      %dma_start3A_457 = arith.constant 0 : i32
      %dma_start3A_458 = arith.constant 0 : i32
      %dma_start3A_459 = tpu.memref_slice %arg7[%scan3A_63, %dma_start3A_457, %dma_start3A_458] : memref<2x128x64xf32, #tpu.memory_space<vmem>> -> memref<1x128x64xf32, #tpu.memory_space<vmem>>
      %dma_start3A_460 = tpu.memref_squeeze %dma_start3A_459 : memref<1x128x64xf32, #tpu.memory_space<vmem>> -> memref<128x64xf32, #tpu.memory_space<vmem>>
      %dma_start3A_461 = arith.constant 0 : i32
      %dma_start3A_462 = tpu.memref_slice %dma_start3A_460[%add3A_445, %dma_start3A_461] : memref<128x64xf32, #tpu.memory_space<vmem>> -> memref<1x64xf32, #tpu.memory_space<vmem>>
      %dma_start3A_463 = arith.constant 0 : i32
      %dma_start3A_464 = tpu.memref_slice %arg4[%squeeze3A_441, %dma_start3A_463] : memref<100000x64xf32, #tpu.memory_space<hbm>> -> memref<1x64xf32, #tpu.memory_space<hbm>>
      tpu.enqueue_dma source(%dma_start3A_464 : memref<1x64xf32, #tpu.memory_space<hbm>>) target(%dma_start3A_462 : memref<1x64xf32, #tpu.memory_space<vmem>>) target_semaphore(%dma_start3A_456 : memref<!tpu.dma_semaphore, #tpu.memory_space<semaphore_mem>>)
      %slice3A_465 = vector.extract_strided_slice %get3A_291 {offsets = [7], sizes = [1], strides = [1]} : vector<16xi32> to vector<1xi32>
      %squeeze3A_466 = vector.extract %slice3A_465[0] : i32 from vector<1xi32>
      %mul3A_467 = arith.constant 16 : i32
      %mul3A_468 = arith.muli %scan3A_284, %mul3A_467 : i32
      %add3A_469 = arith.constant 7 : i32
      %add3A_470 = arith.addi %mul3A_468, %add3A_469 : i32
      %dma_start3A_471 = arith.constant 1 : i32
      %dma_start3A_472 = arith.constant 0 : i32
      %dma_start3A_473 = arith.constant 0 : i32
      %dma_start3A_474 = tpu.memref_slice %arg7[%scan3A_63, %dma_start3A_472, %dma_start3A_473] : memref<2x128x64xf32, #tpu.memory_space<vmem>> -> memref<1x128x64xf32, #tpu.memory_space<vmem>>
      %dma_start3A_475 = tpu.memref_squeeze %dma_start3A_474 : memref<1x128x64xf32, #tpu.memory_space<vmem>> -> memref<128x64xf32, #tpu.memory_space<vmem>>
      %dma_start3A_476 = arith.constant 0 : i32
      %dma_start3A_477 = tpu.memref_slice %dma_start3A_475[%add3A_470, %dma_start3A_476] : memref<128x64xf32, #tpu.memory_space<vmem>> -> memref<1x64xf32, #tpu.memory_space<vmem>>
      %dma_start3A_478 = arith.constant 0 : i32
      %dma_start3A_479 = tpu.memref_slice %arg4[%squeeze3A_466, %dma_start3A_478] : memref<100000x64xf32, #tpu.memory_space<hbm>> -> memref<1x64xf32, #tpu.memory_space<hbm>>
      %dma_start3A_480 = tpu.memref_slice %arg10[%dma_start3A_471] : memref<2x!tpu.dma_semaphore, #tpu.memory_space<semaphore_mem>> -> memref<1x!tpu.dma_semaphore, #tpu.memory_space<semaphore_mem>>
      %dma_start3A_481 = tpu.memref_squeeze %dma_start3A_480 : memref<1x!tpu.dma_semaphore, #tpu.memory_space<semaphore_mem>> -> memref<!tpu.dma_semaphore, #tpu.memory_space<semaphore_mem>>
      %dma_start3A_482 = arith.constant 0 : i32
      %dma_start3A_483 = arith.constant 0 : i32
      %dma_start3A_484 = tpu.memref_slice %arg7[%scan3A_63, %dma_start3A_482, %dma_start3A_483] : memref<2x128x64xf32, #tpu.memory_space<vmem>> -> memref<1x128x64xf32, #tpu.memory_space<vmem>>
      %dma_start3A_485 = tpu.memref_squeeze %dma_start3A_484 : memref<1x128x64xf32, #tpu.memory_space<vmem>> -> memref<128x64xf32, #tpu.memory_space<vmem>>
      %dma_start3A_486 = arith.constant 0 : i32
      %dma_start3A_487 = tpu.memref_slice %dma_start3A_485[%add3A_470, %dma_start3A_486] : memref<128x64xf32, #tpu.memory_space<vmem>> -> memref<1x64xf32, #tpu.memory_space<vmem>>
      %dma_start3A_488 = arith.constant 0 : i32
      %dma_start3A_489 = tpu.memref_slice %arg4[%squeeze3A_466, %dma_start3A_488] : memref<100000x64xf32, #tpu.memory_space<hbm>> -> memref<1x64xf32, #tpu.memory_space<hbm>>
      tpu.enqueue_dma source(%dma_start3A_489 : memref<1x64xf32, #tpu.memory_space<hbm>>) target(%dma_start3A_487 : memref<1x64xf32, #tpu.memory_space<vmem>>) target_semaphore(%dma_start3A_481 : memref<!tpu.dma_semaphore, #tpu.memory_space<semaphore_mem>>)
      %slice3A_490 = vector.extract_strided_slice %get3A_291 {offsets = [8], sizes = [1], strides = [1]} : vector<16xi32> to vector<1xi32>
      %squeeze3A_491 = vector.extract %slice3A_490[0] : i32 from vector<1xi32>
      %mul3A_492 = arith.constant 16 : i32
      %mul3A_493 = arith.muli %scan3A_284, %mul3A_492 : i32
      %add3A_494 = arith.constant 8 : i32
      %add3A_495 = arith.addi %mul3A_493, %add3A_494 : i32
      %dma_start3A_496 = arith.constant 1 : i32
      %dma_start3A_497 = arith.constant 0 : i32
      %dma_start3A_498 = arith.constant 0 : i32
      %dma_start3A_499 = tpu.memref_slice %arg7[%scan3A_63, %dma_start3A_497, %dma_start3A_498] : memref<2x128x64xf32, #tpu.memory_space<vmem>> -> memref<1x128x64xf32, #tpu.memory_space<vmem>>
      %dma_start3A_500 = tpu.memref_squeeze %dma_start3A_499 : memref<1x128x64xf32, #tpu.memory_space<vmem>> -> memref<128x64xf32, #tpu.memory_space<vmem>>
      %dma_start3A_501 = arith.constant 0 : i32
      %dma_start3A_502 = tpu.memref_slice %dma_start3A_500[%add3A_495, %dma_start3A_501] : memref<128x64xf32, #tpu.memory_space<vmem>> -> memref<1x64xf32, #tpu.memory_space<vmem>>
      %dma_start3A_503 = arith.constant 0 : i32
      %dma_start3A_504 = tpu.memref_slice %arg4[%squeeze3A_491, %dma_start3A_503] : memref<100000x64xf32, #tpu.memory_space<hbm>> -> memref<1x64xf32, #tpu.memory_space<hbm>>
      %dma_start3A_505 = tpu.memref_slice %arg10[%dma_start3A_496] : memref<2x!tpu.dma_semaphore, #tpu.memory_space<semaphore_mem>> -> memref<1x!tpu.dma_semaphore, #tpu.memory_space<semaphore_mem>>
      %dma_start3A_506 = tpu.memref_squeeze %dma_start3A_505 : memref<1x!tpu.dma_semaphore, #tpu.memory_space<semaphore_mem>> -> memref<!tpu.dma_semaphore, #tpu.memory_space<semaphore_mem>>
      %dma_start3A_507 = arith.constant 0 : i32
      %dma_start3A_508 = arith.constant 0 : i32
      %dma_start3A_509 = tpu.memref_slice %arg7[%scan3A_63, %dma_start3A_507, %dma_start3A_508] : memref<2x128x64xf32, #tpu.memory_space<vmem>> -> memref<1x128x64xf32, #tpu.memory_space<vmem>>
      %dma_start3A_510 = tpu.memref_squeeze %dma_start3A_509 : memref<1x128x64xf32, #tpu.memory_space<vmem>> -> memref<128x64xf32, #tpu.memory_space<vmem>>
      %dma_start3A_511 = arith.constant 0 : i32
      %dma_start3A_512 = tpu.memref_slice %dma_start3A_510[%add3A_495, %dma_start3A_511] : memref<128x64xf32, #tpu.memory_space<vmem>> -> memref<1x64xf32, #tpu.memory_space<vmem>>
      %dma_start3A_513 = arith.constant 0 : i32
      %dma_start3A_514 = tpu.memref_slice %arg4[%squeeze3A_491, %dma_start3A_513] : memref<100000x64xf32, #tpu.memory_space<hbm>> -> memref<1x64xf32, #tpu.memory_space<hbm>>
      tpu.enqueue_dma source(%dma_start3A_514 : memref<1x64xf32, #tpu.memory_space<hbm>>) target(%dma_start3A_512 : memref<1x64xf32, #tpu.memory_space<vmem>>) target_semaphore(%dma_start3A_506 : memref<!tpu.dma_semaphore, #tpu.memory_space<semaphore_mem>>)
      %slice3A_515 = vector.extract_strided_slice %get3A_291 {offsets = [9], sizes = [1], strides = [1]} : vector<16xi32> to vector<1xi32>
      %squeeze3A_516 = vector.extract %slice3A_515[0] : i32 from vector<1xi32>
      %mul3A_517 = arith.constant 16 : i32
      %mul3A_518 = arith.muli %scan3A_284, %mul3A_517 : i32
      %add3A_519 = arith.constant 9 : i32
      %add3A_520 = arith.addi %mul3A_518, %add3A_519 : i32
      %dma_start3A_521 = arith.constant 1 : i32
      %dma_start3A_522 = arith.constant 0 : i32
      %dma_start3A_523 = arith.constant 0 : i32
      %dma_start3A_524 = tpu.memref_slice %arg7[%scan3A_63, %dma_start3A_522, %dma_start3A_523] : memref<2x128x64xf32, #tpu.memory_space<vmem>> -> memref<1x128x64xf32, #tpu.memory_space<vmem>>
      %dma_start3A_525 = tpu.memref_squeeze %dma_start3A_524 : memref<1x128x64xf32, #tpu.memory_space<vmem>> -> memref<128x64xf32, #tpu.memory_space<vmem>>
      %dma_start3A_526 = arith.constant 0 : i32
      %dma_start3A_527 = tpu.memref_slice %dma_start3A_525[%add3A_520, %dma_start3A_526] : memref<128x64xf32, #tpu.memory_space<vmem>> -> memref<1x64xf32, #tpu.memory_space<vmem>>
      %dma_start3A_528 = arith.constant 0 : i32
      %dma_start3A_529 = tpu.memref_slice %arg4[%squeeze3A_516, %dma_start3A_528] : memref<100000x64xf32, #tpu.memory_space<hbm>> -> memref<1x64xf32, #tpu.memory_space<hbm>>
      %dma_start3A_530 = tpu.memref_slice %arg10[%dma_start3A_521] : memref<2x!tpu.dma_semaphore, #tpu.memory_space<semaphore_mem>> -> memref<1x!tpu.dma_semaphore, #tpu.memory_space<semaphore_mem>>
      %dma_start3A_531 = tpu.memref_squeeze %dma_start3A_530 : memref<1x!tpu.dma_semaphore, #tpu.memory_space<semaphore_mem>> -> memref<!tpu.dma_semaphore, #tpu.memory_space<semaphore_mem>>
      %dma_start3A_532 = arith.constant 0 : i32
      %dma_start3A_533 = arith.constant 0 : i32
      %dma_start3A_534 = tpu.memref_slice %arg7[%scan3A_63, %dma_start3A_532, %dma_start3A_533] : memref<2x128x64xf32, #tpu.memory_space<vmem>> -> memref<1x128x64xf32, #tpu.memory_space<vmem>>
      %dma_start3A_535 = tpu.memref_squeeze %dma_start3A_534 : memref<1x128x64xf32, #tpu.memory_space<vmem>> -> memref<128x64xf32, #tpu.memory_space<vmem>>
      %dma_start3A_536 = arith.constant 0 : i32
      %dma_start3A_537 = tpu.memref_slice %dma_start3A_535[%add3A_520, %dma_start3A_536] : memref<128x64xf32, #tpu.memory_space<vmem>> -> memref<1x64xf32, #tpu.memory_space<vmem>>
      %dma_start3A_538 = arith.constant 0 : i32
      %dma_start3A_539 = tpu.memref_slice %arg4[%squeeze3A_516, %dma_start3A_538] : memref<100000x64xf32, #tpu.memory_space<hbm>> -> memref<1x64xf32, #tpu.memory_space<hbm>>
      tpu.enqueue_dma source(%dma_start3A_539 : memref<1x64xf32, #tpu.memory_space<hbm>>) target(%dma_start3A_537 : memref<1x64xf32, #tpu.memory_space<vmem>>) target_semaphore(%dma_start3A_531 : memref<!tpu.dma_semaphore, #tpu.memory_space<semaphore_mem>>)
      %slice3A_540 = vector.extract_strided_slice %get3A_291 {offsets = [10], sizes = [1], strides = [1]} : vector<16xi32> to vector<1xi32>
      %squeeze3A_541 = vector.extract %slice3A_540[0] : i32 from vector<1xi32>
      %mul3A_542 = arith.constant 16 : i32
      %mul3A_543 = arith.muli %scan3A_284, %mul3A_542 : i32
      %add3A_544 = arith.constant 10 : i32
      %add3A_545 = arith.addi %mul3A_543, %add3A_544 : i32
      %dma_start3A_546 = arith.constant 1 : i32
      %dma_start3A_547 = arith.constant 0 : i32
      %dma_start3A_548 = arith.constant 0 : i32
      %dma_start3A_549 = tpu.memref_slice %arg7[%scan3A_63, %dma_start3A_547, %dma_start3A_548] : memref<2x128x64xf32, #tpu.memory_space<vmem>> -> memref<1x128x64xf32, #tpu.memory_space<vmem>>
      %dma_start3A_550 = tpu.memref_squeeze %dma_start3A_549 : memref<1x128x64xf32, #tpu.memory_space<vmem>> -> memref<128x64xf32, #tpu.memory_space<vmem>>
      %dma_start3A_551 = arith.constant 0 : i32
      %dma_start3A_552 = tpu.memref_slice %dma_start3A_550[%add3A_545, %dma_start3A_551] : memref<128x64xf32, #tpu.memory_space<vmem>> -> memref<1x64xf32, #tpu.memory_space<vmem>>
      %dma_start3A_553 = arith.constant 0 : i32
      %dma_start3A_554 = tpu.memref_slice %arg4[%squeeze3A_541, %dma_start3A_553] : memref<100000x64xf32, #tpu.memory_space<hbm>> -> memref<1x64xf32, #tpu.memory_space<hbm>>
      %dma_start3A_555 = tpu.memref_slice %arg10[%dma_start3A_546] : memref<2x!tpu.dma_semaphore, #tpu.memory_space<semaphore_mem>> -> memref<1x!tpu.dma_semaphore, #tpu.memory_space<semaphore_mem>>
      %dma_start3A_556 = tpu.memref_squeeze %dma_start3A_555 : memref<1x!tpu.dma_semaphore, #tpu.memory_space<semaphore_mem>> -> memref<!tpu.dma_semaphore, #tpu.memory_space<semaphore_mem>>
      %dma_start3A_557 = arith.constant 0 : i32
      %dma_start3A_558 = arith.constant 0 : i32
      %dma_start3A_559 = tpu.memref_slice %arg7[%scan3A_63, %dma_start3A_557, %dma_start3A_558] : memref<2x128x64xf32, #tpu.memory_space<vmem>> -> memref<1x128x64xf32, #tpu.memory_space<vmem>>
      %dma_start3A_560 = tpu.memref_squeeze %dma_start3A_559 : memref<1x128x64xf32, #tpu.memory_space<vmem>> -> memref<128x64xf32, #tpu.memory_space<vmem>>
      %dma_start3A_561 = arith.constant 0 : i32
      %dma_start3A_562 = tpu.memref_slice %dma_start3A_560[%add3A_545, %dma_start3A_561] : memref<128x64xf32, #tpu.memory_space<vmem>> -> memref<1x64xf32, #tpu.memory_space<vmem>>
      %dma_start3A_563 = arith.constant 0 : i32
      %dma_start3A_564 = tpu.memref_slice %arg4[%squeeze3A_541, %dma_start3A_563] : memref<100000x64xf32, #tpu.memory_space<hbm>> -> memref<1x64xf32, #tpu.memory_space<hbm>>
      tpu.enqueue_dma source(%dma_start3A_564 : memref<1x64xf32, #tpu.memory_space<hbm>>) target(%dma_start3A_562 : memref<1x64xf32, #tpu.memory_space<vmem>>) target_semaphore(%dma_start3A_556 : memref<!tpu.dma_semaphore, #tpu.memory_space<semaphore_mem>>)
      %slice3A_565 = vector.extract_strided_slice %get3A_291 {offsets = [11], sizes = [1], strides = [1]} : vector<16xi32> to vector<1xi32>
      %squeeze3A_566 = vector.extract %slice3A_565[0] : i32 from vector<1xi32>
      %mul3A_567 = arith.constant 16 : i32
      %mul3A_568 = arith.muli %scan3A_284, %mul3A_567 : i32
      %add3A_569 = arith.constant 11 : i32
      %add3A_570 = arith.addi %mul3A_568, %add3A_569 : i32
      %dma_start3A_571 = arith.constant 1 : i32
      %dma_start3A_572 = arith.constant 0 : i32
      %dma_start3A_573 = arith.constant 0 : i32
      %dma_start3A_574 = tpu.memref_slice %arg7[%scan3A_63, %dma_start3A_572, %dma_start3A_573] : memref<2x128x64xf32, #tpu.memory_space<vmem>> -> memref<1x128x64xf32, #tpu.memory_space<vmem>>
      %dma_start3A_575 = tpu.memref_squeeze %dma_start3A_574 : memref<1x128x64xf32, #tpu.memory_space<vmem>> -> memref<128x64xf32, #tpu.memory_space<vmem>>
      %dma_start3A_576 = arith.constant 0 : i32
      %dma_start3A_577 = tpu.memref_slice %dma_start3A_575[%add3A_570, %dma_start3A_576] : memref<128x64xf32, #tpu.memory_space<vmem>> -> memref<1x64xf32, #tpu.memory_space<vmem>>
      %dma_start3A_578 = arith.constant 0 : i32
      %dma_start3A_579 = tpu.memref_slice %arg4[%squeeze3A_566, %dma_start3A_578] : memref<100000x64xf32, #tpu.memory_space<hbm>> -> memref<1x64xf32, #tpu.memory_space<hbm>>
      %dma_start3A_580 = tpu.memref_slice %arg10[%dma_start3A_571] : memref<2x!tpu.dma_semaphore, #tpu.memory_space<semaphore_mem>> -> memref<1x!tpu.dma_semaphore, #tpu.memory_space<semaphore_mem>>
      %dma_start3A_581 = tpu.memref_squeeze %dma_start3A_580 : memref<1x!tpu.dma_semaphore, #tpu.memory_space<semaphore_mem>> -> memref<!tpu.dma_semaphore, #tpu.memory_space<semaphore_mem>>
      %dma_start3A_582 = arith.constant 0 : i32
      %dma_start3A_583 = arith.constant 0 : i32
      %dma_start3A_584 = tpu.memref_slice %arg7[%scan3A_63, %dma_start3A_582, %dma_start3A_583] : memref<2x128x64xf32, #tpu.memory_space<vmem>> -> memref<1x128x64xf32, #tpu.memory_space<vmem>>
      %dma_start3A_585 = tpu.memref_squeeze %dma_start3A_584 : memref<1x128x64xf32, #tpu.memory_space<vmem>> -> memref<128x64xf32, #tpu.memory_space<vmem>>
      %dma_start3A_586 = arith.constant 0 : i32
      %dma_start3A_587 = tpu.memref_slice %dma_start3A_585[%add3A_570, %dma_start3A_586] : memref<128x64xf32, #tpu.memory_space<vmem>> -> memref<1x64xf32, #tpu.memory_space<vmem>>
      %dma_start3A_588 = arith.constant 0 : i32
      %dma_start3A_589 = tpu.memref_slice %arg4[%squeeze3A_566, %dma_start3A_588] : memref<100000x64xf32, #tpu.memory_space<hbm>> -> memref<1x64xf32, #tpu.memory_space<hbm>>
      tpu.enqueue_dma source(%dma_start3A_589 : memref<1x64xf32, #tpu.memory_space<hbm>>) target(%dma_start3A_587 : memref<1x64xf32, #tpu.memory_space<vmem>>) target_semaphore(%dma_start3A_581 : memref<!tpu.dma_semaphore, #tpu.memory_space<semaphore_mem>>)
      %slice3A_590 = vector.extract_strided_slice %get3A_291 {offsets = [12], sizes = [1], strides = [1]} : vector<16xi32> to vector<1xi32>
      %squeeze3A_591 = vector.extract %slice3A_590[0] : i32 from vector<1xi32>
      %mul3A_592 = arith.constant 16 : i32
      %mul3A_593 = arith.muli %scan3A_284, %mul3A_592 : i32
      %add3A_594 = arith.constant 12 : i32
      %add3A_595 = arith.addi %mul3A_593, %add3A_594 : i32
      %dma_start3A_596 = arith.constant 1 : i32
      %dma_start3A_597 = arith.constant 0 : i32
      %dma_start3A_598 = arith.constant 0 : i32
      %dma_start3A_599 = tpu.memref_slice %arg7[%scan3A_63, %dma_start3A_597, %dma_start3A_598] : memref<2x128x64xf32, #tpu.memory_space<vmem>> -> memref<1x128x64xf32, #tpu.memory_space<vmem>>
      %dma_start3A_600 = tpu.memref_squeeze %dma_start3A_599 : memref<1x128x64xf32, #tpu.memory_space<vmem>> -> memref<128x64xf32, #tpu.memory_space<vmem>>
      %dma_start3A_601 = arith.constant 0 : i32
      %dma_start3A_602 = tpu.memref_slice %dma_start3A_600[%add3A_595, %dma_start3A_601] : memref<128x64xf32, #tpu.memory_space<vmem>> -> memref<1x64xf32, #tpu.memory_space<vmem>>
      %dma_start3A_603 = arith.constant 0 : i32
      %dma_start3A_604 = tpu.memref_slice %arg4[%squeeze3A_591, %dma_start3A_603] : memref<100000x64xf32, #tpu.memory_space<hbm>> -> memref<1x64xf32, #tpu.memory_space<hbm>>
      %dma_start3A_605 = tpu.memref_slice %arg10[%dma_start3A_596] : memref<2x!tpu.dma_semaphore, #tpu.memory_space<semaphore_mem>> -> memref<1x!tpu.dma_semaphore, #tpu.memory_space<semaphore_mem>>
      %dma_start3A_606 = tpu.memref_squeeze %dma_start3A_605 : memref<1x!tpu.dma_semaphore, #tpu.memory_space<semaphore_mem>> -> memref<!tpu.dma_semaphore, #tpu.memory_space<semaphore_mem>>
      %dma_start3A_607 = arith.constant 0 : i32
      %dma_start3A_608 = arith.constant 0 : i32
      %dma_start3A_609 = tpu.memref_slice %arg7[%scan3A_63, %dma_start3A_607, %dma_start3A_608] : memref<2x128x64xf32, #tpu.memory_space<vmem>> -> memref<1x128x64xf32, #tpu.memory_space<vmem>>
      %dma_start3A_610 = tpu.memref_squeeze %dma_start3A_609 : memref<1x128x64xf32, #tpu.memory_space<vmem>> -> memref<128x64xf32, #tpu.memory_space<vmem>>
      %dma_start3A_611 = arith.constant 0 : i32
      %dma_start3A_612 = tpu.memref_slice %dma_start3A_610[%add3A_595, %dma_start3A_611] : memref<128x64xf32, #tpu.memory_space<vmem>> -> memref<1x64xf32, #tpu.memory_space<vmem>>
      %dma_start3A_613 = arith.constant 0 : i32
      %dma_start3A_614 = tpu.memref_slice %arg4[%squeeze3A_591, %dma_start3A_613] : memref<100000x64xf32, #tpu.memory_space<hbm>> -> memref<1x64xf32, #tpu.memory_space<hbm>>
      tpu.enqueue_dma source(%dma_start3A_614 : memref<1x64xf32, #tpu.memory_space<hbm>>) target(%dma_start3A_612 : memref<1x64xf32, #tpu.memory_space<vmem>>) target_semaphore(%dma_start3A_606 : memref<!tpu.dma_semaphore, #tpu.memory_space<semaphore_mem>>)
      %slice3A_615 = vector.extract_strided_slice %get3A_291 {offsets = [13], sizes = [1], strides = [1]} : vector<16xi32> to vector<1xi32>
      %squeeze3A_616 = vector.extract %slice3A_615[0] : i32 from vector<1xi32>
      %mul3A_617 = arith.constant 16 : i32
      %mul3A_618 = arith.muli %scan3A_284, %mul3A_617 : i32
      %add3A_619 = arith.constant 13 : i32
      %add3A_620 = arith.addi %mul3A_618, %add3A_619 : i32
      %dma_start3A_621 = arith.constant 1 : i32
      %dma_start3A_622 = arith.constant 0 : i32
      %dma_start3A_623 = arith.constant 0 : i32
      %dma_start3A_624 = tpu.memref_slice %arg7[%scan3A_63, %dma_start3A_622, %dma_start3A_623] : memref<2x128x64xf32, #tpu.memory_space<vmem>> -> memref<1x128x64xf32, #tpu.memory_space<vmem>>
      %dma_start3A_625 = tpu.memref_squeeze %dma_start3A_624 : memref<1x128x64xf32, #tpu.memory_space<vmem>> -> memref<128x64xf32, #tpu.memory_space<vmem>>
      %dma_start3A_626 = arith.constant 0 : i32
      %dma_start3A_627 = tpu.memref_slice %dma_start3A_625[%add3A_620, %dma_start3A_626] : memref<128x64xf32, #tpu.memory_space<vmem>> -> memref<1x64xf32, #tpu.memory_space<vmem>>
      %dma_start3A_628 = arith.constant 0 : i32
      %dma_start3A_629 = tpu.memref_slice %arg4[%squeeze3A_616, %dma_start3A_628] : memref<100000x64xf32, #tpu.memory_space<hbm>> -> memref<1x64xf32, #tpu.memory_space<hbm>>
      %dma_start3A_630 = tpu.memref_slice %arg10[%dma_start3A_621] : memref<2x!tpu.dma_semaphore, #tpu.memory_space<semaphore_mem>> -> memref<1x!tpu.dma_semaphore, #tpu.memory_space<semaphore_mem>>
      %dma_start3A_631 = tpu.memref_squeeze %dma_start3A_630 : memref<1x!tpu.dma_semaphore, #tpu.memory_space<semaphore_mem>> -> memref<!tpu.dma_semaphore, #tpu.memory_space<semaphore_mem>>
      %dma_start3A_632 = arith.constant 0 : i32
      %dma_start3A_633 = arith.constant 0 : i32
      %dma_start3A_634 = tpu.memref_slice %arg7[%scan3A_63, %dma_start3A_632, %dma_start3A_633] : memref<2x128x64xf32, #tpu.memory_space<vmem>> -> memref<1x128x64xf32, #tpu.memory_space<vmem>>
      %dma_start3A_635 = tpu.memref_squeeze %dma_start3A_634 : memref<1x128x64xf32, #tpu.memory_space<vmem>> -> memref<128x64xf32, #tpu.memory_space<vmem>>
      %dma_start3A_636 = arith.constant 0 : i32
      %dma_start3A_637 = tpu.memref_slice %dma_start3A_635[%add3A_620, %dma_start3A_636] : memref<128x64xf32, #tpu.memory_space<vmem>> -> memref<1x64xf32, #tpu.memory_space<vmem>>
      %dma_start3A_638 = arith.constant 0 : i32
      %dma_start3A_639 = tpu.memref_slice %arg4[%squeeze3A_616, %dma_start3A_638] : memref<100000x64xf32, #tpu.memory_space<hbm>> -> memref<1x64xf32, #tpu.memory_space<hbm>>
      tpu.enqueue_dma source(%dma_start3A_639 : memref<1x64xf32, #tpu.memory_space<hbm>>) target(%dma_start3A_637 : memref<1x64xf32, #tpu.memory_space<vmem>>) target_semaphore(%dma_start3A_631 : memref<!tpu.dma_semaphore, #tpu.memory_space<semaphore_mem>>)
      %slice3A_640 = vector.extract_strided_slice %get3A_291 {offsets = [14], sizes = [1], strides = [1]} : vector<16xi32> to vector<1xi32>
      %squeeze3A_641 = vector.extract %slice3A_640[0] : i32 from vector<1xi32>
      %mul3A_642 = arith.constant 16 : i32
      %mul3A_643 = arith.muli %scan3A_284, %mul3A_642 : i32
      %add3A_644 = arith.constant 14 : i32
      %add3A_645 = arith.addi %mul3A_643, %add3A_644 : i32
      %dma_start3A_646 = arith.constant 1 : i32
      %dma_start3A_647 = arith.constant 0 : i32
      %dma_start3A_648 = arith.constant 0 : i32
      %dma_start3A_649 = tpu.memref_slice %arg7[%scan3A_63, %dma_start3A_647, %dma_start3A_648] : memref<2x128x64xf32, #tpu.memory_space<vmem>> -> memref<1x128x64xf32, #tpu.memory_space<vmem>>
      %dma_start3A_650 = tpu.memref_squeeze %dma_start3A_649 : memref<1x128x64xf32, #tpu.memory_space<vmem>> -> memref<128x64xf32, #tpu.memory_space<vmem>>
      %dma_start3A_651 = arith.constant 0 : i32
      %dma_start3A_652 = tpu.memref_slice %dma_start3A_650[%add3A_645, %dma_start3A_651] : memref<128x64xf32, #tpu.memory_space<vmem>> -> memref<1x64xf32, #tpu.memory_space<vmem>>
      %dma_start3A_653 = arith.constant 0 : i32
      %dma_start3A_654 = tpu.memref_slice %arg4[%squeeze3A_641, %dma_start3A_653] : memref<100000x64xf32, #tpu.memory_space<hbm>> -> memref<1x64xf32, #tpu.memory_space<hbm>>
      %dma_start3A_655 = tpu.memref_slice %arg10[%dma_start3A_646] : memref<2x!tpu.dma_semaphore, #tpu.memory_space<semaphore_mem>> -> memref<1x!tpu.dma_semaphore, #tpu.memory_space<semaphore_mem>>
      %dma_start3A_656 = tpu.memref_squeeze %dma_start3A_655 : memref<1x!tpu.dma_semaphore, #tpu.memory_space<semaphore_mem>> -> memref<!tpu.dma_semaphore, #tpu.memory_space<semaphore_mem>>
      %dma_start3A_657 = arith.constant 0 : i32
      %dma_start3A_658 = arith.constant 0 : i32
      %dma_start3A_659 = tpu.memref_slice %arg7[%scan3A_63, %dma_start3A_657, %dma_start3A_658] : memref<2x128x64xf32, #tpu.memory_space<vmem>> -> memref<1x128x64xf32, #tpu.memory_space<vmem>>
      %dma_start3A_660 = tpu.memref_squeeze %dma_start3A_659 : memref<1x128x64xf32, #tpu.memory_space<vmem>> -> memref<128x64xf32, #tpu.memory_space<vmem>>
      %dma_start3A_661 = arith.constant 0 : i32
      %dma_start3A_662 = tpu.memref_slice %dma_start3A_660[%add3A_645, %dma_start3A_661] : memref<128x64xf32, #tpu.memory_space<vmem>> -> memref<1x64xf32, #tpu.memory_space<vmem>>
      %dma_start3A_663 = arith.constant 0 : i32
      %dma_start3A_664 = tpu.memref_slice %arg4[%squeeze3A_641, %dma_start3A_663] : memref<100000x64xf32, #tpu.memory_space<hbm>> -> memref<1x64xf32, #tpu.memory_space<hbm>>
      tpu.enqueue_dma source(%dma_start3A_664 : memref<1x64xf32, #tpu.memory_space<hbm>>) target(%dma_start3A_662 : memref<1x64xf32, #tpu.memory_space<vmem>>) target_semaphore(%dma_start3A_656 : memref<!tpu.dma_semaphore, #tpu.memory_space<semaphore_mem>>)
      %slice3A_665 = vector.extract_strided_slice %get3A_291 {offsets = [15], sizes = [1], strides = [1]} : vector<16xi32> to vector<1xi32>
      %squeeze3A_666 = vector.extract %slice3A_665[0] : i32 from vector<1xi32>
      %mul3A_667 = arith.constant 16 : i32
      %mul3A_668 = arith.muli %scan3A_284, %mul3A_667 : i32
      %add3A_669 = arith.constant 15 : i32
      %add3A_670 = arith.addi %mul3A_668, %add3A_669 : i32
      %dma_start3A_671 = arith.constant 1 : i32
      %dma_start3A_672 = arith.constant 0 : i32
      %dma_start3A_673 = arith.constant 0 : i32
      %dma_start3A_674 = tpu.memref_slice %arg7[%scan3A_63, %dma_start3A_672, %dma_start3A_673] : memref<2x128x64xf32, #tpu.memory_space<vmem>> -> memref<1x128x64xf32, #tpu.memory_space<vmem>>
      %dma_start3A_675 = tpu.memref_squeeze %dma_start3A_674 : memref<1x128x64xf32, #tpu.memory_space<vmem>> -> memref<128x64xf32, #tpu.memory_space<vmem>>
      %dma_start3A_676 = arith.constant 0 : i32
      %dma_start3A_677 = tpu.memref_slice %dma_start3A_675[%add3A_670, %dma_start3A_676] : memref<128x64xf32, #tpu.memory_space<vmem>> -> memref<1x64xf32, #tpu.memory_space<vmem>>
      %dma_start3A_678 = arith.constant 0 : i32
      %dma_start3A_679 = tpu.memref_slice %arg4[%squeeze3A_666, %dma_start3A_678] : memref<100000x64xf32, #tpu.memory_space<hbm>> -> memref<1x64xf32, #tpu.memory_space<hbm>>
      %dma_start3A_680 = tpu.memref_slice %arg10[%dma_start3A_671] : memref<2x!tpu.dma_semaphore, #tpu.memory_space<semaphore_mem>> -> memref<1x!tpu.dma_semaphore, #tpu.memory_space<semaphore_mem>>
      %dma_start3A_681 = tpu.memref_squeeze %dma_start3A_680 : memref<1x!tpu.dma_semaphore, #tpu.memory_space<semaphore_mem>> -> memref<!tpu.dma_semaphore, #tpu.memory_space<semaphore_mem>>
      %dma_start3A_682 = arith.constant 0 : i32
      %dma_start3A_683 = arith.constant 0 : i32
      %dma_start3A_684 = tpu.memref_slice %arg7[%scan3A_63, %dma_start3A_682, %dma_start3A_683] : memref<2x128x64xf32, #tpu.memory_space<vmem>> -> memref<1x128x64xf32, #tpu.memory_space<vmem>>
      %dma_start3A_685 = tpu.memref_squeeze %dma_start3A_684 : memref<1x128x64xf32, #tpu.memory_space<vmem>> -> memref<128x64xf32, #tpu.memory_space<vmem>>
      %dma_start3A_686 = arith.constant 0 : i32
      %dma_start3A_687 = tpu.memref_slice %dma_start3A_685[%add3A_670, %dma_start3A_686] : memref<128x64xf32, #tpu.memory_space<vmem>> -> memref<1x64xf32, #tpu.memory_space<vmem>>
      %dma_start3A_688 = arith.constant 0 : i32
      %dma_start3A_689 = tpu.memref_slice %arg4[%squeeze3A_666, %dma_start3A_688] : memref<100000x64xf32, #tpu.memory_space<hbm>> -> memref<1x64xf32, #tpu.memory_space<hbm>>
      tpu.enqueue_dma source(%dma_start3A_689 : memref<1x64xf32, #tpu.memory_space<hbm>>) target(%dma_start3A_687 : memref<1x64xf32, #tpu.memory_space<vmem>>) target_semaphore(%dma_start3A_681 : memref<!tpu.dma_semaphore, #tpu.memory_space<semaphore_mem>>)
      %scan3A_690 = arith.constant 0 : i32
      scf.yield %scan3A_690 : i32
    }
    %scan3A_70 = arith.constant 8 : i32
    %add3A_71 = arith.constant 128 : i32
    %add3A_72 = arith.addi %mul3A_2, %add3A_71 : i32
    %dma_start3A_73 = arith.constant 1 : i32
    %dma_start3A_74 = arith.constant 1 : i32
    %dma_start3A_75 = arith.constant 0 : i32
    %dma_start3A_76 = arith.constant 0 : i32
    %dma_start3A_77 = tpu.memref_slice %arg8[%dma_start3A_73, %dma_start3A_75, %dma_start3A_76] : memref<2x128x64xf32, #tpu.memory_space<vmem>> -> memref<1x128x64xf32, #tpu.memory_space<vmem>>
    %dma_start3A_78 = tpu.memref_squeeze %dma_start3A_77 : memref<1x128x64xf32, #tpu.memory_space<vmem>> -> memref<128x64xf32, #tpu.memory_space<vmem>>
    %dma_start3A_79 = arith.constant 0 : i32
    %dma_start3A_80 = tpu.memref_slice %arg2[%add3A_72, %dma_start3A_79] : memref<16384x64xf32, #tpu.memory_space<hbm>> -> memref<128x64xf32, #tpu.memory_space<hbm>>
    %dma_start3A_81 = tpu.memref_slice %arg11[%dma_start3A_74] : memref<2x!tpu.dma_semaphore, #tpu.memory_space<semaphore_mem>> -> memref<1x!tpu.dma_semaphore, #tpu.memory_space<semaphore_mem>>
    %dma_start3A_82 = tpu.memref_squeeze %dma_start3A_81 : memref<1x!tpu.dma_semaphore, #tpu.memory_space<semaphore_mem>> -> memref<!tpu.dma_semaphore, #tpu.memory_space<semaphore_mem>>
    %dma_start3A_83 = arith.constant 0 : i32
    %dma_start3A_84 = arith.constant 0 : i32
    %dma_start3A_85 = tpu.memref_slice %arg8[%dma_start3A_73, %dma_start3A_83, %dma_start3A_84] : memref<2x128x64xf32, #tpu.memory_space<vmem>> -> memref<1x128x64xf32, #tpu.memory_space<vmem>>
    %dma_start3A_86 = tpu.memref_squeeze %dma_start3A_85 : memref<1x128x64xf32, #tpu.memory_space<vmem>> -> memref<128x64xf32, #tpu.memory_space<vmem>>
    %dma_start3A_87 = arith.constant 0 : i32
    %dma_start3A_88 = tpu.memref_slice %arg2[%add3A_72, %dma_start3A_87] : memref<16384x64xf32, #tpu.memory_space<hbm>> -> memref<128x64xf32, #tpu.memory_space<hbm>>
    tpu.enqueue_dma source(%dma_start3A_88 : memref<128x64xf32, #tpu.memory_space<hbm>>) target(%dma_start3A_86 : memref<128x64xf32, #tpu.memory_space<vmem>>) target_semaphore(%dma_start3A_82 : memref<!tpu.dma_semaphore, #tpu.memory_space<semaphore_mem>>)
    %scan3A_89 = arith.constant 0 : i32
    %scan3A_90 = arith.constant 0 : i32
    %scan3A_91 = arith.constant 0 : i32
    %scan3A_92 = arith.constant 128 : i32
    %scan3A_93 = arith.addi %scan3A_91, %scan3A_92 : i32
    %scan3A_94 = arith.constant 1 : i32
    %scan3A_95:4 = scf.for %scan3A_284 = %scan3A_91 to %scan3A_93 step %scan3A_94 iter_args(%scan3A_285 = %broadcast_in_dim3A_5, %scan3A_286 = %broadcast_in_dim3A_5, %scan3A_287 = %broadcast_in_dim3A_5, %scan3A_288 = %broadcast_in_dim3A_5) -> (vector<16xf32>, vector<16xf32>, vector<16xf32>, vector<16xf32>)  : i32 {
      %get3A = arith.constant 0 : i32
      %get3A_289 = arith.constant 0 : i32
      %get3A_290 = tpu.memref_slice %arg8[%scan3A_89, %get3A, %get3A_289] : memref<2x128x64xf32, #tpu.memory_space<vmem>> -> memref<1x128x64xf32, #tpu.memory_space<vmem>>
      %get3A_291 = tpu.memref_squeeze %get3A_290 : memref<1x128x64xf32, #tpu.memory_space<vmem>> -> memref<128x64xf32, #tpu.memory_space<vmem>>
      %get3A_292 = arith.index_cast %scan3A_284 : i32 to index
      %get3A_293 = arith.constant 0 : index
      %get3A_294 = tpu.vector_load %get3A_291[%get3A_292, %get3A_293] {strides = array<i32>} : memref<128x64xf32, #tpu.memory_space<vmem>>, vector<1x16xf32>,
      %get3A_295 = vector.shape_cast %get3A_294 : vector<1x16xf32> to vector<16xf32>
      %get3A_296 = arith.constant 0 : i32
      %get3A_297 = arith.constant 0 : i32
      %get3A_298 = tpu.memref_slice %arg7[%scan3A_90, %get3A_296, %get3A_297] : memref<2x128x64xf32, #tpu.memory_space<vmem>> -> memref<1x128x64xf32, #tpu.memory_space<vmem>>
      %get3A_299 = tpu.memref_squeeze %get3A_298 : memref<1x128x64xf32, #tpu.memory_space<vmem>> -> memref<128x64xf32, #tpu.memory_space<vmem>>
      %get3A_300 = arith.index_cast %scan3A_284 : i32 to index
      %get3A_301 = arith.constant 0 : index
      %get3A_302 = tpu.vector_load %get3A_299[%get3A_300, %get3A_301] {strides = array<i32>} : memref<128x64xf32, #tpu.memory_space<vmem>>, vector<1x16xf32>,
      %get3A_303 = vector.shape_cast %get3A_302 : vector<1x16xf32> to vector<16xf32>
      %sub3A = arith.subf %get3A_295, %get3A_303 : vector<16xf32>
      %mul3A_304 = arith.mulf %sub3A, %sub3A : vector<16xf32>
      %add3A_305 = arith.addf %scan3A_285, %mul3A_304 : vector<16xf32>
      %get3A_306 = arith.constant 0 : i32
      %get3A_307 = arith.constant 0 : i32
      %get3A_308 = tpu.memref_slice %arg8[%scan3A_89, %get3A_306, %get3A_307] : memref<2x128x64xf32, #tpu.memory_space<vmem>> -> memref<1x128x64xf32, #tpu.memory_space<vmem>>
      %get3A_309 = tpu.memref_squeeze %get3A_308 : memref<1x128x64xf32, #tpu.memory_space<vmem>> -> memref<128x64xf32, #tpu.memory_space<vmem>>
      %get3A_310 = arith.index_cast %scan3A_284 : i32 to index
      %get3A_311 = arith.constant 16 : index
      %get3A_312 = tpu.vector_load %get3A_309[%get3A_310, %get3A_311] {strides = array<i32>} : memref<128x64xf32, #tpu.memory_space<vmem>>, vector<1x16xf32>,
      %get3A_313 = vector.shape_cast %get3A_312 : vector<1x16xf32> to vector<16xf32>
      %get3A_314 = arith.constant 0 : i32
      %get3A_315 = arith.constant 0 : i32
      %get3A_316 = tpu.memref_slice %arg7[%scan3A_90, %get3A_314, %get3A_315] : memref<2x128x64xf32, #tpu.memory_space<vmem>> -> memref<1x128x64xf32, #tpu.memory_space<vmem>>
      %get3A_317 = tpu.memref_squeeze %get3A_316 : memref<1x128x64xf32, #tpu.memory_space<vmem>> -> memref<128x64xf32, #tpu.memory_space<vmem>>
      %get3A_318 = arith.index_cast %scan3A_284 : i32 to index
      %get3A_319 = arith.constant 16 : index
      %get3A_320 = tpu.vector_load %get3A_317[%get3A_318, %get3A_319] {strides = array<i32>} : memref<128x64xf32, #tpu.memory_space<vmem>>, vector<1x16xf32>,
      %get3A_321 = vector.shape_cast %get3A_320 : vector<1x16xf32> to vector<16xf32>
      %sub3A_322 = arith.subf %get3A_313, %get3A_321 : vector<16xf32>
      %mul3A_323 = arith.mulf %sub3A_322, %sub3A_322 : vector<16xf32>
      %add3A_324 = arith.addf %scan3A_286, %mul3A_323 : vector<16xf32>
      %get3A_325 = arith.constant 0 : i32
      %get3A_326 = arith.constant 0 : i32
      %get3A_327 = tpu.memref_slice %arg8[%scan3A_89, %get3A_325, %get3A_326] : memref<2x128x64xf32, #tpu.memory_space<vmem>> -> memref<1x128x64xf32, #tpu.memory_space<vmem>>
      %get3A_328 = tpu.memref_squeeze %get3A_327 : memref<1x128x64xf32, #tpu.memory_space<vmem>> -> memref<128x64xf32, #tpu.memory_space<vmem>>
      %get3A_329 = arith.index_cast %scan3A_284 : i32 to index
      %get3A_330 = arith.constant 32 : index
      %get3A_331 = tpu.vector_load %get3A_328[%get3A_329, %get3A_330] {strides = array<i32>} : memref<128x64xf32, #tpu.memory_space<vmem>>, vector<1x16xf32>,
      %get3A_332 = vector.shape_cast %get3A_331 : vector<1x16xf32> to vector<16xf32>
      %get3A_333 = arith.constant 0 : i32
      %get3A_334 = arith.constant 0 : i32
      %get3A_335 = tpu.memref_slice %arg7[%scan3A_90, %get3A_333, %get3A_334] : memref<2x128x64xf32, #tpu.memory_space<vmem>> -> memref<1x128x64xf32, #tpu.memory_space<vmem>>
      %get3A_336 = tpu.memref_squeeze %get3A_335 : memref<1x128x64xf32, #tpu.memory_space<vmem>> -> memref<128x64xf32, #tpu.memory_space<vmem>>
      %get3A_337 = arith.index_cast %scan3A_284 : i32 to index
      %get3A_338 = arith.constant 32 : index
      %get3A_339 = tpu.vector_load %get3A_336[%get3A_337, %get3A_338] {strides = array<i32>} : memref<128x64xf32, #tpu.memory_space<vmem>>, vector<1x16xf32>,
      %get3A_340 = vector.shape_cast %get3A_339 : vector<1x16xf32> to vector<16xf32>
      %sub3A_341 = arith.subf %get3A_332, %get3A_340 : vector<16xf32>
      %mul3A_342 = arith.mulf %sub3A_341, %sub3A_341 : vector<16xf32>
      %add3A_343 = arith.addf %scan3A_287, %mul3A_342 : vector<16xf32>
      %get3A_344 = arith.constant 0 : i32
      %get3A_345 = arith.constant 0 : i32
      %get3A_346 = tpu.memref_slice %arg8[%scan3A_89, %get3A_344, %get3A_345] : memref<2x128x64xf32, #tpu.memory_space<vmem>> -> memref<1x128x64xf32, #tpu.memory_space<vmem>>
      %get3A_347 = tpu.memref_squeeze %get3A_346 : memref<1x128x64xf32, #tpu.memory_space<vmem>> -> memref<128x64xf32, #tpu.memory_space<vmem>>
      %get3A_348 = arith.index_cast %scan3A_284 : i32 to index
      %get3A_349 = arith.constant 48 : index
      %get3A_350 = tpu.vector_load %get3A_347[%get3A_348, %get3A_349] {strides = array<i32>} : memref<128x64xf32, #tpu.memory_space<vmem>>, vector<1x16xf32>,
      %get3A_351 = vector.shape_cast %get3A_350 : vector<1x16xf32> to vector<16xf32>
      %get3A_352 = arith.constant 0 : i32
      %get3A_353 = arith.constant 0 : i32
      %get3A_354 = tpu.memref_slice %arg7[%scan3A_90, %get3A_352, %get3A_353] : memref<2x128x64xf32, #tpu.memory_space<vmem>> -> memref<1x128x64xf32, #tpu.memory_space<vmem>>
      %get3A_355 = tpu.memref_squeeze %get3A_354 : memref<1x128x64xf32, #tpu.memory_space<vmem>> -> memref<128x64xf32, #tpu.memory_space<vmem>>
      %get3A_356 = arith.index_cast %scan3A_284 : i32 to index
      %get3A_357 = arith.constant 48 : index
      %get3A_358 = tpu.vector_load %get3A_355[%get3A_356, %get3A_357] {strides = array<i32>} : memref<128x64xf32, #tpu.memory_space<vmem>>, vector<1x16xf32>,
      %get3A_359 = vector.shape_cast %get3A_358 : vector<1x16xf32> to vector<16xf32>
      %sub3A_360 = arith.subf %get3A_351, %get3A_359 : vector<16xf32>
      %mul3A_361 = arith.mulf %sub3A_360, %sub3A_360 : vector<16xf32>
      %add3A_362 = arith.addf %scan3A_288, %mul3A_361 : vector<16xf32>
      scf.yield %add3A_305, %add3A_324, %add3A_343, %add3A_362 : vector<16xf32>, vector<16xf32>, vector<16xf32>, vector<16xf32>
    }
    %scan3A_96 = arith.constant 128 : i32
    %dma_wait3A_97 = arith.constant 1 : i32
    %dma_wait3A_98 = arith.constant 1 : i32
    %dma_wait3A_99 = arith.constant 0 : i32
    %dma_wait3A_100 = arith.constant 0 : i32
    %dma_wait3A_101 = tpu.memref_slice %arg8[%dma_wait3A_97, %dma_wait3A_99, %dma_wait3A_100] : memref<2x128x64xf32, #tpu.memory_space<vmem>> -> memref<1x128x64xf32, #tpu.memory_space<vmem>>
    %dma_wait3A_102 = tpu.memref_squeeze %dma_wait3A_101 : memref<1x128x64xf32, #tpu.memory_space<vmem>> -> memref<128x64xf32, #tpu.memory_space<vmem>>
    %dma_wait3A_103 = arith.constant 0 : i32
    %dma_wait3A_104 = tpu.memref_slice %arg2[%add3A_72, %dma_wait3A_103] : memref<16384x64xf32, #tpu.memory_space<hbm>> -> memref<128x64xf32, #tpu.memory_space<hbm>>
    %dma_wait3A_105 = tpu.memref_slice %arg11[%dma_wait3A_98] : memref<2x!tpu.dma_semaphore, #tpu.memory_space<semaphore_mem>> -> memref<1x!tpu.dma_semaphore, #tpu.memory_space<semaphore_mem>>
    %dma_wait3A_106 = tpu.memref_squeeze %dma_wait3A_105 : memref<1x!tpu.dma_semaphore, #tpu.memory_space<semaphore_mem>> -> memref<!tpu.dma_semaphore, #tpu.memory_space<semaphore_mem>>
    %dma_wait3A_107 = arith.constant 0 : i32
    %dma_wait3A_108 = arith.constant 0 : i32
    %dma_wait3A_109 = tpu.memref_slice %arg8[%dma_wait3A_97, %dma_wait3A_107, %dma_wait3A_108] : memref<2x128x64xf32, #tpu.memory_space<vmem>> -> memref<1x128x64xf32, #tpu.memory_space<vmem>>
    %dma_wait3A_110 = tpu.memref_squeeze %dma_wait3A_109 : memref<1x128x64xf32, #tpu.memory_space<vmem>> -> memref<128x64xf32, #tpu.memory_space<vmem>>
    %dma_wait3A_111 = arith.constant 0 : i32
    %dma_wait3A_112 = tpu.memref_slice %arg2[%add3A_72, %dma_wait3A_111] : memref<16384x64xf32, #tpu.memory_space<hbm>> -> memref<128x64xf32, #tpu.memory_space<hbm>>
    tpu.wait_dma2 semaphore(%dma_wait3A_106 : memref<!tpu.dma_semaphore, #tpu.memory_space<semaphore_mem>>) src(%dma_wait3A_112 : memref<128x64xf32, #tpu.memory_space<hbm>>) dst(%dma_wait3A_110 : memref<128x64xf32, #tpu.memory_space<vmem>>)
    %dma_wait3A_113 = arith.constant 1 : i32
    %dma_wait3A_114 = arith.constant 1 : i32
    %dma_wait3A_115 = arith.constant 0 : i32
    %dma_wait3A_116 = arith.constant 0 : i32
    %dma_wait3A_117 = tpu.memref_slice %arg7[%dma_wait3A_113, %dma_wait3A_115, %dma_wait3A_116] : memref<2x128x64xf32, #tpu.memory_space<vmem>> -> memref<1x128x64xf32, #tpu.memory_space<vmem>>
    %dma_wait3A_118 = tpu.memref_squeeze %dma_wait3A_117 : memref<1x128x64xf32, #tpu.memory_space<vmem>> -> memref<128x64xf32, #tpu.memory_space<vmem>>
    %dma_wait3A_119 = arith.constant 0 : i32
    %dma_wait3A_120 = arith.constant 0 : i32
    %dma_wait3A_121 = tpu.memref_slice %arg4[%dma_wait3A_119, %dma_wait3A_120] : memref<100000x64xf32, #tpu.memory_space<hbm>> -> memref<128x64xf32, #tpu.memory_space<hbm>>
    %dma_wait3A_122 = tpu.memref_slice %arg10[%dma_wait3A_114] : memref<2x!tpu.dma_semaphore, #tpu.memory_space<semaphore_mem>> -> memref<1x!tpu.dma_semaphore, #tpu.memory_space<semaphore_mem>>
    %dma_wait3A_123 = tpu.memref_squeeze %dma_wait3A_122 : memref<1x!tpu.dma_semaphore, #tpu.memory_space<semaphore_mem>> -> memref<!tpu.dma_semaphore, #tpu.memory_space<semaphore_mem>>
    %dma_wait3A_124 = arith.constant 0 : i32
    %dma_wait3A_125 = arith.constant 0 : i32
    %dma_wait3A_126 = tpu.memref_slice %arg7[%dma_wait3A_113, %dma_wait3A_124, %dma_wait3A_125] : memref<2x128x64xf32, #tpu.memory_space<vmem>> -> memref<1x128x64xf32, #tpu.memory_space<vmem>>
    %dma_wait3A_127 = tpu.memref_squeeze %dma_wait3A_126 : memref<1x128x64xf32, #tpu.memory_space<vmem>> -> memref<128x64xf32, #tpu.memory_space<vmem>>
    %dma_wait3A_128 = arith.constant 0 : i32
    %dma_wait3A_129 = arith.constant 0 : i32
    %dma_wait3A_130 = tpu.memref_slice %arg4[%dma_wait3A_128, %dma_wait3A_129] : memref<100000x64xf32, #tpu.memory_space<hbm>> -> memref<128x64xf32, #tpu.memory_space<hbm>>
    tpu.wait_dma2 semaphore(%dma_wait3A_123 : memref<!tpu.dma_semaphore, #tpu.memory_space<semaphore_mem>>) src(%dma_wait3A_130 : memref<128x64xf32, #tpu.memory_space<hbm>>) dst(%dma_wait3A_127 : memref<128x64xf32, #tpu.memory_space<vmem>>)
    %scan3A_131 = arith.constant 0 : i32
    %scan3A_132 = arith.constant 0 : i32
    %scan3A_133 = arith.constant 0 : i32
    %scan3A_134 = arith.constant 8 : i32
    %scan3A_135 = arith.addi %scan3A_133, %scan3A_134 : i32
    %scan3A_136 = arith.constant 1 : i32
    %scan3A_137 = scf.for %scan3A_284 = %scan3A_133 to %scan3A_135 step %scan3A_136 iter_args(%scan3A_285 = %scan3A_132) -> (i32)  : i32 {
      %mul3A_286 = arith.constant 16 : i32
      %mul3A_287 = arith.muli %scan3A_284, %mul3A_286 : i32
      %get3A = arith.constant 2 : i32
      %get3A_288 = arith.index_cast %get3A : i32 to index
      %get3A_289 = arith.index_cast %mul3A_287 : i32 to index
      %get3A_290 = tpu.vector_load %arg6[%get3A_288, %get3A_289] {strides = array<i32>} : memref<4x128xi32, #tpu.memory_space<vmem>>, vector<1x16xi32>,
      %get3A_291 = vector.shape_cast %get3A_290 : vector<1x16xi32> to vector<16xi32>
      %slice3A = vector.extract_strided_slice %get3A_291 {offsets = [0], sizes = [1], strides = [1]} : vector<16xi32> to vector<1xi32>
      %squeeze3A = vector.extract %slice3A[0] : i32 from vector<1xi32>
      %mul3A_292 = arith.constant 16 : i32
      %mul3A_293 = arith.muli %scan3A_284, %mul3A_292 : i32
      %add3A_294 = arith.constant 0 : i32
      %add3A_295 = arith.addi %mul3A_293, %add3A_294 : i32
      %dma_start3A_296 = arith.constant 0 : i32
      %dma_start3A_297 = arith.constant 0 : i32
      %dma_start3A_298 = arith.constant 0 : i32
      %dma_start3A_299 = tpu.memref_slice %arg7[%scan3A_131, %dma_start3A_297, %dma_start3A_298] : memref<2x128x64xf32, #tpu.memory_space<vmem>> -> memref<1x128x64xf32, #tpu.memory_space<vmem>>
      %dma_start3A_300 = tpu.memref_squeeze %dma_start3A_299 : memref<1x128x64xf32, #tpu.memory_space<vmem>> -> memref<128x64xf32, #tpu.memory_space<vmem>>
      %dma_start3A_301 = arith.constant 0 : i32
      %dma_start3A_302 = tpu.memref_slice %dma_start3A_300[%add3A_295, %dma_start3A_301] : memref<128x64xf32, #tpu.memory_space<vmem>> -> memref<1x64xf32, #tpu.memory_space<vmem>>
      %dma_start3A_303 = arith.constant 0 : i32
      %dma_start3A_304 = tpu.memref_slice %arg4[%squeeze3A, %dma_start3A_303] : memref<100000x64xf32, #tpu.memory_space<hbm>> -> memref<1x64xf32, #tpu.memory_space<hbm>>
      %dma_start3A_305 = tpu.memref_slice %arg10[%dma_start3A_296] : memref<2x!tpu.dma_semaphore, #tpu.memory_space<semaphore_mem>> -> memref<1x!tpu.dma_semaphore, #tpu.memory_space<semaphore_mem>>
      %dma_start3A_306 = tpu.memref_squeeze %dma_start3A_305 : memref<1x!tpu.dma_semaphore, #tpu.memory_space<semaphore_mem>> -> memref<!tpu.dma_semaphore, #tpu.memory_space<semaphore_mem>>
      %dma_start3A_307 = arith.constant 0 : i32
      %dma_start3A_308 = arith.constant 0 : i32
      %dma_start3A_309 = tpu.memref_slice %arg7[%scan3A_131, %dma_start3A_307, %dma_start3A_308] : memref<2x128x64xf32, #tpu.memory_space<vmem>> -> memref<1x128x64xf32, #tpu.memory_space<vmem>>
      %dma_start3A_310 = tpu.memref_squeeze %dma_start3A_309 : memref<1x128x64xf32, #tpu.memory_space<vmem>> -> memref<128x64xf32, #tpu.memory_space<vmem>>
      %dma_start3A_311 = arith.constant 0 : i32
      %dma_start3A_312 = tpu.memref_slice %dma_start3A_310[%add3A_295, %dma_start3A_311] : memref<128x64xf32, #tpu.memory_space<vmem>> -> memref<1x64xf32, #tpu.memory_space<vmem>>
      %dma_start3A_313 = arith.constant 0 : i32
      %dma_start3A_314 = tpu.memref_slice %arg4[%squeeze3A, %dma_start3A_313] : memref<100000x64xf32, #tpu.memory_space<hbm>> -> memref<1x64xf32, #tpu.memory_space<hbm>>
      tpu.enqueue_dma source(%dma_start3A_314 : memref<1x64xf32, #tpu.memory_space<hbm>>) target(%dma_start3A_312 : memref<1x64xf32, #tpu.memory_space<vmem>>) target_semaphore(%dma_start3A_306 : memref<!tpu.dma_semaphore, #tpu.memory_space<semaphore_mem>>)
      %slice3A_315 = vector.extract_strided_slice %get3A_291 {offsets = [1], sizes = [1], strides = [1]} : vector<16xi32> to vector<1xi32>
      %squeeze3A_316 = vector.extract %slice3A_315[0] : i32 from vector<1xi32>
      %mul3A_317 = arith.constant 16 : i32
      %mul3A_318 = arith.muli %scan3A_284, %mul3A_317 : i32
      %add3A_319 = arith.constant 1 : i32
      %add3A_320 = arith.addi %mul3A_318, %add3A_319 : i32
      %dma_start3A_321 = arith.constant 0 : i32
      %dma_start3A_322 = arith.constant 0 : i32
      %dma_start3A_323 = arith.constant 0 : i32
      %dma_start3A_324 = tpu.memref_slice %arg7[%scan3A_131, %dma_start3A_322, %dma_start3A_323] : memref<2x128x64xf32, #tpu.memory_space<vmem>> -> memref<1x128x64xf32, #tpu.memory_space<vmem>>
      %dma_start3A_325 = tpu.memref_squeeze %dma_start3A_324 : memref<1x128x64xf32, #tpu.memory_space<vmem>> -> memref<128x64xf32, #tpu.memory_space<vmem>>
      %dma_start3A_326 = arith.constant 0 : i32
      %dma_start3A_327 = tpu.memref_slice %dma_start3A_325[%add3A_320, %dma_start3A_326] : memref<128x64xf32, #tpu.memory_space<vmem>> -> memref<1x64xf32, #tpu.memory_space<vmem>>
      %dma_start3A_328 = arith.constant 0 : i32
      %dma_start3A_329 = tpu.memref_slice %arg4[%squeeze3A_316, %dma_start3A_328] : memref<100000x64xf32, #tpu.memory_space<hbm>> -> memref<1x64xf32, #tpu.memory_space<hbm>>
      %dma_start3A_330 = tpu.memref_slice %arg10[%dma_start3A_321] : memref<2x!tpu.dma_semaphore, #tpu.memory_space<semaphore_mem>> -> memref<1x!tpu.dma_semaphore, #tpu.memory_space<semaphore_mem>>
      %dma_start3A_331 = tpu.memref_squeeze %dma_start3A_330 : memref<1x!tpu.dma_semaphore, #tpu.memory_space<semaphore_mem>> -> memref<!tpu.dma_semaphore, #tpu.memory_space<semaphore_mem>>
      %dma_start3A_332 = arith.constant 0 : i32
      %dma_start3A_333 = arith.constant 0 : i32
      %dma_start3A_334 = tpu.memref_slice %arg7[%scan3A_131, %dma_start3A_332, %dma_start3A_333] : memref<2x128x64xf32, #tpu.memory_space<vmem>> -> memref<1x128x64xf32, #tpu.memory_space<vmem>>
      %dma_start3A_335 = tpu.memref_squeeze %dma_start3A_334 : memref<1x128x64xf32, #tpu.memory_space<vmem>> -> memref<128x64xf32, #tpu.memory_space<vmem>>
      %dma_start3A_336 = arith.constant 0 : i32
      %dma_start3A_337 = tpu.memref_slice %dma_start3A_335[%add3A_320, %dma_start3A_336] : memref<128x64xf32, #tpu.memory_space<vmem>> -> memref<1x64xf32, #tpu.memory_space<vmem>>
      %dma_start3A_338 = arith.constant 0 : i32
      %dma_start3A_339 = tpu.memref_slice %arg4[%squeeze3A_316, %dma_start3A_338] : memref<100000x64xf32, #tpu.memory_space<hbm>> -> memref<1x64xf32, #tpu.memory_space<hbm>>
      tpu.enqueue_dma source(%dma_start3A_339 : memref<1x64xf32, #tpu.memory_space<hbm>>) target(%dma_start3A_337 : memref<1x64xf32, #tpu.memory_space<vmem>>) target_semaphore(%dma_start3A_331 : memref<!tpu.dma_semaphore, #tpu.memory_space<semaphore_mem>>)
      %slice3A_340 = vector.extract_strided_slice %get3A_291 {offsets = [2], sizes = [1], strides = [1]} : vector<16xi32> to vector<1xi32>
      %squeeze3A_341 = vector.extract %slice3A_340[0] : i32 from vector<1xi32>
      %mul3A_342 = arith.constant 16 : i32
      %mul3A_343 = arith.muli %scan3A_284, %mul3A_342 : i32
      %add3A_344 = arith.constant 2 : i32
      %add3A_345 = arith.addi %mul3A_343, %add3A_344 : i32
      %dma_start3A_346 = arith.constant 0 : i32
      %dma_start3A_347 = arith.constant 0 : i32
      %dma_start3A_348 = arith.constant 0 : i32
      %dma_start3A_349 = tpu.memref_slice %arg7[%scan3A_131, %dma_start3A_347, %dma_start3A_348] : memref<2x128x64xf32, #tpu.memory_space<vmem>> -> memref<1x128x64xf32, #tpu.memory_space<vmem>>
      %dma_start3A_350 = tpu.memref_squeeze %dma_start3A_349 : memref<1x128x64xf32, #tpu.memory_space<vmem>> -> memref<128x64xf32, #tpu.memory_space<vmem>>
      %dma_start3A_351 = arith.constant 0 : i32
      %dma_start3A_352 = tpu.memref_slice %dma_start3A_350[%add3A_345, %dma_start3A_351] : memref<128x64xf32, #tpu.memory_space<vmem>> -> memref<1x64xf32, #tpu.memory_space<vmem>>
      %dma_start3A_353 = arith.constant 0 : i32
      %dma_start3A_354 = tpu.memref_slice %arg4[%squeeze3A_341, %dma_start3A_353] : memref<100000x64xf32, #tpu.memory_space<hbm>> -> memref<1x64xf32, #tpu.memory_space<hbm>>
      %dma_start3A_355 = tpu.memref_slice %arg10[%dma_start3A_346] : memref<2x!tpu.dma_semaphore, #tpu.memory_space<semaphore_mem>> -> memref<1x!tpu.dma_semaphore, #tpu.memory_space<semaphore_mem>>
      %dma_start3A_356 = tpu.memref_squeeze %dma_start3A_355 : memref<1x!tpu.dma_semaphore, #tpu.memory_space<semaphore_mem>> -> memref<!tpu.dma_semaphore, #tpu.memory_space<semaphore_mem>>
      %dma_start3A_357 = arith.constant 0 : i32
      %dma_start3A_358 = arith.constant 0 : i32
      %dma_start3A_359 = tpu.memref_slice %arg7[%scan3A_131, %dma_start3A_357, %dma_start3A_358] : memref<2x128x64xf32, #tpu.memory_space<vmem>> -> memref<1x128x64xf32, #tpu.memory_space<vmem>>
      %dma_start3A_360 = tpu.memref_squeeze %dma_start3A_359 : memref<1x128x64xf32, #tpu.memory_space<vmem>> -> memref<128x64xf32, #tpu.memory_space<vmem>>
      %dma_start3A_361 = arith.constant 0 : i32
      %dma_start3A_362 = tpu.memref_slice %dma_start3A_360[%add3A_345, %dma_start3A_361] : memref<128x64xf32, #tpu.memory_space<vmem>> -> memref<1x64xf32, #tpu.memory_space<vmem>>
      %dma_start3A_363 = arith.constant 0 : i32
      %dma_start3A_364 = tpu.memref_slice %arg4[%squeeze3A_341, %dma_start3A_363] : memref<100000x64xf32, #tpu.memory_space<hbm>> -> memref<1x64xf32, #tpu.memory_space<hbm>>
      tpu.enqueue_dma source(%dma_start3A_364 : memref<1x64xf32, #tpu.memory_space<hbm>>) target(%dma_start3A_362 : memref<1x64xf32, #tpu.memory_space<vmem>>) target_semaphore(%dma_start3A_356 : memref<!tpu.dma_semaphore, #tpu.memory_space<semaphore_mem>>)
      %slice3A_365 = vector.extract_strided_slice %get3A_291 {offsets = [3], sizes = [1], strides = [1]} : vector<16xi32> to vector<1xi32>
      %squeeze3A_366 = vector.extract %slice3A_365[0] : i32 from vector<1xi32>
      %mul3A_367 = arith.constant 16 : i32
      %mul3A_368 = arith.muli %scan3A_284, %mul3A_367 : i32
      %add3A_369 = arith.constant 3 : i32
      %add3A_370 = arith.addi %mul3A_368, %add3A_369 : i32
      %dma_start3A_371 = arith.constant 0 : i32
      %dma_start3A_372 = arith.constant 0 : i32
      %dma_start3A_373 = arith.constant 0 : i32
      %dma_start3A_374 = tpu.memref_slice %arg7[%scan3A_131, %dma_start3A_372, %dma_start3A_373] : memref<2x128x64xf32, #tpu.memory_space<vmem>> -> memref<1x128x64xf32, #tpu.memory_space<vmem>>
      %dma_start3A_375 = tpu.memref_squeeze %dma_start3A_374 : memref<1x128x64xf32, #tpu.memory_space<vmem>> -> memref<128x64xf32, #tpu.memory_space<vmem>>
      %dma_start3A_376 = arith.constant 0 : i32
      %dma_start3A_377 = tpu.memref_slice %dma_start3A_375[%add3A_370, %dma_start3A_376] : memref<128x64xf32, #tpu.memory_space<vmem>> -> memref<1x64xf32, #tpu.memory_space<vmem>>
      %dma_start3A_378 = arith.constant 0 : i32
      %dma_start3A_379 = tpu.memref_slice %arg4[%squeeze3A_366, %dma_start3A_378] : memref<100000x64xf32, #tpu.memory_space<hbm>> -> memref<1x64xf32, #tpu.memory_space<hbm>>
      %dma_start3A_380 = tpu.memref_slice %arg10[%dma_start3A_371] : memref<2x!tpu.dma_semaphore, #tpu.memory_space<semaphore_mem>> -> memref<1x!tpu.dma_semaphore, #tpu.memory_space<semaphore_mem>>
      %dma_start3A_381 = tpu.memref_squeeze %dma_start3A_380 : memref<1x!tpu.dma_semaphore, #tpu.memory_space<semaphore_mem>> -> memref<!tpu.dma_semaphore, #tpu.memory_space<semaphore_mem>>
      %dma_start3A_382 = arith.constant 0 : i32
      %dma_start3A_383 = arith.constant 0 : i32
      %dma_start3A_384 = tpu.memref_slice %arg7[%scan3A_131, %dma_start3A_382, %dma_start3A_383] : memref<2x128x64xf32, #tpu.memory_space<vmem>> -> memref<1x128x64xf32, #tpu.memory_space<vmem>>
      %dma_start3A_385 = tpu.memref_squeeze %dma_start3A_384 : memref<1x128x64xf32, #tpu.memory_space<vmem>> -> memref<128x64xf32, #tpu.memory_space<vmem>>
      %dma_start3A_386 = arith.constant 0 : i32
      %dma_start3A_387 = tpu.memref_slice %dma_start3A_385[%add3A_370, %dma_start3A_386] : memref<128x64xf32, #tpu.memory_space<vmem>> -> memref<1x64xf32, #tpu.memory_space<vmem>>
      %dma_start3A_388 = arith.constant 0 : i32
      %dma_start3A_389 = tpu.memref_slice %arg4[%squeeze3A_366, %dma_start3A_388] : memref<100000x64xf32, #tpu.memory_space<hbm>> -> memref<1x64xf32, #tpu.memory_space<hbm>>
      tpu.enqueue_dma source(%dma_start3A_389 : memref<1x64xf32, #tpu.memory_space<hbm>>) target(%dma_start3A_387 : memref<1x64xf32, #tpu.memory_space<vmem>>) target_semaphore(%dma_start3A_381 : memref<!tpu.dma_semaphore, #tpu.memory_space<semaphore_mem>>)
      %slice3A_390 = vector.extract_strided_slice %get3A_291 {offsets = [4], sizes = [1], strides = [1]} : vector<16xi32> to vector<1xi32>
      %squeeze3A_391 = vector.extract %slice3A_390[0] : i32 from vector<1xi32>
      %mul3A_392 = arith.constant 16 : i32
      %mul3A_393 = arith.muli %scan3A_284, %mul3A_392 : i32
      %add3A_394 = arith.constant 4 : i32
      %add3A_395 = arith.addi %mul3A_393, %add3A_394 : i32
      %dma_start3A_396 = arith.constant 0 : i32
      %dma_start3A_397 = arith.constant 0 : i32
      %dma_start3A_398 = arith.constant 0 : i32
      %dma_start3A_399 = tpu.memref_slice %arg7[%scan3A_131, %dma_start3A_397, %dma_start3A_398] : memref<2x128x64xf32, #tpu.memory_space<vmem>> -> memref<1x128x64xf32, #tpu.memory_space<vmem>>
      %dma_start3A_400 = tpu.memref_squeeze %dma_start3A_399 : memref<1x128x64xf32, #tpu.memory_space<vmem>> -> memref<128x64xf32, #tpu.memory_space<vmem>>
      %dma_start3A_401 = arith.constant 0 : i32
      %dma_start3A_402 = tpu.memref_slice %dma_start3A_400[%add3A_395, %dma_start3A_401] : memref<128x64xf32, #tpu.memory_space<vmem>> -> memref<1x64xf32, #tpu.memory_space<vmem>>
      %dma_start3A_403 = arith.constant 0 : i32
      %dma_start3A_404 = tpu.memref_slice %arg4[%squeeze3A_391, %dma_start3A_403] : memref<100000x64xf32, #tpu.memory_space<hbm>> -> memref<1x64xf32, #tpu.memory_space<hbm>>
      %dma_start3A_405 = tpu.memref_slice %arg10[%dma_start3A_396] : memref<2x!tpu.dma_semaphore, #tpu.memory_space<semaphore_mem>> -> memref<1x!tpu.dma_semaphore, #tpu.memory_space<semaphore_mem>>
      %dma_start3A_406 = tpu.memref_squeeze %dma_start3A_405 : memref<1x!tpu.dma_semaphore, #tpu.memory_space<semaphore_mem>> -> memref<!tpu.dma_semaphore, #tpu.memory_space<semaphore_mem>>
      %dma_start3A_407 = arith.constant 0 : i32
      %dma_start3A_408 = arith.constant 0 : i32
      %dma_start3A_409 = tpu.memref_slice %arg7[%scan3A_131, %dma_start3A_407, %dma_start3A_408] : memref<2x128x64xf32, #tpu.memory_space<vmem>> -> memref<1x128x64xf32, #tpu.memory_space<vmem>>
      %dma_start3A_410 = tpu.memref_squeeze %dma_start3A_409 : memref<1x128x64xf32, #tpu.memory_space<vmem>> -> memref<128x64xf32, #tpu.memory_space<vmem>>
      %dma_start3A_411 = arith.constant 0 : i32
      %dma_start3A_412 = tpu.memref_slice %dma_start3A_410[%add3A_395, %dma_start3A_411] : memref<128x64xf32, #tpu.memory_space<vmem>> -> memref<1x64xf32, #tpu.memory_space<vmem>>
      %dma_start3A_413 = arith.constant 0 : i32
      %dma_start3A_414 = tpu.memref_slice %arg4[%squeeze3A_391, %dma_start3A_413] : memref<100000x64xf32, #tpu.memory_space<hbm>> -> memref<1x64xf32, #tpu.memory_space<hbm>>
      tpu.enqueue_dma source(%dma_start3A_414 : memref<1x64xf32, #tpu.memory_space<hbm>>) target(%dma_start3A_412 : memref<1x64xf32, #tpu.memory_space<vmem>>) target_semaphore(%dma_start3A_406 : memref<!tpu.dma_semaphore, #tpu.memory_space<semaphore_mem>>)
      %slice3A_415 = vector.extract_strided_slice %get3A_291 {offsets = [5], sizes = [1], strides = [1]} : vector<16xi32> to vector<1xi32>
      %squeeze3A_416 = vector.extract %slice3A_415[0] : i32 from vector<1xi32>
      %mul3A_417 = arith.constant 16 : i32
      %mul3A_418 = arith.muli %scan3A_284, %mul3A_417 : i32
      %add3A_419 = arith.constant 5 : i32
      %add3A_420 = arith.addi %mul3A_418, %add3A_419 : i32
      %dma_start3A_421 = arith.constant 0 : i32
      %dma_start3A_422 = arith.constant 0 : i32
      %dma_start3A_423 = arith.constant 0 : i32
      %dma_start3A_424 = tpu.memref_slice %arg7[%scan3A_131, %dma_start3A_422, %dma_start3A_423] : memref<2x128x64xf32, #tpu.memory_space<vmem>> -> memref<1x128x64xf32, #tpu.memory_space<vmem>>
      %dma_start3A_425 = tpu.memref_squeeze %dma_start3A_424 : memref<1x128x64xf32, #tpu.memory_space<vmem>> -> memref<128x64xf32, #tpu.memory_space<vmem>>
      %dma_start3A_426 = arith.constant 0 : i32
      %dma_start3A_427 = tpu.memref_slice %dma_start3A_425[%add3A_420, %dma_start3A_426] : memref<128x64xf32, #tpu.memory_space<vmem>> -> memref<1x64xf32, #tpu.memory_space<vmem>>
      %dma_start3A_428 = arith.constant 0 : i32
      %dma_start3A_429 = tpu.memref_slice %arg4[%squeeze3A_416, %dma_start3A_428] : memref<100000x64xf32, #tpu.memory_space<hbm>> -> memref<1x64xf32, #tpu.memory_space<hbm>>
      %dma_start3A_430 = tpu.memref_slice %arg10[%dma_start3A_421] : memref<2x!tpu.dma_semaphore, #tpu.memory_space<semaphore_mem>> -> memref<1x!tpu.dma_semaphore, #tpu.memory_space<semaphore_mem>>
      %dma_start3A_431 = tpu.memref_squeeze %dma_start3A_430 : memref<1x!tpu.dma_semaphore, #tpu.memory_space<semaphore_mem>> -> memref<!tpu.dma_semaphore, #tpu.memory_space<semaphore_mem>>
      %dma_start3A_432 = arith.constant 0 : i32
      %dma_start3A_433 = arith.constant 0 : i32
      %dma_start3A_434 = tpu.memref_slice %arg7[%scan3A_131, %dma_start3A_432, %dma_start3A_433] : memref<2x128x64xf32, #tpu.memory_space<vmem>> -> memref<1x128x64xf32, #tpu.memory_space<vmem>>
      %dma_start3A_435 = tpu.memref_squeeze %dma_start3A_434 : memref<1x128x64xf32, #tpu.memory_space<vmem>> -> memref<128x64xf32, #tpu.memory_space<vmem>>
      %dma_start3A_436 = arith.constant 0 : i32
      %dma_start3A_437 = tpu.memref_slice %dma_start3A_435[%add3A_420, %dma_start3A_436] : memref<128x64xf32, #tpu.memory_space<vmem>> -> memref<1x64xf32, #tpu.memory_space<vmem>>
      %dma_start3A_438 = arith.constant 0 : i32
      %dma_start3A_439 = tpu.memref_slice %arg4[%squeeze3A_416, %dma_start3A_438] : memref<100000x64xf32, #tpu.memory_space<hbm>> -> memref<1x64xf32, #tpu.memory_space<hbm>>
      tpu.enqueue_dma source(%dma_start3A_439 : memref<1x64xf32, #tpu.memory_space<hbm>>) target(%dma_start3A_437 : memref<1x64xf32, #tpu.memory_space<vmem>>) target_semaphore(%dma_start3A_431 : memref<!tpu.dma_semaphore, #tpu.memory_space<semaphore_mem>>)
      %slice3A_440 = vector.extract_strided_slice %get3A_291 {offsets = [6], sizes = [1], strides = [1]} : vector<16xi32> to vector<1xi32>
      %squeeze3A_441 = vector.extract %slice3A_440[0] : i32 from vector<1xi32>
      %mul3A_442 = arith.constant 16 : i32
      %mul3A_443 = arith.muli %scan3A_284, %mul3A_442 : i32
      %add3A_444 = arith.constant 6 : i32
      %add3A_445 = arith.addi %mul3A_443, %add3A_444 : i32
      %dma_start3A_446 = arith.constant 0 : i32
      %dma_start3A_447 = arith.constant 0 : i32
      %dma_start3A_448 = arith.constant 0 : i32
      %dma_start3A_449 = tpu.memref_slice %arg7[%scan3A_131, %dma_start3A_447, %dma_start3A_448] : memref<2x128x64xf32, #tpu.memory_space<vmem>> -> memref<1x128x64xf32, #tpu.memory_space<vmem>>
      %dma_start3A_450 = tpu.memref_squeeze %dma_start3A_449 : memref<1x128x64xf32, #tpu.memory_space<vmem>> -> memref<128x64xf32, #tpu.memory_space<vmem>>
      %dma_start3A_451 = arith.constant 0 : i32
      %dma_start3A_452 = tpu.memref_slice %dma_start3A_450[%add3A_445, %dma_start3A_451] : memref<128x64xf32, #tpu.memory_space<vmem>> -> memref<1x64xf32, #tpu.memory_space<vmem>>
      %dma_start3A_453 = arith.constant 0 : i32
      %dma_start3A_454 = tpu.memref_slice %arg4[%squeeze3A_441, %dma_start3A_453] : memref<100000x64xf32, #tpu.memory_space<hbm>> -> memref<1x64xf32, #tpu.memory_space<hbm>>
      %dma_start3A_455 = tpu.memref_slice %arg10[%dma_start3A_446] : memref<2x!tpu.dma_semaphore, #tpu.memory_space<semaphore_mem>> -> memref<1x!tpu.dma_semaphore, #tpu.memory_space<semaphore_mem>>
      %dma_start3A_456 = tpu.memref_squeeze %dma_start3A_455 : memref<1x!tpu.dma_semaphore, #tpu.memory_space<semaphore_mem>> -> memref<!tpu.dma_semaphore, #tpu.memory_space<semaphore_mem>>
      %dma_start3A_457 = arith.constant 0 : i32
      %dma_start3A_458 = arith.constant 0 : i32
      %dma_start3A_459 = tpu.memref_slice %arg7[%scan3A_131, %dma_start3A_457, %dma_start3A_458] : memref<2x128x64xf32, #tpu.memory_space<vmem>> -> memref<1x128x64xf32, #tpu.memory_space<vmem>>
      %dma_start3A_460 = tpu.memref_squeeze %dma_start3A_459 : memref<1x128x64xf32, #tpu.memory_space<vmem>> -> memref<128x64xf32, #tpu.memory_space<vmem>>
      %dma_start3A_461 = arith.constant 0 : i32
      %dma_start3A_462 = tpu.memref_slice %dma_start3A_460[%add3A_445, %dma_start3A_461] : memref<128x64xf32, #tpu.memory_space<vmem>> -> memref<1x64xf32, #tpu.memory_space<vmem>>
      %dma_start3A_463 = arith.constant 0 : i32
      %dma_start3A_464 = tpu.memref_slice %arg4[%squeeze3A_441, %dma_start3A_463] : memref<100000x64xf32, #tpu.memory_space<hbm>> -> memref<1x64xf32, #tpu.memory_space<hbm>>
      tpu.enqueue_dma source(%dma_start3A_464 : memref<1x64xf32, #tpu.memory_space<hbm>>) target(%dma_start3A_462 : memref<1x64xf32, #tpu.memory_space<vmem>>) target_semaphore(%dma_start3A_456 : memref<!tpu.dma_semaphore, #tpu.memory_space<semaphore_mem>>)
      %slice3A_465 = vector.extract_strided_slice %get3A_291 {offsets = [7], sizes = [1], strides = [1]} : vector<16xi32> to vector<1xi32>
      %squeeze3A_466 = vector.extract %slice3A_465[0] : i32 from vector<1xi32>
      %mul3A_467 = arith.constant 16 : i32
      %mul3A_468 = arith.muli %scan3A_284, %mul3A_467 : i32
      %add3A_469 = arith.constant 7 : i32
      %add3A_470 = arith.addi %mul3A_468, %add3A_469 : i32
      %dma_start3A_471 = arith.constant 0 : i32
      %dma_start3A_472 = arith.constant 0 : i32
      %dma_start3A_473 = arith.constant 0 : i32
      %dma_start3A_474 = tpu.memref_slice %arg7[%scan3A_131, %dma_start3A_472, %dma_start3A_473] : memref<2x128x64xf32, #tpu.memory_space<vmem>> -> memref<1x128x64xf32, #tpu.memory_space<vmem>>
      %dma_start3A_475 = tpu.memref_squeeze %dma_start3A_474 : memref<1x128x64xf32, #tpu.memory_space<vmem>> -> memref<128x64xf32, #tpu.memory_space<vmem>>
      %dma_start3A_476 = arith.constant 0 : i32
      %dma_start3A_477 = tpu.memref_slice %dma_start3A_475[%add3A_470, %dma_start3A_476] : memref<128x64xf32, #tpu.memory_space<vmem>> -> memref<1x64xf32, #tpu.memory_space<vmem>>
      %dma_start3A_478 = arith.constant 0 : i32
      %dma_start3A_479 = tpu.memref_slice %arg4[%squeeze3A_466, %dma_start3A_478] : memref<100000x64xf32, #tpu.memory_space<hbm>> -> memref<1x64xf32, #tpu.memory_space<hbm>>
      %dma_start3A_480 = tpu.memref_slice %arg10[%dma_start3A_471] : memref<2x!tpu.dma_semaphore, #tpu.memory_space<semaphore_mem>> -> memref<1x!tpu.dma_semaphore, #tpu.memory_space<semaphore_mem>>
      %dma_start3A_481 = tpu.memref_squeeze %dma_start3A_480 : memref<1x!tpu.dma_semaphore, #tpu.memory_space<semaphore_mem>> -> memref<!tpu.dma_semaphore, #tpu.memory_space<semaphore_mem>>
      %dma_start3A_482 = arith.constant 0 : i32
      %dma_start3A_483 = arith.constant 0 : i32
      %dma_start3A_484 = tpu.memref_slice %arg7[%scan3A_131, %dma_start3A_482, %dma_start3A_483] : memref<2x128x64xf32, #tpu.memory_space<vmem>> -> memref<1x128x64xf32, #tpu.memory_space<vmem>>
      %dma_start3A_485 = tpu.memref_squeeze %dma_start3A_484 : memref<1x128x64xf32, #tpu.memory_space<vmem>> -> memref<128x64xf32, #tpu.memory_space<vmem>>
      %dma_start3A_486 = arith.constant 0 : i32
      %dma_start3A_487 = tpu.memref_slice %dma_start3A_485[%add3A_470, %dma_start3A_486] : memref<128x64xf32, #tpu.memory_space<vmem>> -> memref<1x64xf32, #tpu.memory_space<vmem>>
      %dma_start3A_488 = arith.constant 0 : i32
      %dma_start3A_489 = tpu.memref_slice %arg4[%squeeze3A_466, %dma_start3A_488] : memref<100000x64xf32, #tpu.memory_space<hbm>> -> memref<1x64xf32, #tpu.memory_space<hbm>>
      tpu.enqueue_dma source(%dma_start3A_489 : memref<1x64xf32, #tpu.memory_space<hbm>>) target(%dma_start3A_487 : memref<1x64xf32, #tpu.memory_space<vmem>>) target_semaphore(%dma_start3A_481 : memref<!tpu.dma_semaphore, #tpu.memory_space<semaphore_mem>>)
      %slice3A_490 = vector.extract_strided_slice %get3A_291 {offsets = [8], sizes = [1], strides = [1]} : vector<16xi32> to vector<1xi32>
      %squeeze3A_491 = vector.extract %slice3A_490[0] : i32 from vector<1xi32>
      %mul3A_492 = arith.constant 16 : i32
      %mul3A_493 = arith.muli %scan3A_284, %mul3A_492 : i32
      %add3A_494 = arith.constant 8 : i32
      %add3A_495 = arith.addi %mul3A_493, %add3A_494 : i32
      %dma_start3A_496 = arith.constant 0 : i32
      %dma_start3A_497 = arith.constant 0 : i32
      %dma_start3A_498 = arith.constant 0 : i32
      %dma_start3A_499 = tpu.memref_slice %arg7[%scan3A_131, %dma_start3A_497, %dma_start3A_498] : memref<2x128x64xf32, #tpu.memory_space<vmem>> -> memref<1x128x64xf32, #tpu.memory_space<vmem>>
      %dma_start3A_500 = tpu.memref_squeeze %dma_start3A_499 : memref<1x128x64xf32, #tpu.memory_space<vmem>> -> memref<128x64xf32, #tpu.memory_space<vmem>>
      %dma_start3A_501 = arith.constant 0 : i32
      %dma_start3A_502 = tpu.memref_slice %dma_start3A_500[%add3A_495, %dma_start3A_501] : memref<128x64xf32, #tpu.memory_space<vmem>> -> memref<1x64xf32, #tpu.memory_space<vmem>>
      %dma_start3A_503 = arith.constant 0 : i32
      %dma_start3A_504 = tpu.memref_slice %arg4[%squeeze3A_491, %dma_start3A_503] : memref<100000x64xf32, #tpu.memory_space<hbm>> -> memref<1x64xf32, #tpu.memory_space<hbm>>
      %dma_start3A_505 = tpu.memref_slice %arg10[%dma_start3A_496] : memref<2x!tpu.dma_semaphore, #tpu.memory_space<semaphore_mem>> -> memref<1x!tpu.dma_semaphore, #tpu.memory_space<semaphore_mem>>
      %dma_start3A_506 = tpu.memref_squeeze %dma_start3A_505 : memref<1x!tpu.dma_semaphore, #tpu.memory_space<semaphore_mem>> -> memref<!tpu.dma_semaphore, #tpu.memory_space<semaphore_mem>>
      %dma_start3A_507 = arith.constant 0 : i32
      %dma_start3A_508 = arith.constant 0 : i32
      %dma_start3A_509 = tpu.memref_slice %arg7[%scan3A_131, %dma_start3A_507, %dma_start3A_508] : memref<2x128x64xf32, #tpu.memory_space<vmem>> -> memref<1x128x64xf32, #tpu.memory_space<vmem>>
      %dma_start3A_510 = tpu.memref_squeeze %dma_start3A_509 : memref<1x128x64xf32, #tpu.memory_space<vmem>> -> memref<128x64xf32, #tpu.memory_space<vmem>>
      %dma_start3A_511 = arith.constant 0 : i32
      %dma_start3A_512 = tpu.memref_slice %dma_start3A_510[%add3A_495, %dma_start3A_511] : memref<128x64xf32, #tpu.memory_space<vmem>> -> memref<1x64xf32, #tpu.memory_space<vmem>>
      %dma_start3A_513 = arith.constant 0 : i32
      %dma_start3A_514 = tpu.memref_slice %arg4[%squeeze3A_491, %dma_start3A_513] : memref<100000x64xf32, #tpu.memory_space<hbm>> -> memref<1x64xf32, #tpu.memory_space<hbm>>
      tpu.enqueue_dma source(%dma_start3A_514 : memref<1x64xf32, #tpu.memory_space<hbm>>) target(%dma_start3A_512 : memref<1x64xf32, #tpu.memory_space<vmem>>) target_semaphore(%dma_start3A_506 : memref<!tpu.dma_semaphore, #tpu.memory_space<semaphore_mem>>)
      %slice3A_515 = vector.extract_strided_slice %get3A_291 {offsets = [9], sizes = [1], strides = [1]} : vector<16xi32> to vector<1xi32>
      %squeeze3A_516 = vector.extract %slice3A_515[0] : i32 from vector<1xi32>
      %mul3A_517 = arith.constant 16 : i32
      %mul3A_518 = arith.muli %scan3A_284, %mul3A_517 : i32
      %add3A_519 = arith.constant 9 : i32
      %add3A_520 = arith.addi %mul3A_518, %add3A_519 : i32
      %dma_start3A_521 = arith.constant 0 : i32
      %dma_start3A_522 = arith.constant 0 : i32
      %dma_start3A_523 = arith.constant 0 : i32
      %dma_start3A_524 = tpu.memref_slice %arg7[%scan3A_131, %dma_start3A_522, %dma_start3A_523] : memref<2x128x64xf32, #tpu.memory_space<vmem>> -> memref<1x128x64xf32, #tpu.memory_space<vmem>>
      %dma_start3A_525 = tpu.memref_squeeze %dma_start3A_524 : memref<1x128x64xf32, #tpu.memory_space<vmem>> -> memref<128x64xf32, #tpu.memory_space<vmem>>
      %dma_start3A_526 = arith.constant 0 : i32
      %dma_start3A_527 = tpu.memref_slice %dma_start3A_525[%add3A_520, %dma_start3A_526] : memref<128x64xf32, #tpu.memory_space<vmem>> -> memref<1x64xf32, #tpu.memory_space<vmem>>
      %dma_start3A_528 = arith.constant 0 : i32
      %dma_start3A_529 = tpu.memref_slice %arg4[%squeeze3A_516, %dma_start3A_528] : memref<100000x64xf32, #tpu.memory_space<hbm>> -> memref<1x64xf32, #tpu.memory_space<hbm>>
      %dma_start3A_530 = tpu.memref_slice %arg10[%dma_start3A_521] : memref<2x!tpu.dma_semaphore, #tpu.memory_space<semaphore_mem>> -> memref<1x!tpu.dma_semaphore, #tpu.memory_space<semaphore_mem>>
      %dma_start3A_531 = tpu.memref_squeeze %dma_start3A_530 : memref<1x!tpu.dma_semaphore, #tpu.memory_space<semaphore_mem>> -> memref<!tpu.dma_semaphore, #tpu.memory_space<semaphore_mem>>
      %dma_start3A_532 = arith.constant 0 : i32
      %dma_start3A_533 = arith.constant 0 : i32
      %dma_start3A_534 = tpu.memref_slice %arg7[%scan3A_131, %dma_start3A_532, %dma_start3A_533] : memref<2x128x64xf32, #tpu.memory_space<vmem>> -> memref<1x128x64xf32, #tpu.memory_space<vmem>>
      %dma_start3A_535 = tpu.memref_squeeze %dma_start3A_534 : memref<1x128x64xf32, #tpu.memory_space<vmem>> -> memref<128x64xf32, #tpu.memory_space<vmem>>
      %dma_start3A_536 = arith.constant 0 : i32
      %dma_start3A_537 = tpu.memref_slice %dma_start3A_535[%add3A_520, %dma_start3A_536] : memref<128x64xf32, #tpu.memory_space<vmem>> -> memref<1x64xf32, #tpu.memory_space<vmem>>
      %dma_start3A_538 = arith.constant 0 : i32
      %dma_start3A_539 = tpu.memref_slice %arg4[%squeeze3A_516, %dma_start3A_538] : memref<100000x64xf32, #tpu.memory_space<hbm>> -> memref<1x64xf32, #tpu.memory_space<hbm>>
      tpu.enqueue_dma source(%dma_start3A_539 : memref<1x64xf32, #tpu.memory_space<hbm>>) target(%dma_start3A_537 : memref<1x64xf32, #tpu.memory_space<vmem>>) target_semaphore(%dma_start3A_531 : memref<!tpu.dma_semaphore, #tpu.memory_space<semaphore_mem>>)
      %slice3A_540 = vector.extract_strided_slice %get3A_291 {offsets = [10], sizes = [1], strides = [1]} : vector<16xi32> to vector<1xi32>
      %squeeze3A_541 = vector.extract %slice3A_540[0] : i32 from vector<1xi32>
      %mul3A_542 = arith.constant 16 : i32
      %mul3A_543 = arith.muli %scan3A_284, %mul3A_542 : i32
      %add3A_544 = arith.constant 10 : i32
      %add3A_545 = arith.addi %mul3A_543, %add3A_544 : i32
      %dma_start3A_546 = arith.constant 0 : i32
      %dma_start3A_547 = arith.constant 0 : i32
      %dma_start3A_548 = arith.constant 0 : i32
      %dma_start3A_549 = tpu.memref_slice %arg7[%scan3A_131, %dma_start3A_547, %dma_start3A_548] : memref<2x128x64xf32, #tpu.memory_space<vmem>> -> memref<1x128x64xf32, #tpu.memory_space<vmem>>
      %dma_start3A_550 = tpu.memref_squeeze %dma_start3A_549 : memref<1x128x64xf32, #tpu.memory_space<vmem>> -> memref<128x64xf32, #tpu.memory_space<vmem>>
      %dma_start3A_551 = arith.constant 0 : i32
      %dma_start3A_552 = tpu.memref_slice %dma_start3A_550[%add3A_545, %dma_start3A_551] : memref<128x64xf32, #tpu.memory_space<vmem>> -> memref<1x64xf32, #tpu.memory_space<vmem>>
      %dma_start3A_553 = arith.constant 0 : i32
      %dma_start3A_554 = tpu.memref_slice %arg4[%squeeze3A_541, %dma_start3A_553] : memref<100000x64xf32, #tpu.memory_space<hbm>> -> memref<1x64xf32, #tpu.memory_space<hbm>>
      %dma_start3A_555 = tpu.memref_slice %arg10[%dma_start3A_546] : memref<2x!tpu.dma_semaphore, #tpu.memory_space<semaphore_mem>> -> memref<1x!tpu.dma_semaphore, #tpu.memory_space<semaphore_mem>>
      %dma_start3A_556 = tpu.memref_squeeze %dma_start3A_555 : memref<1x!tpu.dma_semaphore, #tpu.memory_space<semaphore_mem>> -> memref<!tpu.dma_semaphore, #tpu.memory_space<semaphore_mem>>
      %dma_start3A_557 = arith.constant 0 : i32
      %dma_start3A_558 = arith.constant 0 : i32
      %dma_start3A_559 = tpu.memref_slice %arg7[%scan3A_131, %dma_start3A_557, %dma_start3A_558] : memref<2x128x64xf32, #tpu.memory_space<vmem>> -> memref<1x128x64xf32, #tpu.memory_space<vmem>>
      %dma_start3A_560 = tpu.memref_squeeze %dma_start3A_559 : memref<1x128x64xf32, #tpu.memory_space<vmem>> -> memref<128x64xf32, #tpu.memory_space<vmem>>
      %dma_start3A_561 = arith.constant 0 : i32
      %dma_start3A_562 = tpu.memref_slice %dma_start3A_560[%add3A_545, %dma_start3A_561] : memref<128x64xf32, #tpu.memory_space<vmem>> -> memref<1x64xf32, #tpu.memory_space<vmem>>
      %dma_start3A_563 = arith.constant 0 : i32
      %dma_start3A_564 = tpu.memref_slice %arg4[%squeeze3A_541, %dma_start3A_563] : memref<100000x64xf32, #tpu.memory_space<hbm>> -> memref<1x64xf32, #tpu.memory_space<hbm>>
      tpu.enqueue_dma source(%dma_start3A_564 : memref<1x64xf32, #tpu.memory_space<hbm>>) target(%dma_start3A_562 : memref<1x64xf32, #tpu.memory_space<vmem>>) target_semaphore(%dma_start3A_556 : memref<!tpu.dma_semaphore, #tpu.memory_space<semaphore_mem>>)
      %slice3A_565 = vector.extract_strided_slice %get3A_291 {offsets = [11], sizes = [1], strides = [1]} : vector<16xi32> to vector<1xi32>
      %squeeze3A_566 = vector.extract %slice3A_565[0] : i32 from vector<1xi32>
      %mul3A_567 = arith.constant 16 : i32
      %mul3A_568 = arith.muli %scan3A_284, %mul3A_567 : i32
      %add3A_569 = arith.constant 11 : i32
      %add3A_570 = arith.addi %mul3A_568, %add3A_569 : i32
      %dma_start3A_571 = arith.constant 0 : i32
      %dma_start3A_572 = arith.constant 0 : i32
      %dma_start3A_573 = arith.constant 0 : i32
      %dma_start3A_574 = tpu.memref_slice %arg7[%scan3A_131, %dma_start3A_572, %dma_start3A_573] : memref<2x128x64xf32, #tpu.memory_space<vmem>> -> memref<1x128x64xf32, #tpu.memory_space<vmem>>
      %dma_start3A_575 = tpu.memref_squeeze %dma_start3A_574 : memref<1x128x64xf32, #tpu.memory_space<vmem>> -> memref<128x64xf32, #tpu.memory_space<vmem>>
      %dma_start3A_576 = arith.constant 0 : i32
      %dma_start3A_577 = tpu.memref_slice %dma_start3A_575[%add3A_570, %dma_start3A_576] : memref<128x64xf32, #tpu.memory_space<vmem>> -> memref<1x64xf32, #tpu.memory_space<vmem>>
      %dma_start3A_578 = arith.constant 0 : i32
      %dma_start3A_579 = tpu.memref_slice %arg4[%squeeze3A_566, %dma_start3A_578] : memref<100000x64xf32, #tpu.memory_space<hbm>> -> memref<1x64xf32, #tpu.memory_space<hbm>>
      %dma_start3A_580 = tpu.memref_slice %arg10[%dma_start3A_571] : memref<2x!tpu.dma_semaphore, #tpu.memory_space<semaphore_mem>> -> memref<1x!tpu.dma_semaphore, #tpu.memory_space<semaphore_mem>>
      %dma_start3A_581 = tpu.memref_squeeze %dma_start3A_580 : memref<1x!tpu.dma_semaphore, #tpu.memory_space<semaphore_mem>> -> memref<!tpu.dma_semaphore, #tpu.memory_space<semaphore_mem>>
      %dma_start3A_582 = arith.constant 0 : i32
      %dma_start3A_583 = arith.constant 0 : i32
      %dma_start3A_584 = tpu.memref_slice %arg7[%scan3A_131, %dma_start3A_582, %dma_start3A_583] : memref<2x128x64xf32, #tpu.memory_space<vmem>> -> memref<1x128x64xf32, #tpu.memory_space<vmem>>
      %dma_start3A_585 = tpu.memref_squeeze %dma_start3A_584 : memref<1x128x64xf32, #tpu.memory_space<vmem>> -> memref<128x64xf32, #tpu.memory_space<vmem>>
      %dma_start3A_586 = arith.constant 0 : i32
      %dma_start3A_587 = tpu.memref_slice %dma_start3A_585[%add3A_570, %dma_start3A_586] : memref<128x64xf32, #tpu.memory_space<vmem>> -> memref<1x64xf32, #tpu.memory_space<vmem>>
      %dma_start3A_588 = arith.constant 0 : i32
      %dma_start3A_589 = tpu.memref_slice %arg4[%squeeze3A_566, %dma_start3A_588] : memref<100000x64xf32, #tpu.memory_space<hbm>> -> memref<1x64xf32, #tpu.memory_space<hbm>>
      tpu.enqueue_dma source(%dma_start3A_589 : memref<1x64xf32, #tpu.memory_space<hbm>>) target(%dma_start3A_587 : memref<1x64xf32, #tpu.memory_space<vmem>>) target_semaphore(%dma_start3A_581 : memref<!tpu.dma_semaphore, #tpu.memory_space<semaphore_mem>>)
      %slice3A_590 = vector.extract_strided_slice %get3A_291 {offsets = [12], sizes = [1], strides = [1]} : vector<16xi32> to vector<1xi32>
      %squeeze3A_591 = vector.extract %slice3A_590[0] : i32 from vector<1xi32>
      %mul3A_592 = arith.constant 16 : i32
      %mul3A_593 = arith.muli %scan3A_284, %mul3A_592 : i32
      %add3A_594 = arith.constant 12 : i32
      %add3A_595 = arith.addi %mul3A_593, %add3A_594 : i32
      %dma_start3A_596 = arith.constant 0 : i32
      %dma_start3A_597 = arith.constant 0 : i32
      %dma_start3A_598 = arith.constant 0 : i32
      %dma_start3A_599 = tpu.memref_slice %arg7[%scan3A_131, %dma_start3A_597, %dma_start3A_598] : memref<2x128x64xf32, #tpu.memory_space<vmem>> -> memref<1x128x64xf32, #tpu.memory_space<vmem>>
      %dma_start3A_600 = tpu.memref_squeeze %dma_start3A_599 : memref<1x128x64xf32, #tpu.memory_space<vmem>> -> memref<128x64xf32, #tpu.memory_space<vmem>>
      %dma_start3A_601 = arith.constant 0 : i32
      %dma_start3A_602 = tpu.memref_slice %dma_start3A_600[%add3A_595, %dma_start3A_601] : memref<128x64xf32, #tpu.memory_space<vmem>> -> memref<1x64xf32, #tpu.memory_space<vmem>>
      %dma_start3A_603 = arith.constant 0 : i32
      %dma_start3A_604 = tpu.memref_slice %arg4[%squeeze3A_591, %dma_start3A_603] : memref<100000x64xf32, #tpu.memory_space<hbm>> -> memref<1x64xf32, #tpu.memory_space<hbm>>
      %dma_start3A_605 = tpu.memref_slice %arg10[%dma_start3A_596] : memref<2x!tpu.dma_semaphore, #tpu.memory_space<semaphore_mem>> -> memref<1x!tpu.dma_semaphore, #tpu.memory_space<semaphore_mem>>
      %dma_start3A_606 = tpu.memref_squeeze %dma_start3A_605 : memref<1x!tpu.dma_semaphore, #tpu.memory_space<semaphore_mem>> -> memref<!tpu.dma_semaphore, #tpu.memory_space<semaphore_mem>>
      %dma_start3A_607 = arith.constant 0 : i32
      %dma_start3A_608 = arith.constant 0 : i32
      %dma_start3A_609 = tpu.memref_slice %arg7[%scan3A_131, %dma_start3A_607, %dma_start3A_608] : memref<2x128x64xf32, #tpu.memory_space<vmem>> -> memref<1x128x64xf32, #tpu.memory_space<vmem>>
      %dma_start3A_610 = tpu.memref_squeeze %dma_start3A_609 : memref<1x128x64xf32, #tpu.memory_space<vmem>> -> memref<128x64xf32, #tpu.memory_space<vmem>>
      %dma_start3A_611 = arith.constant 0 : i32
      %dma_start3A_612 = tpu.memref_slice %dma_start3A_610[%add3A_595, %dma_start3A_611] : memref<128x64xf32, #tpu.memory_space<vmem>> -> memref<1x64xf32, #tpu.memory_space<vmem>>
      %dma_start3A_613 = arith.constant 0 : i32
      %dma_start3A_614 = tpu.memref_slice %arg4[%squeeze3A_591, %dma_start3A_613] : memref<100000x64xf32, #tpu.memory_space<hbm>> -> memref<1x64xf32, #tpu.memory_space<hbm>>
      tpu.enqueue_dma source(%dma_start3A_614 : memref<1x64xf32, #tpu.memory_space<hbm>>) target(%dma_start3A_612 : memref<1x64xf32, #tpu.memory_space<vmem>>) target_semaphore(%dma_start3A_606 : memref<!tpu.dma_semaphore, #tpu.memory_space<semaphore_mem>>)
      %slice3A_615 = vector.extract_strided_slice %get3A_291 {offsets = [13], sizes = [1], strides = [1]} : vector<16xi32> to vector<1xi32>
      %squeeze3A_616 = vector.extract %slice3A_615[0] : i32 from vector<1xi32>
      %mul3A_617 = arith.constant 16 : i32
      %mul3A_618 = arith.muli %scan3A_284, %mul3A_617 : i32
      %add3A_619 = arith.constant 13 : i32
      %add3A_620 = arith.addi %mul3A_618, %add3A_619 : i32
      %dma_start3A_621 = arith.constant 0 : i32
      %dma_start3A_622 = arith.constant 0 : i32
      %dma_start3A_623 = arith.constant 0 : i32
      %dma_start3A_624 = tpu.memref_slice %arg7[%scan3A_131, %dma_start3A_622, %dma_start3A_623] : memref<2x128x64xf32, #tpu.memory_space<vmem>> -> memref<1x128x64xf32, #tpu.memory_space<vmem>>
      %dma_start3A_625 = tpu.memref_squeeze %dma_start3A_624 : memref<1x128x64xf32, #tpu.memory_space<vmem>> -> memref<128x64xf32, #tpu.memory_space<vmem>>
      %dma_start3A_626 = arith.constant 0 : i32
      %dma_start3A_627 = tpu.memref_slice %dma_start3A_625[%add3A_620, %dma_start3A_626] : memref<128x64xf32, #tpu.memory_space<vmem>> -> memref<1x64xf32, #tpu.memory_space<vmem>>
      %dma_start3A_628 = arith.constant 0 : i32
      %dma_start3A_629 = tpu.memref_slice %arg4[%squeeze3A_616, %dma_start3A_628] : memref<100000x64xf32, #tpu.memory_space<hbm>> -> memref<1x64xf32, #tpu.memory_space<hbm>>
      %dma_start3A_630 = tpu.memref_slice %arg10[%dma_start3A_621] : memref<2x!tpu.dma_semaphore, #tpu.memory_space<semaphore_mem>> -> memref<1x!tpu.dma_semaphore, #tpu.memory_space<semaphore_mem>>
      %dma_start3A_631 = tpu.memref_squeeze %dma_start3A_630 : memref<1x!tpu.dma_semaphore, #tpu.memory_space<semaphore_mem>> -> memref<!tpu.dma_semaphore, #tpu.memory_space<semaphore_mem>>
      %dma_start3A_632 = arith.constant 0 : i32
      %dma_start3A_633 = arith.constant 0 : i32
      %dma_start3A_634 = tpu.memref_slice %arg7[%scan3A_131, %dma_start3A_632, %dma_start3A_633] : memref<2x128x64xf32, #tpu.memory_space<vmem>> -> memref<1x128x64xf32, #tpu.memory_space<vmem>>
      %dma_start3A_635 = tpu.memref_squeeze %dma_start3A_634 : memref<1x128x64xf32, #tpu.memory_space<vmem>> -> memref<128x64xf32, #tpu.memory_space<vmem>>
      %dma_start3A_636 = arith.constant 0 : i32
      %dma_start3A_637 = tpu.memref_slice %dma_start3A_635[%add3A_620, %dma_start3A_636] : memref<128x64xf32, #tpu.memory_space<vmem>> -> memref<1x64xf32, #tpu.memory_space<vmem>>
      %dma_start3A_638 = arith.constant 0 : i32
      %dma_start3A_639 = tpu.memref_slice %arg4[%squeeze3A_616, %dma_start3A_638] : memref<100000x64xf32, #tpu.memory_space<hbm>> -> memref<1x64xf32, #tpu.memory_space<hbm>>
      tpu.enqueue_dma source(%dma_start3A_639 : memref<1x64xf32, #tpu.memory_space<hbm>>) target(%dma_start3A_637 : memref<1x64xf32, #tpu.memory_space<vmem>>) target_semaphore(%dma_start3A_631 : memref<!tpu.dma_semaphore, #tpu.memory_space<semaphore_mem>>)
      %slice3A_640 = vector.extract_strided_slice %get3A_291 {offsets = [14], sizes = [1], strides = [1]} : vector<16xi32> to vector<1xi32>
      %squeeze3A_641 = vector.extract %slice3A_640[0] : i32 from vector<1xi32>
      %mul3A_642 = arith.constant 16 : i32
      %mul3A_643 = arith.muli %scan3A_284, %mul3A_642 : i32
      %add3A_644 = arith.constant 14 : i32
      %add3A_645 = arith.addi %mul3A_643, %add3A_644 : i32
      %dma_start3A_646 = arith.constant 0 : i32
      %dma_start3A_647 = arith.constant 0 : i32
      %dma_start3A_648 = arith.constant 0 : i32
      %dma_start3A_649 = tpu.memref_slice %arg7[%scan3A_131, %dma_start3A_647, %dma_start3A_648] : memref<2x128x64xf32, #tpu.memory_space<vmem>> -> memref<1x128x64xf32, #tpu.memory_space<vmem>>
      %dma_start3A_650 = tpu.memref_squeeze %dma_start3A_649 : memref<1x128x64xf32, #tpu.memory_space<vmem>> -> memref<128x64xf32, #tpu.memory_space<vmem>>
      %dma_start3A_651 = arith.constant 0 : i32
      %dma_start3A_652 = tpu.memref_slice %dma_start3A_650[%add3A_645, %dma_start3A_651] : memref<128x64xf32, #tpu.memory_space<vmem>> -> memref<1x64xf32, #tpu.memory_space<vmem>>
      %dma_start3A_653 = arith.constant 0 : i32
      %dma_start3A_654 = tpu.memref_slice %arg4[%squeeze3A_641, %dma_start3A_653] : memref<100000x64xf32, #tpu.memory_space<hbm>> -> memref<1x64xf32, #tpu.memory_space<hbm>>
      %dma_start3A_655 = tpu.memref_slice %arg10[%dma_start3A_646] : memref<2x!tpu.dma_semaphore, #tpu.memory_space<semaphore_mem>> -> memref<1x!tpu.dma_semaphore, #tpu.memory_space<semaphore_mem>>
      %dma_start3A_656 = tpu.memref_squeeze %dma_start3A_655 : memref<1x!tpu.dma_semaphore, #tpu.memory_space<semaphore_mem>> -> memref<!tpu.dma_semaphore, #tpu.memory_space<semaphore_mem>>
      %dma_start3A_657 = arith.constant 0 : i32
      %dma_start3A_658 = arith.constant 0 : i32
      %dma_start3A_659 = tpu.memref_slice %arg7[%scan3A_131, %dma_start3A_657, %dma_start3A_658] : memref<2x128x64xf32, #tpu.memory_space<vmem>> -> memref<1x128x64xf32, #tpu.memory_space<vmem>>
      %dma_start3A_660 = tpu.memref_squeeze %dma_start3A_659 : memref<1x128x64xf32, #tpu.memory_space<vmem>> -> memref<128x64xf32, #tpu.memory_space<vmem>>
      %dma_start3A_661 = arith.constant 0 : i32
      %dma_start3A_662 = tpu.memref_slice %dma_start3A_660[%add3A_645, %dma_start3A_661] : memref<128x64xf32, #tpu.memory_space<vmem>> -> memref<1x64xf32, #tpu.memory_space<vmem>>
      %dma_start3A_663 = arith.constant 0 : i32
      %dma_start3A_664 = tpu.memref_slice %arg4[%squeeze3A_641, %dma_start3A_663] : memref<100000x64xf32, #tpu.memory_space<hbm>> -> memref<1x64xf32, #tpu.memory_space<hbm>>
      tpu.enqueue_dma source(%dma_start3A_664 : memref<1x64xf32, #tpu.memory_space<hbm>>) target(%dma_start3A_662 : memref<1x64xf32, #tpu.memory_space<vmem>>) target_semaphore(%dma_start3A_656 : memref<!tpu.dma_semaphore, #tpu.memory_space<semaphore_mem>>)
      %slice3A_665 = vector.extract_strided_slice %get3A_291 {offsets = [15], sizes = [1], strides = [1]} : vector<16xi32> to vector<1xi32>
      %squeeze3A_666 = vector.extract %slice3A_665[0] : i32 from vector<1xi32>
      %mul3A_667 = arith.constant 16 : i32
      %mul3A_668 = arith.muli %scan3A_284, %mul3A_667 : i32
      %add3A_669 = arith.constant 15 : i32
      %add3A_670 = arith.addi %mul3A_668, %add3A_669 : i32
      %dma_start3A_671 = arith.constant 0 : i32
      %dma_start3A_672 = arith.constant 0 : i32
      %dma_start3A_673 = arith.constant 0 : i32
      %dma_start3A_674 = tpu.memref_slice %arg7[%scan3A_131, %dma_start3A_672, %dma_start3A_673] : memref<2x128x64xf32, #tpu.memory_space<vmem>> -> memref<1x128x64xf32, #tpu.memory_space<vmem>>
      %dma_start3A_675 = tpu.memref_squeeze %dma_start3A_674 : memref<1x128x64xf32, #tpu.memory_space<vmem>> -> memref<128x64xf32, #tpu.memory_space<vmem>>
      %dma_start3A_676 = arith.constant 0 : i32
      %dma_start3A_677 = tpu.memref_slice %dma_start3A_675[%add3A_670, %dma_start3A_676] : memref<128x64xf32, #tpu.memory_space<vmem>> -> memref<1x64xf32, #tpu.memory_space<vmem>>
      %dma_start3A_678 = arith.constant 0 : i32
      %dma_start3A_679 = tpu.memref_slice %arg4[%squeeze3A_666, %dma_start3A_678] : memref<100000x64xf32, #tpu.memory_space<hbm>> -> memref<1x64xf32, #tpu.memory_space<hbm>>
      %dma_start3A_680 = tpu.memref_slice %arg10[%dma_start3A_671] : memref<2x!tpu.dma_semaphore, #tpu.memory_space<semaphore_mem>> -> memref<1x!tpu.dma_semaphore, #tpu.memory_space<semaphore_mem>>
      %dma_start3A_681 = tpu.memref_squeeze %dma_start3A_680 : memref<1x!tpu.dma_semaphore, #tpu.memory_space<semaphore_mem>> -> memref<!tpu.dma_semaphore, #tpu.memory_space<semaphore_mem>>
      %dma_start3A_682 = arith.constant 0 : i32
      %dma_start3A_683 = arith.constant 0 : i32
      %dma_start3A_684 = tpu.memref_slice %arg7[%scan3A_131, %dma_start3A_682, %dma_start3A_683] : memref<2x128x64xf32, #tpu.memory_space<vmem>> -> memref<1x128x64xf32, #tpu.memory_space<vmem>>
      %dma_start3A_685 = tpu.memref_squeeze %dma_start3A_684 : memref<1x128x64xf32, #tpu.memory_space<vmem>> -> memref<128x64xf32, #tpu.memory_space<vmem>>
      %dma_start3A_686 = arith.constant 0 : i32
      %dma_start3A_687 = tpu.memref_slice %dma_start3A_685[%add3A_670, %dma_start3A_686] : memref<128x64xf32, #tpu.memory_space<vmem>> -> memref<1x64xf32, #tpu.memory_space<vmem>>
      %dma_start3A_688 = arith.constant 0 : i32
      %dma_start3A_689 = tpu.memref_slice %arg4[%squeeze3A_666, %dma_start3A_688] : memref<100000x64xf32, #tpu.memory_space<hbm>> -> memref<1x64xf32, #tpu.memory_space<hbm>>
      tpu.enqueue_dma source(%dma_start3A_689 : memref<1x64xf32, #tpu.memory_space<hbm>>) target(%dma_start3A_687 : memref<1x64xf32, #tpu.memory_space<vmem>>) target_semaphore(%dma_start3A_681 : memref<!tpu.dma_semaphore, #tpu.memory_space<semaphore_mem>>)
      %scan3A_690 = arith.constant 0 : i32
      scf.yield %scan3A_690 : i32
    }
    %scan3A_138 = arith.constant 8 : i32
    %add3A_139 = arith.constant 256 : i32
    %add3A_140 = arith.addi %mul3A_2, %add3A_139 : i32
    %dma_start3A_141 = arith.constant 0 : i32
    %dma_start3A_142 = arith.constant 0 : i32
    %dma_start3A_143 = arith.constant 0 : i32
    %dma_start3A_144 = arith.constant 0 : i32
    %dma_start3A_145 = tpu.memref_slice %arg8[%dma_start3A_141, %dma_start3A_143, %dma_start3A_144] : memref<2x128x64xf32, #tpu.memory_space<vmem>> -> memref<1x128x64xf32, #tpu.memory_space<vmem>>
    %dma_start3A_146 = tpu.memref_squeeze %dma_start3A_145 : memref<1x128x64xf32, #tpu.memory_space<vmem>> -> memref<128x64xf32, #tpu.memory_space<vmem>>
    %dma_start3A_147 = arith.constant 0 : i32
    %dma_start3A_148 = tpu.memref_slice %arg2[%add3A_140, %dma_start3A_147] : memref<16384x64xf32, #tpu.memory_space<hbm>> -> memref<128x64xf32, #tpu.memory_space<hbm>>
    %dma_start3A_149 = tpu.memref_slice %arg11[%dma_start3A_142] : memref<2x!tpu.dma_semaphore, #tpu.memory_space<semaphore_mem>> -> memref<1x!tpu.dma_semaphore, #tpu.memory_space<semaphore_mem>>
    %dma_start3A_150 = tpu.memref_squeeze %dma_start3A_149 : memref<1x!tpu.dma_semaphore, #tpu.memory_space<semaphore_mem>> -> memref<!tpu.dma_semaphore, #tpu.memory_space<semaphore_mem>>
    %dma_start3A_151 = arith.constant 0 : i32
    %dma_start3A_152 = arith.constant 0 : i32
    %dma_start3A_153 = tpu.memref_slice %arg8[%dma_start3A_141, %dma_start3A_151, %dma_start3A_152] : memref<2x128x64xf32, #tpu.memory_space<vmem>> -> memref<1x128x64xf32, #tpu.memory_space<vmem>>
    %dma_start3A_154 = tpu.memref_squeeze %dma_start3A_153 : memref<1x128x64xf32, #tpu.memory_space<vmem>> -> memref<128x64xf32, #tpu.memory_space<vmem>>
    %dma_start3A_155 = arith.constant 0 : i32
    %dma_start3A_156 = tpu.memref_slice %arg2[%add3A_140, %dma_start3A_155] : memref<16384x64xf32, #tpu.memory_space<hbm>> -> memref<128x64xf32, #tpu.memory_space<hbm>>
    tpu.enqueue_dma source(%dma_start3A_156 : memref<128x64xf32, #tpu.memory_space<hbm>>) target(%dma_start3A_154 : memref<128x64xf32, #tpu.memory_space<vmem>>) target_semaphore(%dma_start3A_150 : memref<!tpu.dma_semaphore, #tpu.memory_space<semaphore_mem>>)
    %scan3A_157 = arith.constant 1 : i32
    %scan3A_158 = arith.constant 1 : i32
    %scan3A_159 = arith.constant 0 : i32
    %scan3A_160 = arith.constant 128 : i32
    %scan3A_161 = arith.addi %scan3A_159, %scan3A_160 : i32
    %scan3A_162 = arith.constant 1 : i32
    %scan3A_163:4 = scf.for %scan3A_284 = %scan3A_159 to %scan3A_161 step %scan3A_162 iter_args(%scan3A_285 = %scan3A_95#0, %scan3A_286 = %scan3A_95#1, %scan3A_287 = %scan3A_95#2, %scan3A_288 = %scan3A_95#3) -> (vector<16xf32>, vector<16xf32>, vector<16xf32>, vector<16xf32>)  : i32 {
      %get3A = arith.constant 0 : i32
      %get3A_289 = arith.constant 0 : i32
      %get3A_290 = tpu.memref_slice %arg8[%scan3A_157, %get3A, %get3A_289] : memref<2x128x64xf32, #tpu.memory_space<vmem>> -> memref<1x128x64xf32, #tpu.memory_space<vmem>>
      %get3A_291 = tpu.memref_squeeze %get3A_290 : memref<1x128x64xf32, #tpu.memory_space<vmem>> -> memref<128x64xf32, #tpu.memory_space<vmem>>
      %get3A_292 = arith.index_cast %scan3A_284 : i32 to index
      %get3A_293 = arith.constant 0 : index
      %get3A_294 = tpu.vector_load %get3A_291[%get3A_292, %get3A_293] {strides = array<i32>} : memref<128x64xf32, #tpu.memory_space<vmem>>, vector<1x16xf32>,
      %get3A_295 = vector.shape_cast %get3A_294 : vector<1x16xf32> to vector<16xf32>
      %get3A_296 = arith.constant 0 : i32
      %get3A_297 = arith.constant 0 : i32
      %get3A_298 = tpu.memref_slice %arg7[%scan3A_158, %get3A_296, %get3A_297] : memref<2x128x64xf32, #tpu.memory_space<vmem>> -> memref<1x128x64xf32, #tpu.memory_space<vmem>>
      %get3A_299 = tpu.memref_squeeze %get3A_298 : memref<1x128x64xf32, #tpu.memory_space<vmem>> -> memref<128x64xf32, #tpu.memory_space<vmem>>
      %get3A_300 = arith.index_cast %scan3A_284 : i32 to index
      %get3A_301 = arith.constant 0 : index
      %get3A_302 = tpu.vector_load %get3A_299[%get3A_300, %get3A_301] {strides = array<i32>} : memref<128x64xf32, #tpu.memory_space<vmem>>, vector<1x16xf32>,
      %get3A_303 = vector.shape_cast %get3A_302 : vector<1x16xf32> to vector<16xf32>
      %sub3A = arith.subf %get3A_295, %get3A_303 : vector<16xf32>
      %mul3A_304 = arith.mulf %sub3A, %sub3A : vector<16xf32>
      %add3A_305 = arith.addf %scan3A_285, %mul3A_304 : vector<16xf32>
      %get3A_306 = arith.constant 0 : i32
      %get3A_307 = arith.constant 0 : i32
      %get3A_308 = tpu.memref_slice %arg8[%scan3A_157, %get3A_306, %get3A_307] : memref<2x128x64xf32, #tpu.memory_space<vmem>> -> memref<1x128x64xf32, #tpu.memory_space<vmem>>
      %get3A_309 = tpu.memref_squeeze %get3A_308 : memref<1x128x64xf32, #tpu.memory_space<vmem>> -> memref<128x64xf32, #tpu.memory_space<vmem>>
      %get3A_310 = arith.index_cast %scan3A_284 : i32 to index
      %get3A_311 = arith.constant 16 : index
      %get3A_312 = tpu.vector_load %get3A_309[%get3A_310, %get3A_311] {strides = array<i32>} : memref<128x64xf32, #tpu.memory_space<vmem>>, vector<1x16xf32>,
      %get3A_313 = vector.shape_cast %get3A_312 : vector<1x16xf32> to vector<16xf32>
      %get3A_314 = arith.constant 0 : i32
      %get3A_315 = arith.constant 0 : i32
      %get3A_316 = tpu.memref_slice %arg7[%scan3A_158, %get3A_314, %get3A_315] : memref<2x128x64xf32, #tpu.memory_space<vmem>> -> memref<1x128x64xf32, #tpu.memory_space<vmem>>
      %get3A_317 = tpu.memref_squeeze %get3A_316 : memref<1x128x64xf32, #tpu.memory_space<vmem>> -> memref<128x64xf32, #tpu.memory_space<vmem>>
      %get3A_318 = arith.index_cast %scan3A_284 : i32 to index
      %get3A_319 = arith.constant 16 : index
      %get3A_320 = tpu.vector_load %get3A_317[%get3A_318, %get3A_319] {strides = array<i32>} : memref<128x64xf32, #tpu.memory_space<vmem>>, vector<1x16xf32>,
      %get3A_321 = vector.shape_cast %get3A_320 : vector<1x16xf32> to vector<16xf32>
      %sub3A_322 = arith.subf %get3A_313, %get3A_321 : vector<16xf32>
      %mul3A_323 = arith.mulf %sub3A_322, %sub3A_322 : vector<16xf32>
      %add3A_324 = arith.addf %scan3A_286, %mul3A_323 : vector<16xf32>
      %get3A_325 = arith.constant 0 : i32
      %get3A_326 = arith.constant 0 : i32
      %get3A_327 = tpu.memref_slice %arg8[%scan3A_157, %get3A_325, %get3A_326] : memref<2x128x64xf32, #tpu.memory_space<vmem>> -> memref<1x128x64xf32, #tpu.memory_space<vmem>>
      %get3A_328 = tpu.memref_squeeze %get3A_327 : memref<1x128x64xf32, #tpu.memory_space<vmem>> -> memref<128x64xf32, #tpu.memory_space<vmem>>
      %get3A_329 = arith.index_cast %scan3A_284 : i32 to index
      %get3A_330 = arith.constant 32 : index
      %get3A_331 = tpu.vector_load %get3A_328[%get3A_329, %get3A_330] {strides = array<i32>} : memref<128x64xf32, #tpu.memory_space<vmem>>, vector<1x16xf32>,
      %get3A_332 = vector.shape_cast %get3A_331 : vector<1x16xf32> to vector<16xf32>
      %get3A_333 = arith.constant 0 : i32
      %get3A_334 = arith.constant 0 : i32
      %get3A_335 = tpu.memref_slice %arg7[%scan3A_158, %get3A_333, %get3A_334] : memref<2x128x64xf32, #tpu.memory_space<vmem>> -> memref<1x128x64xf32, #tpu.memory_space<vmem>>
      %get3A_336 = tpu.memref_squeeze %get3A_335 : memref<1x128x64xf32, #tpu.memory_space<vmem>> -> memref<128x64xf32, #tpu.memory_space<vmem>>
      %get3A_337 = arith.index_cast %scan3A_284 : i32 to index
      %get3A_338 = arith.constant 32 : index
      %get3A_339 = tpu.vector_load %get3A_336[%get3A_337, %get3A_338] {strides = array<i32>} : memref<128x64xf32, #tpu.memory_space<vmem>>, vector<1x16xf32>,
      %get3A_340 = vector.shape_cast %get3A_339 : vector<1x16xf32> to vector<16xf32>
      %sub3A_341 = arith.subf %get3A_332, %get3A_340 : vector<16xf32>
      %mul3A_342 = arith.mulf %sub3A_341, %sub3A_341 : vector<16xf32>
      %add3A_343 = arith.addf %scan3A_287, %mul3A_342 : vector<16xf32>
      %get3A_344 = arith.constant 0 : i32
      %get3A_345 = arith.constant 0 : i32
      %get3A_346 = tpu.memref_slice %arg8[%scan3A_157, %get3A_344, %get3A_345] : memref<2x128x64xf32, #tpu.memory_space<vmem>> -> memref<1x128x64xf32, #tpu.memory_space<vmem>>
      %get3A_347 = tpu.memref_squeeze %get3A_346 : memref<1x128x64xf32, #tpu.memory_space<vmem>> -> memref<128x64xf32, #tpu.memory_space<vmem>>
      %get3A_348 = arith.index_cast %scan3A_284 : i32 to index
      %get3A_349 = arith.constant 48 : index
      %get3A_350 = tpu.vector_load %get3A_347[%get3A_348, %get3A_349] {strides = array<i32>} : memref<128x64xf32, #tpu.memory_space<vmem>>, vector<1x16xf32>,
      %get3A_351 = vector.shape_cast %get3A_350 : vector<1x16xf32> to vector<16xf32>
      %get3A_352 = arith.constant 0 : i32
      %get3A_353 = arith.constant 0 : i32
      %get3A_354 = tpu.memref_slice %arg7[%scan3A_158, %get3A_352, %get3A_353] : memref<2x128x64xf32, #tpu.memory_space<vmem>> -> memref<1x128x64xf32, #tpu.memory_space<vmem>>
      %get3A_355 = tpu.memref_squeeze %get3A_354 : memref<1x128x64xf32, #tpu.memory_space<vmem>> -> memref<128x64xf32, #tpu.memory_space<vmem>>
      %get3A_356 = arith.index_cast %scan3A_284 : i32 to index
      %get3A_357 = arith.constant 48 : index
      %get3A_358 = tpu.vector_load %get3A_355[%get3A_356, %get3A_357] {strides = array<i32>} : memref<128x64xf32, #tpu.memory_space<vmem>>, vector<1x16xf32>,
      %get3A_359 = vector.shape_cast %get3A_358 : vector<1x16xf32> to vector<16xf32>
      %sub3A_360 = arith.subf %get3A_351, %get3A_359 : vector<16xf32>
      %mul3A_361 = arith.mulf %sub3A_360, %sub3A_360 : vector<16xf32>
      %add3A_362 = arith.addf %scan3A_288, %mul3A_361 : vector<16xf32>
      scf.yield %add3A_305, %add3A_324, %add3A_343, %add3A_362 : vector<16xf32>, vector<16xf32>, vector<16xf32>, vector<16xf32>
    }
    %scan3A_164 = arith.constant 128 : i32
    %dma_wait3A_165 = arith.constant 0 : i32
    %dma_wait3A_166 = arith.constant 0 : i32
    %dma_wait3A_167 = arith.constant 0 : i32
    %dma_wait3A_168 = arith.constant 0 : i32
    %dma_wait3A_169 = tpu.memref_slice %arg8[%dma_wait3A_165, %dma_wait3A_167, %dma_wait3A_168] : memref<2x128x64xf32, #tpu.memory_space<vmem>> -> memref<1x128x64xf32, #tpu.memory_space<vmem>>
    %dma_wait3A_170 = tpu.memref_squeeze %dma_wait3A_169 : memref<1x128x64xf32, #tpu.memory_space<vmem>> -> memref<128x64xf32, #tpu.memory_space<vmem>>
    %dma_wait3A_171 = arith.constant 0 : i32
    %dma_wait3A_172 = tpu.memref_slice %arg2[%add3A_140, %dma_wait3A_171] : memref<16384x64xf32, #tpu.memory_space<hbm>> -> memref<128x64xf32, #tpu.memory_space<hbm>>
    %dma_wait3A_173 = tpu.memref_slice %arg11[%dma_wait3A_166] : memref<2x!tpu.dma_semaphore, #tpu.memory_space<semaphore_mem>> -> memref<1x!tpu.dma_semaphore, #tpu.memory_space<semaphore_mem>>
    %dma_wait3A_174 = tpu.memref_squeeze %dma_wait3A_173 : memref<1x!tpu.dma_semaphore, #tpu.memory_space<semaphore_mem>> -> memref<!tpu.dma_semaphore, #tpu.memory_space<semaphore_mem>>
    %dma_wait3A_175 = arith.constant 0 : i32
    %dma_wait3A_176 = arith.constant 0 : i32
    %dma_wait3A_177 = tpu.memref_slice %arg8[%dma_wait3A_165, %dma_wait3A_175, %dma_wait3A_176] : memref<2x128x64xf32, #tpu.memory_space<vmem>> -> memref<1x128x64xf32, #tpu.memory_space<vmem>>
    %dma_wait3A_178 = tpu.memref_squeeze %dma_wait3A_177 : memref<1x128x64xf32, #tpu.memory_space<vmem>> -> memref<128x64xf32, #tpu.memory_space<vmem>>
    %dma_wait3A_179 = arith.constant 0 : i32
    %dma_wait3A_180 = tpu.memref_slice %arg2[%add3A_140, %dma_wait3A_179] : memref<16384x64xf32, #tpu.memory_space<hbm>> -> memref<128x64xf32, #tpu.memory_space<hbm>>
    tpu.wait_dma2 semaphore(%dma_wait3A_174 : memref<!tpu.dma_semaphore, #tpu.memory_space<semaphore_mem>>) src(%dma_wait3A_180 : memref<128x64xf32, #tpu.memory_space<hbm>>) dst(%dma_wait3A_178 : memref<128x64xf32, #tpu.memory_space<vmem>>)
    %dma_wait3A_181 = arith.constant 0 : i32
    %dma_wait3A_182 = arith.constant 0 : i32
    %dma_wait3A_183 = arith.constant 0 : i32
    %dma_wait3A_184 = arith.constant 0 : i32
    %dma_wait3A_185 = tpu.memref_slice %arg7[%dma_wait3A_181, %dma_wait3A_183, %dma_wait3A_184] : memref<2x128x64xf32, #tpu.memory_space<vmem>> -> memref<1x128x64xf32, #tpu.memory_space<vmem>>
    %dma_wait3A_186 = tpu.memref_squeeze %dma_wait3A_185 : memref<1x128x64xf32, #tpu.memory_space<vmem>> -> memref<128x64xf32, #tpu.memory_space<vmem>>
    %dma_wait3A_187 = arith.constant 0 : i32
    %dma_wait3A_188 = arith.constant 0 : i32
    %dma_wait3A_189 = tpu.memref_slice %arg4[%dma_wait3A_187, %dma_wait3A_188] : memref<100000x64xf32, #tpu.memory_space<hbm>> -> memref<128x64xf32, #tpu.memory_space<hbm>>
    %dma_wait3A_190 = tpu.memref_slice %arg10[%dma_wait3A_182] : memref<2x!tpu.dma_semaphore, #tpu.memory_space<semaphore_mem>> -> memref<1x!tpu.dma_semaphore, #tpu.memory_space<semaphore_mem>>
    %dma_wait3A_191 = tpu.memref_squeeze %dma_wait3A_190 : memref<1x!tpu.dma_semaphore, #tpu.memory_space<semaphore_mem>> -> memref<!tpu.dma_semaphore, #tpu.memory_space<semaphore_mem>>
    %dma_wait3A_192 = arith.constant 0 : i32
    %dma_wait3A_193 = arith.constant 0 : i32
    %dma_wait3A_194 = tpu.memref_slice %arg7[%dma_wait3A_181, %dma_wait3A_192, %dma_wait3A_193] : memref<2x128x64xf32, #tpu.memory_space<vmem>> -> memref<1x128x64xf32, #tpu.memory_space<vmem>>
    %dma_wait3A_195 = tpu.memref_squeeze %dma_wait3A_194 : memref<1x128x64xf32, #tpu.memory_space<vmem>> -> memref<128x64xf32, #tpu.memory_space<vmem>>
    %dma_wait3A_196 = arith.constant 0 : i32
    %dma_wait3A_197 = arith.constant 0 : i32
    %dma_wait3A_198 = tpu.memref_slice %arg4[%dma_wait3A_196, %dma_wait3A_197] : memref<100000x64xf32, #tpu.memory_space<hbm>> -> memref<128x64xf32, #tpu.memory_space<hbm>>
    tpu.wait_dma2 semaphore(%dma_wait3A_191 : memref<!tpu.dma_semaphore, #tpu.memory_space<semaphore_mem>>) src(%dma_wait3A_198 : memref<128x64xf32, #tpu.memory_space<hbm>>) dst(%dma_wait3A_195 : memref<128x64xf32, #tpu.memory_space<vmem>>)
    %scan3A_199 = arith.constant 1 : i32
    %scan3A_200 = arith.constant 0 : i32
    %scan3A_201 = arith.constant 0 : i32
    %scan3A_202 = arith.constant 8 : i32
    %scan3A_203 = arith.addi %scan3A_201, %scan3A_202 : i32
    %scan3A_204 = arith.constant 1 : i32
    %scan3A_205 = scf.for %scan3A_284 = %scan3A_201 to %scan3A_203 step %scan3A_204 iter_args(%scan3A_285 = %scan3A_200) -> (i32)  : i32 {
      %mul3A_286 = arith.constant 16 : i32
      %mul3A_287 = arith.muli %scan3A_284, %mul3A_286 : i32
      %get3A = arith.constant 3 : i32
      %get3A_288 = arith.index_cast %get3A : i32 to index
      %get3A_289 = arith.index_cast %mul3A_287 : i32 to index
      %get3A_290 = tpu.vector_load %arg6[%get3A_288, %get3A_289] {strides = array<i32>} : memref<4x128xi32, #tpu.memory_space<vmem>>, vector<1x16xi32>,
      %get3A_291 = vector.shape_cast %get3A_290 : vector<1x16xi32> to vector<16xi32>
      %slice3A = vector.extract_strided_slice %get3A_291 {offsets = [0], sizes = [1], strides = [1]} : vector<16xi32> to vector<1xi32>
      %squeeze3A = vector.extract %slice3A[0] : i32 from vector<1xi32>
      %mul3A_292 = arith.constant 16 : i32
      %mul3A_293 = arith.muli %scan3A_284, %mul3A_292 : i32
      %add3A_294 = arith.constant 0 : i32
      %add3A_295 = arith.addi %mul3A_293, %add3A_294 : i32
      %dma_start3A_296 = arith.constant 1 : i32
      %dma_start3A_297 = arith.constant 0 : i32
      %dma_start3A_298 = arith.constant 0 : i32
      %dma_start3A_299 = tpu.memref_slice %arg7[%scan3A_199, %dma_start3A_297, %dma_start3A_298] : memref<2x128x64xf32, #tpu.memory_space<vmem>> -> memref<1x128x64xf32, #tpu.memory_space<vmem>>
      %dma_start3A_300 = tpu.memref_squeeze %dma_start3A_299 : memref<1x128x64xf32, #tpu.memory_space<vmem>> -> memref<128x64xf32, #tpu.memory_space<vmem>>
      %dma_start3A_301 = arith.constant 0 : i32
      %dma_start3A_302 = tpu.memref_slice %dma_start3A_300[%add3A_295, %dma_start3A_301] : memref<128x64xf32, #tpu.memory_space<vmem>> -> memref<1x64xf32, #tpu.memory_space<vmem>>
      %dma_start3A_303 = arith.constant 0 : i32
      %dma_start3A_304 = tpu.memref_slice %arg4[%squeeze3A, %dma_start3A_303] : memref<100000x64xf32, #tpu.memory_space<hbm>> -> memref<1x64xf32, #tpu.memory_space<hbm>>
      %dma_start3A_305 = tpu.memref_slice %arg10[%dma_start3A_296] : memref<2x!tpu.dma_semaphore, #tpu.memory_space<semaphore_mem>> -> memref<1x!tpu.dma_semaphore, #tpu.memory_space<semaphore_mem>>
      %dma_start3A_306 = tpu.memref_squeeze %dma_start3A_305 : memref<1x!tpu.dma_semaphore, #tpu.memory_space<semaphore_mem>> -> memref<!tpu.dma_semaphore, #tpu.memory_space<semaphore_mem>>
      %dma_start3A_307 = arith.constant 0 : i32
      %dma_start3A_308 = arith.constant 0 : i32
      %dma_start3A_309 = tpu.memref_slice %arg7[%scan3A_199, %dma_start3A_307, %dma_start3A_308] : memref<2x128x64xf32, #tpu.memory_space<vmem>> -> memref<1x128x64xf32, #tpu.memory_space<vmem>>
      %dma_start3A_310 = tpu.memref_squeeze %dma_start3A_309 : memref<1x128x64xf32, #tpu.memory_space<vmem>> -> memref<128x64xf32, #tpu.memory_space<vmem>>
      %dma_start3A_311 = arith.constant 0 : i32
      %dma_start3A_312 = tpu.memref_slice %dma_start3A_310[%add3A_295, %dma_start3A_311] : memref<128x64xf32, #tpu.memory_space<vmem>> -> memref<1x64xf32, #tpu.memory_space<vmem>>
      %dma_start3A_313 = arith.constant 0 : i32
      %dma_start3A_314 = tpu.memref_slice %arg4[%squeeze3A, %dma_start3A_313] : memref<100000x64xf32, #tpu.memory_space<hbm>> -> memref<1x64xf32, #tpu.memory_space<hbm>>
      tpu.enqueue_dma source(%dma_start3A_314 : memref<1x64xf32, #tpu.memory_space<hbm>>) target(%dma_start3A_312 : memref<1x64xf32, #tpu.memory_space<vmem>>) target_semaphore(%dma_start3A_306 : memref<!tpu.dma_semaphore, #tpu.memory_space<semaphore_mem>>)
      %slice3A_315 = vector.extract_strided_slice %get3A_291 {offsets = [1], sizes = [1], strides = [1]} : vector<16xi32> to vector<1xi32>
      %squeeze3A_316 = vector.extract %slice3A_315[0] : i32 from vector<1xi32>
      %mul3A_317 = arith.constant 16 : i32
      %mul3A_318 = arith.muli %scan3A_284, %mul3A_317 : i32
      %add3A_319 = arith.constant 1 : i32
      %add3A_320 = arith.addi %mul3A_318, %add3A_319 : i32
      %dma_start3A_321 = arith.constant 1 : i32
      %dma_start3A_322 = arith.constant 0 : i32
      %dma_start3A_323 = arith.constant 0 : i32
      %dma_start3A_324 = tpu.memref_slice %arg7[%scan3A_199, %dma_start3A_322, %dma_start3A_323] : memref<2x128x64xf32, #tpu.memory_space<vmem>> -> memref<1x128x64xf32, #tpu.memory_space<vmem>>
      %dma_start3A_325 = tpu.memref_squeeze %dma_start3A_324 : memref<1x128x64xf32, #tpu.memory_space<vmem>> -> memref<128x64xf32, #tpu.memory_space<vmem>>
      %dma_start3A_326 = arith.constant 0 : i32
      %dma_start3A_327 = tpu.memref_slice %dma_start3A_325[%add3A_320, %dma_start3A_326] : memref<128x64xf32, #tpu.memory_space<vmem>> -> memref<1x64xf32, #tpu.memory_space<vmem>>
      %dma_start3A_328 = arith.constant 0 : i32
      %dma_start3A_329 = tpu.memref_slice %arg4[%squeeze3A_316, %dma_start3A_328] : memref<100000x64xf32, #tpu.memory_space<hbm>> -> memref<1x64xf32, #tpu.memory_space<hbm>>
      %dma_start3A_330 = tpu.memref_slice %arg10[%dma_start3A_321] : memref<2x!tpu.dma_semaphore, #tpu.memory_space<semaphore_mem>> -> memref<1x!tpu.dma_semaphore, #tpu.memory_space<semaphore_mem>>
      %dma_start3A_331 = tpu.memref_squeeze %dma_start3A_330 : memref<1x!tpu.dma_semaphore, #tpu.memory_space<semaphore_mem>> -> memref<!tpu.dma_semaphore, #tpu.memory_space<semaphore_mem>>
      %dma_start3A_332 = arith.constant 0 : i32
      %dma_start3A_333 = arith.constant 0 : i32
      %dma_start3A_334 = tpu.memref_slice %arg7[%scan3A_199, %dma_start3A_332, %dma_start3A_333] : memref<2x128x64xf32, #tpu.memory_space<vmem>> -> memref<1x128x64xf32, #tpu.memory_space<vmem>>
      %dma_start3A_335 = tpu.memref_squeeze %dma_start3A_334 : memref<1x128x64xf32, #tpu.memory_space<vmem>> -> memref<128x64xf32, #tpu.memory_space<vmem>>
      %dma_start3A_336 = arith.constant 0 : i32
      %dma_start3A_337 = tpu.memref_slice %dma_start3A_335[%add3A_320, %dma_start3A_336] : memref<128x64xf32, #tpu.memory_space<vmem>> -> memref<1x64xf32, #tpu.memory_space<vmem>>
      %dma_start3A_338 = arith.constant 0 : i32
      %dma_start3A_339 = tpu.memref_slice %arg4[%squeeze3A_316, %dma_start3A_338] : memref<100000x64xf32, #tpu.memory_space<hbm>> -> memref<1x64xf32, #tpu.memory_space<hbm>>
      tpu.enqueue_dma source(%dma_start3A_339 : memref<1x64xf32, #tpu.memory_space<hbm>>) target(%dma_start3A_337 : memref<1x64xf32, #tpu.memory_space<vmem>>) target_semaphore(%dma_start3A_331 : memref<!tpu.dma_semaphore, #tpu.memory_space<semaphore_mem>>)
      %slice3A_340 = vector.extract_strided_slice %get3A_291 {offsets = [2], sizes = [1], strides = [1]} : vector<16xi32> to vector<1xi32>
      %squeeze3A_341 = vector.extract %slice3A_340[0] : i32 from vector<1xi32>
      %mul3A_342 = arith.constant 16 : i32
      %mul3A_343 = arith.muli %scan3A_284, %mul3A_342 : i32
      %add3A_344 = arith.constant 2 : i32
      %add3A_345 = arith.addi %mul3A_343, %add3A_344 : i32
      %dma_start3A_346 = arith.constant 1 : i32
      %dma_start3A_347 = arith.constant 0 : i32
      %dma_start3A_348 = arith.constant 0 : i32
      %dma_start3A_349 = tpu.memref_slice %arg7[%scan3A_199, %dma_start3A_347, %dma_start3A_348] : memref<2x128x64xf32, #tpu.memory_space<vmem>> -> memref<1x128x64xf32, #tpu.memory_space<vmem>>
      %dma_start3A_350 = tpu.memref_squeeze %dma_start3A_349 : memref<1x128x64xf32, #tpu.memory_space<vmem>> -> memref<128x64xf32, #tpu.memory_space<vmem>>
      %dma_start3A_351 = arith.constant 0 : i32
      %dma_start3A_352 = tpu.memref_slice %dma_start3A_350[%add3A_345, %dma_start3A_351] : memref<128x64xf32, #tpu.memory_space<vmem>> -> memref<1x64xf32, #tpu.memory_space<vmem>>
      %dma_start3A_353 = arith.constant 0 : i32
      %dma_start3A_354 = tpu.memref_slice %arg4[%squeeze3A_341, %dma_start3A_353] : memref<100000x64xf32, #tpu.memory_space<hbm>> -> memref<1x64xf32, #tpu.memory_space<hbm>>
      %dma_start3A_355 = tpu.memref_slice %arg10[%dma_start3A_346] : memref<2x!tpu.dma_semaphore, #tpu.memory_space<semaphore_mem>> -> memref<1x!tpu.dma_semaphore, #tpu.memory_space<semaphore_mem>>
      %dma_start3A_356 = tpu.memref_squeeze %dma_start3A_355 : memref<1x!tpu.dma_semaphore, #tpu.memory_space<semaphore_mem>> -> memref<!tpu.dma_semaphore, #tpu.memory_space<semaphore_mem>>
      %dma_start3A_357 = arith.constant 0 : i32
      %dma_start3A_358 = arith.constant 0 : i32
      %dma_start3A_359 = tpu.memref_slice %arg7[%scan3A_199, %dma_start3A_357, %dma_start3A_358] : memref<2x128x64xf32, #tpu.memory_space<vmem>> -> memref<1x128x64xf32, #tpu.memory_space<vmem>>
      %dma_start3A_360 = tpu.memref_squeeze %dma_start3A_359 : memref<1x128x64xf32, #tpu.memory_space<vmem>> -> memref<128x64xf32, #tpu.memory_space<vmem>>
      %dma_start3A_361 = arith.constant 0 : i32
      %dma_start3A_362 = tpu.memref_slice %dma_start3A_360[%add3A_345, %dma_start3A_361] : memref<128x64xf32, #tpu.memory_space<vmem>> -> memref<1x64xf32, #tpu.memory_space<vmem>>
      %dma_start3A_363 = arith.constant 0 : i32
      %dma_start3A_364 = tpu.memref_slice %arg4[%squeeze3A_341, %dma_start3A_363] : memref<100000x64xf32, #tpu.memory_space<hbm>> -> memref<1x64xf32, #tpu.memory_space<hbm>>
      tpu.enqueue_dma source(%dma_start3A_364 : memref<1x64xf32, #tpu.memory_space<hbm>>) target(%dma_start3A_362 : memref<1x64xf32, #tpu.memory_space<vmem>>) target_semaphore(%dma_start3A_356 : memref<!tpu.dma_semaphore, #tpu.memory_space<semaphore_mem>>)
      %slice3A_365 = vector.extract_strided_slice %get3A_291 {offsets = [3], sizes = [1], strides = [1]} : vector<16xi32> to vector<1xi32>
      %squeeze3A_366 = vector.extract %slice3A_365[0] : i32 from vector<1xi32>
      %mul3A_367 = arith.constant 16 : i32
      %mul3A_368 = arith.muli %scan3A_284, %mul3A_367 : i32
      %add3A_369 = arith.constant 3 : i32
      %add3A_370 = arith.addi %mul3A_368, %add3A_369 : i32
      %dma_start3A_371 = arith.constant 1 : i32
      %dma_start3A_372 = arith.constant 0 : i32
      %dma_start3A_373 = arith.constant 0 : i32
      %dma_start3A_374 = tpu.memref_slice %arg7[%scan3A_199, %dma_start3A_372, %dma_start3A_373] : memref<2x128x64xf32, #tpu.memory_space<vmem>> -> memref<1x128x64xf32, #tpu.memory_space<vmem>>
      %dma_start3A_375 = tpu.memref_squeeze %dma_start3A_374 : memref<1x128x64xf32, #tpu.memory_space<vmem>> -> memref<128x64xf32, #tpu.memory_space<vmem>>
      %dma_start3A_376 = arith.constant 0 : i32
      %dma_start3A_377 = tpu.memref_slice %dma_start3A_375[%add3A_370, %dma_start3A_376] : memref<128x64xf32, #tpu.memory_space<vmem>> -> memref<1x64xf32, #tpu.memory_space<vmem>>
      %dma_start3A_378 = arith.constant 0 : i32
      %dma_start3A_379 = tpu.memref_slice %arg4[%squeeze3A_366, %dma_start3A_378] : memref<100000x64xf32, #tpu.memory_space<hbm>> -> memref<1x64xf32, #tpu.memory_space<hbm>>
      %dma_start3A_380 = tpu.memref_slice %arg10[%dma_start3A_371] : memref<2x!tpu.dma_semaphore, #tpu.memory_space<semaphore_mem>> -> memref<1x!tpu.dma_semaphore, #tpu.memory_space<semaphore_mem>>
      %dma_start3A_381 = tpu.memref_squeeze %dma_start3A_380 : memref<1x!tpu.dma_semaphore, #tpu.memory_space<semaphore_mem>> -> memref<!tpu.dma_semaphore, #tpu.memory_space<semaphore_mem>>
      %dma_start3A_382 = arith.constant 0 : i32
      %dma_start3A_383 = arith.constant 0 : i32
      %dma_start3A_384 = tpu.memref_slice %arg7[%scan3A_199, %dma_start3A_382, %dma_start3A_383] : memref<2x128x64xf32, #tpu.memory_space<vmem>> -> memref<1x128x64xf32, #tpu.memory_space<vmem>>
      %dma_start3A_385 = tpu.memref_squeeze %dma_start3A_384 : memref<1x128x64xf32, #tpu.memory_space<vmem>> -> memref<128x64xf32, #tpu.memory_space<vmem>>
      %dma_start3A_386 = arith.constant 0 : i32
      %dma_start3A_387 = tpu.memref_slice %dma_start3A_385[%add3A_370, %dma_start3A_386] : memref<128x64xf32, #tpu.memory_space<vmem>> -> memref<1x64xf32, #tpu.memory_space<vmem>>
      %dma_start3A_388 = arith.constant 0 : i32
      %dma_start3A_389 = tpu.memref_slice %arg4[%squeeze3A_366, %dma_start3A_388] : memref<100000x64xf32, #tpu.memory_space<hbm>> -> memref<1x64xf32, #tpu.memory_space<hbm>>
      tpu.enqueue_dma source(%dma_start3A_389 : memref<1x64xf32, #tpu.memory_space<hbm>>) target(%dma_start3A_387 : memref<1x64xf32, #tpu.memory_space<vmem>>) target_semaphore(%dma_start3A_381 : memref<!tpu.dma_semaphore, #tpu.memory_space<semaphore_mem>>)
      %slice3A_390 = vector.extract_strided_slice %get3A_291 {offsets = [4], sizes = [1], strides = [1]} : vector<16xi32> to vector<1xi32>
      %squeeze3A_391 = vector.extract %slice3A_390[0] : i32 from vector<1xi32>
      %mul3A_392 = arith.constant 16 : i32
      %mul3A_393 = arith.muli %scan3A_284, %mul3A_392 : i32
      %add3A_394 = arith.constant 4 : i32
      %add3A_395 = arith.addi %mul3A_393, %add3A_394 : i32
      %dma_start3A_396 = arith.constant 1 : i32
      %dma_start3A_397 = arith.constant 0 : i32
      %dma_start3A_398 = arith.constant 0 : i32
      %dma_start3A_399 = tpu.memref_slice %arg7[%scan3A_199, %dma_start3A_397, %dma_start3A_398] : memref<2x128x64xf32, #tpu.memory_space<vmem>> -> memref<1x128x64xf32, #tpu.memory_space<vmem>>
      %dma_start3A_400 = tpu.memref_squeeze %dma_start3A_399 : memref<1x128x64xf32, #tpu.memory_space<vmem>> -> memref<128x64xf32, #tpu.memory_space<vmem>>
      %dma_start3A_401 = arith.constant 0 : i32
      %dma_start3A_402 = tpu.memref_slice %dma_start3A_400[%add3A_395, %dma_start3A_401] : memref<128x64xf32, #tpu.memory_space<vmem>> -> memref<1x64xf32, #tpu.memory_space<vmem>>
      %dma_start3A_403 = arith.constant 0 : i32
      %dma_start3A_404 = tpu.memref_slice %arg4[%squeeze3A_391, %dma_start3A_403] : memref<100000x64xf32, #tpu.memory_space<hbm>> -> memref<1x64xf32, #tpu.memory_space<hbm>>
      %dma_start3A_405 = tpu.memref_slice %arg10[%dma_start3A_396] : memref<2x!tpu.dma_semaphore, #tpu.memory_space<semaphore_mem>> -> memref<1x!tpu.dma_semaphore, #tpu.memory_space<semaphore_mem>>
      %dma_start3A_406 = tpu.memref_squeeze %dma_start3A_405 : memref<1x!tpu.dma_semaphore, #tpu.memory_space<semaphore_mem>> -> memref<!tpu.dma_semaphore, #tpu.memory_space<semaphore_mem>>
      %dma_start3A_407 = arith.constant 0 : i32
      %dma_start3A_408 = arith.constant 0 : i32
      %dma_start3A_409 = tpu.memref_slice %arg7[%scan3A_199, %dma_start3A_407, %dma_start3A_408] : memref<2x128x64xf32, #tpu.memory_space<vmem>> -> memref<1x128x64xf32, #tpu.memory_space<vmem>>
      %dma_start3A_410 = tpu.memref_squeeze %dma_start3A_409 : memref<1x128x64xf32, #tpu.memory_space<vmem>> -> memref<128x64xf32, #tpu.memory_space<vmem>>
      %dma_start3A_411 = arith.constant 0 : i32
      %dma_start3A_412 = tpu.memref_slice %dma_start3A_410[%add3A_395, %dma_start3A_411] : memref<128x64xf32, #tpu.memory_space<vmem>> -> memref<1x64xf32, #tpu.memory_space<vmem>>
      %dma_start3A_413 = arith.constant 0 : i32
      %dma_start3A_414 = tpu.memref_slice %arg4[%squeeze3A_391, %dma_start3A_413] : memref<100000x64xf32, #tpu.memory_space<hbm>> -> memref<1x64xf32, #tpu.memory_space<hbm>>
      tpu.enqueue_dma source(%dma_start3A_414 : memref<1x64xf32, #tpu.memory_space<hbm>>) target(%dma_start3A_412 : memref<1x64xf32, #tpu.memory_space<vmem>>) target_semaphore(%dma_start3A_406 : memref<!tpu.dma_semaphore, #tpu.memory_space<semaphore_mem>>)
      %slice3A_415 = vector.extract_strided_slice %get3A_291 {offsets = [5], sizes = [1], strides = [1]} : vector<16xi32> to vector<1xi32>
      %squeeze3A_416 = vector.extract %slice3A_415[0] : i32 from vector<1xi32>
      %mul3A_417 = arith.constant 16 : i32
      %mul3A_418 = arith.muli %scan3A_284, %mul3A_417 : i32
      %add3A_419 = arith.constant 5 : i32
      %add3A_420 = arith.addi %mul3A_418, %add3A_419 : i32
      %dma_start3A_421 = arith.constant 1 : i32
      %dma_start3A_422 = arith.constant 0 : i32
      %dma_start3A_423 = arith.constant 0 : i32
      %dma_start3A_424 = tpu.memref_slice %arg7[%scan3A_199, %dma_start3A_422, %dma_start3A_423] : memref<2x128x64xf32, #tpu.memory_space<vmem>> -> memref<1x128x64xf32, #tpu.memory_space<vmem>>
      %dma_start3A_425 = tpu.memref_squeeze %dma_start3A_424 : memref<1x128x64xf32, #tpu.memory_space<vmem>> -> memref<128x64xf32, #tpu.memory_space<vmem>>
      %dma_start3A_426 = arith.constant 0 : i32
      %dma_start3A_427 = tpu.memref_slice %dma_start3A_425[%add3A_420, %dma_start3A_426] : memref<128x64xf32, #tpu.memory_space<vmem>> -> memref<1x64xf32, #tpu.memory_space<vmem>>
      %dma_start3A_428 = arith.constant 0 : i32
      %dma_start3A_429 = tpu.memref_slice %arg4[%squeeze3A_416, %dma_start3A_428] : memref<100000x64xf32, #tpu.memory_space<hbm>> -> memref<1x64xf32, #tpu.memory_space<hbm>>
      %dma_start3A_430 = tpu.memref_slice %arg10[%dma_start3A_421] : memref<2x!tpu.dma_semaphore, #tpu.memory_space<semaphore_mem>> -> memref<1x!tpu.dma_semaphore, #tpu.memory_space<semaphore_mem>>
      %dma_start3A_431 = tpu.memref_squeeze %dma_start3A_430 : memref<1x!tpu.dma_semaphore, #tpu.memory_space<semaphore_mem>> -> memref<!tpu.dma_semaphore, #tpu.memory_space<semaphore_mem>>
      %dma_start3A_432 = arith.constant 0 : i32
      %dma_start3A_433 = arith.constant 0 : i32
      %dma_start3A_434 = tpu.memref_slice %arg7[%scan3A_199, %dma_start3A_432, %dma_start3A_433] : memref<2x128x64xf32, #tpu.memory_space<vmem>> -> memref<1x128x64xf32, #tpu.memory_space<vmem>>
      %dma_start3A_435 = tpu.memref_squeeze %dma_start3A_434 : memref<1x128x64xf32, #tpu.memory_space<vmem>> -> memref<128x64xf32, #tpu.memory_space<vmem>>
      %dma_start3A_436 = arith.constant 0 : i32
      %dma_start3A_437 = tpu.memref_slice %dma_start3A_435[%add3A_420, %dma_start3A_436] : memref<128x64xf32, #tpu.memory_space<vmem>> -> memref<1x64xf32, #tpu.memory_space<vmem>>
      %dma_start3A_438 = arith.constant 0 : i32
      %dma_start3A_439 = tpu.memref_slice %arg4[%squeeze3A_416, %dma_start3A_438] : memref<100000x64xf32, #tpu.memory_space<hbm>> -> memref<1x64xf32, #tpu.memory_space<hbm>>
      tpu.enqueue_dma source(%dma_start3A_439 : memref<1x64xf32, #tpu.memory_space<hbm>>) target(%dma_start3A_437 : memref<1x64xf32, #tpu.memory_space<vmem>>) target_semaphore(%dma_start3A_431 : memref<!tpu.dma_semaphore, #tpu.memory_space<semaphore_mem>>)
      %slice3A_440 = vector.extract_strided_slice %get3A_291 {offsets = [6], sizes = [1], strides = [1]} : vector<16xi32> to vector<1xi32>
      %squeeze3A_441 = vector.extract %slice3A_440[0] : i32 from vector<1xi32>
      %mul3A_442 = arith.constant 16 : i32
      %mul3A_443 = arith.muli %scan3A_284, %mul3A_442 : i32
      %add3A_444 = arith.constant 6 : i32
      %add3A_445 = arith.addi %mul3A_443, %add3A_444 : i32
      %dma_start3A_446 = arith.constant 1 : i32
      %dma_start3A_447 = arith.constant 0 : i32
      %dma_start3A_448 = arith.constant 0 : i32
      %dma_start3A_449 = tpu.memref_slice %arg7[%scan3A_199, %dma_start3A_447, %dma_start3A_448] : memref<2x128x64xf32, #tpu.memory_space<vmem>> -> memref<1x128x64xf32, #tpu.memory_space<vmem>>
      %dma_start3A_450 = tpu.memref_squeeze %dma_start3A_449 : memref<1x128x64xf32, #tpu.memory_space<vmem>> -> memref<128x64xf32, #tpu.memory_space<vmem>>
      %dma_start3A_451 = arith.constant 0 : i32
      %dma_start3A_452 = tpu.memref_slice %dma_start3A_450[%add3A_445, %dma_start3A_451] : memref<128x64xf32, #tpu.memory_space<vmem>> -> memref<1x64xf32, #tpu.memory_space<vmem>>
      %dma_start3A_453 = arith.constant 0 : i32
      %dma_start3A_454 = tpu.memref_slice %arg4[%squeeze3A_441, %dma_start3A_453] : memref<100000x64xf32, #tpu.memory_space<hbm>> -> memref<1x64xf32, #tpu.memory_space<hbm>>
      %dma_start3A_455 = tpu.memref_slice %arg10[%dma_start3A_446] : memref<2x!tpu.dma_semaphore, #tpu.memory_space<semaphore_mem>> -> memref<1x!tpu.dma_semaphore, #tpu.memory_space<semaphore_mem>>
      %dma_start3A_456 = tpu.memref_squeeze %dma_start3A_455 : memref<1x!tpu.dma_semaphore, #tpu.memory_space<semaphore_mem>> -> memref<!tpu.dma_semaphore, #tpu.memory_space<semaphore_mem>>
      %dma_start3A_457 = arith.constant 0 : i32
      %dma_start3A_458 = arith.constant 0 : i32
      %dma_start3A_459 = tpu.memref_slice %arg7[%scan3A_199, %dma_start3A_457, %dma_start3A_458] : memref<2x128x64xf32, #tpu.memory_space<vmem>> -> memref<1x128x64xf32, #tpu.memory_space<vmem>>
      %dma_start3A_460 = tpu.memref_squeeze %dma_start3A_459 : memref<1x128x64xf32, #tpu.memory_space<vmem>> -> memref<128x64xf32, #tpu.memory_space<vmem>>
      %dma_start3A_461 = arith.constant 0 : i32
      %dma_start3A_462 = tpu.memref_slice %dma_start3A_460[%add3A_445, %dma_start3A_461] : memref<128x64xf32, #tpu.memory_space<vmem>> -> memref<1x64xf32, #tpu.memory_space<vmem>>
      %dma_start3A_463 = arith.constant 0 : i32
      %dma_start3A_464 = tpu.memref_slice %arg4[%squeeze3A_441, %dma_start3A_463] : memref<100000x64xf32, #tpu.memory_space<hbm>> -> memref<1x64xf32, #tpu.memory_space<hbm>>
      tpu.enqueue_dma source(%dma_start3A_464 : memref<1x64xf32, #tpu.memory_space<hbm>>) target(%dma_start3A_462 : memref<1x64xf32, #tpu.memory_space<vmem>>) target_semaphore(%dma_start3A_456 : memref<!tpu.dma_semaphore, #tpu.memory_space<semaphore_mem>>)
      %slice3A_465 = vector.extract_strided_slice %get3A_291 {offsets = [7], sizes = [1], strides = [1]} : vector<16xi32> to vector<1xi32>
      %squeeze3A_466 = vector.extract %slice3A_465[0] : i32 from vector<1xi32>
      %mul3A_467 = arith.constant 16 : i32
      %mul3A_468 = arith.muli %scan3A_284, %mul3A_467 : i32
      %add3A_469 = arith.constant 7 : i32
      %add3A_470 = arith.addi %mul3A_468, %add3A_469 : i32
      %dma_start3A_471 = arith.constant 1 : i32
      %dma_start3A_472 = arith.constant 0 : i32
      %dma_start3A_473 = arith.constant 0 : i32
      %dma_start3A_474 = tpu.memref_slice %arg7[%scan3A_199, %dma_start3A_472, %dma_start3A_473] : memref<2x128x64xf32, #tpu.memory_space<vmem>> -> memref<1x128x64xf32, #tpu.memory_space<vmem>>
      %dma_start3A_475 = tpu.memref_squeeze %dma_start3A_474 : memref<1x128x64xf32, #tpu.memory_space<vmem>> -> memref<128x64xf32, #tpu.memory_space<vmem>>
      %dma_start3A_476 = arith.constant 0 : i32
      %dma_start3A_477 = tpu.memref_slice %dma_start3A_475[%add3A_470, %dma_start3A_476] : memref<128x64xf32, #tpu.memory_space<vmem>> -> memref<1x64xf32, #tpu.memory_space<vmem>>
      %dma_start3A_478 = arith.constant 0 : i32
      %dma_start3A_479 = tpu.memref_slice %arg4[%squeeze3A_466, %dma_start3A_478] : memref<100000x64xf32, #tpu.memory_space<hbm>> -> memref<1x64xf32, #tpu.memory_space<hbm>>
      %dma_start3A_480 = tpu.memref_slice %arg10[%dma_start3A_471] : memref<2x!tpu.dma_semaphore, #tpu.memory_space<semaphore_mem>> -> memref<1x!tpu.dma_semaphore, #tpu.memory_space<semaphore_mem>>
      %dma_start3A_481 = tpu.memref_squeeze %dma_start3A_480 : memref<1x!tpu.dma_semaphore, #tpu.memory_space<semaphore_mem>> -> memref<!tpu.dma_semaphore, #tpu.memory_space<semaphore_mem>>
      %dma_start3A_482 = arith.constant 0 : i32
      %dma_start3A_483 = arith.constant 0 : i32
      %dma_start3A_484 = tpu.memref_slice %arg7[%scan3A_199, %dma_start3A_482, %dma_start3A_483] : memref<2x128x64xf32, #tpu.memory_space<vmem>> -> memref<1x128x64xf32, #tpu.memory_space<vmem>>
      %dma_start3A_485 = tpu.memref_squeeze %dma_start3A_484 : memref<1x128x64xf32, #tpu.memory_space<vmem>> -> memref<128x64xf32, #tpu.memory_space<vmem>>
      %dma_start3A_486 = arith.constant 0 : i32
      %dma_start3A_487 = tpu.memref_slice %dma_start3A_485[%add3A_470, %dma_start3A_486] : memref<128x64xf32, #tpu.memory_space<vmem>> -> memref<1x64xf32, #tpu.memory_space<vmem>>
      %dma_start3A_488 = arith.constant 0 : i32
      %dma_start3A_489 = tpu.memref_slice %arg4[%squeeze3A_466, %dma_start3A_488] : memref<100000x64xf32, #tpu.memory_space<hbm>> -> memref<1x64xf32, #tpu.memory_space<hbm>>
      tpu.enqueue_dma source(%dma_start3A_489 : memref<1x64xf32, #tpu.memory_space<hbm>>) target(%dma_start3A_487 : memref<1x64xf32, #tpu.memory_space<vmem>>) target_semaphore(%dma_start3A_481 : memref<!tpu.dma_semaphore, #tpu.memory_space<semaphore_mem>>)
      %slice3A_490 = vector.extract_strided_slice %get3A_291 {offsets = [8], sizes = [1], strides = [1]} : vector<16xi32> to vector<1xi32>
      %squeeze3A_491 = vector.extract %slice3A_490[0] : i32 from vector<1xi32>
      %mul3A_492 = arith.constant 16 : i32
      %mul3A_493 = arith.muli %scan3A_284, %mul3A_492 : i32
      %add3A_494 = arith.constant 8 : i32
      %add3A_495 = arith.addi %mul3A_493, %add3A_494 : i32
      %dma_start3A_496 = arith.constant 1 : i32
      %dma_start3A_497 = arith.constant 0 : i32
      %dma_start3A_498 = arith.constant 0 : i32
      %dma_start3A_499 = tpu.memref_slice %arg7[%scan3A_199, %dma_start3A_497, %dma_start3A_498] : memref<2x128x64xf32, #tpu.memory_space<vmem>> -> memref<1x128x64xf32, #tpu.memory_space<vmem>>
      %dma_start3A_500 = tpu.memref_squeeze %dma_start3A_499 : memref<1x128x64xf32, #tpu.memory_space<vmem>> -> memref<128x64xf32, #tpu.memory_space<vmem>>
      %dma_start3A_501 = arith.constant 0 : i32
      %dma_start3A_502 = tpu.memref_slice %dma_start3A_500[%add3A_495, %dma_start3A_501] : memref<128x64xf32, #tpu.memory_space<vmem>> -> memref<1x64xf32, #tpu.memory_space<vmem>>
      %dma_start3A_503 = arith.constant 0 : i32
      %dma_start3A_504 = tpu.memref_slice %arg4[%squeeze3A_491, %dma_start3A_503] : memref<100000x64xf32, #tpu.memory_space<hbm>> -> memref<1x64xf32, #tpu.memory_space<hbm>>
      %dma_start3A_505 = tpu.memref_slice %arg10[%dma_start3A_496] : memref<2x!tpu.dma_semaphore, #tpu.memory_space<semaphore_mem>> -> memref<1x!tpu.dma_semaphore, #tpu.memory_space<semaphore_mem>>
      %dma_start3A_506 = tpu.memref_squeeze %dma_start3A_505 : memref<1x!tpu.dma_semaphore, #tpu.memory_space<semaphore_mem>> -> memref<!tpu.dma_semaphore, #tpu.memory_space<semaphore_mem>>
      %dma_start3A_507 = arith.constant 0 : i32
      %dma_start3A_508 = arith.constant 0 : i32
      %dma_start3A_509 = tpu.memref_slice %arg7[%scan3A_199, %dma_start3A_507, %dma_start3A_508] : memref<2x128x64xf32, #tpu.memory_space<vmem>> -> memref<1x128x64xf32, #tpu.memory_space<vmem>>
      %dma_start3A_510 = tpu.memref_squeeze %dma_start3A_509 : memref<1x128x64xf32, #tpu.memory_space<vmem>> -> memref<128x64xf32, #tpu.memory_space<vmem>>
      %dma_start3A_511 = arith.constant 0 : i32
      %dma_start3A_512 = tpu.memref_slice %dma_start3A_510[%add3A_495, %dma_start3A_511] : memref<128x64xf32, #tpu.memory_space<vmem>> -> memref<1x64xf32, #tpu.memory_space<vmem>>
      %dma_start3A_513 = arith.constant 0 : i32
      %dma_start3A_514 = tpu.memref_slice %arg4[%squeeze3A_491, %dma_start3A_513] : memref<100000x64xf32, #tpu.memory_space<hbm>> -> memref<1x64xf32, #tpu.memory_space<hbm>>
      tpu.enqueue_dma source(%dma_start3A_514 : memref<1x64xf32, #tpu.memory_space<hbm>>) target(%dma_start3A_512 : memref<1x64xf32, #tpu.memory_space<vmem>>) target_semaphore(%dma_start3A_506 : memref<!tpu.dma_semaphore, #tpu.memory_space<semaphore_mem>>)
      %slice3A_515 = vector.extract_strided_slice %get3A_291 {offsets = [9], sizes = [1], strides = [1]} : vector<16xi32> to vector<1xi32>
      %squeeze3A_516 = vector.extract %slice3A_515[0] : i32 from vector<1xi32>
      %mul3A_517 = arith.constant 16 : i32
      %mul3A_518 = arith.muli %scan3A_284, %mul3A_517 : i32
      %add3A_519 = arith.constant 9 : i32
      %add3A_520 = arith.addi %mul3A_518, %add3A_519 : i32
      %dma_start3A_521 = arith.constant 1 : i32
      %dma_start3A_522 = arith.constant 0 : i32
      %dma_start3A_523 = arith.constant 0 : i32
      %dma_start3A_524 = tpu.memref_slice %arg7[%scan3A_199, %dma_start3A_522, %dma_start3A_523] : memref<2x128x64xf32, #tpu.memory_space<vmem>> -> memref<1x128x64xf32, #tpu.memory_space<vmem>>
      %dma_start3A_525 = tpu.memref_squeeze %dma_start3A_524 : memref<1x128x64xf32, #tpu.memory_space<vmem>> -> memref<128x64xf32, #tpu.memory_space<vmem>>
      %dma_start3A_526 = arith.constant 0 : i32
      %dma_start3A_527 = tpu.memref_slice %dma_start3A_525[%add3A_520, %dma_start3A_526] : memref<128x64xf32, #tpu.memory_space<vmem>> -> memref<1x64xf32, #tpu.memory_space<vmem>>
      %dma_start3A_528 = arith.constant 0 : i32
      %dma_start3A_529 = tpu.memref_slice %arg4[%squeeze3A_516, %dma_start3A_528] : memref<100000x64xf32, #tpu.memory_space<hbm>> -> memref<1x64xf32, #tpu.memory_space<hbm>>
      %dma_start3A_530 = tpu.memref_slice %arg10[%dma_start3A_521] : memref<2x!tpu.dma_semaphore, #tpu.memory_space<semaphore_mem>> -> memref<1x!tpu.dma_semaphore, #tpu.memory_space<semaphore_mem>>
      %dma_start3A_531 = tpu.memref_squeeze %dma_start3A_530 : memref<1x!tpu.dma_semaphore, #tpu.memory_space<semaphore_mem>> -> memref<!tpu.dma_semaphore, #tpu.memory_space<semaphore_mem>>
      %dma_start3A_532 = arith.constant 0 : i32
      %dma_start3A_533 = arith.constant 0 : i32
      %dma_start3A_534 = tpu.memref_slice %arg7[%scan3A_199, %dma_start3A_532, %dma_start3A_533] : memref<2x128x64xf32, #tpu.memory_space<vmem>> -> memref<1x128x64xf32, #tpu.memory_space<vmem>>
      %dma_start3A_535 = tpu.memref_squeeze %dma_start3A_534 : memref<1x128x64xf32, #tpu.memory_space<vmem>> -> memref<128x64xf32, #tpu.memory_space<vmem>>
      %dma_start3A_536 = arith.constant 0 : i32
      %dma_start3A_537 = tpu.memref_slice %dma_start3A_535[%add3A_520, %dma_start3A_536] : memref<128x64xf32, #tpu.memory_space<vmem>> -> memref<1x64xf32, #tpu.memory_space<vmem>>
      %dma_start3A_538 = arith.constant 0 : i32
      %dma_start3A_539 = tpu.memref_slice %arg4[%squeeze3A_516, %dma_start3A_538] : memref<100000x64xf32, #tpu.memory_space<hbm>> -> memref<1x64xf32, #tpu.memory_space<hbm>>
      tpu.enqueue_dma source(%dma_start3A_539 : memref<1x64xf32, #tpu.memory_space<hbm>>) target(%dma_start3A_537 : memref<1x64xf32, #tpu.memory_space<vmem>>) target_semaphore(%dma_start3A_531 : memref<!tpu.dma_semaphore, #tpu.memory_space<semaphore_mem>>)
      %slice3A_540 = vector.extract_strided_slice %get3A_291 {offsets = [10], sizes = [1], strides = [1]} : vector<16xi32> to vector<1xi32>
      %squeeze3A_541 = vector.extract %slice3A_540[0] : i32 from vector<1xi32>
      %mul3A_542 = arith.constant 16 : i32
      %mul3A_543 = arith.muli %scan3A_284, %mul3A_542 : i32
      %add3A_544 = arith.constant 10 : i32
      %add3A_545 = arith.addi %mul3A_543, %add3A_544 : i32
      %dma_start3A_546 = arith.constant 1 : i32
      %dma_start3A_547 = arith.constant 0 : i32
      %dma_start3A_548 = arith.constant 0 : i32
      %dma_start3A_549 = tpu.memref_slice %arg7[%scan3A_199, %dma_start3A_547, %dma_start3A_548] : memref<2x128x64xf32, #tpu.memory_space<vmem>> -> memref<1x128x64xf32, #tpu.memory_space<vmem>>
      %dma_start3A_550 = tpu.memref_squeeze %dma_start3A_549 : memref<1x128x64xf32, #tpu.memory_space<vmem>> -> memref<128x64xf32, #tpu.memory_space<vmem>>
      %dma_start3A_551 = arith.constant 0 : i32
      %dma_start3A_552 = tpu.memref_slice %dma_start3A_550[%add3A_545, %dma_start3A_551] : memref<128x64xf32, #tpu.memory_space<vmem>> -> memref<1x64xf32, #tpu.memory_space<vmem>>
      %dma_start3A_553 = arith.constant 0 : i32
      %dma_start3A_554 = tpu.memref_slice %arg4[%squeeze3A_541, %dma_start3A_553] : memref<100000x64xf32, #tpu.memory_space<hbm>> -> memref<1x64xf32, #tpu.memory_space<hbm>>
      %dma_start3A_555 = tpu.memref_slice %arg10[%dma_start3A_546] : memref<2x!tpu.dma_semaphore, #tpu.memory_space<semaphore_mem>> -> memref<1x!tpu.dma_semaphore, #tpu.memory_space<semaphore_mem>>
      %dma_start3A_556 = tpu.memref_squeeze %dma_start3A_555 : memref<1x!tpu.dma_semaphore, #tpu.memory_space<semaphore_mem>> -> memref<!tpu.dma_semaphore, #tpu.memory_space<semaphore_mem>>
      %dma_start3A_557 = arith.constant 0 : i32
      %dma_start3A_558 = arith.constant 0 : i32
      %dma_start3A_559 = tpu.memref_slice %arg7[%scan3A_199, %dma_start3A_557, %dma_start3A_558] : memref<2x128x64xf32, #tpu.memory_space<vmem>> -> memref<1x128x64xf32, #tpu.memory_space<vmem>>
      %dma_start3A_560 = tpu.memref_squeeze %dma_start3A_559 : memref<1x128x64xf32, #tpu.memory_space<vmem>> -> memref<128x64xf32, #tpu.memory_space<vmem>>
      %dma_start3A_561 = arith.constant 0 : i32
      %dma_start3A_562 = tpu.memref_slice %dma_start3A_560[%add3A_545, %dma_start3A_561] : memref<128x64xf32, #tpu.memory_space<vmem>> -> memref<1x64xf32, #tpu.memory_space<vmem>>
      %dma_start3A_563 = arith.constant 0 : i32
      %dma_start3A_564 = tpu.memref_slice %arg4[%squeeze3A_541, %dma_start3A_563] : memref<100000x64xf32, #tpu.memory_space<hbm>> -> memref<1x64xf32, #tpu.memory_space<hbm>>
      tpu.enqueue_dma source(%dma_start3A_564 : memref<1x64xf32, #tpu.memory_space<hbm>>) target(%dma_start3A_562 : memref<1x64xf32, #tpu.memory_space<vmem>>) target_semaphore(%dma_start3A_556 : memref<!tpu.dma_semaphore, #tpu.memory_space<semaphore_mem>>)
      %slice3A_565 = vector.extract_strided_slice %get3A_291 {offsets = [11], sizes = [1], strides = [1]} : vector<16xi32> to vector<1xi32>
      %squeeze3A_566 = vector.extract %slice3A_565[0] : i32 from vector<1xi32>
      %mul3A_567 = arith.constant 16 : i32
      %mul3A_568 = arith.muli %scan3A_284, %mul3A_567 : i32
      %add3A_569 = arith.constant 11 : i32
      %add3A_570 = arith.addi %mul3A_568, %add3A_569 : i32
      %dma_start3A_571 = arith.constant 1 : i32
      %dma_start3A_572 = arith.constant 0 : i32
      %dma_start3A_573 = arith.constant 0 : i32
      %dma_start3A_574 = tpu.memref_slice %arg7[%scan3A_199, %dma_start3A_572, %dma_start3A_573] : memref<2x128x64xf32, #tpu.memory_space<vmem>> -> memref<1x128x64xf32, #tpu.memory_space<vmem>>
      %dma_start3A_575 = tpu.memref_squeeze %dma_start3A_574 : memref<1x128x64xf32, #tpu.memory_space<vmem>> -> memref<128x64xf32, #tpu.memory_space<vmem>>
      %dma_start3A_576 = arith.constant 0 : i32
      %dma_start3A_577 = tpu.memref_slice %dma_start3A_575[%add3A_570, %dma_start3A_576] : memref<128x64xf32, #tpu.memory_space<vmem>> -> memref<1x64xf32, #tpu.memory_space<vmem>>
      %dma_start3A_578 = arith.constant 0 : i32
      %dma_start3A_579 = tpu.memref_slice %arg4[%squeeze3A_566, %dma_start3A_578] : memref<100000x64xf32, #tpu.memory_space<hbm>> -> memref<1x64xf32, #tpu.memory_space<hbm>>
      %dma_start3A_580 = tpu.memref_slice %arg10[%dma_start3A_571] : memref<2x!tpu.dma_semaphore, #tpu.memory_space<semaphore_mem>> -> memref<1x!tpu.dma_semaphore, #tpu.memory_space<semaphore_mem>>
      %dma_start3A_581 = tpu.memref_squeeze %dma_start3A_580 : memref<1x!tpu.dma_semaphore, #tpu.memory_space<semaphore_mem>> -> memref<!tpu.dma_semaphore, #tpu.memory_space<semaphore_mem>>
      %dma_start3A_582 = arith.constant 0 : i32
      %dma_start3A_583 = arith.constant 0 : i32
      %dma_start3A_584 = tpu.memref_slice %arg7[%scan3A_199, %dma_start3A_582, %dma_start3A_583] : memref<2x128x64xf32, #tpu.memory_space<vmem>> -> memref<1x128x64xf32, #tpu.memory_space<vmem>>
      %dma_start3A_585 = tpu.memref_squeeze %dma_start3A_584 : memref<1x128x64xf32, #tpu.memory_space<vmem>> -> memref<128x64xf32, #tpu.memory_space<vmem>>
      %dma_start3A_586 = arith.constant 0 : i32
      %dma_start3A_587 = tpu.memref_slice %dma_start3A_585[%add3A_570, %dma_start3A_586] : memref<128x64xf32, #tpu.memory_space<vmem>> -> memref<1x64xf32, #tpu.memory_space<vmem>>
      %dma_start3A_588 = arith.constant 0 : i32
      %dma_start3A_589 = tpu.memref_slice %arg4[%squeeze3A_566, %dma_start3A_588] : memref<100000x64xf32, #tpu.memory_space<hbm>> -> memref<1x64xf32, #tpu.memory_space<hbm>>
      tpu.enqueue_dma source(%dma_start3A_589 : memref<1x64xf32, #tpu.memory_space<hbm>>) target(%dma_start3A_587 : memref<1x64xf32, #tpu.memory_space<vmem>>) target_semaphore(%dma_start3A_581 : memref<!tpu.dma_semaphore, #tpu.memory_space<semaphore_mem>>)
      %slice3A_590 = vector.extract_strided_slice %get3A_291 {offsets = [12], sizes = [1], strides = [1]} : vector<16xi32> to vector<1xi32>
      %squeeze3A_591 = vector.extract %slice3A_590[0] : i32 from vector<1xi32>
      %mul3A_592 = arith.constant 16 : i32
      %mul3A_593 = arith.muli %scan3A_284, %mul3A_592 : i32
      %add3A_594 = arith.constant 12 : i32
      %add3A_595 = arith.addi %mul3A_593, %add3A_594 : i32
      %dma_start3A_596 = arith.constant 1 : i32
      %dma_start3A_597 = arith.constant 0 : i32
      %dma_start3A_598 = arith.constant 0 : i32
      %dma_start3A_599 = tpu.memref_slice %arg7[%scan3A_199, %dma_start3A_597, %dma_start3A_598] : memref<2x128x64xf32, #tpu.memory_space<vmem>> -> memref<1x128x64xf32, #tpu.memory_space<vmem>>
      %dma_start3A_600 = tpu.memref_squeeze %dma_start3A_599 : memref<1x128x64xf32, #tpu.memory_space<vmem>> -> memref<128x64xf32, #tpu.memory_space<vmem>>
      %dma_start3A_601 = arith.constant 0 : i32
      %dma_start3A_602 = tpu.memref_slice %dma_start3A_600[%add3A_595, %dma_start3A_601] : memref<128x64xf32, #tpu.memory_space<vmem>> -> memref<1x64xf32, #tpu.memory_space<vmem>>
      %dma_start3A_603 = arith.constant 0 : i32
      %dma_start3A_604 = tpu.memref_slice %arg4[%squeeze3A_591, %dma_start3A_603] : memref<100000x64xf32, #tpu.memory_space<hbm>> -> memref<1x64xf32, #tpu.memory_space<hbm>>
      %dma_start3A_605 = tpu.memref_slice %arg10[%dma_start3A_596] : memref<2x!tpu.dma_semaphore, #tpu.memory_space<semaphore_mem>> -> memref<1x!tpu.dma_semaphore, #tpu.memory_space<semaphore_mem>>
      %dma_start3A_606 = tpu.memref_squeeze %dma_start3A_605 : memref<1x!tpu.dma_semaphore, #tpu.memory_space<semaphore_mem>> -> memref<!tpu.dma_semaphore, #tpu.memory_space<semaphore_mem>>
      %dma_start3A_607 = arith.constant 0 : i32
      %dma_start3A_608 = arith.constant 0 : i32
      %dma_start3A_609 = tpu.memref_slice %arg7[%scan3A_199, %dma_start3A_607, %dma_start3A_608] : memref<2x128x64xf32, #tpu.memory_space<vmem>> -> memref<1x128x64xf32, #tpu.memory_space<vmem>>
      %dma_start3A_610 = tpu.memref_squeeze %dma_start3A_609 : memref<1x128x64xf32, #tpu.memory_space<vmem>> -> memref<128x64xf32, #tpu.memory_space<vmem>>
      %dma_start3A_611 = arith.constant 0 : i32
      %dma_start3A_612 = tpu.memref_slice %dma_start3A_610[%add3A_595, %dma_start3A_611] : memref<128x64xf32, #tpu.memory_space<vmem>> -> memref<1x64xf32, #tpu.memory_space<vmem>>
      %dma_start3A_613 = arith.constant 0 : i32
      %dma_start3A_614 = tpu.memref_slice %arg4[%squeeze3A_591, %dma_start3A_613] : memref<100000x64xf32, #tpu.memory_space<hbm>> -> memref<1x64xf32, #tpu.memory_space<hbm>>
      tpu.enqueue_dma source(%dma_start3A_614 : memref<1x64xf32, #tpu.memory_space<hbm>>) target(%dma_start3A_612 : memref<1x64xf32, #tpu.memory_space<vmem>>) target_semaphore(%dma_start3A_606 : memref<!tpu.dma_semaphore, #tpu.memory_space<semaphore_mem>>)
      %slice3A_615 = vector.extract_strided_slice %get3A_291 {offsets = [13], sizes = [1], strides = [1]} : vector<16xi32> to vector<1xi32>
      %squeeze3A_616 = vector.extract %slice3A_615[0] : i32 from vector<1xi32>
      %mul3A_617 = arith.constant 16 : i32
      %mul3A_618 = arith.muli %scan3A_284, %mul3A_617 : i32
      %add3A_619 = arith.constant 13 : i32
      %add3A_620 = arith.addi %mul3A_618, %add3A_619 : i32
      %dma_start3A_621 = arith.constant 1 : i32
      %dma_start3A_622 = arith.constant 0 : i32
      %dma_start3A_623 = arith.constant 0 : i32
      %dma_start3A_624 = tpu.memref_slice %arg7[%scan3A_199, %dma_start3A_622, %dma_start3A_623] : memref<2x128x64xf32, #tpu.memory_space<vmem>> -> memref<1x128x64xf32, #tpu.memory_space<vmem>>
      %dma_start3A_625 = tpu.memref_squeeze %dma_start3A_624 : memref<1x128x64xf32, #tpu.memory_space<vmem>> -> memref<128x64xf32, #tpu.memory_space<vmem>>
      %dma_start3A_626 = arith.constant 0 : i32
      %dma_start3A_627 = tpu.memref_slice %dma_start3A_625[%add3A_620, %dma_start3A_626] : memref<128x64xf32, #tpu.memory_space<vmem>> -> memref<1x64xf32, #tpu.memory_space<vmem>>
      %dma_start3A_628 = arith.constant 0 : i32
      %dma_start3A_629 = tpu.memref_slice %arg4[%squeeze3A_616, %dma_start3A_628] : memref<100000x64xf32, #tpu.memory_space<hbm>> -> memref<1x64xf32, #tpu.memory_space<hbm>>
      %dma_start3A_630 = tpu.memref_slice %arg10[%dma_start3A_621] : memref<2x!tpu.dma_semaphore, #tpu.memory_space<semaphore_mem>> -> memref<1x!tpu.dma_semaphore, #tpu.memory_space<semaphore_mem>>
      %dma_start3A_631 = tpu.memref_squeeze %dma_start3A_630 : memref<1x!tpu.dma_semaphore, #tpu.memory_space<semaphore_mem>> -> memref<!tpu.dma_semaphore, #tpu.memory_space<semaphore_mem>>
      %dma_start3A_632 = arith.constant 0 : i32
      %dma_start3A_633 = arith.constant 0 : i32
      %dma_start3A_634 = tpu.memref_slice %arg7[%scan3A_199, %dma_start3A_632, %dma_start3A_633] : memref<2x128x64xf32, #tpu.memory_space<vmem>> -> memref<1x128x64xf32, #tpu.memory_space<vmem>>
      %dma_start3A_635 = tpu.memref_squeeze %dma_start3A_634 : memref<1x128x64xf32, #tpu.memory_space<vmem>> -> memref<128x64xf32, #tpu.memory_space<vmem>>
      %dma_start3A_636 = arith.constant 0 : i32
      %dma_start3A_637 = tpu.memref_slice %dma_start3A_635[%add3A_620, %dma_start3A_636] : memref<128x64xf32, #tpu.memory_space<vmem>> -> memref<1x64xf32, #tpu.memory_space<vmem>>
      %dma_start3A_638 = arith.constant 0 : i32
      %dma_start3A_639 = tpu.memref_slice %arg4[%squeeze3A_616, %dma_start3A_638] : memref<100000x64xf32, #tpu.memory_space<hbm>> -> memref<1x64xf32, #tpu.memory_space<hbm>>
      tpu.enqueue_dma source(%dma_start3A_639 : memref<1x64xf32, #tpu.memory_space<hbm>>) target(%dma_start3A_637 : memref<1x64xf32, #tpu.memory_space<vmem>>) target_semaphore(%dma_start3A_631 : memref<!tpu.dma_semaphore, #tpu.memory_space<semaphore_mem>>)
      %slice3A_640 = vector.extract_strided_slice %get3A_291 {offsets = [14], sizes = [1], strides = [1]} : vector<16xi32> to vector<1xi32>
      %squeeze3A_641 = vector.extract %slice3A_640[0] : i32 from vector<1xi32>
      %mul3A_642 = arith.constant 16 : i32
      %mul3A_643 = arith.muli %scan3A_284, %mul3A_642 : i32
      %add3A_644 = arith.constant 14 : i32
      %add3A_645 = arith.addi %mul3A_643, %add3A_644 : i32
      %dma_start3A_646 = arith.constant 1 : i32
      %dma_start3A_647 = arith.constant 0 : i32
      %dma_start3A_648 = arith.constant 0 : i32
      %dma_start3A_649 = tpu.memref_slice %arg7[%scan3A_199, %dma_start3A_647, %dma_start3A_648] : memref<2x128x64xf32, #tpu.memory_space<vmem>> -> memref<1x128x64xf32, #tpu.memory_space<vmem>>
      %dma_start3A_650 = tpu.memref_squeeze %dma_start3A_649 : memref<1x128x64xf32, #tpu.memory_space<vmem>> -> memref<128x64xf32, #tpu.memory_space<vmem>>
      %dma_start3A_651 = arith.constant 0 : i32
      %dma_start3A_652 = tpu.memref_slice %dma_start3A_650[%add3A_645, %dma_start3A_651] : memref<128x64xf32, #tpu.memory_space<vmem>> -> memref<1x64xf32, #tpu.memory_space<vmem>>
      %dma_start3A_653 = arith.constant 0 : i32
      %dma_start3A_654 = tpu.memref_slice %arg4[%squeeze3A_641, %dma_start3A_653] : memref<100000x64xf32, #tpu.memory_space<hbm>> -> memref<1x64xf32, #tpu.memory_space<hbm>>
      %dma_start3A_655 = tpu.memref_slice %arg10[%dma_start3A_646] : memref<2x!tpu.dma_semaphore, #tpu.memory_space<semaphore_mem>> -> memref<1x!tpu.dma_semaphore, #tpu.memory_space<semaphore_mem>>
      %dma_start3A_656 = tpu.memref_squeeze %dma_start3A_655 : memref<1x!tpu.dma_semaphore, #tpu.memory_space<semaphore_mem>> -> memref<!tpu.dma_semaphore, #tpu.memory_space<semaphore_mem>>
      %dma_start3A_657 = arith.constant 0 : i32
      %dma_start3A_658 = arith.constant 0 : i32
      %dma_start3A_659 = tpu.memref_slice %arg7[%scan3A_199, %dma_start3A_657, %dma_start3A_658] : memref<2x128x64xf32, #tpu.memory_space<vmem>> -> memref<1x128x64xf32, #tpu.memory_space<vmem>>
      %dma_start3A_660 = tpu.memref_squeeze %dma_start3A_659 : memref<1x128x64xf32, #tpu.memory_space<vmem>> -> memref<128x64xf32, #tpu.memory_space<vmem>>
      %dma_start3A_661 = arith.constant 0 : i32
      %dma_start3A_662 = tpu.memref_slice %dma_start3A_660[%add3A_645, %dma_start3A_661] : memref<128x64xf32, #tpu.memory_space<vmem>> -> memref<1x64xf32, #tpu.memory_space<vmem>>
      %dma_start3A_663 = arith.constant 0 : i32
      %dma_start3A_664 = tpu.memref_slice %arg4[%squeeze3A_641, %dma_start3A_663] : memref<100000x64xf32, #tpu.memory_space<hbm>> -> memref<1x64xf32, #tpu.memory_space<hbm>>
      tpu.enqueue_dma source(%dma_start3A_664 : memref<1x64xf32, #tpu.memory_space<hbm>>) target(%dma_start3A_662 : memref<1x64xf32, #tpu.memory_space<vmem>>) target_semaphore(%dma_start3A_656 : memref<!tpu.dma_semaphore, #tpu.memory_space<semaphore_mem>>)
      %slice3A_665 = vector.extract_strided_slice %get3A_291 {offsets = [15], sizes = [1], strides = [1]} : vector<16xi32> to vector<1xi32>
      %squeeze3A_666 = vector.extract %slice3A_665[0] : i32 from vector<1xi32>
      %mul3A_667 = arith.constant 16 : i32
      %mul3A_668 = arith.muli %scan3A_284, %mul3A_667 : i32
      %add3A_669 = arith.constant 15 : i32
      %add3A_670 = arith.addi %mul3A_668, %add3A_669 : i32
      %dma_start3A_671 = arith.constant 1 : i32
      %dma_start3A_672 = arith.constant 0 : i32
      %dma_start3A_673 = arith.constant 0 : i32
      %dma_start3A_674 = tpu.memref_slice %arg7[%scan3A_199, %dma_start3A_672, %dma_start3A_673] : memref<2x128x64xf32, #tpu.memory_space<vmem>> -> memref<1x128x64xf32, #tpu.memory_space<vmem>>
      %dma_start3A_675 = tpu.memref_squeeze %dma_start3A_674 : memref<1x128x64xf32, #tpu.memory_space<vmem>> -> memref<128x64xf32, #tpu.memory_space<vmem>>
      %dma_start3A_676 = arith.constant 0 : i32
      %dma_start3A_677 = tpu.memref_slice %dma_start3A_675[%add3A_670, %dma_start3A_676] : memref<128x64xf32, #tpu.memory_space<vmem>> -> memref<1x64xf32, #tpu.memory_space<vmem>>
      %dma_start3A_678 = arith.constant 0 : i32
      %dma_start3A_679 = tpu.memref_slice %arg4[%squeeze3A_666, %dma_start3A_678] : memref<100000x64xf32, #tpu.memory_space<hbm>> -> memref<1x64xf32, #tpu.memory_space<hbm>>
      %dma_start3A_680 = tpu.memref_slice %arg10[%dma_start3A_671] : memref<2x!tpu.dma_semaphore, #tpu.memory_space<semaphore_mem>> -> memref<1x!tpu.dma_semaphore, #tpu.memory_space<semaphore_mem>>
      %dma_start3A_681 = tpu.memref_squeeze %dma_start3A_680 : memref<1x!tpu.dma_semaphore, #tpu.memory_space<semaphore_mem>> -> memref<!tpu.dma_semaphore, #tpu.memory_space<semaphore_mem>>
      %dma_start3A_682 = arith.constant 0 : i32
      %dma_start3A_683 = arith.constant 0 : i32
      %dma_start3A_684 = tpu.memref_slice %arg7[%scan3A_199, %dma_start3A_682, %dma_start3A_683] : memref<2x128x64xf32, #tpu.memory_space<vmem>> -> memref<1x128x64xf32, #tpu.memory_space<vmem>>
      %dma_start3A_685 = tpu.memref_squeeze %dma_start3A_684 : memref<1x128x64xf32, #tpu.memory_space<vmem>> -> memref<128x64xf32, #tpu.memory_space<vmem>>
      %dma_start3A_686 = arith.constant 0 : i32
      %dma_start3A_687 = tpu.memref_slice %dma_start3A_685[%add3A_670, %dma_start3A_686] : memref<128x64xf32, #tpu.memory_space<vmem>> -> memref<1x64xf32, #tpu.memory_space<vmem>>
      %dma_start3A_688 = arith.constant 0 : i32
      %dma_start3A_689 = tpu.memref_slice %arg4[%squeeze3A_666, %dma_start3A_688] : memref<100000x64xf32, #tpu.memory_space<hbm>> -> memref<1x64xf32, #tpu.memory_space<hbm>>
      tpu.enqueue_dma source(%dma_start3A_689 : memref<1x64xf32, #tpu.memory_space<hbm>>) target(%dma_start3A_687 : memref<1x64xf32, #tpu.memory_space<vmem>>) target_semaphore(%dma_start3A_681 : memref<!tpu.dma_semaphore, #tpu.memory_space<semaphore_mem>>)
      %scan3A_690 = arith.constant 0 : i32
      scf.yield %scan3A_690 : i32
    }
    %scan3A_206 = arith.constant 8 : i32
    %add3A_207 = arith.constant 384 : i32
    %add3A_208 = arith.addi %mul3A_2, %add3A_207 : i32
    %dma_start3A_209 = arith.constant 1 : i32
    %dma_start3A_210 = arith.constant 1 : i32
    %dma_start3A_211 = arith.constant 0 : i32
    %dma_start3A_212 = arith.constant 0 : i32
    %dma_start3A_213 = tpu.memref_slice %arg8[%dma_start3A_209, %dma_start3A_211, %dma_start3A_212] : memref<2x128x64xf32, #tpu.memory_space<vmem>> -> memref<1x128x64xf32, #tpu.memory_space<vmem>>
    %dma_start3A_214 = tpu.memref_squeeze %dma_start3A_213 : memref<1x128x64xf32, #tpu.memory_space<vmem>> -> memref<128x64xf32, #tpu.memory_space<vmem>>
    %dma_start3A_215 = arith.constant 0 : i32
    %dma_start3A_216 = tpu.memref_slice %arg2[%add3A_208, %dma_start3A_215] : memref<16384x64xf32, #tpu.memory_space<hbm>> -> memref<128x64xf32, #tpu.memory_space<hbm>>
    %dma_start3A_217 = tpu.memref_slice %arg11[%dma_start3A_210] : memref<2x!tpu.dma_semaphore, #tpu.memory_space<semaphore_mem>> -> memref<1x!tpu.dma_semaphore, #tpu.memory_space<semaphore_mem>>
    %dma_start3A_218 = tpu.memref_squeeze %dma_start3A_217 : memref<1x!tpu.dma_semaphore, #tpu.memory_space<semaphore_mem>> -> memref<!tpu.dma_semaphore, #tpu.memory_space<semaphore_mem>>
    %dma_start3A_219 = arith.constant 0 : i32
    %dma_start3A_220 = arith.constant 0 : i32
    %dma_start3A_221 = tpu.memref_slice %arg8[%dma_start3A_209, %dma_start3A_219, %dma_start3A_220] : memref<2x128x64xf32, #tpu.memory_space<vmem>> -> memref<1x128x64xf32, #tpu.memory_space<vmem>>
    %dma_start3A_222 = tpu.memref_squeeze %dma_start3A_221 : memref<1x128x64xf32, #tpu.memory_space<vmem>> -> memref<128x64xf32, #tpu.memory_space<vmem>>
    %dma_start3A_223 = arith.constant 0 : i32
    %dma_start3A_224 = tpu.memref_slice %arg2[%add3A_208, %dma_start3A_223] : memref<16384x64xf32, #tpu.memory_space<hbm>> -> memref<128x64xf32, #tpu.memory_space<hbm>>
    tpu.enqueue_dma source(%dma_start3A_224 : memref<128x64xf32, #tpu.memory_space<hbm>>) target(%dma_start3A_222 : memref<128x64xf32, #tpu.memory_space<vmem>>) target_semaphore(%dma_start3A_218 : memref<!tpu.dma_semaphore, #tpu.memory_space<semaphore_mem>>)
    %scan3A_225 = arith.constant 0 : i32
    %scan3A_226 = arith.constant 0 : i32
    %scan3A_227 = arith.constant 0 : i32
    %scan3A_228 = arith.constant 128 : i32
    %scan3A_229 = arith.addi %scan3A_227, %scan3A_228 : i32
    %scan3A_230 = arith.constant 1 : i32
    %scan3A_231:4 = scf.for %scan3A_284 = %scan3A_227 to %scan3A_229 step %scan3A_230 iter_args(%scan3A_285 = %scan3A_163#0, %scan3A_286 = %scan3A_163#1, %scan3A_287 = %scan3A_163#2, %scan3A_288 = %scan3A_163#3) -> (vector<16xf32>, vector<16xf32>, vector<16xf32>, vector<16xf32>)  : i32 {
      %get3A = arith.constant 0 : i32
      %get3A_289 = arith.constant 0 : i32
      %get3A_290 = tpu.memref_slice %arg8[%scan3A_225, %get3A, %get3A_289] : memref<2x128x64xf32, #tpu.memory_space<vmem>> -> memref<1x128x64xf32, #tpu.memory_space<vmem>>
      %get3A_291 = tpu.memref_squeeze %get3A_290 : memref<1x128x64xf32, #tpu.memory_space<vmem>> -> memref<128x64xf32, #tpu.memory_space<vmem>>
      %get3A_292 = arith.index_cast %scan3A_284 : i32 to index
      %get3A_293 = arith.constant 0 : index
      %get3A_294 = tpu.vector_load %get3A_291[%get3A_292, %get3A_293] {strides = array<i32>} : memref<128x64xf32, #tpu.memory_space<vmem>>, vector<1x16xf32>,
      %get3A_295 = vector.shape_cast %get3A_294 : vector<1x16xf32> to vector<16xf32>
      %get3A_296 = arith.constant 0 : i32
      %get3A_297 = arith.constant 0 : i32
      %get3A_298 = tpu.memref_slice %arg7[%scan3A_226, %get3A_296, %get3A_297] : memref<2x128x64xf32, #tpu.memory_space<vmem>> -> memref<1x128x64xf32, #tpu.memory_space<vmem>>
      %get3A_299 = tpu.memref_squeeze %get3A_298 : memref<1x128x64xf32, #tpu.memory_space<vmem>> -> memref<128x64xf32, #tpu.memory_space<vmem>>
      %get3A_300 = arith.index_cast %scan3A_284 : i32 to index
      %get3A_301 = arith.constant 0 : index
      %get3A_302 = tpu.vector_load %get3A_299[%get3A_300, %get3A_301] {strides = array<i32>} : memref<128x64xf32, #tpu.memory_space<vmem>>, vector<1x16xf32>,
      %get3A_303 = vector.shape_cast %get3A_302 : vector<1x16xf32> to vector<16xf32>
      %sub3A = arith.subf %get3A_295, %get3A_303 : vector<16xf32>
      %mul3A_304 = arith.mulf %sub3A, %sub3A : vector<16xf32>
      %add3A_305 = arith.addf %scan3A_285, %mul3A_304 : vector<16xf32>
      %get3A_306 = arith.constant 0 : i32
      %get3A_307 = arith.constant 0 : i32
      %get3A_308 = tpu.memref_slice %arg8[%scan3A_225, %get3A_306, %get3A_307] : memref<2x128x64xf32, #tpu.memory_space<vmem>> -> memref<1x128x64xf32, #tpu.memory_space<vmem>>
      %get3A_309 = tpu.memref_squeeze %get3A_308 : memref<1x128x64xf32, #tpu.memory_space<vmem>> -> memref<128x64xf32, #tpu.memory_space<vmem>>
      %get3A_310 = arith.index_cast %scan3A_284 : i32 to index
      %get3A_311 = arith.constant 16 : index
      %get3A_312 = tpu.vector_load %get3A_309[%get3A_310, %get3A_311] {strides = array<i32>} : memref<128x64xf32, #tpu.memory_space<vmem>>, vector<1x16xf32>,
      %get3A_313 = vector.shape_cast %get3A_312 : vector<1x16xf32> to vector<16xf32>
      %get3A_314 = arith.constant 0 : i32
      %get3A_315 = arith.constant 0 : i32
      %get3A_316 = tpu.memref_slice %arg7[%scan3A_226, %get3A_314, %get3A_315] : memref<2x128x64xf32, #tpu.memory_space<vmem>> -> memref<1x128x64xf32, #tpu.memory_space<vmem>>
      %get3A_317 = tpu.memref_squeeze %get3A_316 : memref<1x128x64xf32, #tpu.memory_space<vmem>> -> memref<128x64xf32, #tpu.memory_space<vmem>>
      %get3A_318 = arith.index_cast %scan3A_284 : i32 to index
      %get3A_319 = arith.constant 16 : index
      %get3A_320 = tpu.vector_load %get3A_317[%get3A_318, %get3A_319] {strides = array<i32>} : memref<128x64xf32, #tpu.memory_space<vmem>>, vector<1x16xf32>,
      %get3A_321 = vector.shape_cast %get3A_320 : vector<1x16xf32> to vector<16xf32>
      %sub3A_322 = arith.subf %get3A_313, %get3A_321 : vector<16xf32>
      %mul3A_323 = arith.mulf %sub3A_322, %sub3A_322 : vector<16xf32>
      %add3A_324 = arith.addf %scan3A_286, %mul3A_323 : vector<16xf32>
      %get3A_325 = arith.constant 0 : i32
      %get3A_326 = arith.constant 0 : i32
      %get3A_327 = tpu.memref_slice %arg8[%scan3A_225, %get3A_325, %get3A_326] : memref<2x128x64xf32, #tpu.memory_space<vmem>> -> memref<1x128x64xf32, #tpu.memory_space<vmem>>
      %get3A_328 = tpu.memref_squeeze %get3A_327 : memref<1x128x64xf32, #tpu.memory_space<vmem>> -> memref<128x64xf32, #tpu.memory_space<vmem>>
      %get3A_329 = arith.index_cast %scan3A_284 : i32 to index
      %get3A_330 = arith.constant 32 : index
      %get3A_331 = tpu.vector_load %get3A_328[%get3A_329, %get3A_330] {strides = array<i32>} : memref<128x64xf32, #tpu.memory_space<vmem>>, vector<1x16xf32>,
      %get3A_332 = vector.shape_cast %get3A_331 : vector<1x16xf32> to vector<16xf32>
      %get3A_333 = arith.constant 0 : i32
      %get3A_334 = arith.constant 0 : i32
      %get3A_335 = tpu.memref_slice %arg7[%scan3A_226, %get3A_333, %get3A_334] : memref<2x128x64xf32, #tpu.memory_space<vmem>> -> memref<1x128x64xf32, #tpu.memory_space<vmem>>
      %get3A_336 = tpu.memref_squeeze %get3A_335 : memref<1x128x64xf32, #tpu.memory_space<vmem>> -> memref<128x64xf32, #tpu.memory_space<vmem>>
      %get3A_337 = arith.index_cast %scan3A_284 : i32 to index
      %get3A_338 = arith.constant 32 : index
      %get3A_339 = tpu.vector_load %get3A_336[%get3A_337, %get3A_338] {strides = array<i32>} : memref<128x64xf32, #tpu.memory_space<vmem>>, vector<1x16xf32>,
      %get3A_340 = vector.shape_cast %get3A_339 : vector<1x16xf32> to vector<16xf32>
      %sub3A_341 = arith.subf %get3A_332, %get3A_340 : vector<16xf32>
      %mul3A_342 = arith.mulf %sub3A_341, %sub3A_341 : vector<16xf32>
      %add3A_343 = arith.addf %scan3A_287, %mul3A_342 : vector<16xf32>
      %get3A_344 = arith.constant 0 : i32
      %get3A_345 = arith.constant 0 : i32
      %get3A_346 = tpu.memref_slice %arg8[%scan3A_225, %get3A_344, %get3A_345] : memref<2x128x64xf32, #tpu.memory_space<vmem>> -> memref<1x128x64xf32, #tpu.memory_space<vmem>>
      %get3A_347 = tpu.memref_squeeze %get3A_346 : memref<1x128x64xf32, #tpu.memory_space<vmem>> -> memref<128x64xf32, #tpu.memory_space<vmem>>
      %get3A_348 = arith.index_cast %scan3A_284 : i32 to index
      %get3A_349 = arith.constant 48 : index
      %get3A_350 = tpu.vector_load %get3A_347[%get3A_348, %get3A_349] {strides = array<i32>} : memref<128x64xf32, #tpu.memory_space<vmem>>, vector<1x16xf32>,
      %get3A_351 = vector.shape_cast %get3A_350 : vector<1x16xf32> to vector<16xf32>
      %get3A_352 = arith.constant 0 : i32
      %get3A_353 = arith.constant 0 : i32
      %get3A_354 = tpu.memref_slice %arg7[%scan3A_226, %get3A_352, %get3A_353] : memref<2x128x64xf32, #tpu.memory_space<vmem>> -> memref<1x128x64xf32, #tpu.memory_space<vmem>>
      %get3A_355 = tpu.memref_squeeze %get3A_354 : memref<1x128x64xf32, #tpu.memory_space<vmem>> -> memref<128x64xf32, #tpu.memory_space<vmem>>
      %get3A_356 = arith.index_cast %scan3A_284 : i32 to index
      %get3A_357 = arith.constant 48 : index
      %get3A_358 = tpu.vector_load %get3A_355[%get3A_356, %get3A_357] {strides = array<i32>} : memref<128x64xf32, #tpu.memory_space<vmem>>, vector<1x16xf32>,
      %get3A_359 = vector.shape_cast %get3A_358 : vector<1x16xf32> to vector<16xf32>
      %sub3A_360 = arith.subf %get3A_351, %get3A_359 : vector<16xf32>
      %mul3A_361 = arith.mulf %sub3A_360, %sub3A_360 : vector<16xf32>
      %add3A_362 = arith.addf %scan3A_288, %mul3A_361 : vector<16xf32>
      scf.yield %add3A_305, %add3A_324, %add3A_343, %add3A_362 : vector<16xf32>, vector<16xf32>, vector<16xf32>, vector<16xf32>
    }
    %scan3A_232 = arith.constant 128 : i32
    %dma_wait3A_233 = arith.constant 1 : i32
    %dma_wait3A_234 = arith.constant 1 : i32
    %dma_wait3A_235 = arith.constant 0 : i32
    %dma_wait3A_236 = arith.constant 0 : i32
    %dma_wait3A_237 = tpu.memref_slice %arg8[%dma_wait3A_233, %dma_wait3A_235, %dma_wait3A_236] : memref<2x128x64xf32, #tpu.memory_space<vmem>> -> memref<1x128x64xf32, #tpu.memory_space<vmem>>
    %dma_wait3A_238 = tpu.memref_squeeze %dma_wait3A_237 : memref<1x128x64xf32, #tpu.memory_space<vmem>> -> memref<128x64xf32, #tpu.memory_space<vmem>>
    %dma_wait3A_239 = arith.constant 0 : i32
    %dma_wait3A_240 = tpu.memref_slice %arg2[%add3A_208, %dma_wait3A_239] : memref<16384x64xf32, #tpu.memory_space<hbm>> -> memref<128x64xf32, #tpu.memory_space<hbm>>
    %dma_wait3A_241 = tpu.memref_slice %arg11[%dma_wait3A_234] : memref<2x!tpu.dma_semaphore, #tpu.memory_space<semaphore_mem>> -> memref<1x!tpu.dma_semaphore, #tpu.memory_space<semaphore_mem>>
    %dma_wait3A_242 = tpu.memref_squeeze %dma_wait3A_241 : memref<1x!tpu.dma_semaphore, #tpu.memory_space<semaphore_mem>> -> memref<!tpu.dma_semaphore, #tpu.memory_space<semaphore_mem>>
    %dma_wait3A_243 = arith.constant 0 : i32
    %dma_wait3A_244 = arith.constant 0 : i32
    %dma_wait3A_245 = tpu.memref_slice %arg8[%dma_wait3A_233, %dma_wait3A_243, %dma_wait3A_244] : memref<2x128x64xf32, #tpu.memory_space<vmem>> -> memref<1x128x64xf32, #tpu.memory_space<vmem>>
    %dma_wait3A_246 = tpu.memref_squeeze %dma_wait3A_245 : memref<1x128x64xf32, #tpu.memory_space<vmem>> -> memref<128x64xf32, #tpu.memory_space<vmem>>
    %dma_wait3A_247 = arith.constant 0 : i32
    %dma_wait3A_248 = tpu.memref_slice %arg2[%add3A_208, %dma_wait3A_247] : memref<16384x64xf32, #tpu.memory_space<hbm>> -> memref<128x64xf32, #tpu.memory_space<hbm>>
    tpu.wait_dma2 semaphore(%dma_wait3A_242 : memref<!tpu.dma_semaphore, #tpu.memory_space<semaphore_mem>>) src(%dma_wait3A_248 : memref<128x64xf32, #tpu.memory_space<hbm>>) dst(%dma_wait3A_246 : memref<128x64xf32, #tpu.memory_space<vmem>>)
    %dma_wait3A_249 = arith.constant 1 : i32
    %dma_wait3A_250 = arith.constant 1 : i32
    %dma_wait3A_251 = arith.constant 0 : i32
    %dma_wait3A_252 = arith.constant 0 : i32
    %dma_wait3A_253 = tpu.memref_slice %arg7[%dma_wait3A_249, %dma_wait3A_251, %dma_wait3A_252] : memref<2x128x64xf32, #tpu.memory_space<vmem>> -> memref<1x128x64xf32, #tpu.memory_space<vmem>>
    %dma_wait3A_254 = tpu.memref_squeeze %dma_wait3A_253 : memref<1x128x64xf32, #tpu.memory_space<vmem>> -> memref<128x64xf32, #tpu.memory_space<vmem>>
    %dma_wait3A_255 = arith.constant 0 : i32
    %dma_wait3A_256 = arith.constant 0 : i32
    %dma_wait3A_257 = tpu.memref_slice %arg4[%dma_wait3A_255, %dma_wait3A_256] : memref<100000x64xf32, #tpu.memory_space<hbm>> -> memref<128x64xf32, #tpu.memory_space<hbm>>
    %dma_wait3A_258 = tpu.memref_slice %arg10[%dma_wait3A_250] : memref<2x!tpu.dma_semaphore, #tpu.memory_space<semaphore_mem>> -> memref<1x!tpu.dma_semaphore, #tpu.memory_space<semaphore_mem>>
    %dma_wait3A_259 = tpu.memref_squeeze %dma_wait3A_258 : memref<1x!tpu.dma_semaphore, #tpu.memory_space<semaphore_mem>> -> memref<!tpu.dma_semaphore, #tpu.memory_space<semaphore_mem>>
    %dma_wait3A_260 = arith.constant 0 : i32
    %dma_wait3A_261 = arith.constant 0 : i32
    %dma_wait3A_262 = tpu.memref_slice %arg7[%dma_wait3A_249, %dma_wait3A_260, %dma_wait3A_261] : memref<2x128x64xf32, #tpu.memory_space<vmem>> -> memref<1x128x64xf32, #tpu.memory_space<vmem>>
    %dma_wait3A_263 = tpu.memref_squeeze %dma_wait3A_262 : memref<1x128x64xf32, #tpu.memory_space<vmem>> -> memref<128x64xf32, #tpu.memory_space<vmem>>
    %dma_wait3A_264 = arith.constant 0 : i32
    %dma_wait3A_265 = arith.constant 0 : i32
    %dma_wait3A_266 = tpu.memref_slice %arg4[%dma_wait3A_264, %dma_wait3A_265] : memref<100000x64xf32, #tpu.memory_space<hbm>> -> memref<128x64xf32, #tpu.memory_space<hbm>>
    tpu.wait_dma2 semaphore(%dma_wait3A_259 : memref<!tpu.dma_semaphore, #tpu.memory_space<semaphore_mem>>) src(%dma_wait3A_266 : memref<128x64xf32, #tpu.memory_space<hbm>>) dst(%dma_wait3A_263 : memref<128x64xf32, #tpu.memory_space<vmem>>)
    %scan3A_267 = arith.constant 1 : i32
    %scan3A_268 = arith.constant 1 : i32
    %scan3A_269 = arith.constant 0 : i32
    %scan3A_270 = arith.constant 128 : i32
    %scan3A_271 = arith.addi %scan3A_269, %scan3A_270 : i32
    %scan3A_272 = arith.constant 1 : i32
    %scan3A_273:4 = scf.for %scan3A_284 = %scan3A_269 to %scan3A_271 step %scan3A_272 iter_args(%scan3A_285 = %scan3A_231#0, %scan3A_286 = %scan3A_231#1, %scan3A_287 = %scan3A_231#2, %scan3A_288 = %scan3A_231#3) -> (vector<16xf32>, vector<16xf32>, vector<16xf32>, vector<16xf32>)  : i32 {
      %get3A = arith.constant 0 : i32
      %get3A_289 = arith.constant 0 : i32
      %get3A_290 = tpu.memref_slice %arg8[%scan3A_267, %get3A, %get3A_289] : memref<2x128x64xf32, #tpu.memory_space<vmem>> -> memref<1x128x64xf32, #tpu.memory_space<vmem>>
      %get3A_291 = tpu.memref_squeeze %get3A_290 : memref<1x128x64xf32, #tpu.memory_space<vmem>> -> memref<128x64xf32, #tpu.memory_space<vmem>>
      %get3A_292 = arith.index_cast %scan3A_284 : i32 to index
      %get3A_293 = arith.constant 0 : index
      %get3A_294 = tpu.vector_load %get3A_291[%get3A_292, %get3A_293] {strides = array<i32>} : memref<128x64xf32, #tpu.memory_space<vmem>>, vector<1x16xf32>,
      %get3A_295 = vector.shape_cast %get3A_294 : vector<1x16xf32> to vector<16xf32>
      %get3A_296 = arith.constant 0 : i32
      %get3A_297 = arith.constant 0 : i32
      %get3A_298 = tpu.memref_slice %arg7[%scan3A_268, %get3A_296, %get3A_297] : memref<2x128x64xf32, #tpu.memory_space<vmem>> -> memref<1x128x64xf32, #tpu.memory_space<vmem>>
      %get3A_299 = tpu.memref_squeeze %get3A_298 : memref<1x128x64xf32, #tpu.memory_space<vmem>> -> memref<128x64xf32, #tpu.memory_space<vmem>>
      %get3A_300 = arith.index_cast %scan3A_284 : i32 to index
      %get3A_301 = arith.constant 0 : index
      %get3A_302 = tpu.vector_load %get3A_299[%get3A_300, %get3A_301] {strides = array<i32>} : memref<128x64xf32, #tpu.memory_space<vmem>>, vector<1x16xf32>,
      %get3A_303 = vector.shape_cast %get3A_302 : vector<1x16xf32> to vector<16xf32>
      %sub3A = arith.subf %get3A_295, %get3A_303 : vector<16xf32>
      %mul3A_304 = arith.mulf %sub3A, %sub3A : vector<16xf32>
      %add3A_305 = arith.addf %scan3A_285, %mul3A_304 : vector<16xf32>
      %get3A_306 = arith.constant 0 : i32
      %get3A_307 = arith.constant 0 : i32
      %get3A_308 = tpu.memref_slice %arg8[%scan3A_267, %get3A_306, %get3A_307] : memref<2x128x64xf32, #tpu.memory_space<vmem>> -> memref<1x128x64xf32, #tpu.memory_space<vmem>>
      %get3A_309 = tpu.memref_squeeze %get3A_308 : memref<1x128x64xf32, #tpu.memory_space<vmem>> -> memref<128x64xf32, #tpu.memory_space<vmem>>
      %get3A_310 = arith.index_cast %scan3A_284 : i32 to index
      %get3A_311 = arith.constant 16 : index
      %get3A_312 = tpu.vector_load %get3A_309[%get3A_310, %get3A_311] {strides = array<i32>} : memref<128x64xf32, #tpu.memory_space<vmem>>, vector<1x16xf32>,
      %get3A_313 = vector.shape_cast %get3A_312 : vector<1x16xf32> to vector<16xf32>
      %get3A_314 = arith.constant 0 : i32
      %get3A_315 = arith.constant 0 : i32
      %get3A_316 = tpu.memref_slice %arg7[%scan3A_268, %get3A_314, %get3A_315] : memref<2x128x64xf32, #tpu.memory_space<vmem>> -> memref<1x128x64xf32, #tpu.memory_space<vmem>>
      %get3A_317 = tpu.memref_squeeze %get3A_316 : memref<1x128x64xf32, #tpu.memory_space<vmem>> -> memref<128x64xf32, #tpu.memory_space<vmem>>
      %get3A_318 = arith.index_cast %scan3A_284 : i32 to index
      %get3A_319 = arith.constant 16 : index
      %get3A_320 = tpu.vector_load %get3A_317[%get3A_318, %get3A_319] {strides = array<i32>} : memref<128x64xf32, #tpu.memory_space<vmem>>, vector<1x16xf32>,
      %get3A_321 = vector.shape_cast %get3A_320 : vector<1x16xf32> to vector<16xf32>
      %sub3A_322 = arith.subf %get3A_313, %get3A_321 : vector<16xf32>
      %mul3A_323 = arith.mulf %sub3A_322, %sub3A_322 : vector<16xf32>
      %add3A_324 = arith.addf %scan3A_286, %mul3A_323 : vector<16xf32>
      %get3A_325 = arith.constant 0 : i32
      %get3A_326 = arith.constant 0 : i32
      %get3A_327 = tpu.memref_slice %arg8[%scan3A_267, %get3A_325, %get3A_326] : memref<2x128x64xf32, #tpu.memory_space<vmem>> -> memref<1x128x64xf32, #tpu.memory_space<vmem>>
      %get3A_328 = tpu.memref_squeeze %get3A_327 : memref<1x128x64xf32, #tpu.memory_space<vmem>> -> memref<128x64xf32, #tpu.memory_space<vmem>>
      %get3A_329 = arith.index_cast %scan3A_284 : i32 to index
      %get3A_330 = arith.constant 32 : index
      %get3A_331 = tpu.vector_load %get3A_328[%get3A_329, %get3A_330] {strides = array<i32>} : memref<128x64xf32, #tpu.memory_space<vmem>>, vector<1x16xf32>,
      %get3A_332 = vector.shape_cast %get3A_331 : vector<1x16xf32> to vector<16xf32>
      %get3A_333 = arith.constant 0 : i32
      %get3A_334 = arith.constant 0 : i32
      %get3A_335 = tpu.memref_slice %arg7[%scan3A_268, %get3A_333, %get3A_334] : memref<2x128x64xf32, #tpu.memory_space<vmem>> -> memref<1x128x64xf32, #tpu.memory_space<vmem>>
      %get3A_336 = tpu.memref_squeeze %get3A_335 : memref<1x128x64xf32, #tpu.memory_space<vmem>> -> memref<128x64xf32, #tpu.memory_space<vmem>>
      %get3A_337 = arith.index_cast %scan3A_284 : i32 to index
      %get3A_338 = arith.constant 32 : index
      %get3A_339 = tpu.vector_load %get3A_336[%get3A_337, %get3A_338] {strides = array<i32>} : memref<128x64xf32, #tpu.memory_space<vmem>>, vector<1x16xf32>,
      %get3A_340 = vector.shape_cast %get3A_339 : vector<1x16xf32> to vector<16xf32>
      %sub3A_341 = arith.subf %get3A_332, %get3A_340 : vector<16xf32>
      %mul3A_342 = arith.mulf %sub3A_341, %sub3A_341 : vector<16xf32>
      %add3A_343 = arith.addf %scan3A_287, %mul3A_342 : vector<16xf32>
      %get3A_344 = arith.constant 0 : i32
      %get3A_345 = arith.constant 0 : i32
      %get3A_346 = tpu.memref_slice %arg8[%scan3A_267, %get3A_344, %get3A_345] : memref<2x128x64xf32, #tpu.memory_space<vmem>> -> memref<1x128x64xf32, #tpu.memory_space<vmem>>
      %get3A_347 = tpu.memref_squeeze %get3A_346 : memref<1x128x64xf32, #tpu.memory_space<vmem>> -> memref<128x64xf32, #tpu.memory_space<vmem>>
      %get3A_348 = arith.index_cast %scan3A_284 : i32 to index
      %get3A_349 = arith.constant 48 : index
      %get3A_350 = tpu.vector_load %get3A_347[%get3A_348, %get3A_349] {strides = array<i32>} : memref<128x64xf32, #tpu.memory_space<vmem>>, vector<1x16xf32>,
      %get3A_351 = vector.shape_cast %get3A_350 : vector<1x16xf32> to vector<16xf32>
      %get3A_352 = arith.constant 0 : i32
      %get3A_353 = arith.constant 0 : i32
      %get3A_354 = tpu.memref_slice %arg7[%scan3A_268, %get3A_352, %get3A_353] : memref<2x128x64xf32, #tpu.memory_space<vmem>> -> memref<1x128x64xf32, #tpu.memory_space<vmem>>
      %get3A_355 = tpu.memref_squeeze %get3A_354 : memref<1x128x64xf32, #tpu.memory_space<vmem>> -> memref<128x64xf32, #tpu.memory_space<vmem>>
      %get3A_356 = arith.index_cast %scan3A_284 : i32 to index
      %get3A_357 = arith.constant 48 : index
      %get3A_358 = tpu.vector_load %get3A_355[%get3A_356, %get3A_357] {strides = array<i32>} : memref<128x64xf32, #tpu.memory_space<vmem>>, vector<1x16xf32>,
      %get3A_359 = vector.shape_cast %get3A_358 : vector<1x16xf32> to vector<16xf32>
      %sub3A_360 = arith.subf %get3A_351, %get3A_359 : vector<16xf32>
      %mul3A_361 = arith.mulf %sub3A_360, %sub3A_360 : vector<16xf32>
      %add3A_362 = arith.addf %scan3A_288, %mul3A_361 : vector<16xf32>
      scf.yield %add3A_305, %add3A_324, %add3A_343, %add3A_362 : vector<16xf32>, vector<16xf32>, vector<16xf32>, vector<16xf32>
    }
    %scan3A_274 = arith.constant 128 : i32
    %add3A_275 = arith.addf %scan3A_273#0, %scan3A_273#1 : vector<16xf32>
    %add3A_276 = arith.addf %scan3A_273#2, %scan3A_273#3 : vector<16xf32>
    %add3A_277 = arith.addf %add3A_275, %add3A_276 : vector<16xf32>
    %mul3A_278 = arith.constant 6.10351563E-5 : f32
    %mul3A_279 = vector.broadcast %mul3A_278 : f32 to vector<16xf32>
    %mul3A_280 = arith.mulf %add3A_277, %mul3A_279 : vector<16xf32>
    %swap3A = arith.constant 0 : index
    %swap3A_281 = tpu.vector_load %arg9[%swap3A] {strides = array<i32>} : memref<16xf32, #tpu.memory_space<vmem>>, vector<16xf32>,
    %swap3A_282 = vector.shape_cast %swap3A_281 : vector<16xf32> to vector<16xf32>
    %swap3A_283 = vector.shape_cast %mul3A_280 : vector<16xf32> to vector<16xf32>
    tpu.vector_store %arg9[%swap3A], %swap3A_283 {strides = array<i32>} : memref<16xf32, #tpu.memory_space<vmem>>, vector<16xf32>,
    "tpu.region"() ({
      %run_scoped3A = tpu.sem_alloc : memref<!tpu.dma_semaphore, #tpu.memory_space<semaphore_mem>>
      %dma_start3A_284 = arith.constant 0 : i32
      %dma_start3A_285 = tpu.memref_slice %arg5[%add3A, %dma_start3A_284] : memref<32x16xf32, #tpu.memory_space<hbm>> -> memref<1x16xf32, #tpu.memory_space<hbm>>
      %dma_start3A_286 = tpu.memref_squeeze %dma_start3A_285 : memref<1x16xf32, #tpu.memory_space<hbm>> -> memref<16xf32, #tpu.memory_space<hbm>>
      %dma_start3A_287 = arith.constant 0 : i32
      %dma_start3A_288 = tpu.memref_slice %arg5[%add3A, %dma_start3A_287] : memref<32x16xf32, #tpu.memory_space<hbm>> -> memref<1x16xf32, #tpu.memory_space<hbm>>
      %dma_start3A_289 = tpu.memref_squeeze %dma_start3A_288 : memref<1x16xf32, #tpu.memory_space<hbm>> -> memref<16xf32, #tpu.memory_space<hbm>>
      tpu.enqueue_dma source(%arg9 : memref<16xf32, #tpu.memory_space<vmem>>) target(%dma_start3A_289 : memref<16xf32, #tpu.memory_space<hbm>>) target_semaphore(%run_scoped3A : memref<!tpu.dma_semaphore, #tpu.memory_space<semaphore_mem>>)
      %dma_wait3A_290 = arith.constant 0 : i32
      %dma_wait3A_291 = tpu.memref_slice %arg5[%add3A, %dma_wait3A_290] : memref<32x16xf32, #tpu.memory_space<hbm>> -> memref<1x16xf32, #tpu.memory_space<hbm>>
      %dma_wait3A_292 = tpu.memref_squeeze %dma_wait3A_291 : memref<1x16xf32, #tpu.memory_space<hbm>> -> memref<16xf32, #tpu.memory_space<hbm>>
      %dma_wait3A_293 = arith.constant 0 : i32
      %dma_wait3A_294 = tpu.memref_slice %arg5[%add3A, %dma_wait3A_293] : memref<32x16xf32, #tpu.memory_space<hbm>> -> memref<1x16xf32, #tpu.memory_space<hbm>>
      %dma_wait3A_295 = tpu.memref_squeeze %dma_wait3A_294 : memref<1x16xf32, #tpu.memory_space<hbm>> -> memref<16xf32, #tpu.memory_space<hbm>>
      tpu.wait_dma2 semaphore(%run_scoped3A : memref<!tpu.dma_semaphore, #tpu.memory_space<semaphore_mem>>) src(%arg9 : memref<16xf32, #tpu.memory_space<vmem>>) dst(%dma_wait3A_295 : memref<16xf32, #tpu.memory_space<hbm>>)
      tpu.yield
    }) : () -> ()
    return
  }
}

</mosaic_0001>

<sc_bundles>
// kernel: _center_loss.3.cloned.1.call-start
scs
__scs_entry_jumppad:
0x0: {  	(pc) =	sbr.rel $0x88, $3  }
0x1: {  	(tag) =	ssettag $0x0;
	lr =	simm.s32 $0x1  }
0x2: {  	[smem:$0x3F9E] =	sst lr;
	_ =	strace $0xD0000000  }
0x3: {  	_ = 	snop  }
0x4: {  	_ = 	snop  }
0x5: {  	_ = 	snop  }
0x6: {  	_ = 	snop  }
0x7: {  	_ = 	snop  }
__scs_overlays_trampoline_lowered:
0x8: {  	[smem:$0x3FAD] =	sst s0  }
0x9: {  	[smem:$0x3FAE] =	sst s1  }
0xa: {  	[smem:$0x3FAF] =	sst s2  }
0xb: {  	[smem:$0x3FB0] =	sst s3  }
0xc: {  	[smem:$0x3FB1] =	sst s4  }
0xd: {  	[smem:$0x3FB2] =	sst s5  }
0xe: {  	[smem:$0x3FB3] =	sst s6  }
0xf: {  	[smem:$0x3FB4] =	sst s7  }
0x10: {  	[smem:$0x3FB5] =	sst s8  }
0x11: {  	[smem:$0x3FB6] =	sst s9;
	s0 =	simm.s32 @!p0 $0x0  }
0x12: {  	s1 =	sld [smem:$0x3F9C];
	s0 =	simm.s32 @p0 $0x1  }
0x13: {  	[smem:$0x3FB7] =	sst s0;
	s0 =	simm.s32 @!p1 $0x0  }
0x14: {  	s2 =	sld [smem:$0x3F9B];
	s0 =	simm.s32 @p1 $0x1  }
0x15: {  	[smem:$0x3FB8] =	sst s0;
	s0 =	simm.s32 @!p2 $0x0  }
0x16: {  	s3 =	sld [smem:$0x3FDB];
	s0 =	simm.s32 @p2 $0x1  }
0x17: {  	s4 =	simm.s32 $0x1BF5;
	[smem:$0x3FBA] =	sst s0  }
0x18: {  	s0 =	sld [smem:$0x3F9D];
	_ =	swait.ge [sflag:s4], $0x0  }
0x19: {  	s7 =	sld [smem:$0x3F9E]  }
0x1a: {  	s8 =	sadd.s32 $0xFFFFE003, lr  }
0x1b: {  	s9 =	sadd.s32 $0xFFFFFEF7, lr;
	s5 =	simm.s32 $0xFFFFFFFF;
	p2 =	slt.u32 s8, $0xFFFFF086  }
0x1c: {  	p1 =	slt.u32 s9, $0xF7A;
	s5 =	simm.s32 @!p2 $0x0  }
0x1d: {  	s5 =	simm.s32 @p1 $0x1;
	p0 =	seq.s32 s7, s2  }
0x1e: {  	s7 =	smul.u32 @!p0 $0xF7A, s2;
	p2 =	seq.s32 @!p0 s5, $0x0  }
0x1f: {  	s9 =	smul.u32 $0xF7A, s1;
	s8 =	simm.s32 @!p0 $0x1BF5;
	p2 =	por !p2, p0  }
0x20: {  	[sflag:s8] =	ssyncset.s32 @!p0 $0xFFFFF086;
	s6 =	sadd.s32 @!p0 s3, s7;
	s7 =	simm.s32 @!p0 $0x108  }
0x21: {  	s3 =	sadd.s32 s3, s9;
	s6 =	sadd.s32 @!p0 $0x88, s6;
	s7 =	simm.s32 @p2 $0x1082  }
0x22: {  	[simem:s7], [sflag:s8] =	dma.local @!p0 [hbm:s6], $0xF7A  }
0x23: {  	s9 =	sor.u32 $0xD0000000, s2;
	s6 =	simm.s32 $0x108;
	_ =	swait.ge @!p0 [sflag:s8], $0x0  }
0x24: {  	s3 =	sadd.s32 $0x88, s3;
	s6 =	simm.s32 @!p1 $0x1082;
	[sflag:s4] =	ssyncset.s32 $0xFFFFF086  }
0x25: {  	[simem:s6], [sflag:s4] =	dma.local [hbm:s3], $0xF7A  }
0x26: {  	[smem:$0x3F9E] =	sst s1;
	(tag) =	ssettag s2;
	_ =	strace s9  }
0x27: {  	s1 =	sld [smem:$0x3FAE]  }
0x28: {  	s2 =	sld [smem:$0x3FAF]  }
0x29: {  	s4 =	sld [smem:$0x3FB1]  }
0x2a: {  	p0 =	seq.s32 s5, $0x0;
	s5 =	sld [smem:$0x3FB2]  }
0x2b: {  	s6 =	sld [smem:$0x3FB3]  }
0x2c: {  	s7 =	sld [smem:$0x3FB4]  }
0x2d: {  	s3 =	simm.s32 $0x108;
	s8 =	sld [smem:$0x3FB5]  }
0x2e: {  	s3 =	simm.s32 @!p0 $0x1082;
	s9 =	sld [smem:$0x3FB6]  }
0x2f: {  	lr =	sadd.s32 s0, s3;
	s0 =	sld [smem:$0x3FAD]  }
0x30: {  	s3 =	sld [smem:$0x3FB0]  }
0x31: {  	[smem:$0x3FB9] =	sst s10  }
0x32: {  	s10 =	sld [smem:$0x3FB7];
	_ =	sdelay $0x3  }
0x33: {  	p0 =	seq.s32 s10, $0x1;
	s10 =	sld [smem:$0x3FB9];
	_ =	sdelay $0x3  }
0x34: {  	[smem:$0x3FB9] =	sst s10  }
0x35: {  	s10 =	sld [smem:$0x3FB8];
	_ =	sdelay $0x3  }
0x36: {  	p1 =	seq.s32 s10, $0x1;
	s10 =	sld [smem:$0x3FB9];
	_ =	sdelay $0x3  }
0x37: {  	[smem:$0x3FB9] =	sst s10  }
0x38: {  	s10 =	sld [smem:$0x3FBA]  }
0x39: {  	_ = 	snop;
	(pc) =	sbr.ind lr, $3  }
0x3a: {  	_ = 	snop  }
0x3b: {  	_ = 	snop  }
0x3c: {  	p2 =	seq.s32 s10, $0x1;
	s10 =	sld [smem:$0x3FB9]  }
0x3d: {  	_ =	shalt  }
0x3e: {  	_ =	shalt  }
0x3f: {  	_ =	shalt  }
0x40: {  	_ =	shalt  }
0x41: {  	_ =	shalt  }
0x42: {  	_ =	shalt  }
0x43: {  	_ =	shalt  }
0x44: {  	_ =	shalt  }
0x45: {  	_ =	shalt  }
0x46: {  	_ =	shalt  }
0x47: {  	_ =	shalt  }
0x48: {  	_ =	shalt  }
0x49: {  	_ =	shalt  }
0x4a: {  	_ =	shalt  }
0x4b: {  	_ =	shalt  }
0x4c: {  	_ =	shalt  }
0x4d: {  	_ =	shalt  }
0x4e: {  	_ =	shalt  }
0x4f: {  	_ =	shalt  }
0x50: {  	_ =	shalt  }
0x51: {  	_ =	shalt  }
0x52: {  	_ =	shalt  }
0x53: {  	_ =	shalt  }
0x54: {  	_ =	shalt  }
0x55: {  	_ =	shalt  }
0x56: {  	_ =	shalt  }
0x57: {  	_ =	shalt  }
0x58: {  	_ =	shalt  }
0x59: {  	_ =	shalt  }
0x5a: {  	_ =	shalt  }
0x5b: {  	_ =	shalt  }
0x5c: {  	_ =	shalt  }
0x5d: {  	_ =	shalt  }
0x5e: {  	_ =	shalt  }
0x5f: {  	_ =	shalt  }
0x60: {  	_ =	shalt  }
0x61: {  	_ =	shalt  }
0x62: {  	_ =	shalt  }
0x63: {  	_ =	shalt  }
0x64: {  	_ =	shalt  }
0x65: {  	_ =	shalt  }
0x66: {  	_ =	shalt  }
0x67: {  	_ =	shalt  }
0x68: {  	_ =	shalt  }
0x69: {  	_ =	shalt  }
0x6a: {  	_ =	shalt  }
0x6b: {  	_ =	shalt  }
0x6c: {  	_ =	shalt  }
0x6d: {  	_ =	shalt  }
0x6e: {  	_ =	shalt  }
0x6f: {  	_ =	shalt  }
0x70: {  	_ =	shalt  }
0x71: {  	_ =	shalt  }
0x72: {  	_ =	shalt  }
0x73: {  	_ =	shalt  }
0x74: {  	_ =	shalt  }
0x75: {  	_ =	shalt  }
0x76: {  	_ =	shalt  }
0x77: {  	_ =	shalt  }
0x78: {  	_ =	shalt  }
0x79: {  	_ =	shalt  }
0x7a: {  	_ =	shalt  }
0x7b: {  	_ =	shalt  }
0x7c: {  	_ =	shalt  }
0x7d: {  	_ =	shalt  }
0x7e: {  	_ =	shalt  }
0x7f: {  	_ =	shalt  }
0x80: {  	_ =	shalt  }
0x81: {  	_ =	shalt  }
0x82: {  	_ =	shalt  }
0x83: {  	_ =	shalt  }
0x84: {  	_ =	shalt  }
0x85: {  	_ =	shalt  }
0x86: {  	_ =	shalt  }
0x87: {  	_ =	shalt  }
.Lfunc_end0:
.L_simem_size_0:
called_computation_lowered:
.L_overlay_start_0:
0x88: {  	s2 =	sld [smem:$0x3FD9]  }
0x89: {  	s3 =	sld [smem:$0x3FFE];
	_ =	sdelay $0x1  }
0x8a: {  	s1 =	srdreg.scid  }
0x8b: {  	s0 =	sand.u32 $0x1, s1  }
0x8c: {  	s17 =	sshll.u32 s0, $0xA;
	s2 =	sadd.s32 s3, s2  }
0x8d: {  	s2 =	sadd.s32 s2, s17  }
0x8e: {  	[smem:$0x3FC5] =	sst s2  }
0x8f: {  	_ = 	snop  }
0x90: {  	s2 =	sld [smem:$0x3FC8];
	(tm) =	ssettm $0x1  }
0x91: {  	s18 =	sld [smem:$0x3FFB];
	_ =	sdelay $0x3  }
0x92: {  	_ =	strace s18  }
0x93: {  	s3 =	sld [smem:$0x3FFC];
	_ =	sdelay $0x3  }
0x94: {  	_ =	strace s3  }
0x95: {  	s3 =	sld [smem:$0x3FFD];
	_ =	sdelay $0x3  }
0x96: {  	_ =	strace s3  }
0x97: {  	_ =	strace $0x8FFFFFFF  }
0x98: {  	s19 =	sld [smem:$0x3FDB];
	_ =	sdelay $0x1  }
0x99: {  	s4 =	simm.s32 $_scs_section_size  }
0x9a: {  	s5 =	simm.s32 $_size__tile_overlayer_lowered;
	s6 =	simm.s32 $_tile_overlayer_lowered  }
0x9b: {  	s22 =	simm.s32 $0x1BFF;
	s21 =	sshll.u32 s6, $0x1;
	s3 =	sadd.s32 s4, s19  }
0x9c: {  	s7 =	simm.s32 $0x0;
	s20 =	sshll.u32 s5, $0x1;
	s5 =	sadd.s32 s21, s3  }
0x9d: {  	[timem:s7], [sflag:s22] =	dma.local [hbm:s5], s20  }
0x9e: {  	_ =	swait.ge [sflag:s22], s20  }
0x9f: {  	s4 =	ssub.s32 $0x0, s20;
	[sflag:s22] =	ssyncset.done $0x0  }
0xa0: {  	[sflag:s22] =	ssyncadd.s32 s4;
	_ =	sdelay $0x1  }
0xa1: {  	s23 =	simm.s32 $0x1B8B  }
0xa2: {  	_ =	swait.ge [sflag:s23], $0x1  }
0xa3: {  	[sflag:s23] =	ssyncset.done $0x0  }
0xa4: {  	s25 =	simm.s32 $0x1B8E;
	s24 =	sld [smem:$0x3FFE];
	[sflag:s23] =	ssyncadd.s32 $0xFFFFFFFF  }
0xa5: {  	s26 =	simm.s32 $execute0_lowered;
	[smem:$0x3FD2] =	sst s25  }
0xa6: {  	s5 =	sshll.u32 s26, $0x1;
	_ =	strace $0x80000046;
	[dreg:$0x1] =	wrdreg $0xFFFFFFFF  }
0xa7: {  	s28 =	simm.s32 $_size_execute0_lowered;
	s3 =	sadd.s32 s3, s5;
	[dreg:$0x0] =	wrdreg $0x0  }
0xa8: {  	s5 =	sshll.u32 s28, $0x1;
	[dreg:$0x2] =	wrdreg s3  }
0xa9: {  	[dreg:$0x3] =	wrdreg s5  }
0xaa: {  	[dreg:$0x4] =	wrdreg $0xC0  }
0xab: {  	_ =	task [dreg:s7], $0x5FFFF  }
0xac: {  	[dreg:$0x1] =	wrdreg $0xFFFFFFFF  }
0xad: {  	[dreg:$0x0] =	wrdreg $0x60  }
0xae: {  	[dreg:$0x2] =	wrdreg s24  }
0xaf: {  	[dreg:$0x3] =	wrdreg s2  }
0xb0: {  	[dreg:$0x4] =	wrdreg $0x9  }
0xb1: {  	_ =	task.clear_ibuf [dreg:s7], $0x5FFFF;
	_ =	strace $0x90000046  }
0xb2: {  	s29 =	simm.s32 $0x9;
	_ =	strace $0x80000048  }
0xb3: {  	_ =	swait.ge [sflag:s29], $0x1  }
0xb4: {  	[sflag:s29] =	ssyncadd.s32 $0xFFFFFFFF  }
0xb5: {  	_ =	strace $0x90000048  }
0xb6: {  	_ =	sfence  }
0xb7: {  	s30 =	sld [smem:$0x0];
	_ =	sdelay $0x2  }
0xb8: {  	s31 =	sshll.u32 s1, $0xD;
	s1 =	sshrl.u32 s1, $0x2  }
0xb9: {  	s3 =	sand.u32 $0x4000, s31;
	s1 =	sadd.s32 s1, s30  }
0xba: {  	s0 =	sor.u32 s3, s0;
	s1 =	sshll.u32 s1, $0x11  }
0xbb: {  	s0 =	sor.u32 s1, s0  }
0xbc: {  	s0 =	sadd.s32 $0x8F2B, s0  }
0xbd: {  	[sflag:s0] =	ssyncadd.remote.s32 $0x1  }
0xbe: {  	_ =	sfence.sel $0xFFFF  }
0xbf: {  	[dreg:$0x0] =	wrdreg $0xFFFFFFFF;
	(pc) =	sbr.abs _section_cstart, $3  }
0xc0: {  	[dreg:$0x1] =	wrdreg $0xFFFFFFFF  }
0xc1: {  	_ =	task.clear_ibuf [dreg:s7], $0x2FFFF;
	_ =	strace $0x9FFFFFFF  }
0xc2: {  	(tm) =	ssettm $0x7FFFFFFF  }
0xc3: {  	_ =	shalt  }
tec
execute0_lowered:
.L_overlay_start_1:
0x0: {  	(tag) =	ssettag $0x1  }
0x1: {  	s0 =	rddreg [dreg:$0x0]  }
0x2: {  	s4 =	rddreg [dreg:$0x1];
	s2 =	simm.s32 $0x0;
	s1 =	stileid.u32  }
0x3: {  	s3 =	srdreg.scid;
	s13 =	simm.s32 $0x3;
	s14 =	simm.s32 $0x1  }
0x4: {  	s16 =	simm.s32 $0x4;
	s17 =	simm.s32 $0x2;
	s19 =	simm.s32 $0x0  }
0x5: {  	[smem:$0x7FF] =	sst s2;
	s5 =	sshll.u32 s1, $0x4;
	s6 =	sand.u32 $0x1, s3  }
0x6: {  	s3 =	sadd.s32 $0x40000, s0;
	s10 =	sshll.u32 s1, $0x6;
	_ =	strace $0x80000047  }
0x7: {  	s5 =	sand.u32 $0x70, s5;
	s7 =	sshll.u32 s6, $0x4;
	s20 =	ssub.s32 $0x2, s6  }
0x8: {  	s24 =	sand.u32 $0x40, s10;
	s8 =	sadd.s32 s5, s0;
	s21 =	sor.u32 s1, s7  }
0x9: {  	s22 =	sshrl.u32 s20, $0x1;
	s4 =	sadd.s32 s4, s24;
	s9 =	sshll.u32 s21, $0x6  }
0xa: {  	s11 =	ssub.s32 s20, s22;
	s25 =	sshll.u32 s21, $0xD;
	s23 =	sand.u32 $0x780, s9  }
0xb: {  	s6 =	sshll.u32 s21, $0x4;
	s5 =	sadd.s32 s0, s25;
	s26 =	sadd.s32 s23, s4  }
0xc: {  	s28 =	sand.u32 $0x180, s6;
	s29 =	sadd.s32 $0x800, s5;
	[dreg:$0x3] =	wrdreg s26  }
0xd: {  	s10 =	smax.u32 s11, $0x1;
	s30 =	sadd.s32 $0x1000, s5;
	[dreg:$0x4] =	wrdreg s29  }
0xe: {  	s0 =	sadd.s32 s28, s8;
	s31 =	sadd.s32 $0x1800, s5;
	[dreg:$0x5] =	wrdreg s30  }
0xf: {  	s11 =	simm.s32 $0x5;
	[dreg:$0x6] =	wrdreg s31;
	s9 =	sadd.s32 $0x1C6A00, s0  }
.LBB2_1:
0x10: {  	s0 =	rddreg [dreg:$0x3]  }
0x11: {  	[tilespmem:s2], [sflag:$0x5] =	stream.linear.gather [hbm4b:s0+s2], $0x200, $0x38;
	[tilespmem:$0x10280] =	vst v63  }
0x12: {  	_ =	swait.ge [sflag:s11], $0x200  }
0x13: {  	[sflag:s11] =	ssyncset.done $0x0  }
0x14: {  	[sflag:s11] =	ssyncadd.s32 $0xFFFFFE00  }
0x15: {  	v0 =	vld [tilespmem:s2+$0x0];
	_ =	sdelay $0x4  }
0x16: {  	v0 =	vshll.u32 v0, $0x4  }
0x17: {  	(v2sf) =	vpush v0, $0x0  }
0x18: {  	(v2sf) =	vpush v0, $0x1  }
0x19: {  	(v2sf) =	vpush v0, $0x2;
	_ =	sdelay $0x1  }
0x1a: {  	(v2sf) =	vpush v0, $0x4;
	_ =	sdelay $0x1  }
0x1b: {  	(v2sf) =	vpush v0, $0x3  }
0x1c: {  	(v2sf) =	vpush v0, $0x5  }
0x1d: {  	s21 =	simm.s32 $0x2000;
	s20 =	simm.s32 $0x0;
	s22 =	simm.s32 $0x0;
	(v2sf) =	vpush v0, $0x6  }
.LBB2_2:
0x1e: {  	p0 =	sne.s32 s21, $0xE000  }
0x1f: {  	s1 =	sadd.s32 $0x280, s20;
	s26 =	sadd.s32 $0x780, s20;
	s23 =	smov.u32 s21  }
0x20: {  	s21 =	sadd.s32 $0x2000, s21;
	s30 =	sadd.s32 $0x580, s20;
	s24 =	sadd.s32 $0x800, s20;
	(v2sf) =	vpush v0, $0x7  }
0x21: {  	s0 =	sadd.s32 $0x480, s20;
	s29 =	sadd.s32 $0x600, s20;
	s25 =	sadd.s32 $0x880, s20  }
0x22: {  	s18 =	sadd.s32 $0x200, s20;
	s12 =	sadd.s32 $0x400, s20;
	(v2sf) =	vpush v0, $0x8  }
0x23: {  	s15 =	sadd.s32 $0x500, s20;
	s22 =	sadd.s32 $0x10, s22  }
0x24: {  	s4 =	sadd.s32 $0x300, s20;
	s28 =	sadd.s32 $0x700, s20;
	s31 =	spop (v2sf);
	(v2sf) =	vpush v0, $0x9  }
0x25: {  	s6 =	sand.u32 $0x1FFFFFF0, s31;
	s31 =	sadd.s32 $0x680, s20;
	s7 =	spop (v2sf)  }
0x26: {  	s6 =	sadd.s32 s3, s6;
	s7 =	sand.u32 $0x1FFFFFF0, s7;
	s8 =	spop (v2sf);
	(v2sf) =	vpush v0, $0xA  }
0x27: {  	[tilespmem:s18], [sflag:$0x1] =	stream.linear.gather [hbm4b:s6+s2], $0x80, $0x38;
	[tilespmem:$0x10280] =	vst v63  }
0x28: {  	s6 =	sadd.s32 s3, s7;
	s7 =	sadd.s32 $0x380, s20;
	s18 =	spop (v2sf);
	(v2sf) =	vpush v0, $0xB  }
0x29: {  	[tilespmem:s1], [sflag:$0x1] =	stream.linear.gather [hbm4b:s6+s2], $0x80, $0x38;
	[tilespmem:$0x10280] =	vst v63  }
0x2a: {  	s1 =	sand.u32 $0x1FFFFFF0, s8;
	s6 =	sand.u32 $0x1FFFFFF0, s18;
	s8 =	spop (v2sf);
	(v2sf) =	vpush v0, $0xC  }
0x2b: {  	s1 =	sadd.s32 s3, s1;
	s8 =	sand.u32 $0x1FFFFFF0, s8;
	s18 =	spop (v2sf)  }
0x2c: {  	[tilespmem:s4], [sflag:$0x1] =	stream.linear.gather [hbm4b:s1+s2], $0x80, $0x38;
	(v2sf) =	vpush v0, $0xD;
	[tilespmem:$0x10280] =	vst v63  }
0x2d: {  	s1 =	sadd.s32 s3, s8;
	s4 =	sand.u32 $0x1FFFFFF0, s18;
	s8 =	spop (v2sf)  }
0x2e: {  	[tilespmem:s7], [sflag:$0x1] =	stream.linear.gather [hbm4b:s1+s2], $0x80, $0x38;
	(v2sf) =	vpush v0, $0xE;
	[tilespmem:$0x10280] =	vst v63  }
0x2f: {  	s1 =	sadd.s32 s3, s6;
	s6 =	sand.u32 $0x1FFFFFF0, s8;
	s7 =	spop (v2sf)  }
0x30: {  	[tilespmem:s12], [sflag:$0x1] =	stream.linear.gather [hbm4b:s1+s2], $0x80, $0x38;
	(v2sf) =	vpush v0, $0xF;
	[tilespmem:$0x10280] =	vst v63  }
0x31: {  	s1 =	sadd.s32 s3, s4;
	s4 =	sand.u32 $0x1FFFFFF0, s7;
	s7 =	spop (v2sf)  }
0x32: {  	[tilespmem:s0], [sflag:$0x1] =	stream.linear.gather [hbm4b:s1+s2], $0x80, $0x38;
	[tilespmem:$0x10280] =	vst v63  }
0x33: {  	s0 =	sadd.s32 s3, s6;
	s1 =	sand.u32 $0x1FFFFFF0, s7;
	s6 =	spop (v2sf)  }
0x34: {  	[tilespmem:s15], [sflag:$0x1] =	stream.linear.gather [hbm4b:s0+s2], $0x80, $0x38;
	[tilespmem:$0x10280] =	vst v63  }
0x35: {  	s0 =	sadd.s32 s3, s4;
	s4 =	sand.u32 $0x1FFFFFF0, s6;
	s6 =	spop (v2sf)  }
0x36: {  	[tilespmem:s30], [sflag:$0x1] =	stream.linear.gather [hbm4b:s0+s2], $0x80, $0x38;
	[tilespmem:$0x10280] =	vst v63  }
0x37: {  	s0 =	sadd.s32 s3, s1;
	s1 =	sand.u32 $0x1FFFFFF0, s6;
	s6 =	spop (v2sf)  }
0x38: {  	[tilespmem:s29], [sflag:$0x1] =	stream.linear.gather [hbm4b:s0+s2], $0x80, $0x38;
	[tilespmem:$0x10280] =	vst v63  }
0x39: {  	s0 =	sadd.s32 s3, s4;
	s4 =	sand.u32 $0x1FFFFFF0, s6;
	s6 =	spop (v2sf)  }
0x3a: {  	[tilespmem:s31], [sflag:$0x1] =	stream.linear.gather [hbm4b:s0+s2], $0x80, $0x38;
	[tilespmem:$0x10280] =	vst v63  }
0x3b: {  	s0 =	sadd.s32 s3, s1;
	s1 =	sand.u32 $0x1FFFFFF0, s6;
	s6 =	spop (v2sf)  }
0x3c: {  	[tilespmem:s28], [sflag:$0x1] =	stream.linear.gather [hbm4b:s0+s2], $0x80, $0x38;
	[tilespmem:$0x10280] =	vst v63  }
0x3d: {  	s0 =	sadd.s32 s3, s4;
	s4 =	sand.u32 $0x1FFFFFF0, s6;
	s6 =	spop (v2sf)  }
0x3e: {  	[tilespmem:s26], [sflag:$0x1] =	stream.linear.gather [hbm4b:s0+s2], $0x80, $0x38;
	[tilespmem:$0x10280] =	vst v63  }
0x3f: {  	s0 =	sadd.s32 s3, s1;
	s1 =	sand.u32 $0x1FFFFFF0, s6;
	s6 =	spop (v2sf)  }
0x40: {  	[tilespmem:s24], [sflag:$0x1] =	stream.linear.gather [hbm4b:s0+s2], $0x80, $0x38;
	[tilespmem:$0x10280] =	vst v63  }
0x41: {  	s0 =	sadd.s32 s3, s4;
	s4 =	sand.u32 $0x1FFFFFF0, s6  }
0x42: {  	[tilespmem:s25], [sflag:$0x1] =	stream.linear.gather [hbm4b:s0+s2], $0x80, $0x38;
	[tilespmem:$0x10280] =	vst v63  }
0x43: {  	s1 =	sadd.s32 s3, s1;
	s0 =	sadd.s32 $0x900, s20  }
0x44: {  	[tilespmem:s0], [sflag:$0x1] =	stream.linear.gather [hbm4b:s1+s2], $0x80, $0x38;
	[tilespmem:$0x10280] =	vst v63  }
0x45: {  	s0 =	sadd.s32 $0x980, s20;
	s1 =	sadd.s32 s3, s4  }
0x46: {  	[tilespmem:s0], [sflag:$0x1] =	stream.linear.gather [hbm4b:s1+s2], $0x80, $0x38;
	[tilespmem:$0x10280] =	vst v63  }
0x47: {  	v0 =	vld [tilespmem:s22+$0x0];
	_ =	sdelay $0x4  }
0x48: {  	v0 =	vshll.u32 v0, $0x4  }
0x49: {  	(v2sf) =	vpush v0, $0x0  }
0x4a: {  	(v2sf) =	vpush v0, $0x1  }
0x4b: {  	(v2sf) =	vpush v0, $0x2;
	_ =	sdelay $0x1  }
0x4c: {  	(v2sf) =	vpush v0, $0x4  }
.Ltmp0:
0x4d: {  	(pc) =	sbr.rel @p0 .LBB2_2-.Ltmp0, $3  }
0x4e: {  	(v2sf) =	vpush v0, $0x3  }
0x4f: {  	(v2sf) =	vpush v0, $0x5;
	_ =	sdelay $0x1  }
0x50: {  	s20 =	sshra.s32 s23, $0x2;
	(v2sf) =	vpush v0, $0x6  }
0x51: {  	_ =	sdelay $0x1  }
0x52: {  	s0 =	sadd.s32 $0x280, s20;
	s23 =	sadd.s32 $0x780, s20  }
0x53: {  	s1 =	sadd.s32 $0x580, s20;
	s21 =	sadd.s32 $0x800, s20;
	(v2sf) =	vpush v0, $0x7;
	s4 =	sadd.s32 $0x480, s20  }
0x54: {  	s6 =	sadd.s32 $0x600, s20;
	s22 =	sadd.s32 $0x880, s20;
	s7 =	sadd.s32 $0x200, s20  }
0x55: {  	s8 =	sadd.s32 $0x400, s20;
	s12 =	sadd.s32 $0x500, s20;
	(v2sf) =	vpush v0, $0x8;
	s15 =	spop (v2sf)  }
0x56: {  	s18 =	sadd.s32 $0x300, s20;
	s15 =	sand.u32 $0x1FFFFFF0, s15;
	s24 =	spop (v2sf)  }
0x57: {  	(v2sf) =	vpush v0, $0x9;
	s15 =	sadd.s32 s3, s15;
	s24 =	sand.u32 $0x1FFFFFF0, s24;
	s25 =	spop (v2sf)  }
0x58: {  	[tilespmem:s7], [sflag:$0x1] =	stream.linear.gather [hbm4b:s15+s2], $0x80, $0x38;
	[tilespmem:$0x10280] =	vst v63  }
0x59: {  	s26 =	sadd.s32 $0x380, s20;
	(v2sf) =	vpush v0, $0xA;
	s30 =	sadd.s32 s3, s24;
	s31 =	spop (v2sf)  }
0x5a: {  	[tilespmem:s0], [sflag:$0x1] =	stream.linear.gather [hbm4b:s30+s2], $0x80, $0x38;
	[tilespmem:$0x10280] =	vst v63  }
0x5b: {  	s7 =	sadd.s32 $0x700, s20;
	s28 =	sand.u32 $0x1FFFFFF0, s25;
	(v2sf) =	vpush v0, $0xB;
	s29 =	spop (v2sf)  }
0x5c: {  	s15 =	sadd.s32 s3, s28;
	s0 =	sadd.s32 $0x680, s20;
	s25 =	sand.u32 $0x1FFFFFF0, s29  }
0x5d: {  	(v2sf) =	vpush v0, $0xC;
	[tilespmem:s18], [sflag:$0x1] =	stream.linear.gather [hbm4b:s15+s2], $0x80, $0x38;
	[tilespmem:$0x10280] =	vst v63  }
0x5e: {  	s30 =	sand.u32 $0x1FFFFFF0, s31;
	s31 =	spop (v2sf);
	s28 =	sadd.s32 s3, s25  }
0x5f: {  	(v2sf) =	vpush v0, $0xD;
	[tilespmem:s26], [sflag:$0x1] =	stream.linear.gather [hbm4b:s28+s2], $0x80, $0x38;
	[tilespmem:$0x10280] =	vst v63  }
0x60: {  	s15 =	sadd.s32 s3, s30;
	s18 =	sand.u32 $0x1FFFFFF0, s31;
	s29 =	spop (v2sf)  }
0x61: {  	(v2sf) =	vpush v0, $0xE;
	[tilespmem:s8], [sflag:$0x1] =	stream.linear.gather [hbm4b:s15+s2], $0x80, $0x38;
	[tilespmem:$0x10280] =	vst v63  }
0x62: {  	s18 =	sadd.s32 s3, s18;
	s30 =	sand.u32 $0x1FFFFFF0, s29;
	s31 =	spop (v2sf)  }
0x63: {  	(v2sf) =	vpush v0, $0xF;
	[tilespmem:s4], [sflag:$0x1] =	stream.linear.gather [hbm4b:s18+s2], $0x80, $0x38;
	[tilespmem:$0x10280] =	vst v63  }
0x64: {  	s24 =	sand.u32 $0x1FFFFFF0, s31;
	s25 =	spop (v2sf);
	s8 =	sadd.s32 s3, s30  }
0x65: {  	[tilespmem:s12], [sflag:$0x1] =	stream.linear.gather [hbm4b:s8+s2], $0x80, $0x38;
	[tilespmem:$0x10280] =	vst v63  }
0x66: {  	s26 =	sand.u32 $0x1FFFFFF0, s25;
	s4 =	sadd.s32 s3, s24;
	s28 =	spop (v2sf)  }
0x67: {  	[tilespmem:s1], [sflag:$0x1] =	stream.linear.gather [hbm4b:s4+s2], $0x80, $0x38;
	[tilespmem:$0x10280] =	vst v63  }
0x68: {  	s8 =	sadd.s32 s3, s26;
	s29 =	sand.u32 $0x1FFFFFF0, s28;
	s30 =	spop (v2sf)  }
0x69: {  	[tilespmem:s6], [sflag:$0x1] =	stream.linear.gather [hbm4b:s8+s2], $0x80, $0x38;
	[tilespmem:$0x10280] =	vst v63  }
0x6a: {  	s4 =	sand.u32 $0x1FFFFFF0, s30;
	s1 =	sadd.s32 s3, s29;
	s31 =	spop (v2sf)  }
0x6b: {  	[tilespmem:s0], [sflag:$0x1] =	stream.linear.gather [hbm4b:s1+s2], $0x80, $0x38;
	[tilespmem:$0x10280] =	vst v63  }
0x6c: {  	s4 =	sadd.s32 s3, s4;
	s8 =	sand.u32 $0x1FFFFFF0, s31;
	s12 =	spop (v2sf)  }
0x6d: {  	[tilespmem:s7], [sflag:$0x1] =	stream.linear.gather [hbm4b:s4+s2], $0x80, $0x38;
	[tilespmem:$0x10280] =	vst v63  }
0x6e: {  	s0 =	sadd.s32 s3, s8;
	s1 =	sand.u32 $0x1FFFFFF0, s12;
	s15 =	spop (v2sf)  }
0x6f: {  	[tilespmem:s23], [sflag:$0x1] =	stream.linear.gather [hbm4b:s0+s2], $0x80, $0x38;
	[tilespmem:$0x10280] =	vst v63  }
0x70: {  	s18 =	sand.u32 $0x1FFFFFF0, s15;
	s1 =	sadd.s32 s3, s1;
	s23 =	spop (v2sf)  }
0x71: {  	[tilespmem:s21], [sflag:$0x1] =	stream.linear.gather [hbm4b:s1+s2], $0x80, $0x38;
	[tilespmem:$0x10280] =	vst v63  }
0x72: {  	s0 =	sadd.s32 s3, s18;
	s24 =	sand.u32 $0x1FFFFFF0, s23;
	s25 =	spop (v2sf)  }
0x73: {  	[tilespmem:s22], [sflag:$0x1] =	stream.linear.gather [hbm4b:s0+s2], $0x80, $0x38;
	[tilespmem:$0x10280] =	vst v63  }
0x74: {  	s28 =	sadd.s32 $0x900, s20;
	s26 =	sand.u32 $0x1FFFFFF0, s25;
	s1 =	sadd.s32 s3, s24  }
0x75: {  	[tilespmem:s28], [sflag:$0x1] =	stream.linear.gather [hbm4b:s1+s2], $0x80, $0x38;
	[tilespmem:$0x10280] =	vst v63  }
0x76: {  	s29 =	sadd.s32 $0x980, s20;
	s0 =	sadd.s32 s3, s26  }
0x77: {  	[tilespmem:s29], [sflag:$0x1] =	stream.linear.gather [hbm4b:s0+s2], $0x80, $0x38;
	[tilespmem:$0x10280] =	vst v63  }
0x78: {  	s30 =	simm.s32 $0x0;
	s31 =	simm.s32 $0x8200  }
0x79: {  	[tilespmem:s31], [sflag:$0x3] =	stream.linear.gather [hbm4b:s5+s30], $0x4000, $0x38;
	[tilespmem:$0x10280] =	vst v63  }
0x7a: {  	_ =	swait.ge [sflag:s13], $0x4000  }
0x7b: {  	[sflag:s13] =	ssyncset.done $0x0  }
0x7c: {  	[sflag:s13] =	ssyncadd.s32 $0xFFFFC000  }
0x7d: {  	_ =	swait.ge [sflag:s14], $0x4000  }
0x7e: {  	[sflag:s14] =	ssyncset.done $0x0  }
0x7f: {  	s21 =	simm.s32 $0x80;
	[sflag:s14] =	ssyncadd.s32 $0xFFFFC000  }
0x80: {  	v0 =	vld [tilespmem:s21+$0x0];
	_ =	sdelay $0x4  }
0x81: {  	v0 =	vshll.u32 v0, $0x4  }
0x82: {  	(v2sf) =	vpush v0, $0x0  }
0x83: {  	(v2sf) =	vpush v0, $0x1  }
0x84: {  	(v2sf) =	vpush v0, $0x2;
	_ =	sdelay $0x1  }
0x85: {  	(v2sf) =	vpush v0, $0x4;
	_ =	sdelay $0x1  }
0x86: {  	(v2sf) =	vpush v0, $0x3  }
0x87: {  	(v2sf) =	vpush v0, $0x5  }
0x88: {  	s20 =	simm.s32 $0x0;
	s22 =	simm.s32 $0x2000;
	(v2sf) =	vpush v0, $0x6  }
.LBB2_4:
0x89: {  	p0 =	sne.s32 s22, $0xE000  }
0x8a: {  	s1 =	sadd.s32 $0x4280, s20;
	s26 =	sadd.s32 $0x4780, s20;
	s23 =	smov.u32 s22  }
0x8b: {  	s22 =	sadd.s32 $0x2000, s22;
	s30 =	sadd.s32 $0x4580, s20;
	s24 =	sadd.s32 $0x4800, s20;
	(v2sf) =	vpush v0, $0x7  }
0x8c: {  	s0 =	sadd.s32 $0x4480, s20;
	s29 =	sadd.s32 $0x4600, s20;
	s25 =	sadd.s32 $0x4880, s20  }
0x8d: {  	s4 =	sadd.s32 $0x4200, s20;
	s6 =	sadd.s32 $0x4400, s20;
	(v2sf) =	vpush v0, $0x8  }
0x8e: {  	s7 =	sadd.s32 $0x4500, s20;
	s21 =	sadd.s32 $0x10, s21  }
0x8f: {  	s8 =	sadd.s32 $0x4300, s20;
	s28 =	sadd.s32 $0x4700, s20;
	s12 =	spop (v2sf);
	(v2sf) =	vpush v0, $0x9  }
0x90: {  	s31 =	sadd.s32 $0x4680, s20;
	s12 =	sand.u32 $0x1FFFFFF0, s12;
	s15 =	spop (v2sf)  }
0x91: {  	s12 =	sadd.s32 s3, s12;
	s15 =	sand.u32 $0x1FFFFFF0, s15;
	s18 =	spop (v2sf);
	(v2sf) =	vpush v0, $0xA  }
0x92: {  	[tilespmem:s4], [sflag:$0x2] =	stream.linear.gather [hbm4b:s12+s2], $0x80, $0x38;
	[tilespmem:$0x10280] =	vst v63  }
0x93: {  	s4 =	sadd.s32 s3, s15;
	s12 =	sadd.s32 $0x4380, s20;
	s15 =	spop (v2sf);
	(v2sf) =	vpush v0, $0xB  }
0x94: {  	[tilespmem:s1], [sflag:$0x2] =	stream.linear.gather [hbm4b:s4+s2], $0x80, $0x38;
	[tilespmem:$0x10280] =	vst v63  }
0x95: {  	s1 =	sand.u32 $0x1FFFFFF0, s18;
	s4 =	sand.u32 $0x1FFFFFF0, s15;
	s15 =	spop (v2sf);
	(v2sf) =	vpush v0, $0xC  }
0x96: {  	s1 =	sadd.s32 s3, s1;
	s15 =	sand.u32 $0x1FFFFFF0, s15;
	s18 =	spop (v2sf)  }
0x97: {  	[tilespmem:s8], [sflag:$0x2] =	stream.linear.gather [hbm4b:s1+s2], $0x80, $0x38;
	(v2sf) =	vpush v0, $0xD;
	[tilespmem:$0x10280] =	vst v63  }
0x98: {  	s1 =	sadd.s32 s3, s15;
	s8 =	sand.u32 $0x1FFFFFF0, s18;
	s15 =	spop (v2sf)  }
0x99: {  	[tilespmem:s12], [sflag:$0x2] =	stream.linear.gather [hbm4b:s1+s2], $0x80, $0x38;
	(v2sf) =	vpush v0, $0xE;
	[tilespmem:$0x10280] =	vst v63  }
0x9a: {  	s1 =	sadd.s32 s3, s4;
	s4 =	sand.u32 $0x1FFFFFF0, s15;
	s12 =	spop (v2sf)  }
0x9b: {  	[tilespmem:s6], [sflag:$0x2] =	stream.linear.gather [hbm4b:s1+s2], $0x80, $0x38;
	(v2sf) =	vpush v0, $0xF;
	[tilespmem:$0x10280] =	vst v63  }
0x9c: {  	s1 =	sadd.s32 s3, s8;
	s6 =	sand.u32 $0x1FFFFFF0, s12;
	s8 =	spop (v2sf)  }
0x9d: {  	[tilespmem:s0], [sflag:$0x2] =	stream.linear.gather [hbm4b:s1+s2], $0x80, $0x38;
	[tilespmem:$0x10280] =	vst v63  }
0x9e: {  	s0 =	sadd.s32 s3, s4;
	s1 =	sand.u32 $0x1FFFFFF0, s8;
	s4 =	spop (v2sf)  }
0x9f: {  	[tilespmem:s7], [sflag:$0x2] =	stream.linear.gather [hbm4b:s0+s2], $0x80, $0x38;
	[tilespmem:$0x10280] =	vst v63  }
0xa0: {  	s0 =	sadd.s32 s3, s6;
	s4 =	sand.u32 $0x1FFFFFF0, s4;
	s6 =	spop (v2sf)  }
0xa1: {  	[tilespmem:s30], [sflag:$0x2] =	stream.linear.gather [hbm4b:s0+s2], $0x80, $0x38;
	[tilespmem:$0x10280] =	vst v63  }
0xa2: {  	s0 =	sadd.s32 s3, s1;
	s1 =	sand.u32 $0x1FFFFFF0, s6;
	s6 =	spop (v2sf)  }
0xa3: {  	[tilespmem:s29], [sflag:$0x2] =	stream.linear.gather [hbm4b:s0+s2], $0x80, $0x38;
	[tilespmem:$0x10280] =	vst v63  }
0xa4: {  	s0 =	sadd.s32 s3, s4;
	s4 =	sand.u32 $0x1FFFFFF0, s6;
	s6 =	spop (v2sf)  }
0xa5: {  	[tilespmem:s31], [sflag:$0x2] =	stream.linear.gather [hbm4b:s0+s2], $0x80, $0x38;
	[tilespmem:$0x10280] =	vst v63  }
0xa6: {  	s0 =	sadd.s32 s3, s1;
	s1 =	sand.u32 $0x1FFFFFF0, s6;
	s6 =	spop (v2sf)  }
0xa7: {  	[tilespmem:s28], [sflag:$0x2] =	stream.linear.gather [hbm4b:s0+s2], $0x80, $0x38;
	[tilespmem:$0x10280] =	vst v63  }
0xa8: {  	s0 =	sadd.s32 s3, s4;
	s4 =	sand.u32 $0x1FFFFFF0, s6;
	s6 =	spop (v2sf)  }
0xa9: {  	[tilespmem:s26], [sflag:$0x2] =	stream.linear.gather [hbm4b:s0+s2], $0x80, $0x38;
	[tilespmem:$0x10280] =	vst v63  }
0xaa: {  	s0 =	sadd.s32 s3, s1;
	s1 =	sand.u32 $0x1FFFFFF0, s6;
	s6 =	spop (v2sf)  }
0xab: {  	[tilespmem:s24], [sflag:$0x2] =	stream.linear.gather [hbm4b:s0+s2], $0x80, $0x38;
	[tilespmem:$0x10280] =	vst v63  }
0xac: {  	s0 =	sadd.s32 s3, s4;
	s4 =	sand.u32 $0x1FFFFFF0, s6  }
0xad: {  	[tilespmem:s25], [sflag:$0x2] =	stream.linear.gather [hbm4b:s0+s2], $0x80, $0x38;
	[tilespmem:$0x10280] =	vst v63  }
0xae: {  	s1 =	sadd.s32 s3, s1;
	s0 =	sadd.s32 $0x4900, s20  }
0xaf: {  	[tilespmem:s0], [sflag:$0x2] =	stream.linear.gather [hbm4b:s1+s2], $0x80, $0x38;
	[tilespmem:$0x10280] =	vst v63  }
0xb0: {  	s0 =	sadd.s32 $0x4980, s20;
	s1 =	sadd.s32 s3, s4  }
0xb1: {  	[tilespmem:s0], [sflag:$0x2] =	stream.linear.gather [hbm4b:s1+s2], $0x80, $0x38;
	[tilespmem:$0x10280] =	vst v63  }
0xb2: {  	v0 =	vld [tilespmem:s21+$0x0];
	_ =	sdelay $0x4  }
0xb3: {  	v0 =	vshll.u32 v0, $0x4  }
0xb4: {  	(v2sf) =	vpush v0, $0x0  }
0xb5: {  	(v2sf) =	vpush v0, $0x1  }
0xb6: {  	(v2sf) =	vpush v0, $0x2;
	_ =	sdelay $0x1  }
0xb7: {  	(v2sf) =	vpush v0, $0x4  }
.Ltmp1:
0xb8: {  	(pc) =	sbr.rel @p0 .LBB2_4-.Ltmp1, $3  }
0xb9: {  	(v2sf) =	vpush v0, $0x3  }
0xba: {  	(v2sf) =	vpush v0, $0x5;
	_ =	sdelay $0x1  }
0xbb: {  	s20 =	sshra.s32 s23, $0x2;
	(v2sf) =	vpush v0, $0x6  }
0xbc: {  	_ =	sdelay $0x1  }
0xbd: {  	s0 =	sadd.s32 $0x4280, s20;
	s23 =	sadd.s32 $0x4780, s20  }
0xbe: {  	s1 =	sadd.s32 $0x4580, s20;
	s21 =	sadd.s32 $0x4800, s20;
	(v2sf) =	vpush v0, $0x7;
	s4 =	sadd.s32 $0x4480, s20  }
0xbf: {  	s6 =	sadd.s32 $0x4600, s20;
	s22 =	sadd.s32 $0x4880, s20;
	s7 =	sadd.s32 $0x4200, s20  }
0xc0: {  	s8 =	sadd.s32 $0x4400, s20;
	s12 =	sadd.s32 $0x4500, s20;
	(v2sf) =	vpush v0, $0x8;
	s15 =	spop (v2sf)  }
0xc1: {  	s18 =	sadd.s32 $0x4300, s20;
	s15 =	sand.u32 $0x1FFFFFF0, s15;
	s24 =	spop (v2sf)  }
0xc2: {  	(v2sf) =	vpush v0, $0x9;
	s15 =	sadd.s32 s3, s15;
	s24 =	sand.u32 $0x1FFFFFF0, s24;
	s25 =	spop (v2sf)  }
0xc3: {  	[tilespmem:s7], [sflag:$0x2] =	stream.linear.gather [hbm4b:s15+s2], $0x80, $0x38;
	[tilespmem:$0x10280] =	vst v63  }
0xc4: {  	s26 =	sadd.s32 $0x4380, s20;
	(v2sf) =	vpush v0, $0xA;
	s30 =	sadd.s32 s3, s24;
	s31 =	spop (v2sf)  }
0xc5: {  	[tilespmem:s0], [sflag:$0x2] =	stream.linear.gather [hbm4b:s30+s2], $0x80, $0x38;
	[tilespmem:$0x10280] =	vst v63  }
0xc6: {  	s7 =	sadd.s32 $0x4700, s20;
	s28 =	sand.u32 $0x1FFFFFF0, s25;
	(v2sf) =	vpush v0, $0xB;
	s29 =	spop (v2sf)  }
0xc7: {  	s15 =	sadd.s32 s3, s28;
	s0 =	sadd.s32 $0x4680, s20;
	s25 =	sand.u32 $0x1FFFFFF0, s29  }
0xc8: {  	(v2sf) =	vpush v0, $0xC;
	[tilespmem:s18], [sflag:$0x2] =	stream.linear.gather [hbm4b:s15+s2], $0x80, $0x38;
	[tilespmem:$0x10280] =	vst v63  }
0xc9: {  	s30 =	sand.u32 $0x1FFFFFF0, s31;
	s31 =	spop (v2sf);
	s28 =	sadd.s32 s3, s25  }
0xca: {  	(v2sf) =	vpush v0, $0xD;
	[tilespmem:s26], [sflag:$0x2] =	stream.linear.gather [hbm4b:s28+s2], $0x80, $0x38;
	[tilespmem:$0x10280] =	vst v63  }
0xcb: {  	s15 =	sadd.s32 s3, s30;
	s18 =	sand.u32 $0x1FFFFFF0, s31;
	s29 =	spop (v2sf)  }
0xcc: {  	(v2sf) =	vpush v0, $0xE;
	[tilespmem:s8], [sflag:$0x2] =	stream.linear.gather [hbm4b:s15+s2], $0x80, $0x38;
	[tilespmem:$0x10280] =	vst v63  }
0xcd: {  	s18 =	sadd.s32 s3, s18;
	s30 =	sand.u32 $0x1FFFFFF0, s29;
	s31 =	spop (v2sf)  }
0xce: {  	(v2sf) =	vpush v0, $0xF;
	[tilespmem:s4], [sflag:$0x2] =	stream.linear.gather [hbm4b:s18+s2], $0x80, $0x38;
	[tilespmem:$0x10280] =	vst v63  }
0xcf: {  	s24 =	sand.u32 $0x1FFFFFF0, s31;
	s25 =	spop (v2sf);
	s8 =	sadd.s32 s3, s30  }
0xd0: {  	[tilespmem:s12], [sflag:$0x2] =	stream.linear.gather [hbm4b:s8+s2], $0x80, $0x38;
	[tilespmem:$0x10280] =	vst v63  }
0xd1: {  	s26 =	sand.u32 $0x1FFFFFF0, s25;
	s4 =	sadd.s32 s3, s24;
	s28 =	spop (v2sf)  }
0xd2: {  	[tilespmem:s1], [sflag:$0x2] =	stream.linear.gather [hbm4b:s4+s2], $0x80, $0x38;
	[tilespmem:$0x10280] =	vst v63  }
0xd3: {  	s8 =	sadd.s32 s3, s26;
	s29 =	sand.u32 $0x1FFFFFF0, s28;
	s30 =	spop (v2sf)  }
0xd4: {  	[tilespmem:s6], [sflag:$0x2] =	stream.linear.gather [hbm4b:s8+s2], $0x80, $0x38;
	[tilespmem:$0x10280] =	vst v63  }
0xd5: {  	s4 =	sand.u32 $0x1FFFFFF0, s30;
	s1 =	sadd.s32 s3, s29;
	s31 =	spop (v2sf)  }
0xd6: {  	[tilespmem:s0], [sflag:$0x2] =	stream.linear.gather [hbm4b:s1+s2], $0x80, $0x38;
	[tilespmem:$0x10280] =	vst v63  }
0xd7: {  	s4 =	sadd.s32 s3, s4;
	s6 =	sand.u32 $0x1FFFFFF0, s31;
	s8 =	spop (v2sf)  }
0xd8: {  	[tilespmem:s7], [sflag:$0x2] =	stream.linear.gather [hbm4b:s4+s2], $0x80, $0x38;
	[tilespmem:$0x10280] =	vst v63  }
0xd9: {  	s0 =	sadd.s32 s3, s6;
	s1 =	sand.u32 $0x1FFFFFF0, s8;
	s12 =	spop (v2sf)  }
0xda: {  	[tilespmem:s23], [sflag:$0x2] =	stream.linear.gather [hbm4b:s0+s2], $0x80, $0x38;
	[tilespmem:$0x10280] =	vst v63  }
0xdb: {  	s15 =	sand.u32 $0x1FFFFFF0, s12;
	s1 =	sadd.s32 s3, s1;
	s18 =	spop (v2sf)  }
0xdc: {  	[tilespmem:s21], [sflag:$0x2] =	stream.linear.gather [hbm4b:s1+s2], $0x80, $0x38;
	[tilespmem:$0x10280] =	vst v63  }
0xdd: {  	s23 =	spop (v2sf);
	s0 =	sadd.s32 s3, s15;
	s21 =	sand.u32 $0x1FFFFFF0, s18  }
0xde: {  	[tilespmem:s22], [sflag:$0x2] =	stream.linear.gather [hbm4b:s0+s2], $0x80, $0x38;
	[tilespmem:$0x10280] =	vst v63  }
0xdf: {  	s25 =	sadd.s32 $0x4900, s20;
	s24 =	sand.u32 $0x1FFFFFF0, s23;
	s1 =	sadd.s32 s3, s21  }
0xe0: {  	[tilespmem:s25], [sflag:$0x2] =	stream.linear.gather [hbm4b:s1+s2], $0x80, $0x38;
	[tilespmem:$0x10280] =	vst v63  }
0xe1: {  	s26 =	sadd.s32 $0x4980, s20;
	s28 =	simm.s32 $0x0;
	s0 =	sadd.s32 s3, s24  }
0xe2: {  	[tilespmem:s26], [sflag:$0x2] =	stream.linear.gather [hbm4b:s0+s2], $0x80, $0x38;
	[tilespmem:$0x10280] =	vst v63  }
0xe3: {  	s29 =	rddreg [dreg:$0x4];
	s30 =	simm.s32 $0xC200;
	s31 =	simm.s32 $0x0  }
0xe4: {  	[tilespmem:s30], [sflag:$0x4] =	stream.linear.gather [hbm4b:s29+s28], $0x4000, $0x38;
	[tilespmem:$0x10280] =	vst v63  }
0xe5: {  	v0 =	vld [tilespmem:s31+$0x8230]  }
0xe6: {  	v1 =	vld [tilespmem:s31+$0x230]  }
0xe7: {  	v2 =	vld [tilespmem:s31+$0x8200]  }
0xe8: {  	v4 =	vld [tilespmem:s31+$0x200];
	_ =	sdelay $0x1  }
0xe9: {  	v3 =	vld [tilespmem:s31+$0x8210]  }
0xea: {  	v7 =	vld [tilespmem:s31+$0x210]  }
0xeb: {  	v5 =	vld [tilespmem:s31+$0x8220];
	v1 =	vsub.f32 v0, v1  }
0xec: {  	s0 =	simm.s32 $0x80;
	v8 =	vld [tilespmem:s31+$0x220];
	v0 =	vimm.f32 $0.0e+00;
	v10 =	vsub.f32 v2, v4;
	v4 =	vimm.f32 $0.0e+00  }
0xed: {  	s20 =	simm.s32 $0x400;
	v6 =	vld [tilespmem:s0+$0x8230];
	v2 =	vimm.f32 $0.0e+00;
	v9 =	vmul.f32 v1, v1;
	v1 =	vimm.f32 $0.0e+00  }
.LBB2_6:
0xee: {  	p0 =	sne.s32 s20, $0xFE00;
	v11 =	vld [tilespmem:s0+$0x230]  }
0xef: {  	v12 =	vld [tilespmem:s0+$0x8200];
	v10 =	vmul.f32 v10, v10;
	v7 =	vsub.f32 v3, v7;
	v0 =	vadd.f32 v9, v0  }
0xf0: {  	v9 =	vld [tilespmem:s0+$0x200]  }
.Ltmp2:
0xf1: {  	v3 =	vld [tilespmem:s0+$0x8210];
	v4 =	vadd.f32 v10, v4;
	v10 =	vmul.f32 v7, v7;
	v8 =	vsub.f32 v5, v8;
	(pc) =	sbr.rel @p0 .LBB2_6-.Ltmp2, $4  }
0xf2: {  	v7 =	vld [tilespmem:s0+$0x210]  }
0xf3: {  	v5 =	vld [tilespmem:s0+$0x8220];
	v11 =	vsub.f32 v6, v11;
	v2 =	vadd.f32 v10, v2;
	v13 =	vmul.f32 v8, v8  }
0xf4: {  	v8 =	vld [tilespmem:s0+$0x220];
	s0 =	sshra.s32 s20, $0x2  }
0xf5: {  	s20 =	sadd.s32 $0x200, s20;
	v6 =	vld [tilespmem:s0+$0x8230];
	v10 =	vsub.f32 v12, v9;
	v9 =	vmul.f32 v11, v11;
	v1 =	vadd.f32 v13, v1  }
0xf6: {  	v11 =	vld [tilespmem:s0+$0x230]  }
0xf7: {  	v12 =	vld [tilespmem:s0+$0x8200]  }
0xf8: {  	v13 =	vld [tilespmem:s0+$0x200]  }
0xf9: {  	v14 =	vld [tilespmem:s0+$0x8210]  }
0xfa: {  	v15 =	vld [tilespmem:s0+$0x210]  }
0xfb: {  	v16 =	vld [tilespmem:s0+$0x8220]  }
0xfc: {  	v17 =	vld [tilespmem:s0+$0x220];
	_ =	swait.ge [sflag:s16], $0x4000  }
0xfd: {  	[sflag:s16] =	ssyncset.done $0x0  }
0xfe: {  	[sflag:s16] =	ssyncadd.s32 $0xFFFFC000  }
0xff: {  	_ =	swait.ge [sflag:s17], $0x4000  }
0x100: {  	[sflag:s17] =	ssyncset.done $0x0  }
0x101: {  	s21 =	simm.s32 $0x100;
	[sflag:s17] =	ssyncadd.s32 $0xFFFFC000  }
0x102: {  	v18 =	vld [tilespmem:s21+$0x0];
	_ =	sdelay $0x2  }
0x103: {  	v3 =	vsub.f32 v3, v7;
	v7 =	vmul.f32 v10, v10  }
0x104: {  	v0 =	vadd.f32 v9, v0;
	v5 =	vsub.f32 v5, v8  }
0x105: {  	v3 =	vmul.f32 v3, v3;
	v7 =	vadd.f32 v7, v4;
	v4 =	vshll.u32 v18, $0x4  }
0x106: {  	v6 =	vsub.f32 v6, v11;
	(v2sf) =	vpush v4, $0x0  }
0x107: {  	v5 =	vmul.f32 v5, v5;
	v3 =	vadd.f32 v3, v2;
	(v2sf) =	vpush v4, $0x1  }
0x108: {  	v2 =	vsub.f32 v12, v13;
	(v2sf) =	vpush v4, $0x2  }
0x109: {  	v1 =	vadd.f32 v5, v1;
	v5 =	vmul.f32 v6, v6;
	v6 =	vsub.f32 v14, v15  }
0x10a: {  	v63 =	vsub.f32 v16, v17;
	v2 =	vmul.f32 v2, v2;
	(v2sf) =	vpush v4, $0x4  }
0x10b: {  	v0 =	vadd.f32 v5, v0;
	v5 =	vmul.f32 v6, v6  }
0x10c: {  	v2 =	vadd.f32 v2, v7;
	v6 =	vmul.f32 v63, v63;
	(v2sf) =	vpush v4, $0x3  }
0x10d: {  	v3 =	vadd.f32 v5, v3;
	(v2sf) =	vpush v4, $0x5  }
0x10e: {  	s22 =	simm.s32 $0x2000;
	s20 =	simm.s32 $0x0;
	v1 =	vadd.f32 v6, v1;
	(v2sf) =	vpush v4, $0x6  }
.LBB2_8:
0x10f: {  	p0 =	sne.s32 s22, $0xE000  }
0x110: {  	s1 =	sadd.s32 $0x280, s20;
	s26 =	sadd.s32 $0x780, s20;
	s23 =	smov.u32 s22  }
0x111: {  	s22 =	sadd.s32 $0x2000, s22;
	s30 =	sadd.s32 $0x580, s20;
	s24 =	sadd.s32 $0x800, s20;
	(v2sf) =	vpush v4, $0x7  }
0x112: {  	s0 =	sadd.s32 $0x480, s20;
	s29 =	sadd.s32 $0x600, s20;
	s25 =	sadd.s32 $0x880, s20  }
0x113: {  	s4 =	sadd.s32 $0x200, s20;
	s6 =	sadd.s32 $0x400, s20;
	(v2sf) =	vpush v4, $0x8  }
0x114: {  	s7 =	sadd.s32 $0x500, s20;
	s21 =	sadd.s32 $0x10, s21  }
0x115: {  	s8 =	sadd.s32 $0x300, s20;
	s28 =	sadd.s32 $0x700, s20;
	s12 =	spop (v2sf);
	(v2sf) =	vpush v4, $0x9  }
0x116: {  	s31 =	sadd.s32 $0x680, s20;
	s12 =	sand.u32 $0x1FFFFFF0, s12;
	s15 =	spop (v2sf)  }
0x117: {  	s12 =	sadd.s32 s3, s12;
	s15 =	sand.u32 $0x1FFFFFF0, s15;
	s18 =	spop (v2sf);
	(v2sf) =	vpush v4, $0xA  }
0x118: {  	[tilespmem:s4], [sflag:$0x1] =	stream.linear.gather [hbm4b:s12+s2], $0x80, $0x38;
	[tilespmem:$0x10280] =	vst v63  }
0x119: {  	s4 =	sadd.s32 s3, s15;
	s12 =	sadd.s32 $0x380, s20;
	s15 =	spop (v2sf);
	(v2sf) =	vpush v4, $0xB  }
0x11a: {  	[tilespmem:s1], [sflag:$0x1] =	stream.linear.gather [hbm4b:s4+s2], $0x80, $0x38;
	[tilespmem:$0x10280] =	vst v63  }
0x11b: {  	s1 =	sand.u32 $0x1FFFFFF0, s18;
	s4 =	sand.u32 $0x1FFFFFF0, s15;
	s15 =	spop (v2sf);
	(v2sf) =	vpush v4, $0xC  }
0x11c: {  	s1 =	sadd.s32 s3, s1;
	s15 =	sand.u32 $0x1FFFFFF0, s15;
	s18 =	spop (v2sf)  }
0x11d: {  	[tilespmem:s8], [sflag:$0x1] =	stream.linear.gather [hbm4b:s1+s2], $0x80, $0x38;
	(v2sf) =	vpush v4, $0xD;
	[tilespmem:$0x10280] =	vst v63  }
0x11e: {  	s1 =	sadd.s32 s3, s15;
	s8 =	sand.u32 $0x1FFFFFF0, s18;
	s15 =	spop (v2sf)  }
0x11f: {  	[tilespmem:s12], [sflag:$0x1] =	stream.linear.gather [hbm4b:s1+s2], $0x80, $0x38;
	(v2sf) =	vpush v4, $0xE;
	[tilespmem:$0x10280] =	vst v63  }
0x120: {  	s1 =	sadd.s32 s3, s4;
	s4 =	sand.u32 $0x1FFFFFF0, s15;
	s12 =	spop (v2sf)  }
0x121: {  	[tilespmem:s6], [sflag:$0x1] =	stream.linear.gather [hbm4b:s1+s2], $0x80, $0x38;
	(v2sf) =	vpush v4, $0xF;
	[tilespmem:$0x10280] =	vst v63  }
0x122: {  	s1 =	sadd.s32 s3, s8;
	s6 =	sand.u32 $0x1FFFFFF0, s12;
	s8 =	spop (v2sf)  }
0x123: {  	[tilespmem:s0], [sflag:$0x1] =	stream.linear.gather [hbm4b:s1+s2], $0x80, $0x38;
	[tilespmem:$0x10280] =	vst v63  }
0x124: {  	s0 =	sadd.s32 s3, s4;
	s1 =	sand.u32 $0x1FFFFFF0, s8;
	s4 =	spop (v2sf)  }
0x125: {  	[tilespmem:s7], [sflag:$0x1] =	stream.linear.gather [hbm4b:s0+s2], $0x80, $0x38;
	[tilespmem:$0x10280] =	vst v63  }
0x126: {  	s0 =	sadd.s32 s3, s6;
	s4 =	sand.u32 $0x1FFFFFF0, s4;
	s6 =	spop (v2sf)  }
0x127: {  	[tilespmem:s30], [sflag:$0x1] =	stream.linear.gather [hbm4b:s0+s2], $0x80, $0x38;
	[tilespmem:$0x10280] =	vst v63  }
0x128: {  	s0 =	sadd.s32 s3, s1;
	s1 =	sand.u32 $0x1FFFFFF0, s6;
	s6 =	spop (v2sf)  }
0x129: {  	[tilespmem:s29], [sflag:$0x1] =	stream.linear.gather [hbm4b:s0+s2], $0x80, $0x38;
	[tilespmem:$0x10280] =	vst v63  }
0x12a: {  	s0 =	sadd.s32 s3, s4;
	s4 =	sand.u32 $0x1FFFFFF0, s6;
	s6 =	spop (v2sf)  }
0x12b: {  	[tilespmem:s31], [sflag:$0x1] =	stream.linear.gather [hbm4b:s0+s2], $0x80, $0x38;
	[tilespmem:$0x10280] =	vst v63  }
0x12c: {  	s0 =	sadd.s32 s3, s1;
	s1 =	sand.u32 $0x1FFFFFF0, s6;
	s6 =	spop (v2sf)  }
0x12d: {  	[tilespmem:s28], [sflag:$0x1] =	stream.linear.gather [hbm4b:s0+s2], $0x80, $0x38;
	[tilespmem:$0x10280] =	vst v63  }
0x12e: {  	s0 =	sadd.s32 s3, s4;
	s4 =	sand.u32 $0x1FFFFFF0, s6;
	s6 =	spop (v2sf)  }
0x12f: {  	[tilespmem:s26], [sflag:$0x1] =	stream.linear.gather [hbm4b:s0+s2], $0x80, $0x38;
	[tilespmem:$0x10280] =	vst v63  }
0x130: {  	s0 =	sadd.s32 s3, s1;
	s1 =	sand.u32 $0x1FFFFFF0, s6;
	s6 =	spop (v2sf)  }
0x131: {  	[tilespmem:s24], [sflag:$0x1] =	stream.linear.gather [hbm4b:s0+s2], $0x80, $0x38;
	[tilespmem:$0x10280] =	vst v63  }
0x132: {  	s0 =	sadd.s32 s3, s4;
	s4 =	sand.u32 $0x1FFFFFF0, s6  }
0x133: {  	[tilespmem:s25], [sflag:$0x1] =	stream.linear.gather [hbm4b:s0+s2], $0x80, $0x38;
	[tilespmem:$0x10280] =	vst v63  }
0x134: {  	s1 =	sadd.s32 s3, s1;
	s0 =	sadd.s32 $0x900, s20  }
0x135: {  	[tilespmem:s0], [sflag:$0x1] =	stream.linear.gather [hbm4b:s1+s2], $0x80, $0x38;
	[tilespmem:$0x10280] =	vst v63  }
0x136: {  	s0 =	sadd.s32 $0x980, s20;
	s1 =	sadd.s32 s3, s4  }
0x137: {  	[tilespmem:s0], [sflag:$0x1] =	stream.linear.gather [hbm4b:s1+s2], $0x80, $0x38;
	[tilespmem:$0x10280] =	vst v63  }
0x138: {  	v4 =	vld [tilespmem:s21+$0x0];
	_ =	sdelay $0x4  }
0x139: {  	v4 =	vshll.u32 v4, $0x4  }
0x13a: {  	(v2sf) =	vpush v4, $0x0  }
0x13b: {  	(v2sf) =	vpush v4, $0x1  }
0x13c: {  	(v2sf) =	vpush v4, $0x2;
	_ =	sdelay $0x1  }
0x13d: {  	(v2sf) =	vpush v4, $0x4  }
.Ltmp3:
0x13e: {  	(pc) =	sbr.rel @p0 .LBB2_8-.Ltmp3, $3  }
0x13f: {  	(v2sf) =	vpush v4, $0x3  }
0x140: {  	(v2sf) =	vpush v4, $0x5;
	_ =	sdelay $0x1  }
0x141: {  	s20 =	sshra.s32 s23, $0x2;
	(v2sf) =	vpush v4, $0x6  }
0x142: {  	_ =	sdelay $0x1  }
0x143: {  	s0 =	sadd.s32 $0x280, s20;
	s23 =	sadd.s32 $0x780, s20  }
0x144: {  	s1 =	sadd.s32 $0x580, s20;
	s21 =	sadd.s32 $0x800, s20;
	(v2sf) =	vpush v4, $0x7;
	s4 =	sadd.s32 $0x480, s20  }
0x145: {  	s6 =	sadd.s32 $0x600, s20;
	s22 =	sadd.s32 $0x880, s20;
	s7 =	sadd.s32 $0x200, s20  }
0x146: {  	s8 =	sadd.s32 $0x400, s20;
	s12 =	sadd.s32 $0x500, s20;
	(v2sf) =	vpush v4, $0x8;
	s15 =	spop (v2sf)  }
0x147: {  	s18 =	sadd.s32 $0x300, s20;
	s15 =	sand.u32 $0x1FFFFFF0, s15;
	s24 =	spop (v2sf)  }
0x148: {  	(v2sf) =	vpush v4, $0x9;
	s15 =	sadd.s32 s3, s15;
	s24 =	sand.u32 $0x1FFFFFF0, s24;
	s25 =	spop (v2sf)  }
0x149: {  	[tilespmem:s7], [sflag:$0x1] =	stream.linear.gather [hbm4b:s15+s2], $0x80, $0x38;
	[tilespmem:$0x10280] =	vst v63  }
0x14a: {  	s26 =	sadd.s32 $0x380, s20;
	(v2sf) =	vpush v4, $0xA;
	s30 =	sadd.s32 s3, s24;
	s31 =	spop (v2sf)  }
0x14b: {  	[tilespmem:s0], [sflag:$0x1] =	stream.linear.gather [hbm4b:s30+s2], $0x80, $0x38;
	[tilespmem:$0x10280] =	vst v63  }
0x14c: {  	s7 =	sadd.s32 $0x700, s20;
	s28 =	sand.u32 $0x1FFFFFF0, s25;
	(v2sf) =	vpush v4, $0xB;
	s29 =	spop (v2sf)  }
0x14d: {  	s15 =	sadd.s32 s3, s28;
	s0 =	sadd.s32 $0x680, s20;
	s25 =	sand.u32 $0x1FFFFFF0, s29  }
0x14e: {  	(v2sf) =	vpush v4, $0xC;
	[tilespmem:s18], [sflag:$0x1] =	stream.linear.gather [hbm4b:s15+s2], $0x80, $0x38;
	[tilespmem:$0x10280] =	vst v63  }
0x14f: {  	s30 =	sand.u32 $0x1FFFFFF0, s31;
	s31 =	spop (v2sf);
	s28 =	sadd.s32 s3, s25  }
0x150: {  	(v2sf) =	vpush v4, $0xD;
	[tilespmem:s26], [sflag:$0x1] =	stream.linear.gather [hbm4b:s28+s2], $0x80, $0x38;
	[tilespmem:$0x10280] =	vst v63  }
0x151: {  	s15 =	sadd.s32 s3, s30;
	s18 =	sand.u32 $0x1FFFFFF0, s31;
	s29 =	spop (v2sf)  }
0x152: {  	(v2sf) =	vpush v4, $0xE;
	[tilespmem:s8], [sflag:$0x1] =	stream.linear.gather [hbm4b:s15+s2], $0x80, $0x38;
	[tilespmem:$0x10280] =	vst v63  }
0x153: {  	s18 =	sadd.s32 s3, s18;
	s30 =	sand.u32 $0x1FFFFFF0, s29;
	s31 =	spop (v2sf)  }
0x154: {  	(v2sf) =	vpush v4, $0xF;
	[tilespmem:s4], [sflag:$0x1] =	stream.linear.gather [hbm4b:s18+s2], $0x80, $0x38;
	[tilespmem:$0x10280] =	vst v63  }
0x155: {  	s24 =	sand.u32 $0x1FFFFFF0, s31;
	s25 =	spop (v2sf);
	s8 =	sadd.s32 s3, s30  }
0x156: {  	[tilespmem:s12], [sflag:$0x1] =	stream.linear.gather [hbm4b:s8+s2], $0x80, $0x38;
	[tilespmem:$0x10280] =	vst v63  }
0x157: {  	s26 =	sand.u32 $0x1FFFFFF0, s25;
	s4 =	sadd.s32 s3, s24;
	s28 =	spop (v2sf)  }
0x158: {  	[tilespmem:s1], [sflag:$0x1] =	stream.linear.gather [hbm4b:s4+s2], $0x80, $0x38;
	[tilespmem:$0x10280] =	vst v63  }
0x159: {  	s8 =	sadd.s32 s3, s26;
	s29 =	sand.u32 $0x1FFFFFF0, s28;
	s30 =	spop (v2sf)  }
0x15a: {  	[tilespmem:s6], [sflag:$0x1] =	stream.linear.gather [hbm4b:s8+s2], $0x80, $0x38;
	[tilespmem:$0x10280] =	vst v63  }
0x15b: {  	s4 =	sand.u32 $0x1FFFFFF0, s30;
	s1 =	sadd.s32 s3, s29;
	s31 =	spop (v2sf)  }
0x15c: {  	[tilespmem:s0], [sflag:$0x1] =	stream.linear.gather [hbm4b:s1+s2], $0x80, $0x38;
	[tilespmem:$0x10280] =	vst v63  }
0x15d: {  	s4 =	sadd.s32 s3, s4;
	s6 =	sand.u32 $0x1FFFFFF0, s31;
	s8 =	spop (v2sf)  }
0x15e: {  	[tilespmem:s7], [sflag:$0x1] =	stream.linear.gather [hbm4b:s4+s2], $0x80, $0x38;
	[tilespmem:$0x10280] =	vst v63  }
0x15f: {  	s0 =	sadd.s32 s3, s6;
	s1 =	sand.u32 $0x1FFFFFF0, s8;
	s12 =	spop (v2sf)  }
0x160: {  	[tilespmem:s23], [sflag:$0x1] =	stream.linear.gather [hbm4b:s0+s2], $0x80, $0x38;
	[tilespmem:$0x10280] =	vst v63  }
0x161: {  	s15 =	sand.u32 $0x1FFFFFF0, s12;
	s1 =	sadd.s32 s3, s1;
	s18 =	spop (v2sf)  }
0x162: {  	[tilespmem:s21], [sflag:$0x1] =	stream.linear.gather [hbm4b:s1+s2], $0x80, $0x38;
	[tilespmem:$0x10280] =	vst v63  }
0x163: {  	s23 =	spop (v2sf);
	s0 =	sadd.s32 s3, s15;
	s21 =	sand.u32 $0x1FFFFFF0, s18  }
0x164: {  	[tilespmem:s22], [sflag:$0x1] =	stream.linear.gather [hbm4b:s0+s2], $0x80, $0x38;
	[tilespmem:$0x10280] =	vst v63  }
0x165: {  	s25 =	sadd.s32 $0x900, s20;
	s24 =	sand.u32 $0x1FFFFFF0, s23;
	s1 =	sadd.s32 s3, s21  }
0x166: {  	[tilespmem:s25], [sflag:$0x1] =	stream.linear.gather [hbm4b:s1+s2], $0x80, $0x38;
	[tilespmem:$0x10280] =	vst v63  }
0x167: {  	s26 =	sadd.s32 $0x980, s20;
	s28 =	simm.s32 $0x0;
	s0 =	sadd.s32 s3, s24  }
0x168: {  	[tilespmem:s26], [sflag:$0x1] =	stream.linear.gather [hbm4b:s0+s2], $0x80, $0x38;
	[tilespmem:$0x10280] =	vst v63  }
0x169: {  	s29 =	rddreg [dreg:$0x5];
	s30 =	simm.s32 $0x8200;
	s31 =	simm.s32 $0x0  }
0x16a: {  	[tilespmem:s30], [sflag:$0x3] =	stream.linear.gather [hbm4b:s29+s28], $0x4000, $0x38;
	[tilespmem:$0x10280] =	vst v63  }
0x16b: {  	v6 =	vld [tilespmem:s31+$0xC230]  }
0x16c: {  	v8 =	vld [tilespmem:s31+$0x4230]  }
0x16d: {  	v9 =	vld [tilespmem:s31+$0xC200]  }
0x16e: {  	v10 =	vld [tilespmem:s31+$0x4200]  }
0x16f: {  	v4 =	vld [tilespmem:s31+$0xC210]  }
0x170: {  	v7 =	vld [tilespmem:s31+$0x4210]  }
0x171: {  	v5 =	vld [tilespmem:s31+$0xC220];
	v11 =	vsub.f32 v6, v8  }
0x172: {  	s0 =	simm.s32 $0x80;
	v8 =	vld [tilespmem:s31+$0x4220]  }
0x173: {  	s20 =	simm.s32 $0x400;
	v6 =	vld [tilespmem:s0+$0xC230];
	v10 =	vsub.f32 v9, v10;
	v9 =	vmul.f32 v11, v11  }
.LBB2_10:
0x174: {  	p0 =	sne.s32 s20, $0xFE00;
	v11 =	vld [tilespmem:s0+$0x4230]  }
0x175: {  	v12 =	vld [tilespmem:s0+$0xC200];
	v10 =	vmul.f32 v10, v10;
	v7 =	vsub.f32 v4, v7;
	v0 =	vadd.f32 v9, v0  }
0x176: {  	v9 =	vld [tilespmem:s0+$0x4200]  }
.Ltmp4:
0x177: {  	v4 =	vld [tilespmem:s0+$0xC210];
	v2 =	vadd.f32 v10, v2;
	v10 =	vmul.f32 v7, v7;
	v8 =	vsub.f32 v5, v8;
	(pc) =	sbr.rel @p0 .LBB2_10-.Ltmp4, $4  }
0x178: {  	v7 =	vld [tilespmem:s0+$0x4210]  }
0x179: {  	v5 =	vld [tilespmem:s0+$0xC220];
	v11 =	vsub.f32 v6, v11;
	v3 =	vadd.f32 v10, v3;
	v13 =	vmul.f32 v8, v8  }
0x17a: {  	v8 =	vld [tilespmem:s0+$0x4220];
	s0 =	sshra.s32 s20, $0x2  }
0x17b: {  	s20 =	sadd.s32 $0x200, s20;
	v6 =	vld [tilespmem:s0+$0xC230];
	v10 =	vsub.f32 v12, v9;
	v9 =	vmul.f32 v11, v11;
	v1 =	vadd.f32 v13, v1  }
0x17c: {  	v11 =	vld [tilespmem:s0+$0x4230]  }
0x17d: {  	v12 =	vld [tilespmem:s0+$0xC200]  }
0x17e: {  	v13 =	vld [tilespmem:s0+$0x4200]  }
0x17f: {  	v14 =	vld [tilespmem:s0+$0xC210]  }
0x180: {  	v15 =	vld [tilespmem:s0+$0x4210]  }
0x181: {  	v16 =	vld [tilespmem:s0+$0xC220]  }
0x182: {  	v17 =	vld [tilespmem:s0+$0x4220];
	_ =	swait.ge [sflag:s13], $0x4000  }
0x183: {  	[sflag:s13] =	ssyncset.done $0x0  }
0x184: {  	[sflag:s13] =	ssyncadd.s32 $0xFFFFC000  }
0x185: {  	_ =	swait.ge [sflag:s14], $0x4000  }
0x186: {  	[sflag:s14] =	ssyncset.done $0x0  }
0x187: {  	s21 =	simm.s32 $0x180;
	[sflag:s14] =	ssyncadd.s32 $0xFFFFC000  }
0x188: {  	v18 =	vld [tilespmem:s21+$0x0]  }
0x189: {  	v4 =	vsub.f32 v4, v7  }
0x18a: {  	v7 =	vmul.f32 v10, v10  }
0x18b: {  	v4 =	vmul.f32 v4, v4  }
0x18c: {  	v5 =	vsub.f32 v5, v8;
	v7 =	vadd.f32 v7, v2  }
0x18d: {  	v2 =	vsub.f32 v6, v11;
	v6 =	vadd.f32 v4, v3;
	v4 =	vshll.u32 v18, $0x4  }
0x18e: {  	(v2sf) =	vpush v4, $0x0  }
0x18f: {  	v0 =	vadd.f32 v9, v0;
	v5 =	vmul.f32 v5, v5;
	(v2sf) =	vpush v4, $0x1  }
0x190: {  	v3 =	vsub.f32 v12, v13;
	(v2sf) =	vpush v4, $0x2  }
0x191: {  	v62 =	vsub.f32 v14, v15;
	v5 =	vadd.f32 v5, v1;
	v1 =	vmul.f32 v2, v2  }
0x192: {  	v63 =	vsub.f32 v16, v17;
	v3 =	vmul.f32 v3, v3;
	(v2sf) =	vpush v4, $0x4  }
0x193: {  	v2 =	vadd.f32 v1, v0;
	v0 =	vmul.f32 v62, v62  }
0x194: {  	v3 =	vadd.f32 v3, v7;
	v7 =	vmul.f32 v63, v63;
	(v2sf) =	vpush v4, $0x3  }
0x195: {  	v1 =	vadd.f32 v0, v6;
	(v2sf) =	vpush v4, $0x5  }
0x196: {  	s22 =	simm.s32 $0x2000;
	s20 =	simm.s32 $0x0;
	v0 =	vadd.f32 v7, v5;
	(v2sf) =	vpush v4, $0x6  }
.LBB2_12:
0x197: {  	p0 =	sne.s32 s22, $0xE000  }
0x198: {  	s1 =	sadd.s32 $0x4280, s20;
	s26 =	sadd.s32 $0x4780, s20;
	s23 =	smov.u32 s22  }
0x199: {  	s22 =	sadd.s32 $0x2000, s22;
	s30 =	sadd.s32 $0x4580, s20;
	s24 =	sadd.s32 $0x4800, s20;
	(v2sf) =	vpush v4, $0x7  }
0x19a: {  	s0 =	sadd.s32 $0x4480, s20;
	s29 =	sadd.s32 $0x4600, s20;
	s25 =	sadd.s32 $0x4880, s20  }
0x19b: {  	s4 =	sadd.s32 $0x4200, s20;
	s6 =	sadd.s32 $0x4400, s20;
	(v2sf) =	vpush v4, $0x8  }
0x19c: {  	s7 =	sadd.s32 $0x4500, s20;
	s21 =	sadd.s32 $0x10, s21  }
0x19d: {  	s8 =	sadd.s32 $0x4300, s20;
	s28 =	sadd.s32 $0x4700, s20;
	s12 =	spop (v2sf);
	(v2sf) =	vpush v4, $0x9  }
0x19e: {  	s31 =	sadd.s32 $0x4680, s20;
	s12 =	sand.u32 $0x1FFFFFF0, s12;
	s15 =	spop (v2sf)  }
0x19f: {  	s12 =	sadd.s32 s3, s12;
	s15 =	sand.u32 $0x1FFFFFF0, s15;
	s18 =	spop (v2sf);
	(v2sf) =	vpush v4, $0xA  }
0x1a0: {  	[tilespmem:s4], [sflag:$0x2] =	stream.linear.gather [hbm4b:s12+s2], $0x80, $0x38;
	[tilespmem:$0x10280] =	vst v63  }
0x1a1: {  	s4 =	sadd.s32 s3, s15;
	s12 =	sadd.s32 $0x4380, s20;
	s15 =	spop (v2sf);
	(v2sf) =	vpush v4, $0xB  }
0x1a2: {  	[tilespmem:s1], [sflag:$0x2] =	stream.linear.gather [hbm4b:s4+s2], $0x80, $0x38;
	[tilespmem:$0x10280] =	vst v63  }
0x1a3: {  	s1 =	sand.u32 $0x1FFFFFF0, s18;
	s4 =	sand.u32 $0x1FFFFFF0, s15;
	s15 =	spop (v2sf);
	(v2sf) =	vpush v4, $0xC  }
0x1a4: {  	s1 =	sadd.s32 s3, s1;
	s15 =	sand.u32 $0x1FFFFFF0, s15;
	s18 =	spop (v2sf)  }
0x1a5: {  	[tilespmem:s8], [sflag:$0x2] =	stream.linear.gather [hbm4b:s1+s2], $0x80, $0x38;
	(v2sf) =	vpush v4, $0xD;
	[tilespmem:$0x10280] =	vst v63  }
0x1a6: {  	s1 =	sadd.s32 s3, s15;
	s8 =	sand.u32 $0x1FFFFFF0, s18;
	s15 =	spop (v2sf)  }
0x1a7: {  	[tilespmem:s12], [sflag:$0x2] =	stream.linear.gather [hbm4b:s1+s2], $0x80, $0x38;
	(v2sf) =	vpush v4, $0xE;
	[tilespmem:$0x10280] =	vst v63  }
0x1a8: {  	s1 =	sadd.s32 s3, s4;
	s4 =	sand.u32 $0x1FFFFFF0, s15;
	s12 =	spop (v2sf)  }
0x1a9: {  	[tilespmem:s6], [sflag:$0x2] =	stream.linear.gather [hbm4b:s1+s2], $0x80, $0x38;
	(v2sf) =	vpush v4, $0xF;
	[tilespmem:$0x10280] =	vst v63  }
0x1aa: {  	s1 =	sadd.s32 s3, s8;
	s6 =	sand.u32 $0x1FFFFFF0, s12;
	s8 =	spop (v2sf)  }
0x1ab: {  	[tilespmem:s0], [sflag:$0x2] =	stream.linear.gather [hbm4b:s1+s2], $0x80, $0x38;
	[tilespmem:$0x10280] =	vst v63  }
0x1ac: {  	s0 =	sadd.s32 s3, s4;
	s1 =	sand.u32 $0x1FFFFFF0, s8;
	s4 =	spop (v2sf)  }
0x1ad: {  	[tilespmem:s7], [sflag:$0x2] =	stream.linear.gather [hbm4b:s0+s2], $0x80, $0x38;
	[tilespmem:$0x10280] =	vst v63  }
0x1ae: {  	s0 =	sadd.s32 s3, s6;
	s4 =	sand.u32 $0x1FFFFFF0, s4;
	s6 =	spop (v2sf)  }
0x1af: {  	[tilespmem:s30], [sflag:$0x2] =	stream.linear.gather [hbm4b:s0+s2], $0x80, $0x38;
	[tilespmem:$0x10280] =	vst v63  }
0x1b0: {  	s0 =	sadd.s32 s3, s1;
	s1 =	sand.u32 $0x1FFFFFF0, s6;
	s6 =	spop (v2sf)  }
0x1b1: {  	[tilespmem:s29], [sflag:$0x2] =	stream.linear.gather [hbm4b:s0+s2], $0x80, $0x38;
	[tilespmem:$0x10280] =	vst v63  }
0x1b2: {  	s0 =	sadd.s32 s3, s4;
	s4 =	sand.u32 $0x1FFFFFF0, s6;
	s6 =	spop (v2sf)  }
0x1b3: {  	[tilespmem:s31], [sflag:$0x2] =	stream.linear.gather [hbm4b:s0+s2], $0x80, $0x38;
	[tilespmem:$0x10280] =	vst v63  }
0x1b4: {  	s0 =	sadd.s32 s3, s1;
	s1 =	sand.u32 $0x1FFFFFF0, s6;
	s6 =	spop (v2sf)  }
0x1b5: {  	[tilespmem:s28], [sflag:$0x2] =	stream.linear.gather [hbm4b:s0+s2], $0x80, $0x38;
	[tilespmem:$0x10280] =	vst v63  }
0x1b6: {  	s0 =	sadd.s32 s3, s4;
	s4 =	sand.u32 $0x1FFFFFF0, s6;
	s6 =	spop (v2sf)  }
0x1b7: {  	[tilespmem:s26], [sflag:$0x2] =	stream.linear.gather [hbm4b:s0+s2], $0x80, $0x38;
	[tilespmem:$0x10280] =	vst v63  }
0x1b8: {  	s0 =	sadd.s32 s3, s1;
	s1 =	sand.u32 $0x1FFFFFF0, s6;
	s6 =	spop (v2sf)  }
0x1b9: {  	[tilespmem:s24], [sflag:$0x2] =	stream.linear.gather [hbm4b:s0+s2], $0x80, $0x38;
	[tilespmem:$0x10280] =	vst v63  }
0x1ba: {  	s0 =	sadd.s32 s3, s4;
	s4 =	sand.u32 $0x1FFFFFF0, s6  }
0x1bb: {  	[tilespmem:s25], [sflag:$0x2] =	stream.linear.gather [hbm4b:s0+s2], $0x80, $0x38;
	[tilespmem:$0x10280] =	vst v63  }
0x1bc: {  	s1 =	sadd.s32 s3, s1;
	s0 =	sadd.s32 $0x4900, s20  }
0x1bd: {  	[tilespmem:s0], [sflag:$0x2] =	stream.linear.gather [hbm4b:s1+s2], $0x80, $0x38;
	[tilespmem:$0x10280] =	vst v63  }
0x1be: {  	s0 =	sadd.s32 $0x4980, s20;
	s1 =	sadd.s32 s3, s4  }
0x1bf: {  	[tilespmem:s0], [sflag:$0x2] =	stream.linear.gather [hbm4b:s1+s2], $0x80, $0x38;
	[tilespmem:$0x10280] =	vst v63  }
0x1c0: {  	v4 =	vld [tilespmem:s21+$0x0];
	_ =	sdelay $0x4  }
0x1c1: {  	v4 =	vshll.u32 v4, $0x4  }
0x1c2: {  	(v2sf) =	vpush v4, $0x0  }
0x1c3: {  	(v2sf) =	vpush v4, $0x1  }
0x1c4: {  	(v2sf) =	vpush v4, $0x2;
	_ =	sdelay $0x1  }
0x1c5: {  	(v2sf) =	vpush v4, $0x4  }
.Ltmp5:
0x1c6: {  	(pc) =	sbr.rel @p0 .LBB2_12-.Ltmp5, $3  }
0x1c7: {  	(v2sf) =	vpush v4, $0x3  }
0x1c8: {  	(v2sf) =	vpush v4, $0x5;
	_ =	sdelay $0x1  }
0x1c9: {  	s20 =	sshra.s32 s23, $0x2;
	(v2sf) =	vpush v4, $0x6  }
0x1ca: {  	_ =	sdelay $0x1  }
0x1cb: {  	s0 =	sadd.s32 $0x4280, s20;
	s23 =	sadd.s32 $0x4780, s20  }
0x1cc: {  	s1 =	sadd.s32 $0x4580, s20;
	s21 =	sadd.s32 $0x4800, s20;
	(v2sf) =	vpush v4, $0x7;
	s4 =	sadd.s32 $0x4480, s20  }
0x1cd: {  	s6 =	sadd.s32 $0x4600, s20;
	s22 =	sadd.s32 $0x4880, s20;
	s7 =	sadd.s32 $0x4200, s20  }
0x1ce: {  	s8 =	sadd.s32 $0x4400, s20;
	s12 =	sadd.s32 $0x4500, s20;
	(v2sf) =	vpush v4, $0x8;
	s15 =	spop (v2sf)  }
0x1cf: {  	s18 =	sadd.s32 $0x4300, s20;
	s15 =	sand.u32 $0x1FFFFFF0, s15;
	s24 =	spop (v2sf)  }
0x1d0: {  	(v2sf) =	vpush v4, $0x9;
	s15 =	sadd.s32 s3, s15;
	s24 =	sand.u32 $0x1FFFFFF0, s24;
	s25 =	spop (v2sf)  }
0x1d1: {  	[tilespmem:s7], [sflag:$0x2] =	stream.linear.gather [hbm4b:s15+s2], $0x80, $0x38;
	[tilespmem:$0x10280] =	vst v63  }
0x1d2: {  	s26 =	sadd.s32 $0x4380, s20;
	(v2sf) =	vpush v4, $0xA;
	s30 =	sadd.s32 s3, s24;
	s31 =	spop (v2sf)  }
0x1d3: {  	[tilespmem:s0], [sflag:$0x2] =	stream.linear.gather [hbm4b:s30+s2], $0x80, $0x38;
	[tilespmem:$0x10280] =	vst v63  }
0x1d4: {  	s7 =	sadd.s32 $0x4700, s20;
	s28 =	sand.u32 $0x1FFFFFF0, s25;
	(v2sf) =	vpush v4, $0xB;
	s29 =	spop (v2sf)  }
0x1d5: {  	s15 =	sadd.s32 s3, s28;
	s0 =	sadd.s32 $0x4680, s20;
	s25 =	sand.u32 $0x1FFFFFF0, s29  }
0x1d6: {  	(v2sf) =	vpush v4, $0xC;
	[tilespmem:s18], [sflag:$0x2] =	stream.linear.gather [hbm4b:s15+s2], $0x80, $0x38;
	[tilespmem:$0x10280] =	vst v63  }
0x1d7: {  	s30 =	sand.u32 $0x1FFFFFF0, s31;
	s31 =	spop (v2sf);
	s28 =	sadd.s32 s3, s25  }
0x1d8: {  	(v2sf) =	vpush v4, $0xD;
	[tilespmem:s26], [sflag:$0x2] =	stream.linear.gather [hbm4b:s28+s2], $0x80, $0x38;
	[tilespmem:$0x10280] =	vst v63  }
0x1d9: {  	s15 =	sadd.s32 s3, s30;
	s18 =	sand.u32 $0x1FFFFFF0, s31;
	s29 =	spop (v2sf)  }
0x1da: {  	(v2sf) =	vpush v4, $0xE;
	[tilespmem:s8], [sflag:$0x2] =	stream.linear.gather [hbm4b:s15+s2], $0x80, $0x38;
	[tilespmem:$0x10280] =	vst v63  }
0x1db: {  	s18 =	sadd.s32 s3, s18;
	s30 =	sand.u32 $0x1FFFFFF0, s29;
	s31 =	spop (v2sf)  }
0x1dc: {  	(v2sf) =	vpush v4, $0xF;
	[tilespmem:s4], [sflag:$0x2] =	stream.linear.gather [hbm4b:s18+s2], $0x80, $0x38;
	[tilespmem:$0x10280] =	vst v63  }
0x1dd: {  	s24 =	sand.u32 $0x1FFFFFF0, s31;
	s25 =	spop (v2sf);
	s8 =	sadd.s32 s3, s30  }
0x1de: {  	[tilespmem:s12], [sflag:$0x2] =	stream.linear.gather [hbm4b:s8+s2], $0x80, $0x38;
	[tilespmem:$0x10280] =	vst v63  }
0x1df: {  	s26 =	sand.u32 $0x1FFFFFF0, s25;
	s4 =	sadd.s32 s3, s24;
	s28 =	spop (v2sf)  }
0x1e0: {  	[tilespmem:s1], [sflag:$0x2] =	stream.linear.gather [hbm4b:s4+s2], $0x80, $0x38;
	[tilespmem:$0x10280] =	vst v63  }
0x1e1: {  	s8 =	sadd.s32 s3, s26;
	s29 =	sand.u32 $0x1FFFFFF0, s28;
	s30 =	spop (v2sf)  }
0x1e2: {  	[tilespmem:s6], [sflag:$0x2] =	stream.linear.gather [hbm4b:s8+s2], $0x80, $0x38;
	[tilespmem:$0x10280] =	vst v63  }
0x1e3: {  	s4 =	sand.u32 $0x1FFFFFF0, s30;
	s1 =	sadd.s32 s3, s29;
	s31 =	spop (v2sf)  }
0x1e4: {  	[tilespmem:s0], [sflag:$0x2] =	stream.linear.gather [hbm4b:s1+s2], $0x80, $0x38;
	[tilespmem:$0x10280] =	vst v63  }
0x1e5: {  	s4 =	sadd.s32 s3, s4;
	s6 =	sand.u32 $0x1FFFFFF0, s31;
	s8 =	spop (v2sf)  }
0x1e6: {  	[tilespmem:s7], [sflag:$0x2] =	stream.linear.gather [hbm4b:s4+s2], $0x80, $0x38;
	[tilespmem:$0x10280] =	vst v63  }
0x1e7: {  	s0 =	sadd.s32 s3, s6;
	s1 =	sand.u32 $0x1FFFFFF0, s8;
	s12 =	spop (v2sf)  }
0x1e8: {  	[tilespmem:s23], [sflag:$0x2] =	stream.linear.gather [hbm4b:s0+s2], $0x80, $0x38;
	[tilespmem:$0x10280] =	vst v63  }
0x1e9: {  	s15 =	sand.u32 $0x1FFFFFF0, s12;
	s1 =	sadd.s32 s3, s1;
	s18 =	spop (v2sf)  }
0x1ea: {  	[tilespmem:s21], [sflag:$0x2] =	stream.linear.gather [hbm4b:s1+s2], $0x80, $0x38;
	[tilespmem:$0x10280] =	vst v63  }
0x1eb: {  	s23 =	spop (v2sf);
	s0 =	sadd.s32 s3, s15;
	s21 =	sand.u32 $0x1FFFFFF0, s18  }
0x1ec: {  	[tilespmem:s22], [sflag:$0x2] =	stream.linear.gather [hbm4b:s0+s2], $0x80, $0x38;
	[tilespmem:$0x10280] =	vst v63  }
0x1ed: {  	s25 =	sadd.s32 $0x4900, s20;
	s24 =	sand.u32 $0x1FFFFFF0, s23;
	s1 =	sadd.s32 s3, s21  }
0x1ee: {  	[tilespmem:s25], [sflag:$0x2] =	stream.linear.gather [hbm4b:s1+s2], $0x80, $0x38;
	[tilespmem:$0x10280] =	vst v63  }
0x1ef: {  	s26 =	sadd.s32 $0x4980, s20;
	s28 =	simm.s32 $0x0;
	s0 =	sadd.s32 s3, s24  }
0x1f0: {  	[tilespmem:s26], [sflag:$0x2] =	stream.linear.gather [hbm4b:s0+s2], $0x80, $0x38;
	[tilespmem:$0x10280] =	vst v63  }
0x1f1: {  	s29 =	rddreg [dreg:$0x6];
	s30 =	simm.s32 $0xC200;
	s31 =	simm.s32 $0x0  }
0x1f2: {  	[tilespmem:s30], [sflag:$0x4] =	stream.linear.gather [hbm4b:s29+s28], $0x4000, $0x38;
	[tilespmem:$0x10280] =	vst v63  }
0x1f3: {  	v6 =	vld [tilespmem:s31+$0x8230]  }
0x1f4: {  	v8 =	vld [tilespmem:s31+$0x230]  }
0x1f5: {  	v9 =	vld [tilespmem:s31+$0x8200]  }
0x1f6: {  	v10 =	vld [tilespmem:s31+$0x200]  }
0x1f7: {  	v5 =	vld [tilespmem:s31+$0x8210]  }
0x1f8: {  	v7 =	vld [tilespmem:s31+$0x210]  }
0x1f9: {  	v4 =	vld [tilespmem:s31+$0x8220];
	v11 =	vsub.f32 v6, v8  }
0x1fa: {  	s0 =	simm.s32 $0x80;
	v8 =	vld [tilespmem:s31+$0x220]  }
0x1fb: {  	s20 =	simm.s32 $0x400;
	v6 =	vld [tilespmem:s0+$0x8230];
	v10 =	vsub.f32 v9, v10;
	v9 =	vmul.f32 v11, v11  }
.LBB2_14:
0x1fc: {  	p0 =	sne.s32 s20, $0xFE00;
	v11 =	vld [tilespmem:s0+$0x230]  }
0x1fd: {  	v12 =	vld [tilespmem:s0+$0x8200];
	v10 =	vmul.f32 v10, v10;
	v7 =	vsub.f32 v5, v7;
	v2 =	vadd.f32 v9, v2  }
0x1fe: {  	v9 =	vld [tilespmem:s0+$0x200]  }
.Ltmp6:
0x1ff: {  	v5 =	vld [tilespmem:s0+$0x8210];
	v3 =	vadd.f32 v10, v3;
	v10 =	vmul.f32 v7, v7;
	v8 =	vsub.f32 v4, v8;
	(pc) =	sbr.rel @p0 .LBB2_14-.Ltmp6, $4  }
0x200: {  	v7 =	vld [tilespmem:s0+$0x210]  }
0x201: {  	v4 =	vld [tilespmem:s0+$0x8220];
	v11 =	vsub.f32 v6, v11;
	v1 =	vadd.f32 v10, v1;
	v13 =	vmul.f32 v8, v8  }
0x202: {  	v8 =	vld [tilespmem:s0+$0x220];
	s0 =	sshra.s32 s20, $0x2  }
0x203: {  	s20 =	sadd.s32 $0x200, s20;
	v6 =	vld [tilespmem:s0+$0x8230];
	v10 =	vsub.f32 v12, v9;
	v9 =	vmul.f32 v11, v11;
	v0 =	vadd.f32 v13, v0  }
0x204: {  	v11 =	vld [tilespmem:s0+$0x230]  }
0x205: {  	v12 =	vld [tilespmem:s0+$0x8200]  }
0x206: {  	v13 =	vld [tilespmem:s0+$0x200]  }
0x207: {  	v14 =	vld [tilespmem:s0+$0x8210]  }
0x208: {  	v15 =	vld [tilespmem:s0+$0x210]  }
0x209: {  	v16 =	vld [tilespmem:s0+$0x8220]  }
0x20a: {  	v17 =	vld [tilespmem:s0+$0x220];
	_ =	swait.ge [sflag:s16], $0x4000  }
0x20b: {  	[sflag:s16] =	ssyncset.done $0x0  }
0x20c: {  	[sflag:s16] =	ssyncadd.s32 $0xFFFFC000  }
0x20d: {  	_ =	swait.ge [sflag:s17], $0x4000  }
0x20e: {  	[sflag:s17] =	ssyncset.done $0x0  }
0x20f: {  	s1 =	simm.s32 $0x0;
	[sflag:s17] =	ssyncadd.s32 $0xFFFFC000  }
0x210: {  	v10 =	vmul.f32 v10, v10;
	v5 =	vsub.f32 v5, v7;
	v7 =	vld [tilespmem:s1+$0xC230]  }
0x211: {  	v2 =	vadd.f32 v9, v2;
	v4 =	vsub.f32 v4, v8;
	v8 =	vld [tilespmem:s1+$0x4230]  }
0x212: {  	v9 =	vadd.f32 v10, v3;
	v3 =	vmul.f32 v5, v5;
	v5 =	vsub.f32 v6, v11;
	v10 =	vld [tilespmem:s1+$0xC200]  }
0x213: {  	v6 =	vsub.f32 v12, v13;
	v4 =	vmul.f32 v4, v4;
	v11 =	vsub.f32 v14, v15;
	v60 =	vld [tilespmem:s1+$0x4200]  }
0x214: {  	v1 =	vadd.f32 v3, v1;
	v61 =	vsub.f32 v16, v17;
	v3 =	vld [tilespmem:s1+$0xC210];
	v5 =	vmul.f32 v5, v5  }
0x215: {  	v62 =	vadd.f32 v4, v0;
	v0 =	vmul.f32 v6, v6;
	v11 =	vmul.f32 v11, v11;
	v6 =	vld [tilespmem:s1+$0x4210]  }
0x216: {  	v13 =	vmul.f32 v61, v61;
	v2 =	vadd.f32 v5, v2;
	v5 =	vld [tilespmem:s1+$0xC220];
	v63 =	vsub.f32 v7, v8  }
0x217: {  	s0 =	simm.s32 $0x80;
	v4 =	vadd.f32 v0, v9;
	v0 =	vadd.f32 v11, v1;
	v8 =	vld [tilespmem:s1+$0x4220]  }
0x218: {  	s20 =	simm.s32 $0x400;
	v1 =	vadd.f32 v13, v62;
	v7 =	vld [tilespmem:s0+$0xC230];
	v10 =	vsub.f32 v10, v60;
	v9 =	vmul.f32 v63, v63  }
.LBB2_16:
0x219: {  	p0 =	sne.s32 s20, $0xFE00;
	v11 =	vld [tilespmem:s0+$0x4230]  }
0x21a: {  	v12 =	vld [tilespmem:s0+$0xC200];
	v10 =	vmul.f32 v10, v10;
	v6 =	vsub.f32 v3, v6;
	v2 =	vadd.f32 v9, v2  }
0x21b: {  	v9 =	vld [tilespmem:s0+$0x4200]  }
.Ltmp7:
0x21c: {  	v3 =	vld [tilespmem:s0+$0xC210];
	v4 =	vadd.f32 v10, v4;
	v10 =	vmul.f32 v6, v6;
	v8 =	vsub.f32 v5, v8;
	(pc) =	sbr.rel @p0 .LBB2_16-.Ltmp7, $4  }
0x21d: {  	v6 =	vld [tilespmem:s0+$0x4210]  }
0x21e: {  	v5 =	vld [tilespmem:s0+$0xC220];
	v11 =	vsub.f32 v7, v11;
	v0 =	vadd.f32 v10, v0;
	v13 =	vmul.f32 v8, v8  }
0x21f: {  	v8 =	vld [tilespmem:s0+$0x4220];
	s0 =	sshra.s32 s20, $0x2  }
0x220: {  	s20 =	sadd.s32 $0x200, s20;
	v7 =	vld [tilespmem:s0+$0xC230];
	v10 =	vsub.f32 v12, v9;
	v9 =	vmul.f32 v11, v11;
	v1 =	vadd.f32 v13, v1  }
0x221: {  	v11 =	vld [tilespmem:s0+$0x4230]  }
0x222: {  	v12 =	vld [tilespmem:s0+$0xC200]  }
0x223: {  	v13 =	vld [tilespmem:s0+$0x4200]  }
0x224: {  	v14 =	vld [tilespmem:s0+$0xC210]  }
0x225: {  	v15 =	vld [tilespmem:s0+$0x4210]  }
0x226: {  	v16 =	vld [tilespmem:s0+$0xC220]  }
0x227: {  	v17 =	vld [tilespmem:s0+$0x4220]  }
0x228: {  	v10 =	vmul.f32 v10, v10  }
0x229: {  	v3 =	vsub.f32 v3, v6;
	v2 =	vadd.f32 v9, v2  }
0x22a: {  	v4 =	vadd.f32 v10, v4;
	v5 =	vsub.f32 v5, v8  }
0x22b: {  	v3 =	vmul.f32 v3, v3;
	v55 =	vsub.f32 v7, v11;
	v56 =	vsub.f32 v12, v13  }
0x22c: {  	v5 =	vmul.f32 v5, v5;
	v57 =	vsub.f32 v14, v15;
	v58 =	vsub.f32 v16, v17  }
0x22d: {  	v0 =	vadd.f32 v3, v0;
	v59 =	vmul.f32 v55, v55;
	v60 =	vmul.f32 v56, v56  }
0x22e: {  	v1 =	vadd.f32 v5, v1;
	v61 =	vmul.f32 v57, v57;
	v62 =	vmul.f32 v58, v58  }
0x22f: {  	v2 =	vadd.f32 v59, v2;
	v63 =	vadd.f32 v60, v4  }
0x230: {  	v0 =	vadd.f32 v61, v0;
	v1 =	vadd.f32 v62, v1;
	_ =	sdelay $0x1  }
0x231: {  	v0 =	vadd.f32 v0, v63;
	v1 =	vadd.f32 v2, v1;
	_ =	sdelay $0x1  }
0x232: {  	v0 =	vadd.f32 v1, v0;
	_ =	sdelay $0x1  }
0x233: {  	s19 =	sadd.s32 $0x1, s19;
	v0 =	vmul.f32 $6.103515630e-05, v0  }
0x234: {  	p0 =	sne.s32 s19, s10  }
.Ltmp8:
0x235: {  	s31 =	simm.s32 $0x10200;
	[tilespmem:$0x10200] =	vst v0;
	(pc) =	sbr.rel @p0 .LBB2_1-.Ltmp8, $4  }
0x236: {  	[hbm4b:s9+s2] =	stream.linear.scatter [tilespmem:s31], [sflag:$0x5], $0x80, $0x38;
	[tilespmem:$0x10280] =	vst v63  }
0x237: {  	_ =	swait.ge [sflag:s11], $0x80  }
0x238: {  	[sflag:s11] =	ssyncset.done $0x0  }
0x239: {  	[sflag:s11] =	ssyncadd.s32 $0xFFFFFF80  }
0x23a: {  	_ =	sfence.sel $0x180000  }
0x23b: {  	[bflag:$0x0] =	sbarrier.arrive $0xFFFF  }
0x23c: {  	_ =	strace $0x90000047  }
0x23d: {  	s0 =	stileid.u32;
	[bflag:$0x2] =	sbarrier.arrive $0xFFFF  }
0x23e: {  	p0 =	sne.s32 s0, $0x0;
	s0 =	rddreg [dreg:$0x2]  }
0x23f: {  	s0 =	sadd.s32 @!p0 $0x100000, s0  }
0x240: {  	[sflag:s0] =	ssyncadd.tile.s32 @!p0 $0x1;
	_ =	shalt  }
.Lfunc_end2:
_tile_overlayer_lowered:
.L_overlay_start_2:
0x241: {  	(tag) =	ssettag $0x2  }
0x242: {  	s0 =	rddreg [dreg:$0x0];
	s2 =	stileid.u32  }
0x243: {  	s1 =	rddreg [dreg:$0x1];
	p0 =	sne.s32 s2, $0x0  }
0x244: {  	s3 =	rddreg [dreg:$0x2];
	[bflag:$0x3] =	sbarrier.arrive $0xFFFF;
	s2 =	simm.s32 @!p0 $0x1C05  }
0x245: {  	[timem:s3], [sflag:s2] =	dma.local @!p0 [hbm:s0], s1  }
0x246: {  	s0 =	simm.s32 @!p0 $0x5  }
0x247: {  	_ =	swait.ge @!p0 [sflag:s0], s1  }
0x248: {  	s1 =	ssub.s32 @!p0 $0x0, s1;
	[sflag:s0] =	ssyncset.done @!p0 $0x0  }
0x249: {  	[sflag:s0] =	ssyncadd.s32 @!p0 s1  }
0x24a: {  	[bflag:$0x3] =	sbarrier.arrive $0xFFFF  }
0x24b: {  	_ =	shalt  }

</sc_bundles>
